<compile_context>
chip_gen: v7x
topology: tpu7x:2x2x1
jax: 0.10.2.dev20260603
libtpu: 0.0.44.dev20260713+nightly
codegen_flags: <defaults>
</compile_context>

<pallas_src>
import functools

import jax
import jax.numpy as jnp
from jax import lax
from jax.experimental import pallas as pl
from jax.experimental.pallas import tpu as pltpu
from jax.experimental.pallas import tpu_sc as plsc

_V = 63
_D = 64
_VPAD = 64
_LANES = 16


def _table_body(sym_ref, w_ref, b_ref, out_ref):
    out_ref[...] = (
        jnp.dot(sym_ref[...], w_ref[...], preferred_element_type=jnp.float32)
        + b_ref[0:1, :]
    )


def _fused_table(symbols, W, b):
    sym = jnp.pad(symbols, ((0, _VPAD - symbols.shape[0]), (0, 0)))
    b2 = jnp.broadcast_to(b.reshape(1, -1), (8, _D))
    return pl.pallas_call(
        _table_body,
        out_shape=jax.ShapeDtypeStruct((_VPAD, _D), jnp.float32),
    )(sym, W, b2)


@functools.cache
def _make_gather(bsz, seq, d):
    info = plsc.get_sparse_core_info()
    nc, ns = info.num_cores, info.num_subcores
    nw = nc * ns
    rows_w = bsz // nw
    gdim, rdim = d // 8, 8
    n_cb = rows_w // _LANES
    per_w = rows_w * seq
    nit = seq // 2
    mesh = plsc.VectorSubcoreMesh(core_axis_name="c", subcore_axis_name="s")

    @functools.partial(
        pl.kernel,
        out_type=jax.ShapeDtypeStruct((seq, gdim, nw, rdim, 128), jnp.float32),
        mesh=mesh,
        scratch_types=[
            pltpu.VMEM((rows_w, seq + 1), jnp.int32),
            pltpu.VMEM((_VPAD * (d + 1),), jnp.float32),
            pltpu.VMEM((gdim, rdim, 128), jnp.float32),
            pltpu.VMEM((gdim, rdim, 128), jnp.float32),
            pltpu.SemaphoreType.DMA,
            pltpu.SemaphoreType.DMA,
        ],
        compiler_params=pltpu.CompilerParams(use_tc_tiling_on_sc=False,
                                             needs_layout_passes=False),
    )
    def gather(table_hbm, qr_hbm, out_hbm, idx_all, table_v, st0, st1,
               os0, os1):
        wid = lax.axis_index("s") * nc + lax.axis_index("c")
        pltpu.sync_copy(table_hbm, table_v)
        pltpu.sync_copy(qr_hbm.at[pl.ds(wid * rows_w, rows_w), :],
                        idx_all.at[:, pl.ds(0, seq)])
        iota_lanes = lax.iota(jnp.int32, _LANES)
        slots = ((st0, os0), (st1, os1))

        def body(l2, carry):
            for s, (st, osem) in enumerate(slots):
                l = 2 * l2 + s

                @pl.when(l2 > 0)
                def _():
                    pltpu.make_async_copy(st, out_hbm.at[0, :, wid],
                                          osem).wait()

                @plsc.parallel_loop(0, n_cb, 1)
                def cbody(cb):
                    cvec = iota_lanes + cb * _LANES
                    lvec = jnp.full((_LANES,), 0, jnp.int32) + l
                    idx = plsc.load_gather(idx_all, [cvec, lvec])
                    base = idx * (d + 1)
                    for dd in range(d):
                        val = plsc.load_gather(table_v, [base + dd])
                        st[dd // rdim, dd % rdim, pl.ds(cb * _LANES, _LANES)] \
                            = val
                pltpu.async_copy(st, out_hbm.at[l, :, wid], osem)
            return carry

        lax.fori_loop(0, nit, body, 0)
        for st, osem in slots:
            pltpu.make_async_copy(st, out_hbm.at[0, :, wid], osem).wait()

    return gather


def kernel(QR, symbols, W, b):
    bsz, seq = QR.shape
    table = _fused_table(symbols, W, b)
    tpad = jnp.pad(table, ((0, 0), (0, 1)))
    out5 = _make_gather(bsz, seq, _D)(tpad.reshape(-1),
                                      QR.astype(jnp.int32))
    return out5.transpose(2, 4, 0, 1, 3).reshape(bsz, seq, _D)

# --- scband reference (transcript-rebuilt; emitter-appended) ---
"""Pipeline reference for scband-unifont-module-13305808683693 (READ-ONLY COPY).

The authoritative reference and input builder live on the scoring server;
editing this copy changes nothing except your own understanding.
"""

import jax, jax.numpy as jnp
import numpy as np

V = 63      # len(alphabet)=62 symbols + 1 zero (blank) row inserted at index 0
FEAT = 256  # 16x16 unifont glyph bitmap, flattened
D = 64      # out_dim
B = 4096
L = 200

def setup_inputs(seed: int = 0) -> dict:
    key = jax.random.key(seed)
    k1, k2, k3, k4 = jax.random.split(key, 4)
    # character indices into the symbol table (0 = blank)
    QR = jax.random.randint(k1, (B, L), 0, V)
    # symbols_repr: binary glyph bitmaps (0/1), as loaded from the unifont pickle
    symbols = (jax.random.uniform(k2, (V, FEAT)) > 0.5).astype(jnp.float32)
    symbols = symbols.at[0].set(0.0)  # inserted zero row for blank symbol
    # linear layer params (nn.Linear(256, 64))
    bound = 1.0 / np.sqrt(FEAT)
    W = jax.random.uniform(k3, (FEAT, D), minval=-bound, maxval=bound, dtype=jnp.float32)
    b = jax.random.uniform(k4, (D,), minval=-bound, maxval=bound, dtype=jnp.float32)
    return {"QR": QR, "symbols": symbols, "W": W, "b": b}

def reference(QR, symbols, W, b):
    # forward: self.linear(self.symbols_repr[QR])
    emb = jnp.take(symbols, QR, axis=0)        # [B, L, 256] gather
    out = jnp.matmul(emb, W) + b               # [B, L, 64]
    return out

if __name__ == "__main__":
    import jax
    _d = setup_inputs()
    print(jax.jit(kernel)(*tuple(_d.values())))

</pallas_src>

<mosaic_0001>
#map = affine_map<(d0, d1) -> (0)>
#map1 = affine_map<(d0, d1) -> (0, 0)>
#map2 = affine_map<(d0, d1) -> (0, 0, 0, 0, 0)>
module attributes {stable_mosaic.version = 14 : i64} {
  func.func @gather(%arg0: i32, %arg1: i32, %arg2: memref<4160xf32, #tpu.memory_space<hbm>>, %arg3: memref<4096x200xi32, #tpu.memory_space<hbm>>, %arg4: memref<200x8x32x8x128xf32, #tpu.memory_space<hbm>>, %arg5: memref<128x201xi32, #tpu.memory_space<vmem>>, %arg6: memref<4160xf32, #tpu.memory_space<vmem>>, %arg7: memref<8x8x128xf32, #tpu.memory_space<vmem>>, %arg8: memref<8x8x128xf32, #tpu.memory_space<vmem>>, %arg9: memref<!tpu.dma_semaphore, #tpu.memory_space<semaphore_mem>>, %arg10: memref<!tpu.dma_semaphore, #tpu.memory_space<semaphore_mem>>) attributes {dimension_semantics = [#tpu.dimension_semantics<core_parallel>, #tpu.dimension_semantics<subcore_parallel>], iteration_bounds = array<i64: 2, 16>, scalar_prefetch = 0 : i64, scratch_operands = 6 : i64, tpu.core_type = #tpu.core_type<sc_vector_subcore>, window_params = [{transform_indices = #map}, {transform_indices = #map1}, {transform_indices = #map2}]} {
    %mul3A = arith.constant 2 : i32
    %mul3A_0 = arith.muli %arg1, %mul3A : i32
    %add3A = arith.addi %mul3A_0, %arg0 : i32
    "tpu.region"() ({
      %run_scoped3A = tpu.sem_alloc : memref<!tpu.dma_semaphore, #tpu.memory_space<semaphore_mem>>
      tpu.enqueue_dma source(%arg2 : memref<4160xf32, #tpu.memory_space<hbm>>) target(%arg6 : memref<4160xf32, #tpu.memory_space<vmem>>) target_semaphore(%run_scoped3A : memref<!tpu.dma_semaphore, #tpu.memory_space<semaphore_mem>>)
      tpu.wait_dma2 semaphore(%run_scoped3A : memref<!tpu.dma_semaphore, #tpu.memory_space<semaphore_mem>>) src(%arg2 : memref<4160xf32, #tpu.memory_space<hbm>>) dst(%arg6 : memref<4160xf32, #tpu.memory_space<vmem>>)
      tpu.yield
    }) : () -> ()
    %mul3A_1 = arith.constant 128 : i32
    %mul3A_2 = arith.muli %add3A, %mul3A_1 : i32
    "tpu.region"() ({
      %run_scoped3A = tpu.sem_alloc : memref<!tpu.dma_semaphore, #tpu.memory_space<semaphore_mem>>
      %dma_start3A = arith.constant 0 : i32
      %dma_start3A_29 = arith.constant 0 : i32
      %dma_start3A_30 = tpu.memref_slice %arg5[%dma_start3A, %dma_start3A_29] : memref<128x201xi32, #tpu.memory_space<vmem>> -> memref<128x200xi32, #tpu.memory_space<vmem>>
      %dma_start3A_31 = arith.constant 0 : i32
      %dma_start3A_32 = tpu.memref_slice %arg3[%mul3A_2, %dma_start3A_31] : memref<4096x200xi32, #tpu.memory_space<hbm>> -> memref<128x200xi32, #tpu.memory_space<hbm>>
      %dma_start3A_33 = arith.constant 0 : i32
      %dma_start3A_34 = arith.constant 0 : i32
      %dma_start3A_35 = tpu.memref_slice %arg5[%dma_start3A_33, %dma_start3A_34] : memref<128x201xi32, #tpu.memory_space<vmem>> -> memref<128x200xi32, #tpu.memory_space<vmem>>
      %dma_start3A_36 = arith.constant 0 : i32
      %dma_start3A_37 = tpu.memref_slice %arg3[%mul3A_2, %dma_start3A_36] : memref<4096x200xi32, #tpu.memory_space<hbm>> -> memref<128x200xi32, #tpu.memory_space<hbm>>
      tpu.enqueue_dma source(%dma_start3A_37 : memref<128x200xi32, #tpu.memory_space<hbm>>) target(%dma_start3A_35 : memref<128x200xi32, #tpu.memory_space<vmem>>) target_semaphore(%run_scoped3A : memref<!tpu.dma_semaphore, #tpu.memory_space<semaphore_mem>>)
      %dma_wait3A_38 = arith.constant 0 : i32
      %dma_wait3A_39 = arith.constant 0 : i32
      %dma_wait3A_40 = tpu.memref_slice %arg5[%dma_wait3A_38, %dma_wait3A_39] : memref<128x201xi32, #tpu.memory_space<vmem>> -> memref<128x200xi32, #tpu.memory_space<vmem>>
      %dma_wait3A_41 = arith.constant 0 : i32
      %dma_wait3A_42 = tpu.memref_slice %arg3[%mul3A_2, %dma_wait3A_41] : memref<4096x200xi32, #tpu.memory_space<hbm>> -> memref<128x200xi32, #tpu.memory_space<hbm>>
      %dma_wait3A_43 = arith.constant 0 : i32
      %dma_wait3A_44 = arith.constant 0 : i32
      %dma_wait3A_45 = tpu.memref_slice %arg5[%dma_wait3A_43, %dma_wait3A_44] : memref<128x201xi32, #tpu.memory_space<vmem>> -> memref<128x200xi32, #tpu.memory_space<vmem>>
      %dma_wait3A_46 = arith.constant 0 : i32
      %dma_wait3A_47 = tpu.memref_slice %arg3[%mul3A_2, %dma_wait3A_46] : memref<4096x200xi32, #tpu.memory_space<hbm>> -> memref<128x200xi32, #tpu.memory_space<hbm>>
      tpu.wait_dma2 semaphore(%run_scoped3A : memref<!tpu.dma_semaphore, #tpu.memory_space<semaphore_mem>>) src(%dma_wait3A_47 : memref<128x200xi32, #tpu.memory_space<hbm>>) dst(%dma_wait3A_45 : memref<128x200xi32, #tpu.memory_space<vmem>>)
      tpu.yield
    }) : () -> ()
    %iota3A = tpu.iota {dimensions = array<i32: 0>} : vector<16xi32>
    %scan3A = arith.constant 0 : i32
    %scan3A_3 = arith.constant 0 : i32
    %scan3A_4 = arith.constant 100 : i32
    %scan3A_5 = arith.addi %scan3A_3, %scan3A_4 : i32
    %scan3A_6 = arith.constant 1 : i32
    scf.for %scan3A_29 = %scan3A_3 to %scan3A_5 step %scan3A_6  : i32 {
      %mul3A_30 = arith.constant 2 : i32
      %mul3A_31 = arith.muli %mul3A_30, %scan3A_29 : i32
      %add3A_32 = arith.constant 0 : i32
      %add3A_33 = arith.addi %mul3A_31, %add3A_32 : i32
      %gt3A = arith.constant 0 : i32
      %gt3A_34 = arith.cmpi sgt, %scan3A_29, %gt3A : i32
      %convert_element_type3A = arith.extui %gt3A_34 : i1 to i32
      %cond3A = arith.constant 0 : i32
      %cond3A_35 = arith.cmpi ne, %convert_element_type3A, %cond3A : i32
      scf.if %cond3A_35 {
        %dma_wait3A_69 = arith.constant 0 : i32
        %dma_wait3A_70 = arith.constant 0 : i32
        %dma_wait3A_71 = arith.constant 0 : i32
        %dma_wait3A_72 = arith.constant 0 : i32
        %dma_wait3A_73 = tpu.memref_slice %arg4[%dma_wait3A_69, %dma_wait3A_70, %add3A, %dma_wait3A_71, %dma_wait3A_72] : memref<200x8x32x8x128xf32, #tpu.memory_space<hbm>> -> memref<1x8x1x8x128xf32, #tpu.memory_space<hbm>>
        %dma_wait3A_74 = tpu.memref_squeeze %dma_wait3A_73 : memref<1x8x1x8x128xf32, #tpu.memory_space<hbm>> -> memref<8x8x128xf32, #tpu.memory_space<hbm>>
        %dma_wait3A_75 = arith.constant 0 : i32
        %dma_wait3A_76 = arith.constant 0 : i32
        %dma_wait3A_77 = arith.constant 0 : i32
        %dma_wait3A_78 = tpu.memref_slice %arg4[%dma_wait3A_69, %dma_wait3A_75, %add3A, %dma_wait3A_76, %dma_wait3A_77] : memref<200x8x32x8x128xf32, #tpu.memory_space<hbm>> -> memref<1x8x1x8x128xf32, #tpu.memory_space<hbm>>
        %dma_wait3A_79 = tpu.memref_squeeze %dma_wait3A_78 : memref<1x8x1x8x128xf32, #tpu.memory_space<hbm>> -> memref<8x8x128xf32, #tpu.memory_space<hbm>>
        tpu.wait_dma2 semaphore(%arg9 : memref<!tpu.dma_semaphore, #tpu.memory_space<semaphore_mem>>) src(%arg7 : memref<8x8x128xf32, #tpu.memory_space<vmem>>) dst(%dma_wait3A_79 : memref<8x8x128xf32, #tpu.memory_space<hbm>>)
      } else {
      }
      %parallel_loop3A = arith.constant 0 : i32
      %parallel_loop3A_36 = arith.constant 8 : i32
      %parallel_loop3A_37 = arith.constant 1 : i32
      scf.for %parallel_loop3A_69 = %parallel_loop3A to %parallel_loop3A_36 step %parallel_loop3A_37  : i32 {
        %parallel_loop3A_70 = arith.constant 16 : i32
        %parallel_loop3A_71 = arith.muli %parallel_loop3A_69, %parallel_loop3A_70 : i32
        %parallel_loop3A_72 = vector.broadcast %parallel_loop3A_71 : i32 to vector<16xi32>
        %parallel_loop3A_73 = arith.addi %iota3A, %parallel_loop3A_72 : vector<16xi32>
        %parallel_loop3A_74 = arith.constant 0 : i32
        %parallel_loop3A_75 = vector.broadcast %parallel_loop3A_74 : i32 to vector<16xi32>
        %parallel_loop3A_76 = vector.broadcast %add3A_33 : i32 to vector<16xi32>
        %parallel_loop3A_77 = arith.addi %parallel_loop3A_75, %parallel_loop3A_76 : vector<16xi32>
        %parallel_loop3A_78 = tpu.vector_load_idx %arg5[%parallel_loop3A_73, %parallel_loop3A_77] : memref<128x201xi32, #tpu.memory_space<vmem>>[vector<16xi32>, vector<16xi32>], vector<16xi32>,
        %parallel_loop3A_79 = arith.constant 65 : i32
        %parallel_loop3A_80 = vector.broadcast %parallel_loop3A_79 : i32 to vector<16xi32>
        %parallel_loop3A_81 = arith.muli %parallel_loop3A_78, %parallel_loop3A_80 : vector<16xi32>
        %parallel_loop3A_82 = arith.constant 0 : i32
        %parallel_loop3A_83 = vector.broadcast %parallel_loop3A_82 : i32 to vector<16xi32>
        %parallel_loop3A_84 = arith.addi %parallel_loop3A_81, %parallel_loop3A_83 : vector<16xi32>
        %parallel_loop3A_85 = tpu.vector_load_idx %arg6[%parallel_loop3A_84] : memref<4160xf32, #tpu.memory_space<vmem>>[vector<16xi32>], vector<16xf32>,
        %parallel_loop3A_86 = arith.constant 16 : i32
        %parallel_loop3A_87 = arith.muli %parallel_loop3A_69, %parallel_loop3A_86 : i32
        %parallel_loop3A_88 = arith.constant 0 : i32
        %parallel_loop3A_89 = arith.constant 0 : i32
        %parallel_loop3A_90 = arith.index_cast %parallel_loop3A_88 : i32 to index
        %parallel_loop3A_91 = arith.index_cast %parallel_loop3A_89 : i32 to index
        %parallel_loop3A_92 = arith.index_cast %parallel_loop3A_87 : i32 to index
        %parallel_loop3A_93 = tpu.vector_load %arg7[%parallel_loop3A_90, %parallel_loop3A_91, %parallel_loop3A_92] {strides = array<i32>} : memref<8x8x128xf32, #tpu.memory_space<vmem>>, vector<16xf32>,
        tpu.vector_store %arg7[%parallel_loop3A_90, %parallel_loop3A_91, %parallel_loop3A_92], %parallel_loop3A_85 {strides = array<i32>} : memref<8x8x128xf32, #tpu.memory_space<vmem>>, vector<16xf32>,
        %parallel_loop3A_94 = arith.constant 1 : i32
        %parallel_loop3A_95 = vector.broadcast %parallel_loop3A_94 : i32 to vector<16xi32>
        %parallel_loop3A_96 = arith.addi %parallel_loop3A_81, %parallel_loop3A_95 : vector<16xi32>
        %parallel_loop3A_97 = tpu.vector_load_idx %arg6[%parallel_loop3A_96] : memref<4160xf32, #tpu.memory_space<vmem>>[vector<16xi32>], vector<16xf32>,
        %parallel_loop3A_98 = arith.constant 16 : i32
        %parallel_loop3A_99 = arith.muli %parallel_loop3A_69, %parallel_loop3A_98 : i32
        %parallel_loop3A_100 = arith.constant 0 : i32
        %parallel_loop3A_101 = arith.constant 1 : i32
        %parallel_loop3A_102 = arith.index_cast %parallel_loop3A_100 : i32 to index
        %parallel_loop3A_103 = arith.index_cast %parallel_loop3A_101 : i32 to index
        %parallel_loop3A_104 = arith.index_cast %parallel_loop3A_99 : i32 to index
        %parallel_loop3A_105 = tpu.vector_load %arg7[%parallel_loop3A_102, %parallel_loop3A_103, %parallel_loop3A_104] {strides = array<i32>} : memref<8x8x128xf32, #tpu.memory_space<vmem>>, vector<16xf32>,
        tpu.vector_store %arg7[%parallel_loop3A_102, %parallel_loop3A_103, %parallel_loop3A_104], %parallel_loop3A_97 {strides = array<i32>} : memref<8x8x128xf32, #tpu.memory_space<vmem>>, vector<16xf32>,
        %parallel_loop3A_106 = arith.constant 2 : i32
        %parallel_loop3A_107 = vector.broadcast %parallel_loop3A_106 : i32 to vector<16xi32>
        %parallel_loop3A_108 = arith.addi %parallel_loop3A_81, %parallel_loop3A_107 : vector<16xi32>
        %parallel_loop3A_109 = tpu.vector_load_idx %arg6[%parallel_loop3A_108] : memref<4160xf32, #tpu.memory_space<vmem>>[vector<16xi32>], vector<16xf32>,
        %parallel_loop3A_110 = arith.constant 16 : i32
        %parallel_loop3A_111 = arith.muli %parallel_loop3A_69, %parallel_loop3A_110 : i32
        %parallel_loop3A_112 = arith.constant 0 : i32
        %parallel_loop3A_113 = arith.constant 2 : i32
        %parallel_loop3A_114 = arith.index_cast %parallel_loop3A_112 : i32 to index
        %parallel_loop3A_115 = arith.index_cast %parallel_loop3A_113 : i32 to index
        %parallel_loop3A_116 = arith.index_cast %parallel_loop3A_111 : i32 to index
        %parallel_loop3A_117 = tpu.vector_load %arg7[%parallel_loop3A_114, %parallel_loop3A_115, %parallel_loop3A_116] {strides = array<i32>} : memref<8x8x128xf32, #tpu.memory_space<vmem>>, vector<16xf32>,
        tpu.vector_store %arg7[%parallel_loop3A_114, %parallel_loop3A_115, %parallel_loop3A_116], %parallel_loop3A_109 {strides = array<i32>} : memref<8x8x128xf32, #tpu.memory_space<vmem>>, vector<16xf32>,
        %parallel_loop3A_118 = arith.constant 3 : i32
        %parallel_loop3A_119 = vector.broadcast %parallel_loop3A_118 : i32 to vector<16xi32>
        %parallel_loop3A_120 = arith.addi %parallel_loop3A_81, %parallel_loop3A_119 : vector<16xi32>
        %parallel_loop3A_121 = tpu.vector_load_idx %arg6[%parallel_loop3A_120] : memref<4160xf32, #tpu.memory_space<vmem>>[vector<16xi32>], vector<16xf32>,
        %parallel_loop3A_122 = arith.constant 16 : i32
        %parallel_loop3A_123 = arith.muli %parallel_loop3A_69, %parallel_loop3A_122 : i32
        %parallel_loop3A_124 = arith.constant 0 : i32
        %parallel_loop3A_125 = arith.constant 3 : i32
        %parallel_loop3A_126 = arith.index_cast %parallel_loop3A_124 : i32 to index
        %parallel_loop3A_127 = arith.index_cast %parallel_loop3A_125 : i32 to index
        %parallel_loop3A_128 = arith.index_cast %parallel_loop3A_123 : i32 to index
        %parallel_loop3A_129 = tpu.vector_load %arg7[%parallel_loop3A_126, %parallel_loop3A_127, %parallel_loop3A_128] {strides = array<i32>} : memref<8x8x128xf32, #tpu.memory_space<vmem>>, vector<16xf32>,
        tpu.vector_store %arg7[%parallel_loop3A_126, %parallel_loop3A_127, %parallel_loop3A_128], %parallel_loop3A_121 {strides = array<i32>} : memref<8x8x128xf32, #tpu.memory_space<vmem>>, vector<16xf32>,
        %parallel_loop3A_130 = arith.constant 4 : i32
        %parallel_loop3A_131 = vector.broadcast %parallel_loop3A_130 : i32 to vector<16xi32>
        %parallel_loop3A_132 = arith.addi %parallel_loop3A_81, %parallel_loop3A_131 : vector<16xi32>
        %parallel_loop3A_133 = tpu.vector_load_idx %arg6[%parallel_loop3A_132] : memref<4160xf32, #tpu.memory_space<vmem>>[vector<16xi32>], vector<16xf32>,
        %parallel_loop3A_134 = arith.constant 16 : i32
        %parallel_loop3A_135 = arith.muli %parallel_loop3A_69, %parallel_loop3A_134 : i32
        %parallel_loop3A_136 = arith.constant 0 : i32
        %parallel_loop3A_137 = arith.constant 4 : i32
        %parallel_loop3A_138 = arith.index_cast %parallel_loop3A_136 : i32 to index
        %parallel_loop3A_139 = arith.index_cast %parallel_loop3A_137 : i32 to index
        %parallel_loop3A_140 = arith.index_cast %parallel_loop3A_135 : i32 to index
        %parallel_loop3A_141 = tpu.vector_load %arg7[%parallel_loop3A_138, %parallel_loop3A_139, %parallel_loop3A_140] {strides = array<i32>} : memref<8x8x128xf32, #tpu.memory_space<vmem>>, vector<16xf32>,
        tpu.vector_store %arg7[%parallel_loop3A_138, %parallel_loop3A_139, %parallel_loop3A_140], %parallel_loop3A_133 {strides = array<i32>} : memref<8x8x128xf32, #tpu.memory_space<vmem>>, vector<16xf32>,
        %parallel_loop3A_142 = arith.constant 5 : i32
        %parallel_loop3A_143 = vector.broadcast %parallel_loop3A_142 : i32 to vector<16xi32>
        %parallel_loop3A_144 = arith.addi %parallel_loop3A_81, %parallel_loop3A_143 : vector<16xi32>
        %parallel_loop3A_145 = tpu.vector_load_idx %arg6[%parallel_loop3A_144] : memref<4160xf32, #tpu.memory_space<vmem>>[vector<16xi32>], vector<16xf32>,
        %parallel_loop3A_146 = arith.constant 16 : i32
        %parallel_loop3A_147 = arith.muli %parallel_loop3A_69, %parallel_loop3A_146 : i32
        %parallel_loop3A_148 = arith.constant 0 : i32
        %parallel_loop3A_149 = arith.constant 5 : i32
        %parallel_loop3A_150 = arith.index_cast %parallel_loop3A_148 : i32 to index
        %parallel_loop3A_151 = arith.index_cast %parallel_loop3A_149 : i32 to index
        %parallel_loop3A_152 = arith.index_cast %parallel_loop3A_147 : i32 to index
        %parallel_loop3A_153 = tpu.vector_load %arg7[%parallel_loop3A_150, %parallel_loop3A_151, %parallel_loop3A_152] {strides = array<i32>} : memref<8x8x128xf32, #tpu.memory_space<vmem>>, vector<16xf32>,
        tpu.vector_store %arg7[%parallel_loop3A_150, %parallel_loop3A_151, %parallel_loop3A_152], %parallel_loop3A_145 {strides = array<i32>} : memref<8x8x128xf32, #tpu.memory_space<vmem>>, vector<16xf32>,
        %parallel_loop3A_154 = arith.constant 6 : i32
        %parallel_loop3A_155 = vector.broadcast %parallel_loop3A_154 : i32 to vector<16xi32>
        %parallel_loop3A_156 = arith.addi %parallel_loop3A_81, %parallel_loop3A_155 : vector<16xi32>
        %parallel_loop3A_157 = tpu.vector_load_idx %arg6[%parallel_loop3A_156] : memref<4160xf32, #tpu.memory_space<vmem>>[vector<16xi32>], vector<16xf32>,
        %parallel_loop3A_158 = arith.constant 16 : i32
        %parallel_loop3A_159 = arith.muli %parallel_loop3A_69, %parallel_loop3A_158 : i32
        %parallel_loop3A_160 = arith.constant 0 : i32
        %parallel_loop3A_161 = arith.constant 6 : i32
        %parallel_loop3A_162 = arith.index_cast %parallel_loop3A_160 : i32 to index
        %parallel_loop3A_163 = arith.index_cast %parallel_loop3A_161 : i32 to index
        %parallel_loop3A_164 = arith.index_cast %parallel_loop3A_159 : i32 to index
        %parallel_loop3A_165 = tpu.vector_load %arg7[%parallel_loop3A_162, %parallel_loop3A_163, %parallel_loop3A_164] {strides = array<i32>} : memref<8x8x128xf32, #tpu.memory_space<vmem>>, vector<16xf32>,
        tpu.vector_store %arg7[%parallel_loop3A_162, %parallel_loop3A_163, %parallel_loop3A_164], %parallel_loop3A_157 {strides = array<i32>} : memref<8x8x128xf32, #tpu.memory_space<vmem>>, vector<16xf32>,
        %parallel_loop3A_166 = arith.constant 7 : i32
        %parallel_loop3A_167 = vector.broadcast %parallel_loop3A_166 : i32 to vector<16xi32>
        %parallel_loop3A_168 = arith.addi %parallel_loop3A_81, %parallel_loop3A_167 : vector<16xi32>
        %parallel_loop3A_169 = tpu.vector_load_idx %arg6[%parallel_loop3A_168] : memref<4160xf32, #tpu.memory_space<vmem>>[vector<16xi32>], vector<16xf32>,
        %parallel_loop3A_170 = arith.constant 16 : i32
        %parallel_loop3A_171 = arith.muli %parallel_loop3A_69, %parallel_loop3A_170 : i32
        %parallel_loop3A_172 = arith.constant 0 : i32
        %parallel_loop3A_173 = arith.constant 7 : i32
        %parallel_loop3A_174 = arith.index_cast %parallel_loop3A_172 : i32 to index
        %parallel_loop3A_175 = arith.index_cast %parallel_loop3A_173 : i32 to index
        %parallel_loop3A_176 = arith.index_cast %parallel_loop3A_171 : i32 to index
        %parallel_loop3A_177 = tpu.vector_load %arg7[%parallel_loop3A_174, %parallel_loop3A_175, %parallel_loop3A_176] {strides = array<i32>} : memref<8x8x128xf32, #tpu.memory_space<vmem>>, vector<16xf32>,
        tpu.vector_store %arg7[%parallel_loop3A_174, %parallel_loop3A_175, %parallel_loop3A_176], %parallel_loop3A_169 {strides = array<i32>} : memref<8x8x128xf32, #tpu.memory_space<vmem>>, vector<16xf32>,
        %parallel_loop3A_178 = arith.constant 8 : i32
        %parallel_loop3A_179 = vector.broadcast %parallel_loop3A_178 : i32 to vector<16xi32>
        %parallel_loop3A_180 = arith.addi %parallel_loop3A_81, %parallel_loop3A_179 : vector<16xi32>
        %parallel_loop3A_181 = tpu.vector_load_idx %arg6[%parallel_loop3A_180] : memref<4160xf32, #tpu.memory_space<vmem>>[vector<16xi32>], vector<16xf32>,
        %parallel_loop3A_182 = arith.constant 16 : i32
        %parallel_loop3A_183 = arith.muli %parallel_loop3A_69, %parallel_loop3A_182 : i32
        %parallel_loop3A_184 = arith.constant 1 : i32
        %parallel_loop3A_185 = arith.constant 0 : i32
        %parallel_loop3A_186 = arith.index_cast %parallel_loop3A_184 : i32 to index
        %parallel_loop3A_187 = arith.index_cast %parallel_loop3A_185 : i32 to index
        %parallel_loop3A_188 = arith.index_cast %parallel_loop3A_183 : i32 to index
        %parallel_loop3A_189 = tpu.vector_load %arg7[%parallel_loop3A_186, %parallel_loop3A_187, %parallel_loop3A_188] {strides = array<i32>} : memref<8x8x128xf32, #tpu.memory_space<vmem>>, vector<16xf32>,
        tpu.vector_store %arg7[%parallel_loop3A_186, %parallel_loop3A_187, %parallel_loop3A_188], %parallel_loop3A_181 {strides = array<i32>} : memref<8x8x128xf32, #tpu.memory_space<vmem>>, vector<16xf32>,
        %parallel_loop3A_190 = arith.constant 9 : i32
        %parallel_loop3A_191 = vector.broadcast %parallel_loop3A_190 : i32 to vector<16xi32>
        %parallel_loop3A_192 = arith.addi %parallel_loop3A_81, %parallel_loop3A_191 : vector<16xi32>
        %parallel_loop3A_193 = tpu.vector_load_idx %arg6[%parallel_loop3A_192] : memref<4160xf32, #tpu.memory_space<vmem>>[vector<16xi32>], vector<16xf32>,
        %parallel_loop3A_194 = arith.constant 16 : i32
        %parallel_loop3A_195 = arith.muli %parallel_loop3A_69, %parallel_loop3A_194 : i32
        %parallel_loop3A_196 = arith.constant 1 : i32
        %parallel_loop3A_197 = arith.constant 1 : i32
        %parallel_loop3A_198 = arith.index_cast %parallel_loop3A_196 : i32 to index
        %parallel_loop3A_199 = arith.index_cast %parallel_loop3A_197 : i32 to index
        %parallel_loop3A_200 = arith.index_cast %parallel_loop3A_195 : i32 to index
        %parallel_loop3A_201 = tpu.vector_load %arg7[%parallel_loop3A_198, %parallel_loop3A_199, %parallel_loop3A_200] {strides = array<i32>} : memref<8x8x128xf32, #tpu.memory_space<vmem>>, vector<16xf32>,
        tpu.vector_store %arg7[%parallel_loop3A_198, %parallel_loop3A_199, %parallel_loop3A_200], %parallel_loop3A_193 {strides = array<i32>} : memref<8x8x128xf32, #tpu.memory_space<vmem>>, vector<16xf32>,
        %parallel_loop3A_202 = arith.constant 10 : i32
        %parallel_loop3A_203 = vector.broadcast %parallel_loop3A_202 : i32 to vector<16xi32>
        %parallel_loop3A_204 = arith.addi %parallel_loop3A_81, %parallel_loop3A_203 : vector<16xi32>
        %parallel_loop3A_205 = tpu.vector_load_idx %arg6[%parallel_loop3A_204] : memref<4160xf32, #tpu.memory_space<vmem>>[vector<16xi32>], vector<16xf32>,
        %parallel_loop3A_206 = arith.constant 16 : i32
        %parallel_loop3A_207 = arith.muli %parallel_loop3A_69, %parallel_loop3A_206 : i32
        %parallel_loop3A_208 = arith.constant 1 : i32
        %parallel_loop3A_209 = arith.constant 2 : i32
        %parallel_loop3A_210 = arith.index_cast %parallel_loop3A_208 : i32 to index
        %parallel_loop3A_211 = arith.index_cast %parallel_loop3A_209 : i32 to index
        %parallel_loop3A_212 = arith.index_cast %parallel_loop3A_207 : i32 to index
        %parallel_loop3A_213 = tpu.vector_load %arg7[%parallel_loop3A_210, %parallel_loop3A_211, %parallel_loop3A_212] {strides = array<i32>} : memref<8x8x128xf32, #tpu.memory_space<vmem>>, vector<16xf32>,
        tpu.vector_store %arg7[%parallel_loop3A_210, %parallel_loop3A_211, %parallel_loop3A_212], %parallel_loop3A_205 {strides = array<i32>} : memref<8x8x128xf32, #tpu.memory_space<vmem>>, vector<16xf32>,
        %parallel_loop3A_214 = arith.constant 11 : i32
        %parallel_loop3A_215 = vector.broadcast %parallel_loop3A_214 : i32 to vector<16xi32>
        %parallel_loop3A_216 = arith.addi %parallel_loop3A_81, %parallel_loop3A_215 : vector<16xi32>
        %parallel_loop3A_217 = tpu.vector_load_idx %arg6[%parallel_loop3A_216] : memref<4160xf32, #tpu.memory_space<vmem>>[vector<16xi32>], vector<16xf32>,
        %parallel_loop3A_218 = arith.constant 16 : i32
        %parallel_loop3A_219 = arith.muli %parallel_loop3A_69, %parallel_loop3A_218 : i32
        %parallel_loop3A_220 = arith.constant 1 : i32
        %parallel_loop3A_221 = arith.constant 3 : i32
        %parallel_loop3A_222 = arith.index_cast %parallel_loop3A_220 : i32 to index
        %parallel_loop3A_223 = arith.index_cast %parallel_loop3A_221 : i32 to index
        %parallel_loop3A_224 = arith.index_cast %parallel_loop3A_219 : i32 to index
        %parallel_loop3A_225 = tpu.vector_load %arg7[%parallel_loop3A_222, %parallel_loop3A_223, %parallel_loop3A_224] {strides = array<i32>} : memref<8x8x128xf32, #tpu.memory_space<vmem>>, vector<16xf32>,
        tpu.vector_store %arg7[%parallel_loop3A_222, %parallel_loop3A_223, %parallel_loop3A_224], %parallel_loop3A_217 {strides = array<i32>} : memref<8x8x128xf32, #tpu.memory_space<vmem>>, vector<16xf32>,
        %parallel_loop3A_226 = arith.constant 12 : i32
        %parallel_loop3A_227 = vector.broadcast %parallel_loop3A_226 : i32 to vector<16xi32>
        %parallel_loop3A_228 = arith.addi %parallel_loop3A_81, %parallel_loop3A_227 : vector<16xi32>
        %parallel_loop3A_229 = tpu.vector_load_idx %arg6[%parallel_loop3A_228] : memref<4160xf32, #tpu.memory_space<vmem>>[vector<16xi32>], vector<16xf32>,
        %parallel_loop3A_230 = arith.constant 16 : i32
        %parallel_loop3A_231 = arith.muli %parallel_loop3A_69, %parallel_loop3A_230 : i32
        %parallel_loop3A_232 = arith.constant 1 : i32
        %parallel_loop3A_233 = arith.constant 4 : i32
        %parallel_loop3A_234 = arith.index_cast %parallel_loop3A_232 : i32 to index
        %parallel_loop3A_235 = arith.index_cast %parallel_loop3A_233 : i32 to index
        %parallel_loop3A_236 = arith.index_cast %parallel_loop3A_231 : i32 to index
        %parallel_loop3A_237 = tpu.vector_load %arg7[%parallel_loop3A_234, %parallel_loop3A_235, %parallel_loop3A_236] {strides = array<i32>} : memref<8x8x128xf32, #tpu.memory_space<vmem>>, vector<16xf32>,
        tpu.vector_store %arg7[%parallel_loop3A_234, %parallel_loop3A_235, %parallel_loop3A_236], %parallel_loop3A_229 {strides = array<i32>} : memref<8x8x128xf32, #tpu.memory_space<vmem>>, vector<16xf32>,
        %parallel_loop3A_238 = arith.constant 13 : i32
        %parallel_loop3A_239 = vector.broadcast %parallel_loop3A_238 : i32 to vector<16xi32>
        %parallel_loop3A_240 = arith.addi %parallel_loop3A_81, %parallel_loop3A_239 : vector<16xi32>
        %parallel_loop3A_241 = tpu.vector_load_idx %arg6[%parallel_loop3A_240] : memref<4160xf32, #tpu.memory_space<vmem>>[vector<16xi32>], vector<16xf32>,
        %parallel_loop3A_242 = arith.constant 16 : i32
        %parallel_loop3A_243 = arith.muli %parallel_loop3A_69, %parallel_loop3A_242 : i32
        %parallel_loop3A_244 = arith.constant 1 : i32
        %parallel_loop3A_245 = arith.constant 5 : i32
        %parallel_loop3A_246 = arith.index_cast %parallel_loop3A_244 : i32 to index
        %parallel_loop3A_247 = arith.index_cast %parallel_loop3A_245 : i32 to index
        %parallel_loop3A_248 = arith.index_cast %parallel_loop3A_243 : i32 to index
        %parallel_loop3A_249 = tpu.vector_load %arg7[%parallel_loop3A_246, %parallel_loop3A_247, %parallel_loop3A_248] {strides = array<i32>} : memref<8x8x128xf32, #tpu.memory_space<vmem>>, vector<16xf32>,
        tpu.vector_store %arg7[%parallel_loop3A_246, %parallel_loop3A_247, %parallel_loop3A_248], %parallel_loop3A_241 {strides = array<i32>} : memref<8x8x128xf32, #tpu.memory_space<vmem>>, vector<16xf32>,
        %parallel_loop3A_250 = arith.constant 14 : i32
        %parallel_loop3A_251 = vector.broadcast %parallel_loop3A_250 : i32 to vector<16xi32>
        %parallel_loop3A_252 = arith.addi %parallel_loop3A_81, %parallel_loop3A_251 : vector<16xi32>
        %parallel_loop3A_253 = tpu.vector_load_idx %arg6[%parallel_loop3A_252] : memref<4160xf32, #tpu.memory_space<vmem>>[vector<16xi32>], vector<16xf32>,
        %parallel_loop3A_254 = arith.constant 16 : i32
        %parallel_loop3A_255 = arith.muli %parallel_loop3A_69, %parallel_loop3A_254 : i32
        %parallel_loop3A_256 = arith.constant 1 : i32
        %parallel_loop3A_257 = arith.constant 6 : i32
        %parallel_loop3A_258 = arith.index_cast %parallel_loop3A_256 : i32 to index
        %parallel_loop3A_259 = arith.index_cast %parallel_loop3A_257 : i32 to index
        %parallel_loop3A_260 = arith.index_cast %parallel_loop3A_255 : i32 to index
        %parallel_loop3A_261 = tpu.vector_load %arg7[%parallel_loop3A_258, %parallel_loop3A_259, %parallel_loop3A_260] {strides = array<i32>} : memref<8x8x128xf32, #tpu.memory_space<vmem>>, vector<16xf32>,
        tpu.vector_store %arg7[%parallel_loop3A_258, %parallel_loop3A_259, %parallel_loop3A_260], %parallel_loop3A_253 {strides = array<i32>} : memref<8x8x128xf32, #tpu.memory_space<vmem>>, vector<16xf32>,
        %parallel_loop3A_262 = arith.constant 15 : i32
        %parallel_loop3A_263 = vector.broadcast %parallel_loop3A_262 : i32 to vector<16xi32>
        %parallel_loop3A_264 = arith.addi %parallel_loop3A_81, %parallel_loop3A_263 : vector<16xi32>
        %parallel_loop3A_265 = tpu.vector_load_idx %arg6[%parallel_loop3A_264] : memref<4160xf32, #tpu.memory_space<vmem>>[vector<16xi32>], vector<16xf32>,
        %parallel_loop3A_266 = arith.constant 16 : i32
        %parallel_loop3A_267 = arith.muli %parallel_loop3A_69, %parallel_loop3A_266 : i32
        %parallel_loop3A_268 = arith.constant 1 : i32
        %parallel_loop3A_269 = arith.constant 7 : i32
        %parallel_loop3A_270 = arith.index_cast %parallel_loop3A_268 : i32 to index
        %parallel_loop3A_271 = arith.index_cast %parallel_loop3A_269 : i32 to index
        %parallel_loop3A_272 = arith.index_cast %parallel_loop3A_267 : i32 to index
        %parallel_loop3A_273 = tpu.vector_load %arg7[%parallel_loop3A_270, %parallel_loop3A_271, %parallel_loop3A_272] {strides = array<i32>} : memref<8x8x128xf32, #tpu.memory_space<vmem>>, vector<16xf32>,
        tpu.vector_store %arg7[%parallel_loop3A_270, %parallel_loop3A_271, %parallel_loop3A_272], %parallel_loop3A_265 {strides = array<i32>} : memref<8x8x128xf32, #tpu.memory_space<vmem>>, vector<16xf32>,
        %parallel_loop3A_274 = arith.constant 16 : i32
        %parallel_loop3A_275 = vector.broadcast %parallel_loop3A_274 : i32 to vector<16xi32>
        %parallel_loop3A_276 = arith.addi %parallel_loop3A_81, %parallel_loop3A_275 : vector<16xi32>
        %parallel_loop3A_277 = tpu.vector_load_idx %arg6[%parallel_loop3A_276] : memref<4160xf32, #tpu.memory_space<vmem>>[vector<16xi32>], vector<16xf32>,
        %parallel_loop3A_278 = arith.constant 16 : i32
        %parallel_loop3A_279 = arith.muli %parallel_loop3A_69, %parallel_loop3A_278 : i32
        %parallel_loop3A_280 = arith.constant 2 : i32
        %parallel_loop3A_281 = arith.constant 0 : i32
        %parallel_loop3A_282 = arith.index_cast %parallel_loop3A_280 : i32 to index
        %parallel_loop3A_283 = arith.index_cast %parallel_loop3A_281 : i32 to index
        %parallel_loop3A_284 = arith.index_cast %parallel_loop3A_279 : i32 to index
        %parallel_loop3A_285 = tpu.vector_load %arg7[%parallel_loop3A_282, %parallel_loop3A_283, %parallel_loop3A_284] {strides = array<i32>} : memref<8x8x128xf32, #tpu.memory_space<vmem>>, vector<16xf32>,
        tpu.vector_store %arg7[%parallel_loop3A_282, %parallel_loop3A_283, %parallel_loop3A_284], %parallel_loop3A_277 {strides = array<i32>} : memref<8x8x128xf32, #tpu.memory_space<vmem>>, vector<16xf32>,
        %parallel_loop3A_286 = arith.constant 17 : i32
        %parallel_loop3A_287 = vector.broadcast %parallel_loop3A_286 : i32 to vector<16xi32>
        %parallel_loop3A_288 = arith.addi %parallel_loop3A_81, %parallel_loop3A_287 : vector<16xi32>
        %parallel_loop3A_289 = tpu.vector_load_idx %arg6[%parallel_loop3A_288] : memref<4160xf32, #tpu.memory_space<vmem>>[vector<16xi32>], vector<16xf32>,
        %parallel_loop3A_290 = arith.constant 16 : i32
        %parallel_loop3A_291 = arith.muli %parallel_loop3A_69, %parallel_loop3A_290 : i32
        %parallel_loop3A_292 = arith.constant 2 : i32
        %parallel_loop3A_293 = arith.constant 1 : i32
        %parallel_loop3A_294 = arith.index_cast %parallel_loop3A_292 : i32 to index
        %parallel_loop3A_295 = arith.index_cast %parallel_loop3A_293 : i32 to index
        %parallel_loop3A_296 = arith.index_cast %parallel_loop3A_291 : i32 to index
        %parallel_loop3A_297 = tpu.vector_load %arg7[%parallel_loop3A_294, %parallel_loop3A_295, %parallel_loop3A_296] {strides = array<i32>} : memref<8x8x128xf32, #tpu.memory_space<vmem>>, vector<16xf32>,
        tpu.vector_store %arg7[%parallel_loop3A_294, %parallel_loop3A_295, %parallel_loop3A_296], %parallel_loop3A_289 {strides = array<i32>} : memref<8x8x128xf32, #tpu.memory_space<vmem>>, vector<16xf32>,
        %parallel_loop3A_298 = arith.constant 18 : i32
        %parallel_loop3A_299 = vector.broadcast %parallel_loop3A_298 : i32 to vector<16xi32>
        %parallel_loop3A_300 = arith.addi %parallel_loop3A_81, %parallel_loop3A_299 : vector<16xi32>
        %parallel_loop3A_301 = tpu.vector_load_idx %arg6[%parallel_loop3A_300] : memref<4160xf32, #tpu.memory_space<vmem>>[vector<16xi32>], vector<16xf32>,
        %parallel_loop3A_302 = arith.constant 16 : i32
        %parallel_loop3A_303 = arith.muli %parallel_loop3A_69, %parallel_loop3A_302 : i32
        %parallel_loop3A_304 = arith.constant 2 : i32
        %parallel_loop3A_305 = arith.constant 2 : i32
        %parallel_loop3A_306 = arith.index_cast %parallel_loop3A_304 : i32 to index
        %parallel_loop3A_307 = arith.index_cast %parallel_loop3A_305 : i32 to index
        %parallel_loop3A_308 = arith.index_cast %parallel_loop3A_303 : i32 to index
        %parallel_loop3A_309 = tpu.vector_load %arg7[%parallel_loop3A_306, %parallel_loop3A_307, %parallel_loop3A_308] {strides = array<i32>} : memref<8x8x128xf32, #tpu.memory_space<vmem>>, vector<16xf32>,
        tpu.vector_store %arg7[%parallel_loop3A_306, %parallel_loop3A_307, %parallel_loop3A_308], %parallel_loop3A_301 {strides = array<i32>} : memref<8x8x128xf32, #tpu.memory_space<vmem>>, vector<16xf32>,
        %parallel_loop3A_310 = arith.constant 19 : i32
        %parallel_loop3A_311 = vector.broadcast %parallel_loop3A_310 : i32 to vector<16xi32>
        %parallel_loop3A_312 = arith.addi %parallel_loop3A_81, %parallel_loop3A_311 : vector<16xi32>
        %parallel_loop3A_313 = tpu.vector_load_idx %arg6[%parallel_loop3A_312] : memref<4160xf32, #tpu.memory_space<vmem>>[vector<16xi32>], vector<16xf32>,
        %parallel_loop3A_314 = arith.constant 16 : i32
        %parallel_loop3A_315 = arith.muli %parallel_loop3A_69, %parallel_loop3A_314 : i32
        %parallel_loop3A_316 = arith.constant 2 : i32
        %parallel_loop3A_317 = arith.constant 3 : i32
        %parallel_loop3A_318 = arith.index_cast %parallel_loop3A_316 : i32 to index
        %parallel_loop3A_319 = arith.index_cast %parallel_loop3A_317 : i32 to index
        %parallel_loop3A_320 = arith.index_cast %parallel_loop3A_315 : i32 to index
        %parallel_loop3A_321 = tpu.vector_load %arg7[%parallel_loop3A_318, %parallel_loop3A_319, %parallel_loop3A_320] {strides = array<i32>} : memref<8x8x128xf32, #tpu.memory_space<vmem>>, vector<16xf32>,
        tpu.vector_store %arg7[%parallel_loop3A_318, %parallel_loop3A_319, %parallel_loop3A_320], %parallel_loop3A_313 {strides = array<i32>} : memref<8x8x128xf32, #tpu.memory_space<vmem>>, vector<16xf32>,
        %parallel_loop3A_322 = arith.constant 20 : i32
        %parallel_loop3A_323 = vector.broadcast %parallel_loop3A_322 : i32 to vector<16xi32>
        %parallel_loop3A_324 = arith.addi %parallel_loop3A_81, %parallel_loop3A_323 : vector<16xi32>
        %parallel_loop3A_325 = tpu.vector_load_idx %arg6[%parallel_loop3A_324] : memref<4160xf32, #tpu.memory_space<vmem>>[vector<16xi32>], vector<16xf32>,
        %parallel_loop3A_326 = arith.constant 16 : i32
        %parallel_loop3A_327 = arith.muli %parallel_loop3A_69, %parallel_loop3A_326 : i32
        %parallel_loop3A_328 = arith.constant 2 : i32
        %parallel_loop3A_329 = arith.constant 4 : i32
        %parallel_loop3A_330 = arith.index_cast %parallel_loop3A_328 : i32 to index
        %parallel_loop3A_331 = arith.index_cast %parallel_loop3A_329 : i32 to index
        %parallel_loop3A_332 = arith.index_cast %parallel_loop3A_327 : i32 to index
        %parallel_loop3A_333 = tpu.vector_load %arg7[%parallel_loop3A_330, %parallel_loop3A_331, %parallel_loop3A_332] {strides = array<i32>} : memref<8x8x128xf32, #tpu.memory_space<vmem>>, vector<16xf32>,
        tpu.vector_store %arg7[%parallel_loop3A_330, %parallel_loop3A_331, %parallel_loop3A_332], %parallel_loop3A_325 {strides = array<i32>} : memref<8x8x128xf32, #tpu.memory_space<vmem>>, vector<16xf32>,
        %parallel_loop3A_334 = arith.constant 21 : i32
        %parallel_loop3A_335 = vector.broadcast %parallel_loop3A_334 : i32 to vector<16xi32>
        %parallel_loop3A_336 = arith.addi %parallel_loop3A_81, %parallel_loop3A_335 : vector<16xi32>
        %parallel_loop3A_337 = tpu.vector_load_idx %arg6[%parallel_loop3A_336] : memref<4160xf32, #tpu.memory_space<vmem>>[vector<16xi32>], vector<16xf32>,
        %parallel_loop3A_338 = arith.constant 16 : i32
        %parallel_loop3A_339 = arith.muli %parallel_loop3A_69, %parallel_loop3A_338 : i32
        %parallel_loop3A_340 = arith.constant 2 : i32
        %parallel_loop3A_341 = arith.constant 5 : i32
        %parallel_loop3A_342 = arith.index_cast %parallel_loop3A_340 : i32 to index
        %parallel_loop3A_343 = arith.index_cast %parallel_loop3A_341 : i32 to index
        %parallel_loop3A_344 = arith.index_cast %parallel_loop3A_339 : i32 to index
        %parallel_loop3A_345 = tpu.vector_load %arg7[%parallel_loop3A_342, %parallel_loop3A_343, %parallel_loop3A_344] {strides = array<i32>} : memref<8x8x128xf32, #tpu.memory_space<vmem>>, vector<16xf32>,
        tpu.vector_store %arg7[%parallel_loop3A_342, %parallel_loop3A_343, %parallel_loop3A_344], %parallel_loop3A_337 {strides = array<i32>} : memref<8x8x128xf32, #tpu.memory_space<vmem>>, vector<16xf32>,
        %parallel_loop3A_346 = arith.constant 22 : i32
        %parallel_loop3A_347 = vector.broadcast %parallel_loop3A_346 : i32 to vector<16xi32>
        %parallel_loop3A_348 = arith.addi %parallel_loop3A_81, %parallel_loop3A_347 : vector<16xi32>
        %parallel_loop3A_349 = tpu.vector_load_idx %arg6[%parallel_loop3A_348] : memref<4160xf32, #tpu.memory_space<vmem>>[vector<16xi32>], vector<16xf32>,
        %parallel_loop3A_350 = arith.constant 16 : i32
        %parallel_loop3A_351 = arith.muli %parallel_loop3A_69, %parallel_loop3A_350 : i32
        %parallel_loop3A_352 = arith.constant 2 : i32
        %parallel_loop3A_353 = arith.constant 6 : i32
        %parallel_loop3A_354 = arith.index_cast %parallel_loop3A_352 : i32 to index
        %parallel_loop3A_355 = arith.index_cast %parallel_loop3A_353 : i32 to index
        %parallel_loop3A_356 = arith.index_cast %parallel_loop3A_351 : i32 to index
        %parallel_loop3A_357 = tpu.vector_load %arg7[%parallel_loop3A_354, %parallel_loop3A_355, %parallel_loop3A_356] {strides = array<i32>} : memref<8x8x128xf32, #tpu.memory_space<vmem>>, vector<16xf32>,
        tpu.vector_store %arg7[%parallel_loop3A_354, %parallel_loop3A_355, %parallel_loop3A_356], %parallel_loop3A_349 {strides = array<i32>} : memref<8x8x128xf32, #tpu.memory_space<vmem>>, vector<16xf32>,
        %parallel_loop3A_358 = arith.constant 23 : i32
        %parallel_loop3A_359 = vector.broadcast %parallel_loop3A_358 : i32 to vector<16xi32>
        %parallel_loop3A_360 = arith.addi %parallel_loop3A_81, %parallel_loop3A_359 : vector<16xi32>
        %parallel_loop3A_361 = tpu.vector_load_idx %arg6[%parallel_loop3A_360] : memref<4160xf32, #tpu.memory_space<vmem>>[vector<16xi32>], vector<16xf32>,
        %parallel_loop3A_362 = arith.constant 16 : i32
        %parallel_loop3A_363 = arith.muli %parallel_loop3A_69, %parallel_loop3A_362 : i32
        %parallel_loop3A_364 = arith.constant 2 : i32
        %parallel_loop3A_365 = arith.constant 7 : i32
        %parallel_loop3A_366 = arith.index_cast %parallel_loop3A_364 : i32 to index
        %parallel_loop3A_367 = arith.index_cast %parallel_loop3A_365 : i32 to index
        %parallel_loop3A_368 = arith.index_cast %parallel_loop3A_363 : i32 to index
        %parallel_loop3A_369 = tpu.vector_load %arg7[%parallel_loop3A_366, %parallel_loop3A_367, %parallel_loop3A_368] {strides = array<i32>} : memref<8x8x128xf32, #tpu.memory_space<vmem>>, vector<16xf32>,
        tpu.vector_store %arg7[%parallel_loop3A_366, %parallel_loop3A_367, %parallel_loop3A_368], %parallel_loop3A_361 {strides = array<i32>} : memref<8x8x128xf32, #tpu.memory_space<vmem>>, vector<16xf32>,
        %parallel_loop3A_370 = arith.constant 24 : i32
        %parallel_loop3A_371 = vector.broadcast %parallel_loop3A_370 : i32 to vector<16xi32>
        %parallel_loop3A_372 = arith.addi %parallel_loop3A_81, %parallel_loop3A_371 : vector<16xi32>
        %parallel_loop3A_373 = tpu.vector_load_idx %arg6[%parallel_loop3A_372] : memref<4160xf32, #tpu.memory_space<vmem>>[vector<16xi32>], vector<16xf32>,
        %parallel_loop3A_374 = arith.constant 16 : i32
        %parallel_loop3A_375 = arith.muli %parallel_loop3A_69, %parallel_loop3A_374 : i32
        %parallel_loop3A_376 = arith.constant 3 : i32
        %parallel_loop3A_377 = arith.constant 0 : i32
        %parallel_loop3A_378 = arith.index_cast %parallel_loop3A_376 : i32 to index
        %parallel_loop3A_379 = arith.index_cast %parallel_loop3A_377 : i32 to index
        %parallel_loop3A_380 = arith.index_cast %parallel_loop3A_375 : i32 to index
        %parallel_loop3A_381 = tpu.vector_load %arg7[%parallel_loop3A_378, %parallel_loop3A_379, %parallel_loop3A_380] {strides = array<i32>} : memref<8x8x128xf32, #tpu.memory_space<vmem>>, vector<16xf32>,
        tpu.vector_store %arg7[%parallel_loop3A_378, %parallel_loop3A_379, %parallel_loop3A_380], %parallel_loop3A_373 {strides = array<i32>} : memref<8x8x128xf32, #tpu.memory_space<vmem>>, vector<16xf32>,
        %parallel_loop3A_382 = arith.constant 25 : i32
        %parallel_loop3A_383 = vector.broadcast %parallel_loop3A_382 : i32 to vector<16xi32>
        %parallel_loop3A_384 = arith.addi %parallel_loop3A_81, %parallel_loop3A_383 : vector<16xi32>
        %parallel_loop3A_385 = tpu.vector_load_idx %arg6[%parallel_loop3A_384] : memref<4160xf32, #tpu.memory_space<vmem>>[vector<16xi32>], vector<16xf32>,
        %parallel_loop3A_386 = arith.constant 16 : i32
        %parallel_loop3A_387 = arith.muli %parallel_loop3A_69, %parallel_loop3A_386 : i32
        %parallel_loop3A_388 = arith.constant 3 : i32
        %parallel_loop3A_389 = arith.constant 1 : i32
        %parallel_loop3A_390 = arith.index_cast %parallel_loop3A_388 : i32 to index
        %parallel_loop3A_391 = arith.index_cast %parallel_loop3A_389 : i32 to index
        %parallel_loop3A_392 = arith.index_cast %parallel_loop3A_387 : i32 to index
        %parallel_loop3A_393 = tpu.vector_load %arg7[%parallel_loop3A_390, %parallel_loop3A_391, %parallel_loop3A_392] {strides = array<i32>} : memref<8x8x128xf32, #tpu.memory_space<vmem>>, vector<16xf32>,
        tpu.vector_store %arg7[%parallel_loop3A_390, %parallel_loop3A_391, %parallel_loop3A_392], %parallel_loop3A_385 {strides = array<i32>} : memref<8x8x128xf32, #tpu.memory_space<vmem>>, vector<16xf32>,
        %parallel_loop3A_394 = arith.constant 26 : i32
        %parallel_loop3A_395 = vector.broadcast %parallel_loop3A_394 : i32 to vector<16xi32>
        %parallel_loop3A_396 = arith.addi %parallel_loop3A_81, %parallel_loop3A_395 : vector<16xi32>
        %parallel_loop3A_397 = tpu.vector_load_idx %arg6[%parallel_loop3A_396] : memref<4160xf32, #tpu.memory_space<vmem>>[vector<16xi32>], vector<16xf32>,
        %parallel_loop3A_398 = arith.constant 16 : i32
        %parallel_loop3A_399 = arith.muli %parallel_loop3A_69, %parallel_loop3A_398 : i32
        %parallel_loop3A_400 = arith.constant 3 : i32
        %parallel_loop3A_401 = arith.constant 2 : i32
        %parallel_loop3A_402 = arith.index_cast %parallel_loop3A_400 : i32 to index
        %parallel_loop3A_403 = arith.index_cast %parallel_loop3A_401 : i32 to index
        %parallel_loop3A_404 = arith.index_cast %parallel_loop3A_399 : i32 to index
        %parallel_loop3A_405 = tpu.vector_load %arg7[%parallel_loop3A_402, %parallel_loop3A_403, %parallel_loop3A_404] {strides = array<i32>} : memref<8x8x128xf32, #tpu.memory_space<vmem>>, vector<16xf32>,
        tpu.vector_store %arg7[%parallel_loop3A_402, %parallel_loop3A_403, %parallel_loop3A_404], %parallel_loop3A_397 {strides = array<i32>} : memref<8x8x128xf32, #tpu.memory_space<vmem>>, vector<16xf32>,
        %parallel_loop3A_406 = arith.constant 27 : i32
        %parallel_loop3A_407 = vector.broadcast %parallel_loop3A_406 : i32 to vector<16xi32>
        %parallel_loop3A_408 = arith.addi %parallel_loop3A_81, %parallel_loop3A_407 : vector<16xi32>
        %parallel_loop3A_409 = tpu.vector_load_idx %arg6[%parallel_loop3A_408] : memref<4160xf32, #tpu.memory_space<vmem>>[vector<16xi32>], vector<16xf32>,
        %parallel_loop3A_410 = arith.constant 16 : i32
        %parallel_loop3A_411 = arith.muli %parallel_loop3A_69, %parallel_loop3A_410 : i32
        %parallel_loop3A_412 = arith.constant 3 : i32
        %parallel_loop3A_413 = arith.constant 3 : i32
        %parallel_loop3A_414 = arith.index_cast %parallel_loop3A_412 : i32 to index
        %parallel_loop3A_415 = arith.index_cast %parallel_loop3A_413 : i32 to index
        %parallel_loop3A_416 = arith.index_cast %parallel_loop3A_411 : i32 to index
        %parallel_loop3A_417 = tpu.vector_load %arg7[%parallel_loop3A_414, %parallel_loop3A_415, %parallel_loop3A_416] {strides = array<i32>} : memref<8x8x128xf32, #tpu.memory_space<vmem>>, vector<16xf32>,
        tpu.vector_store %arg7[%parallel_loop3A_414, %parallel_loop3A_415, %parallel_loop3A_416], %parallel_loop3A_409 {strides = array<i32>} : memref<8x8x128xf32, #tpu.memory_space<vmem>>, vector<16xf32>,
        %parallel_loop3A_418 = arith.constant 28 : i32
        %parallel_loop3A_419 = vector.broadcast %parallel_loop3A_418 : i32 to vector<16xi32>
        %parallel_loop3A_420 = arith.addi %parallel_loop3A_81, %parallel_loop3A_419 : vector<16xi32>
        %parallel_loop3A_421 = tpu.vector_load_idx %arg6[%parallel_loop3A_420] : memref<4160xf32, #tpu.memory_space<vmem>>[vector<16xi32>], vector<16xf32>,
        %parallel_loop3A_422 = arith.constant 16 : i32
        %parallel_loop3A_423 = arith.muli %parallel_loop3A_69, %parallel_loop3A_422 : i32
        %parallel_loop3A_424 = arith.constant 3 : i32
        %parallel_loop3A_425 = arith.constant 4 : i32
        %parallel_loop3A_426 = arith.index_cast %parallel_loop3A_424 : i32 to index
        %parallel_loop3A_427 = arith.index_cast %parallel_loop3A_425 : i32 to index
        %parallel_loop3A_428 = arith.index_cast %parallel_loop3A_423 : i32 to index
        %parallel_loop3A_429 = tpu.vector_load %arg7[%parallel_loop3A_426, %parallel_loop3A_427, %parallel_loop3A_428] {strides = array<i32>} : memref<8x8x128xf32, #tpu.memory_space<vmem>>, vector<16xf32>,
        tpu.vector_store %arg7[%parallel_loop3A_426, %parallel_loop3A_427, %parallel_loop3A_428], %parallel_loop3A_421 {strides = array<i32>} : memref<8x8x128xf32, #tpu.memory_space<vmem>>, vector<16xf32>,
        %parallel_loop3A_430 = arith.constant 29 : i32
        %parallel_loop3A_431 = vector.broadcast %parallel_loop3A_430 : i32 to vector<16xi32>
        %parallel_loop3A_432 = arith.addi %parallel_loop3A_81, %parallel_loop3A_431 : vector<16xi32>
        %parallel_loop3A_433 = tpu.vector_load_idx %arg6[%parallel_loop3A_432] : memref<4160xf32, #tpu.memory_space<vmem>>[vector<16xi32>], vector<16xf32>,
        %parallel_loop3A_434 = arith.constant 16 : i32
        %parallel_loop3A_435 = arith.muli %parallel_loop3A_69, %parallel_loop3A_434 : i32
        %parallel_loop3A_436 = arith.constant 3 : i32
        %parallel_loop3A_437 = arith.constant 5 : i32
        %parallel_loop3A_438 = arith.index_cast %parallel_loop3A_436 : i32 to index
        %parallel_loop3A_439 = arith.index_cast %parallel_loop3A_437 : i32 to index
        %parallel_loop3A_440 = arith.index_cast %parallel_loop3A_435 : i32 to index
        %parallel_loop3A_441 = tpu.vector_load %arg7[%parallel_loop3A_438, %parallel_loop3A_439, %parallel_loop3A_440] {strides = array<i32>} : memref<8x8x128xf32, #tpu.memory_space<vmem>>, vector<16xf32>,
        tpu.vector_store %arg7[%parallel_loop3A_438, %parallel_loop3A_439, %parallel_loop3A_440], %parallel_loop3A_433 {strides = array<i32>} : memref<8x8x128xf32, #tpu.memory_space<vmem>>, vector<16xf32>,
        %parallel_loop3A_442 = arith.constant 30 : i32
        %parallel_loop3A_443 = vector.broadcast %parallel_loop3A_442 : i32 to vector<16xi32>
        %parallel_loop3A_444 = arith.addi %parallel_loop3A_81, %parallel_loop3A_443 : vector<16xi32>
        %parallel_loop3A_445 = tpu.vector_load_idx %arg6[%parallel_loop3A_444] : memref<4160xf32, #tpu.memory_space<vmem>>[vector<16xi32>], vector<16xf32>,
        %parallel_loop3A_446 = arith.constant 16 : i32
        %parallel_loop3A_447 = arith.muli %parallel_loop3A_69, %parallel_loop3A_446 : i32
        %parallel_loop3A_448 = arith.constant 3 : i32
        %parallel_loop3A_449 = arith.constant 6 : i32
        %parallel_loop3A_450 = arith.index_cast %parallel_loop3A_448 : i32 to index
        %parallel_loop3A_451 = arith.index_cast %parallel_loop3A_449 : i32 to index
        %parallel_loop3A_452 = arith.index_cast %parallel_loop3A_447 : i32 to index
        %parallel_loop3A_453 = tpu.vector_load %arg7[%parallel_loop3A_450, %parallel_loop3A_451, %parallel_loop3A_452] {strides = array<i32>} : memref<8x8x128xf32, #tpu.memory_space<vmem>>, vector<16xf32>,
        tpu.vector_store %arg7[%parallel_loop3A_450, %parallel_loop3A_451, %parallel_loop3A_452], %parallel_loop3A_445 {strides = array<i32>} : memref<8x8x128xf32, #tpu.memory_space<vmem>>, vector<16xf32>,
        %parallel_loop3A_454 = arith.constant 31 : i32
        %parallel_loop3A_455 = vector.broadcast %parallel_loop3A_454 : i32 to vector<16xi32>
        %parallel_loop3A_456 = arith.addi %parallel_loop3A_81, %parallel_loop3A_455 : vector<16xi32>
        %parallel_loop3A_457 = tpu.vector_load_idx %arg6[%parallel_loop3A_456] : memref<4160xf32, #tpu.memory_space<vmem>>[vector<16xi32>], vector<16xf32>,
        %parallel_loop3A_458 = arith.constant 16 : i32
        %parallel_loop3A_459 = arith.muli %parallel_loop3A_69, %parallel_loop3A_458 : i32
        %parallel_loop3A_460 = arith.constant 3 : i32
        %parallel_loop3A_461 = arith.constant 7 : i32
        %parallel_loop3A_462 = arith.index_cast %parallel_loop3A_460 : i32 to index
        %parallel_loop3A_463 = arith.index_cast %parallel_loop3A_461 : i32 to index
        %parallel_loop3A_464 = arith.index_cast %parallel_loop3A_459 : i32 to index
        %parallel_loop3A_465 = tpu.vector_load %arg7[%parallel_loop3A_462, %parallel_loop3A_463, %parallel_loop3A_464] {strides = array<i32>} : memref<8x8x128xf32, #tpu.memory_space<vmem>>, vector<16xf32>,
        tpu.vector_store %arg7[%parallel_loop3A_462, %parallel_loop3A_463, %parallel_loop3A_464], %parallel_loop3A_457 {strides = array<i32>} : memref<8x8x128xf32, #tpu.memory_space<vmem>>, vector<16xf32>,
        %parallel_loop3A_466 = arith.constant 32 : i32
        %parallel_loop3A_467 = vector.broadcast %parallel_loop3A_466 : i32 to vector<16xi32>
        %parallel_loop3A_468 = arith.addi %parallel_loop3A_81, %parallel_loop3A_467 : vector<16xi32>
        %parallel_loop3A_469 = tpu.vector_load_idx %arg6[%parallel_loop3A_468] : memref<4160xf32, #tpu.memory_space<vmem>>[vector<16xi32>], vector<16xf32>,
        %parallel_loop3A_470 = arith.constant 16 : i32
        %parallel_loop3A_471 = arith.muli %parallel_loop3A_69, %parallel_loop3A_470 : i32
        %parallel_loop3A_472 = arith.constant 4 : i32
        %parallel_loop3A_473 = arith.constant 0 : i32
        %parallel_loop3A_474 = arith.index_cast %parallel_loop3A_472 : i32 to index
        %parallel_loop3A_475 = arith.index_cast %parallel_loop3A_473 : i32 to index
        %parallel_loop3A_476 = arith.index_cast %parallel_loop3A_471 : i32 to index
        %parallel_loop3A_477 = tpu.vector_load %arg7[%parallel_loop3A_474, %parallel_loop3A_475, %parallel_loop3A_476] {strides = array<i32>} : memref<8x8x128xf32, #tpu.memory_space<vmem>>, vector<16xf32>,
        tpu.vector_store %arg7[%parallel_loop3A_474, %parallel_loop3A_475, %parallel_loop3A_476], %parallel_loop3A_469 {strides = array<i32>} : memref<8x8x128xf32, #tpu.memory_space<vmem>>, vector<16xf32>,
        %parallel_loop3A_478 = arith.constant 33 : i32
        %parallel_loop3A_479 = vector.broadcast %parallel_loop3A_478 : i32 to vector<16xi32>
        %parallel_loop3A_480 = arith.addi %parallel_loop3A_81, %parallel_loop3A_479 : vector<16xi32>
        %parallel_loop3A_481 = tpu.vector_load_idx %arg6[%parallel_loop3A_480] : memref<4160xf32, #tpu.memory_space<vmem>>[vector<16xi32>], vector<16xf32>,
        %parallel_loop3A_482 = arith.constant 16 : i32
        %parallel_loop3A_483 = arith.muli %parallel_loop3A_69, %parallel_loop3A_482 : i32
        %parallel_loop3A_484 = arith.constant 4 : i32
        %parallel_loop3A_485 = arith.constant 1 : i32
        %parallel_loop3A_486 = arith.index_cast %parallel_loop3A_484 : i32 to index
        %parallel_loop3A_487 = arith.index_cast %parallel_loop3A_485 : i32 to index
        %parallel_loop3A_488 = arith.index_cast %parallel_loop3A_483 : i32 to index
        %parallel_loop3A_489 = tpu.vector_load %arg7[%parallel_loop3A_486, %parallel_loop3A_487, %parallel_loop3A_488] {strides = array<i32>} : memref<8x8x128xf32, #tpu.memory_space<vmem>>, vector<16xf32>,
        tpu.vector_store %arg7[%parallel_loop3A_486, %parallel_loop3A_487, %parallel_loop3A_488], %parallel_loop3A_481 {strides = array<i32>} : memref<8x8x128xf32, #tpu.memory_space<vmem>>, vector<16xf32>,
        %parallel_loop3A_490 = arith.constant 34 : i32
        %parallel_loop3A_491 = vector.broadcast %parallel_loop3A_490 : i32 to vector<16xi32>
        %parallel_loop3A_492 = arith.addi %parallel_loop3A_81, %parallel_loop3A_491 : vector<16xi32>
        %parallel_loop3A_493 = tpu.vector_load_idx %arg6[%parallel_loop3A_492] : memref<4160xf32, #tpu.memory_space<vmem>>[vector<16xi32>], vector<16xf32>,
        %parallel_loop3A_494 = arith.constant 16 : i32
        %parallel_loop3A_495 = arith.muli %parallel_loop3A_69, %parallel_loop3A_494 : i32
        %parallel_loop3A_496 = arith.constant 4 : i32
        %parallel_loop3A_497 = arith.constant 2 : i32
        %parallel_loop3A_498 = arith.index_cast %parallel_loop3A_496 : i32 to index
        %parallel_loop3A_499 = arith.index_cast %parallel_loop3A_497 : i32 to index
        %parallel_loop3A_500 = arith.index_cast %parallel_loop3A_495 : i32 to index
        %parallel_loop3A_501 = tpu.vector_load %arg7[%parallel_loop3A_498, %parallel_loop3A_499, %parallel_loop3A_500] {strides = array<i32>} : memref<8x8x128xf32, #tpu.memory_space<vmem>>, vector<16xf32>,
        tpu.vector_store %arg7[%parallel_loop3A_498, %parallel_loop3A_499, %parallel_loop3A_500], %parallel_loop3A_493 {strides = array<i32>} : memref<8x8x128xf32, #tpu.memory_space<vmem>>, vector<16xf32>,
        %parallel_loop3A_502 = arith.constant 35 : i32
        %parallel_loop3A_503 = vector.broadcast %parallel_loop3A_502 : i32 to vector<16xi32>
        %parallel_loop3A_504 = arith.addi %parallel_loop3A_81, %parallel_loop3A_503 : vector<16xi32>
        %parallel_loop3A_505 = tpu.vector_load_idx %arg6[%parallel_loop3A_504] : memref<4160xf32, #tpu.memory_space<vmem>>[vector<16xi32>], vector<16xf32>,
        %parallel_loop3A_506 = arith.constant 16 : i32
        %parallel_loop3A_507 = arith.muli %parallel_loop3A_69, %parallel_loop3A_506 : i32
        %parallel_loop3A_508 = arith.constant 4 : i32
        %parallel_loop3A_509 = arith.constant 3 : i32
        %parallel_loop3A_510 = arith.index_cast %parallel_loop3A_508 : i32 to index
        %parallel_loop3A_511 = arith.index_cast %parallel_loop3A_509 : i32 to index
        %parallel_loop3A_512 = arith.index_cast %parallel_loop3A_507 : i32 to index
        %parallel_loop3A_513 = tpu.vector_load %arg7[%parallel_loop3A_510, %parallel_loop3A_511, %parallel_loop3A_512] {strides = array<i32>} : memref<8x8x128xf32, #tpu.memory_space<vmem>>, vector<16xf32>,
        tpu.vector_store %arg7[%parallel_loop3A_510, %parallel_loop3A_511, %parallel_loop3A_512], %parallel_loop3A_505 {strides = array<i32>} : memref<8x8x128xf32, #tpu.memory_space<vmem>>, vector<16xf32>,
        %parallel_loop3A_514 = arith.constant 36 : i32
        %parallel_loop3A_515 = vector.broadcast %parallel_loop3A_514 : i32 to vector<16xi32>
        %parallel_loop3A_516 = arith.addi %parallel_loop3A_81, %parallel_loop3A_515 : vector<16xi32>
        %parallel_loop3A_517 = tpu.vector_load_idx %arg6[%parallel_loop3A_516] : memref<4160xf32, #tpu.memory_space<vmem>>[vector<16xi32>], vector<16xf32>,
        %parallel_loop3A_518 = arith.constant 16 : i32
        %parallel_loop3A_519 = arith.muli %parallel_loop3A_69, %parallel_loop3A_518 : i32
        %parallel_loop3A_520 = arith.constant 4 : i32
        %parallel_loop3A_521 = arith.constant 4 : i32
        %parallel_loop3A_522 = arith.index_cast %parallel_loop3A_520 : i32 to index
        %parallel_loop3A_523 = arith.index_cast %parallel_loop3A_521 : i32 to index
        %parallel_loop3A_524 = arith.index_cast %parallel_loop3A_519 : i32 to index
        %parallel_loop3A_525 = tpu.vector_load %arg7[%parallel_loop3A_522, %parallel_loop3A_523, %parallel_loop3A_524] {strides = array<i32>} : memref<8x8x128xf32, #tpu.memory_space<vmem>>, vector<16xf32>,
        tpu.vector_store %arg7[%parallel_loop3A_522, %parallel_loop3A_523, %parallel_loop3A_524], %parallel_loop3A_517 {strides = array<i32>} : memref<8x8x128xf32, #tpu.memory_space<vmem>>, vector<16xf32>,
        %parallel_loop3A_526 = arith.constant 37 : i32
        %parallel_loop3A_527 = vector.broadcast %parallel_loop3A_526 : i32 to vector<16xi32>
        %parallel_loop3A_528 = arith.addi %parallel_loop3A_81, %parallel_loop3A_527 : vector<16xi32>
        %parallel_loop3A_529 = tpu.vector_load_idx %arg6[%parallel_loop3A_528] : memref<4160xf32, #tpu.memory_space<vmem>>[vector<16xi32>], vector<16xf32>,
        %parallel_loop3A_530 = arith.constant 16 : i32
        %parallel_loop3A_531 = arith.muli %parallel_loop3A_69, %parallel_loop3A_530 : i32
        %parallel_loop3A_532 = arith.constant 4 : i32
        %parallel_loop3A_533 = arith.constant 5 : i32
        %parallel_loop3A_534 = arith.index_cast %parallel_loop3A_532 : i32 to index
        %parallel_loop3A_535 = arith.index_cast %parallel_loop3A_533 : i32 to index
        %parallel_loop3A_536 = arith.index_cast %parallel_loop3A_531 : i32 to index
        %parallel_loop3A_537 = tpu.vector_load %arg7[%parallel_loop3A_534, %parallel_loop3A_535, %parallel_loop3A_536] {strides = array<i32>} : memref<8x8x128xf32, #tpu.memory_space<vmem>>, vector<16xf32>,
        tpu.vector_store %arg7[%parallel_loop3A_534, %parallel_loop3A_535, %parallel_loop3A_536], %parallel_loop3A_529 {strides = array<i32>} : memref<8x8x128xf32, #tpu.memory_space<vmem>>, vector<16xf32>,
        %parallel_loop3A_538 = arith.constant 38 : i32
        %parallel_loop3A_539 = vector.broadcast %parallel_loop3A_538 : i32 to vector<16xi32>
        %parallel_loop3A_540 = arith.addi %parallel_loop3A_81, %parallel_loop3A_539 : vector<16xi32>
        %parallel_loop3A_541 = tpu.vector_load_idx %arg6[%parallel_loop3A_540] : memref<4160xf32, #tpu.memory_space<vmem>>[vector<16xi32>], vector<16xf32>,
        %parallel_loop3A_542 = arith.constant 16 : i32
        %parallel_loop3A_543 = arith.muli %parallel_loop3A_69, %parallel_loop3A_542 : i32
        %parallel_loop3A_544 = arith.constant 4 : i32
        %parallel_loop3A_545 = arith.constant 6 : i32
        %parallel_loop3A_546 = arith.index_cast %parallel_loop3A_544 : i32 to index
        %parallel_loop3A_547 = arith.index_cast %parallel_loop3A_545 : i32 to index
        %parallel_loop3A_548 = arith.index_cast %parallel_loop3A_543 : i32 to index
        %parallel_loop3A_549 = tpu.vector_load %arg7[%parallel_loop3A_546, %parallel_loop3A_547, %parallel_loop3A_548] {strides = array<i32>} : memref<8x8x128xf32, #tpu.memory_space<vmem>>, vector<16xf32>,
        tpu.vector_store %arg7[%parallel_loop3A_546, %parallel_loop3A_547, %parallel_loop3A_548], %parallel_loop3A_541 {strides = array<i32>} : memref<8x8x128xf32, #tpu.memory_space<vmem>>, vector<16xf32>,
        %parallel_loop3A_550 = arith.constant 39 : i32
        %parallel_loop3A_551 = vector.broadcast %parallel_loop3A_550 : i32 to vector<16xi32>
        %parallel_loop3A_552 = arith.addi %parallel_loop3A_81, %parallel_loop3A_551 : vector<16xi32>
        %parallel_loop3A_553 = tpu.vector_load_idx %arg6[%parallel_loop3A_552] : memref<4160xf32, #tpu.memory_space<vmem>>[vector<16xi32>], vector<16xf32>,
        %parallel_loop3A_554 = arith.constant 16 : i32
        %parallel_loop3A_555 = arith.muli %parallel_loop3A_69, %parallel_loop3A_554 : i32
        %parallel_loop3A_556 = arith.constant 4 : i32
        %parallel_loop3A_557 = arith.constant 7 : i32
        %parallel_loop3A_558 = arith.index_cast %parallel_loop3A_556 : i32 to index
        %parallel_loop3A_559 = arith.index_cast %parallel_loop3A_557 : i32 to index
        %parallel_loop3A_560 = arith.index_cast %parallel_loop3A_555 : i32 to index
        %parallel_loop3A_561 = tpu.vector_load %arg7[%parallel_loop3A_558, %parallel_loop3A_559, %parallel_loop3A_560] {strides = array<i32>} : memref<8x8x128xf32, #tpu.memory_space<vmem>>, vector<16xf32>,
        tpu.vector_store %arg7[%parallel_loop3A_558, %parallel_loop3A_559, %parallel_loop3A_560], %parallel_loop3A_553 {strides = array<i32>} : memref<8x8x128xf32, #tpu.memory_space<vmem>>, vector<16xf32>,
        %parallel_loop3A_562 = arith.constant 40 : i32
        %parallel_loop3A_563 = vector.broadcast %parallel_loop3A_562 : i32 to vector<16xi32>
        %parallel_loop3A_564 = arith.addi %parallel_loop3A_81, %parallel_loop3A_563 : vector<16xi32>
        %parallel_loop3A_565 = tpu.vector_load_idx %arg6[%parallel_loop3A_564] : memref<4160xf32, #tpu.memory_space<vmem>>[vector<16xi32>], vector<16xf32>,
        %parallel_loop3A_566 = arith.constant 16 : i32
        %parallel_loop3A_567 = arith.muli %parallel_loop3A_69, %parallel_loop3A_566 : i32
        %parallel_loop3A_568 = arith.constant 5 : i32
        %parallel_loop3A_569 = arith.constant 0 : i32
        %parallel_loop3A_570 = arith.index_cast %parallel_loop3A_568 : i32 to index
        %parallel_loop3A_571 = arith.index_cast %parallel_loop3A_569 : i32 to index
        %parallel_loop3A_572 = arith.index_cast %parallel_loop3A_567 : i32 to index
        %parallel_loop3A_573 = tpu.vector_load %arg7[%parallel_loop3A_570, %parallel_loop3A_571, %parallel_loop3A_572] {strides = array<i32>} : memref<8x8x128xf32, #tpu.memory_space<vmem>>, vector<16xf32>,
        tpu.vector_store %arg7[%parallel_loop3A_570, %parallel_loop3A_571, %parallel_loop3A_572], %parallel_loop3A_565 {strides = array<i32>} : memref<8x8x128xf32, #tpu.memory_space<vmem>>, vector<16xf32>,
        %parallel_loop3A_574 = arith.constant 41 : i32
        %parallel_loop3A_575 = vector.broadcast %parallel_loop3A_574 : i32 to vector<16xi32>
        %parallel_loop3A_576 = arith.addi %parallel_loop3A_81, %parallel_loop3A_575 : vector<16xi32>
        %parallel_loop3A_577 = tpu.vector_load_idx %arg6[%parallel_loop3A_576] : memref<4160xf32, #tpu.memory_space<vmem>>[vector<16xi32>], vector<16xf32>,
        %parallel_loop3A_578 = arith.constant 16 : i32
        %parallel_loop3A_579 = arith.muli %parallel_loop3A_69, %parallel_loop3A_578 : i32
        %parallel_loop3A_580 = arith.constant 5 : i32
        %parallel_loop3A_581 = arith.constant 1 : i32
        %parallel_loop3A_582 = arith.index_cast %parallel_loop3A_580 : i32 to index
        %parallel_loop3A_583 = arith.index_cast %parallel_loop3A_581 : i32 to index
        %parallel_loop3A_584 = arith.index_cast %parallel_loop3A_579 : i32 to index
        %parallel_loop3A_585 = tpu.vector_load %arg7[%parallel_loop3A_582, %parallel_loop3A_583, %parallel_loop3A_584] {strides = array<i32>} : memref<8x8x128xf32, #tpu.memory_space<vmem>>, vector<16xf32>,
        tpu.vector_store %arg7[%parallel_loop3A_582, %parallel_loop3A_583, %parallel_loop3A_584], %parallel_loop3A_577 {strides = array<i32>} : memref<8x8x128xf32, #tpu.memory_space<vmem>>, vector<16xf32>,
        %parallel_loop3A_586 = arith.constant 42 : i32
        %parallel_loop3A_587 = vector.broadcast %parallel_loop3A_586 : i32 to vector<16xi32>
        %parallel_loop3A_588 = arith.addi %parallel_loop3A_81, %parallel_loop3A_587 : vector<16xi32>
        %parallel_loop3A_589 = tpu.vector_load_idx %arg6[%parallel_loop3A_588] : memref<4160xf32, #tpu.memory_space<vmem>>[vector<16xi32>], vector<16xf32>,
        %parallel_loop3A_590 = arith.constant 16 : i32
        %parallel_loop3A_591 = arith.muli %parallel_loop3A_69, %parallel_loop3A_590 : i32
        %parallel_loop3A_592 = arith.constant 5 : i32
        %parallel_loop3A_593 = arith.constant 2 : i32
        %parallel_loop3A_594 = arith.index_cast %parallel_loop3A_592 : i32 to index
        %parallel_loop3A_595 = arith.index_cast %parallel_loop3A_593 : i32 to index
        %parallel_loop3A_596 = arith.index_cast %parallel_loop3A_591 : i32 to index
        %parallel_loop3A_597 = tpu.vector_load %arg7[%parallel_loop3A_594, %parallel_loop3A_595, %parallel_loop3A_596] {strides = array<i32>} : memref<8x8x128xf32, #tpu.memory_space<vmem>>, vector<16xf32>,
        tpu.vector_store %arg7[%parallel_loop3A_594, %parallel_loop3A_595, %parallel_loop3A_596], %parallel_loop3A_589 {strides = array<i32>} : memref<8x8x128xf32, #tpu.memory_space<vmem>>, vector<16xf32>,
        %parallel_loop3A_598 = arith.constant 43 : i32
        %parallel_loop3A_599 = vector.broadcast %parallel_loop3A_598 : i32 to vector<16xi32>
        %parallel_loop3A_600 = arith.addi %parallel_loop3A_81, %parallel_loop3A_599 : vector<16xi32>
        %parallel_loop3A_601 = tpu.vector_load_idx %arg6[%parallel_loop3A_600] : memref<4160xf32, #tpu.memory_space<vmem>>[vector<16xi32>], vector<16xf32>,
        %parallel_loop3A_602 = arith.constant 16 : i32
        %parallel_loop3A_603 = arith.muli %parallel_loop3A_69, %parallel_loop3A_602 : i32
        %parallel_loop3A_604 = arith.constant 5 : i32
        %parallel_loop3A_605 = arith.constant 3 : i32
        %parallel_loop3A_606 = arith.index_cast %parallel_loop3A_604 : i32 to index
        %parallel_loop3A_607 = arith.index_cast %parallel_loop3A_605 : i32 to index
        %parallel_loop3A_608 = arith.index_cast %parallel_loop3A_603 : i32 to index
        %parallel_loop3A_609 = tpu.vector_load %arg7[%parallel_loop3A_606, %parallel_loop3A_607, %parallel_loop3A_608] {strides = array<i32>} : memref<8x8x128xf32, #tpu.memory_space<vmem>>, vector<16xf32>,
        tpu.vector_store %arg7[%parallel_loop3A_606, %parallel_loop3A_607, %parallel_loop3A_608], %parallel_loop3A_601 {strides = array<i32>} : memref<8x8x128xf32, #tpu.memory_space<vmem>>, vector<16xf32>,
        %parallel_loop3A_610 = arith.constant 44 : i32
        %parallel_loop3A_611 = vector.broadcast %parallel_loop3A_610 : i32 to vector<16xi32>
        %parallel_loop3A_612 = arith.addi %parallel_loop3A_81, %parallel_loop3A_611 : vector<16xi32>
        %parallel_loop3A_613 = tpu.vector_load_idx %arg6[%parallel_loop3A_612] : memref<4160xf32, #tpu.memory_space<vmem>>[vector<16xi32>], vector<16xf32>,
        %parallel_loop3A_614 = arith.constant 16 : i32
        %parallel_loop3A_615 = arith.muli %parallel_loop3A_69, %parallel_loop3A_614 : i32
        %parallel_loop3A_616 = arith.constant 5 : i32
        %parallel_loop3A_617 = arith.constant 4 : i32
        %parallel_loop3A_618 = arith.index_cast %parallel_loop3A_616 : i32 to index
        %parallel_loop3A_619 = arith.index_cast %parallel_loop3A_617 : i32 to index
        %parallel_loop3A_620 = arith.index_cast %parallel_loop3A_615 : i32 to index
        %parallel_loop3A_621 = tpu.vector_load %arg7[%parallel_loop3A_618, %parallel_loop3A_619, %parallel_loop3A_620] {strides = array<i32>} : memref<8x8x128xf32, #tpu.memory_space<vmem>>, vector<16xf32>,
        tpu.vector_store %arg7[%parallel_loop3A_618, %parallel_loop3A_619, %parallel_loop3A_620], %parallel_loop3A_613 {strides = array<i32>} : memref<8x8x128xf32, #tpu.memory_space<vmem>>, vector<16xf32>,
        %parallel_loop3A_622 = arith.constant 45 : i32
        %parallel_loop3A_623 = vector.broadcast %parallel_loop3A_622 : i32 to vector<16xi32>
        %parallel_loop3A_624 = arith.addi %parallel_loop3A_81, %parallel_loop3A_623 : vector<16xi32>
        %parallel_loop3A_625 = tpu.vector_load_idx %arg6[%parallel_loop3A_624] : memref<4160xf32, #tpu.memory_space<vmem>>[vector<16xi32>], vector<16xf32>,
        %parallel_loop3A_626 = arith.constant 16 : i32
        %parallel_loop3A_627 = arith.muli %parallel_loop3A_69, %parallel_loop3A_626 : i32
        %parallel_loop3A_628 = arith.constant 5 : i32
        %parallel_loop3A_629 = arith.constant 5 : i32
        %parallel_loop3A_630 = arith.index_cast %parallel_loop3A_628 : i32 to index
        %parallel_loop3A_631 = arith.index_cast %parallel_loop3A_629 : i32 to index
        %parallel_loop3A_632 = arith.index_cast %parallel_loop3A_627 : i32 to index
        %parallel_loop3A_633 = tpu.vector_load %arg7[%parallel_loop3A_630, %parallel_loop3A_631, %parallel_loop3A_632] {strides = array<i32>} : memref<8x8x128xf32, #tpu.memory_space<vmem>>, vector<16xf32>,
        tpu.vector_store %arg7[%parallel_loop3A_630, %parallel_loop3A_631, %parallel_loop3A_632], %parallel_loop3A_625 {strides = array<i32>} : memref<8x8x128xf32, #tpu.memory_space<vmem>>, vector<16xf32>,
        %parallel_loop3A_634 = arith.constant 46 : i32
        %parallel_loop3A_635 = vector.broadcast %parallel_loop3A_634 : i32 to vector<16xi32>
        %parallel_loop3A_636 = arith.addi %parallel_loop3A_81, %parallel_loop3A_635 : vector<16xi32>
        %parallel_loop3A_637 = tpu.vector_load_idx %arg6[%parallel_loop3A_636] : memref<4160xf32, #tpu.memory_space<vmem>>[vector<16xi32>], vector<16xf32>,
        %parallel_loop3A_638 = arith.constant 16 : i32
        %parallel_loop3A_639 = arith.muli %parallel_loop3A_69, %parallel_loop3A_638 : i32
        %parallel_loop3A_640 = arith.constant 5 : i32
        %parallel_loop3A_641 = arith.constant 6 : i32
        %parallel_loop3A_642 = arith.index_cast %parallel_loop3A_640 : i32 to index
        %parallel_loop3A_643 = arith.index_cast %parallel_loop3A_641 : i32 to index
        %parallel_loop3A_644 = arith.index_cast %parallel_loop3A_639 : i32 to index
        %parallel_loop3A_645 = tpu.vector_load %arg7[%parallel_loop3A_642, %parallel_loop3A_643, %parallel_loop3A_644] {strides = array<i32>} : memref<8x8x128xf32, #tpu.memory_space<vmem>>, vector<16xf32>,
        tpu.vector_store %arg7[%parallel_loop3A_642, %parallel_loop3A_643, %parallel_loop3A_644], %parallel_loop3A_637 {strides = array<i32>} : memref<8x8x128xf32, #tpu.memory_space<vmem>>, vector<16xf32>,
        %parallel_loop3A_646 = arith.constant 47 : i32
        %parallel_loop3A_647 = vector.broadcast %parallel_loop3A_646 : i32 to vector<16xi32>
        %parallel_loop3A_648 = arith.addi %parallel_loop3A_81, %parallel_loop3A_647 : vector<16xi32>
        %parallel_loop3A_649 = tpu.vector_load_idx %arg6[%parallel_loop3A_648] : memref<4160xf32, #tpu.memory_space<vmem>>[vector<16xi32>], vector<16xf32>,
        %parallel_loop3A_650 = arith.constant 16 : i32
        %parallel_loop3A_651 = arith.muli %parallel_loop3A_69, %parallel_loop3A_650 : i32
        %parallel_loop3A_652 = arith.constant 5 : i32
        %parallel_loop3A_653 = arith.constant 7 : i32
        %parallel_loop3A_654 = arith.index_cast %parallel_loop3A_652 : i32 to index
        %parallel_loop3A_655 = arith.index_cast %parallel_loop3A_653 : i32 to index
        %parallel_loop3A_656 = arith.index_cast %parallel_loop3A_651 : i32 to index
        %parallel_loop3A_657 = tpu.vector_load %arg7[%parallel_loop3A_654, %parallel_loop3A_655, %parallel_loop3A_656] {strides = array<i32>} : memref<8x8x128xf32, #tpu.memory_space<vmem>>, vector<16xf32>,
        tpu.vector_store %arg7[%parallel_loop3A_654, %parallel_loop3A_655, %parallel_loop3A_656], %parallel_loop3A_649 {strides = array<i32>} : memref<8x8x128xf32, #tpu.memory_space<vmem>>, vector<16xf32>,
        %parallel_loop3A_658 = arith.constant 48 : i32
        %parallel_loop3A_659 = vector.broadcast %parallel_loop3A_658 : i32 to vector<16xi32>
        %parallel_loop3A_660 = arith.addi %parallel_loop3A_81, %parallel_loop3A_659 : vector<16xi32>
        %parallel_loop3A_661 = tpu.vector_load_idx %arg6[%parallel_loop3A_660] : memref<4160xf32, #tpu.memory_space<vmem>>[vector<16xi32>], vector<16xf32>,
        %parallel_loop3A_662 = arith.constant 16 : i32
        %parallel_loop3A_663 = arith.muli %parallel_loop3A_69, %parallel_loop3A_662 : i32
        %parallel_loop3A_664 = arith.constant 6 : i32
        %parallel_loop3A_665 = arith.constant 0 : i32
        %parallel_loop3A_666 = arith.index_cast %parallel_loop3A_664 : i32 to index
        %parallel_loop3A_667 = arith.index_cast %parallel_loop3A_665 : i32 to index
        %parallel_loop3A_668 = arith.index_cast %parallel_loop3A_663 : i32 to index
        %parallel_loop3A_669 = tpu.vector_load %arg7[%parallel_loop3A_666, %parallel_loop3A_667, %parallel_loop3A_668] {strides = array<i32>} : memref<8x8x128xf32, #tpu.memory_space<vmem>>, vector<16xf32>,
        tpu.vector_store %arg7[%parallel_loop3A_666, %parallel_loop3A_667, %parallel_loop3A_668], %parallel_loop3A_661 {strides = array<i32>} : memref<8x8x128xf32, #tpu.memory_space<vmem>>, vector<16xf32>,
        %parallel_loop3A_670 = arith.constant 49 : i32
        %parallel_loop3A_671 = vector.broadcast %parallel_loop3A_670 : i32 to vector<16xi32>
        %parallel_loop3A_672 = arith.addi %parallel_loop3A_81, %parallel_loop3A_671 : vector<16xi32>
        %parallel_loop3A_673 = tpu.vector_load_idx %arg6[%parallel_loop3A_672] : memref<4160xf32, #tpu.memory_space<vmem>>[vector<16xi32>], vector<16xf32>,
        %parallel_loop3A_674 = arith.constant 16 : i32
        %parallel_loop3A_675 = arith.muli %parallel_loop3A_69, %parallel_loop3A_674 : i32
        %parallel_loop3A_676 = arith.constant 6 : i32
        %parallel_loop3A_677 = arith.constant 1 : i32
        %parallel_loop3A_678 = arith.index_cast %parallel_loop3A_676 : i32 to index
        %parallel_loop3A_679 = arith.index_cast %parallel_loop3A_677 : i32 to index
        %parallel_loop3A_680 = arith.index_cast %parallel_loop3A_675 : i32 to index
        %parallel_loop3A_681 = tpu.vector_load %arg7[%parallel_loop3A_678, %parallel_loop3A_679, %parallel_loop3A_680] {strides = array<i32>} : memref<8x8x128xf32, #tpu.memory_space<vmem>>, vector<16xf32>,
        tpu.vector_store %arg7[%parallel_loop3A_678, %parallel_loop3A_679, %parallel_loop3A_680], %parallel_loop3A_673 {strides = array<i32>} : memref<8x8x128xf32, #tpu.memory_space<vmem>>, vector<16xf32>,
        %parallel_loop3A_682 = arith.constant 50 : i32
        %parallel_loop3A_683 = vector.broadcast %parallel_loop3A_682 : i32 to vector<16xi32>
        %parallel_loop3A_684 = arith.addi %parallel_loop3A_81, %parallel_loop3A_683 : vector<16xi32>
        %parallel_loop3A_685 = tpu.vector_load_idx %arg6[%parallel_loop3A_684] : memref<4160xf32, #tpu.memory_space<vmem>>[vector<16xi32>], vector<16xf32>,
        %parallel_loop3A_686 = arith.constant 16 : i32
        %parallel_loop3A_687 = arith.muli %parallel_loop3A_69, %parallel_loop3A_686 : i32
        %parallel_loop3A_688 = arith.constant 6 : i32
        %parallel_loop3A_689 = arith.constant 2 : i32
        %parallel_loop3A_690 = arith.index_cast %parallel_loop3A_688 : i32 to index
        %parallel_loop3A_691 = arith.index_cast %parallel_loop3A_689 : i32 to index
        %parallel_loop3A_692 = arith.index_cast %parallel_loop3A_687 : i32 to index
        %parallel_loop3A_693 = tpu.vector_load %arg7[%parallel_loop3A_690, %parallel_loop3A_691, %parallel_loop3A_692] {strides = array<i32>} : memref<8x8x128xf32, #tpu.memory_space<vmem>>, vector<16xf32>,
        tpu.vector_store %arg7[%parallel_loop3A_690, %parallel_loop3A_691, %parallel_loop3A_692], %parallel_loop3A_685 {strides = array<i32>} : memref<8x8x128xf32, #tpu.memory_space<vmem>>, vector<16xf32>,
        %parallel_loop3A_694 = arith.constant 51 : i32
        %parallel_loop3A_695 = vector.broadcast %parallel_loop3A_694 : i32 to vector<16xi32>
        %parallel_loop3A_696 = arith.addi %parallel_loop3A_81, %parallel_loop3A_695 : vector<16xi32>
        %parallel_loop3A_697 = tpu.vector_load_idx %arg6[%parallel_loop3A_696] : memref<4160xf32, #tpu.memory_space<vmem>>[vector<16xi32>], vector<16xf32>,
        %parallel_loop3A_698 = arith.constant 16 : i32
        %parallel_loop3A_699 = arith.muli %parallel_loop3A_69, %parallel_loop3A_698 : i32
        %parallel_loop3A_700 = arith.constant 6 : i32
        %parallel_loop3A_701 = arith.constant 3 : i32
        %parallel_loop3A_702 = arith.index_cast %parallel_loop3A_700 : i32 to index
        %parallel_loop3A_703 = arith.index_cast %parallel_loop3A_701 : i32 to index
        %parallel_loop3A_704 = arith.index_cast %parallel_loop3A_699 : i32 to index
        %parallel_loop3A_705 = tpu.vector_load %arg7[%parallel_loop3A_702, %parallel_loop3A_703, %parallel_loop3A_704] {strides = array<i32>} : memref<8x8x128xf32, #tpu.memory_space<vmem>>, vector<16xf32>,
        tpu.vector_store %arg7[%parallel_loop3A_702, %parallel_loop3A_703, %parallel_loop3A_704], %parallel_loop3A_697 {strides = array<i32>} : memref<8x8x128xf32, #tpu.memory_space<vmem>>, vector<16xf32>,
        %parallel_loop3A_706 = arith.constant 52 : i32
        %parallel_loop3A_707 = vector.broadcast %parallel_loop3A_706 : i32 to vector<16xi32>
        %parallel_loop3A_708 = arith.addi %parallel_loop3A_81, %parallel_loop3A_707 : vector<16xi32>
        %parallel_loop3A_709 = tpu.vector_load_idx %arg6[%parallel_loop3A_708] : memref<4160xf32, #tpu.memory_space<vmem>>[vector<16xi32>], vector<16xf32>,
        %parallel_loop3A_710 = arith.constant 16 : i32
        %parallel_loop3A_711 = arith.muli %parallel_loop3A_69, %parallel_loop3A_710 : i32
        %parallel_loop3A_712 = arith.constant 6 : i32
        %parallel_loop3A_713 = arith.constant 4 : i32
        %parallel_loop3A_714 = arith.index_cast %parallel_loop3A_712 : i32 to index
        %parallel_loop3A_715 = arith.index_cast %parallel_loop3A_713 : i32 to index
        %parallel_loop3A_716 = arith.index_cast %parallel_loop3A_711 : i32 to index
        %parallel_loop3A_717 = tpu.vector_load %arg7[%parallel_loop3A_714, %parallel_loop3A_715, %parallel_loop3A_716] {strides = array<i32>} : memref<8x8x128xf32, #tpu.memory_space<vmem>>, vector<16xf32>,
        tpu.vector_store %arg7[%parallel_loop3A_714, %parallel_loop3A_715, %parallel_loop3A_716], %parallel_loop3A_709 {strides = array<i32>} : memref<8x8x128xf32, #tpu.memory_space<vmem>>, vector<16xf32>,
        %parallel_loop3A_718 = arith.constant 53 : i32
        %parallel_loop3A_719 = vector.broadcast %parallel_loop3A_718 : i32 to vector<16xi32>
        %parallel_loop3A_720 = arith.addi %parallel_loop3A_81, %parallel_loop3A_719 : vector<16xi32>
        %parallel_loop3A_721 = tpu.vector_load_idx %arg6[%parallel_loop3A_720] : memref<4160xf32, #tpu.memory_space<vmem>>[vector<16xi32>], vector<16xf32>,
        %parallel_loop3A_722 = arith.constant 16 : i32
        %parallel_loop3A_723 = arith.muli %parallel_loop3A_69, %parallel_loop3A_722 : i32
        %parallel_loop3A_724 = arith.constant 6 : i32
        %parallel_loop3A_725 = arith.constant 5 : i32
        %parallel_loop3A_726 = arith.index_cast %parallel_loop3A_724 : i32 to index
        %parallel_loop3A_727 = arith.index_cast %parallel_loop3A_725 : i32 to index
        %parallel_loop3A_728 = arith.index_cast %parallel_loop3A_723 : i32 to index
        %parallel_loop3A_729 = tpu.vector_load %arg7[%parallel_loop3A_726, %parallel_loop3A_727, %parallel_loop3A_728] {strides = array<i32>} : memref<8x8x128xf32, #tpu.memory_space<vmem>>, vector<16xf32>,
        tpu.vector_store %arg7[%parallel_loop3A_726, %parallel_loop3A_727, %parallel_loop3A_728], %parallel_loop3A_721 {strides = array<i32>} : memref<8x8x128xf32, #tpu.memory_space<vmem>>, vector<16xf32>,
        %parallel_loop3A_730 = arith.constant 54 : i32
        %parallel_loop3A_731 = vector.broadcast %parallel_loop3A_730 : i32 to vector<16xi32>
        %parallel_loop3A_732 = arith.addi %parallel_loop3A_81, %parallel_loop3A_731 : vector<16xi32>
        %parallel_loop3A_733 = tpu.vector_load_idx %arg6[%parallel_loop3A_732] : memref<4160xf32, #tpu.memory_space<vmem>>[vector<16xi32>], vector<16xf32>,
        %parallel_loop3A_734 = arith.constant 16 : i32
        %parallel_loop3A_735 = arith.muli %parallel_loop3A_69, %parallel_loop3A_734 : i32
        %parallel_loop3A_736 = arith.constant 6 : i32
        %parallel_loop3A_737 = arith.constant 6 : i32
        %parallel_loop3A_738 = arith.index_cast %parallel_loop3A_736 : i32 to index
        %parallel_loop3A_739 = arith.index_cast %parallel_loop3A_737 : i32 to index
        %parallel_loop3A_740 = arith.index_cast %parallel_loop3A_735 : i32 to index
        %parallel_loop3A_741 = tpu.vector_load %arg7[%parallel_loop3A_738, %parallel_loop3A_739, %parallel_loop3A_740] {strides = array<i32>} : memref<8x8x128xf32, #tpu.memory_space<vmem>>, vector<16xf32>,
        tpu.vector_store %arg7[%parallel_loop3A_738, %parallel_loop3A_739, %parallel_loop3A_740], %parallel_loop3A_733 {strides = array<i32>} : memref<8x8x128xf32, #tpu.memory_space<vmem>>, vector<16xf32>,
        %parallel_loop3A_742 = arith.constant 55 : i32
        %parallel_loop3A_743 = vector.broadcast %parallel_loop3A_742 : i32 to vector<16xi32>
        %parallel_loop3A_744 = arith.addi %parallel_loop3A_81, %parallel_loop3A_743 : vector<16xi32>
        %parallel_loop3A_745 = tpu.vector_load_idx %arg6[%parallel_loop3A_744] : memref<4160xf32, #tpu.memory_space<vmem>>[vector<16xi32>], vector<16xf32>,
        %parallel_loop3A_746 = arith.constant 16 : i32
        %parallel_loop3A_747 = arith.muli %parallel_loop3A_69, %parallel_loop3A_746 : i32
        %parallel_loop3A_748 = arith.constant 6 : i32
        %parallel_loop3A_749 = arith.constant 7 : i32
        %parallel_loop3A_750 = arith.index_cast %parallel_loop3A_748 : i32 to index
        %parallel_loop3A_751 = arith.index_cast %parallel_loop3A_749 : i32 to index
        %parallel_loop3A_752 = arith.index_cast %parallel_loop3A_747 : i32 to index
        %parallel_loop3A_753 = tpu.vector_load %arg7[%parallel_loop3A_750, %parallel_loop3A_751, %parallel_loop3A_752] {strides = array<i32>} : memref<8x8x128xf32, #tpu.memory_space<vmem>>, vector<16xf32>,
        tpu.vector_store %arg7[%parallel_loop3A_750, %parallel_loop3A_751, %parallel_loop3A_752], %parallel_loop3A_745 {strides = array<i32>} : memref<8x8x128xf32, #tpu.memory_space<vmem>>, vector<16xf32>,
        %parallel_loop3A_754 = arith.constant 56 : i32
        %parallel_loop3A_755 = vector.broadcast %parallel_loop3A_754 : i32 to vector<16xi32>
        %parallel_loop3A_756 = arith.addi %parallel_loop3A_81, %parallel_loop3A_755 : vector<16xi32>
        %parallel_loop3A_757 = tpu.vector_load_idx %arg6[%parallel_loop3A_756] : memref<4160xf32, #tpu.memory_space<vmem>>[vector<16xi32>], vector<16xf32>,
        %parallel_loop3A_758 = arith.constant 16 : i32
        %parallel_loop3A_759 = arith.muli %parallel_loop3A_69, %parallel_loop3A_758 : i32
        %parallel_loop3A_760 = arith.constant 7 : i32
        %parallel_loop3A_761 = arith.constant 0 : i32
        %parallel_loop3A_762 = arith.index_cast %parallel_loop3A_760 : i32 to index
        %parallel_loop3A_763 = arith.index_cast %parallel_loop3A_761 : i32 to index
        %parallel_loop3A_764 = arith.index_cast %parallel_loop3A_759 : i32 to index
        %parallel_loop3A_765 = tpu.vector_load %arg7[%parallel_loop3A_762, %parallel_loop3A_763, %parallel_loop3A_764] {strides = array<i32>} : memref<8x8x128xf32, #tpu.memory_space<vmem>>, vector<16xf32>,
        tpu.vector_store %arg7[%parallel_loop3A_762, %parallel_loop3A_763, %parallel_loop3A_764], %parallel_loop3A_757 {strides = array<i32>} : memref<8x8x128xf32, #tpu.memory_space<vmem>>, vector<16xf32>,
        %parallel_loop3A_766 = arith.constant 57 : i32
        %parallel_loop3A_767 = vector.broadcast %parallel_loop3A_766 : i32 to vector<16xi32>
        %parallel_loop3A_768 = arith.addi %parallel_loop3A_81, %parallel_loop3A_767 : vector<16xi32>
        %parallel_loop3A_769 = tpu.vector_load_idx %arg6[%parallel_loop3A_768] : memref<4160xf32, #tpu.memory_space<vmem>>[vector<16xi32>], vector<16xf32>,
        %parallel_loop3A_770 = arith.constant 16 : i32
        %parallel_loop3A_771 = arith.muli %parallel_loop3A_69, %parallel_loop3A_770 : i32
        %parallel_loop3A_772 = arith.constant 7 : i32
        %parallel_loop3A_773 = arith.constant 1 : i32
        %parallel_loop3A_774 = arith.index_cast %parallel_loop3A_772 : i32 to index
        %parallel_loop3A_775 = arith.index_cast %parallel_loop3A_773 : i32 to index
        %parallel_loop3A_776 = arith.index_cast %parallel_loop3A_771 : i32 to index
        %parallel_loop3A_777 = tpu.vector_load %arg7[%parallel_loop3A_774, %parallel_loop3A_775, %parallel_loop3A_776] {strides = array<i32>} : memref<8x8x128xf32, #tpu.memory_space<vmem>>, vector<16xf32>,
        tpu.vector_store %arg7[%parallel_loop3A_774, %parallel_loop3A_775, %parallel_loop3A_776], %parallel_loop3A_769 {strides = array<i32>} : memref<8x8x128xf32, #tpu.memory_space<vmem>>, vector<16xf32>,
        %parallel_loop3A_778 = arith.constant 58 : i32
        %parallel_loop3A_779 = vector.broadcast %parallel_loop3A_778 : i32 to vector<16xi32>
        %parallel_loop3A_780 = arith.addi %parallel_loop3A_81, %parallel_loop3A_779 : vector<16xi32>
        %parallel_loop3A_781 = tpu.vector_load_idx %arg6[%parallel_loop3A_780] : memref<4160xf32, #tpu.memory_space<vmem>>[vector<16xi32>], vector<16xf32>,
        %parallel_loop3A_782 = arith.constant 16 : i32
        %parallel_loop3A_783 = arith.muli %parallel_loop3A_69, %parallel_loop3A_782 : i32
        %parallel_loop3A_784 = arith.constant 7 : i32
        %parallel_loop3A_785 = arith.constant 2 : i32
        %parallel_loop3A_786 = arith.index_cast %parallel_loop3A_784 : i32 to index
        %parallel_loop3A_787 = arith.index_cast %parallel_loop3A_785 : i32 to index
        %parallel_loop3A_788 = arith.index_cast %parallel_loop3A_783 : i32 to index
        %parallel_loop3A_789 = tpu.vector_load %arg7[%parallel_loop3A_786, %parallel_loop3A_787, %parallel_loop3A_788] {strides = array<i32>} : memref<8x8x128xf32, #tpu.memory_space<vmem>>, vector<16xf32>,
        tpu.vector_store %arg7[%parallel_loop3A_786, %parallel_loop3A_787, %parallel_loop3A_788], %parallel_loop3A_781 {strides = array<i32>} : memref<8x8x128xf32, #tpu.memory_space<vmem>>, vector<16xf32>,
        %parallel_loop3A_790 = arith.constant 59 : i32
        %parallel_loop3A_791 = vector.broadcast %parallel_loop3A_790 : i32 to vector<16xi32>
        %parallel_loop3A_792 = arith.addi %parallel_loop3A_81, %parallel_loop3A_791 : vector<16xi32>
        %parallel_loop3A_793 = tpu.vector_load_idx %arg6[%parallel_loop3A_792] : memref<4160xf32, #tpu.memory_space<vmem>>[vector<16xi32>], vector<16xf32>,
        %parallel_loop3A_794 = arith.constant 16 : i32
        %parallel_loop3A_795 = arith.muli %parallel_loop3A_69, %parallel_loop3A_794 : i32
        %parallel_loop3A_796 = arith.constant 7 : i32
        %parallel_loop3A_797 = arith.constant 3 : i32
        %parallel_loop3A_798 = arith.index_cast %parallel_loop3A_796 : i32 to index
        %parallel_loop3A_799 = arith.index_cast %parallel_loop3A_797 : i32 to index
        %parallel_loop3A_800 = arith.index_cast %parallel_loop3A_795 : i32 to index
        %parallel_loop3A_801 = tpu.vector_load %arg7[%parallel_loop3A_798, %parallel_loop3A_799, %parallel_loop3A_800] {strides = array<i32>} : memref<8x8x128xf32, #tpu.memory_space<vmem>>, vector<16xf32>,
        tpu.vector_store %arg7[%parallel_loop3A_798, %parallel_loop3A_799, %parallel_loop3A_800], %parallel_loop3A_793 {strides = array<i32>} : memref<8x8x128xf32, #tpu.memory_space<vmem>>, vector<16xf32>,
        %parallel_loop3A_802 = arith.constant 60 : i32
        %parallel_loop3A_803 = vector.broadcast %parallel_loop3A_802 : i32 to vector<16xi32>
        %parallel_loop3A_804 = arith.addi %parallel_loop3A_81, %parallel_loop3A_803 : vector<16xi32>
        %parallel_loop3A_805 = tpu.vector_load_idx %arg6[%parallel_loop3A_804] : memref<4160xf32, #tpu.memory_space<vmem>>[vector<16xi32>], vector<16xf32>,
        %parallel_loop3A_806 = arith.constant 16 : i32
        %parallel_loop3A_807 = arith.muli %parallel_loop3A_69, %parallel_loop3A_806 : i32
        %parallel_loop3A_808 = arith.constant 7 : i32
        %parallel_loop3A_809 = arith.constant 4 : i32
        %parallel_loop3A_810 = arith.index_cast %parallel_loop3A_808 : i32 to index
        %parallel_loop3A_811 = arith.index_cast %parallel_loop3A_809 : i32 to index
        %parallel_loop3A_812 = arith.index_cast %parallel_loop3A_807 : i32 to index
        %parallel_loop3A_813 = tpu.vector_load %arg7[%parallel_loop3A_810, %parallel_loop3A_811, %parallel_loop3A_812] {strides = array<i32>} : memref<8x8x128xf32, #tpu.memory_space<vmem>>, vector<16xf32>,
        tpu.vector_store %arg7[%parallel_loop3A_810, %parallel_loop3A_811, %parallel_loop3A_812], %parallel_loop3A_805 {strides = array<i32>} : memref<8x8x128xf32, #tpu.memory_space<vmem>>, vector<16xf32>,
        %parallel_loop3A_814 = arith.constant 61 : i32
        %parallel_loop3A_815 = vector.broadcast %parallel_loop3A_814 : i32 to vector<16xi32>
        %parallel_loop3A_816 = arith.addi %parallel_loop3A_81, %parallel_loop3A_815 : vector<16xi32>
        %parallel_loop3A_817 = tpu.vector_load_idx %arg6[%parallel_loop3A_816] : memref<4160xf32, #tpu.memory_space<vmem>>[vector<16xi32>], vector<16xf32>,
        %parallel_loop3A_818 = arith.constant 16 : i32
        %parallel_loop3A_819 = arith.muli %parallel_loop3A_69, %parallel_loop3A_818 : i32
        %parallel_loop3A_820 = arith.constant 7 : i32
        %parallel_loop3A_821 = arith.constant 5 : i32
        %parallel_loop3A_822 = arith.index_cast %parallel_loop3A_820 : i32 to index
        %parallel_loop3A_823 = arith.index_cast %parallel_loop3A_821 : i32 to index
        %parallel_loop3A_824 = arith.index_cast %parallel_loop3A_819 : i32 to index
        %parallel_loop3A_825 = tpu.vector_load %arg7[%parallel_loop3A_822, %parallel_loop3A_823, %parallel_loop3A_824] {strides = array<i32>} : memref<8x8x128xf32, #tpu.memory_space<vmem>>, vector<16xf32>,
        tpu.vector_store %arg7[%parallel_loop3A_822, %parallel_loop3A_823, %parallel_loop3A_824], %parallel_loop3A_817 {strides = array<i32>} : memref<8x8x128xf32, #tpu.memory_space<vmem>>, vector<16xf32>,
        %parallel_loop3A_826 = arith.constant 62 : i32
        %parallel_loop3A_827 = vector.broadcast %parallel_loop3A_826 : i32 to vector<16xi32>
        %parallel_loop3A_828 = arith.addi %parallel_loop3A_81, %parallel_loop3A_827 : vector<16xi32>
        %parallel_loop3A_829 = tpu.vector_load_idx %arg6[%parallel_loop3A_828] : memref<4160xf32, #tpu.memory_space<vmem>>[vector<16xi32>], vector<16xf32>,
        %parallel_loop3A_830 = arith.constant 16 : i32
        %parallel_loop3A_831 = arith.muli %parallel_loop3A_69, %parallel_loop3A_830 : i32
        %parallel_loop3A_832 = arith.constant 7 : i32
        %parallel_loop3A_833 = arith.constant 6 : i32
        %parallel_loop3A_834 = arith.index_cast %parallel_loop3A_832 : i32 to index
        %parallel_loop3A_835 = arith.index_cast %parallel_loop3A_833 : i32 to index
        %parallel_loop3A_836 = arith.index_cast %parallel_loop3A_831 : i32 to index
        %parallel_loop3A_837 = tpu.vector_load %arg7[%parallel_loop3A_834, %parallel_loop3A_835, %parallel_loop3A_836] {strides = array<i32>} : memref<8x8x128xf32, #tpu.memory_space<vmem>>, vector<16xf32>,
        tpu.vector_store %arg7[%parallel_loop3A_834, %parallel_loop3A_835, %parallel_loop3A_836], %parallel_loop3A_829 {strides = array<i32>} : memref<8x8x128xf32, #tpu.memory_space<vmem>>, vector<16xf32>,
        %parallel_loop3A_838 = arith.constant 63 : i32
        %parallel_loop3A_839 = vector.broadcast %parallel_loop3A_838 : i32 to vector<16xi32>
        %parallel_loop3A_840 = arith.addi %parallel_loop3A_81, %parallel_loop3A_839 : vector<16xi32>
        %parallel_loop3A_841 = tpu.vector_load_idx %arg6[%parallel_loop3A_840] : memref<4160xf32, #tpu.memory_space<vmem>>[vector<16xi32>], vector<16xf32>,
        %parallel_loop3A_842 = arith.constant 16 : i32
        %parallel_loop3A_843 = arith.muli %parallel_loop3A_69, %parallel_loop3A_842 : i32
        %parallel_loop3A_844 = arith.constant 7 : i32
        %parallel_loop3A_845 = arith.constant 7 : i32
        %parallel_loop3A_846 = arith.index_cast %parallel_loop3A_844 : i32 to index
        %parallel_loop3A_847 = arith.index_cast %parallel_loop3A_845 : i32 to index
        %parallel_loop3A_848 = arith.index_cast %parallel_loop3A_843 : i32 to index
        %parallel_loop3A_849 = tpu.vector_load %arg7[%parallel_loop3A_846, %parallel_loop3A_847, %parallel_loop3A_848] {strides = array<i32>} : memref<8x8x128xf32, #tpu.memory_space<vmem>>, vector<16xf32>,
        tpu.vector_store %arg7[%parallel_loop3A_846, %parallel_loop3A_847, %parallel_loop3A_848], %parallel_loop3A_841 {strides = array<i32>} : memref<8x8x128xf32, #tpu.memory_space<vmem>>, vector<16xf32>,
      } {sc.loop_unroll_factor = 1 : i64, sc.parallel_access}
      %dma_start3A = arith.constant 0 : i32
      %dma_start3A_38 = arith.constant 0 : i32
      %dma_start3A_39 = arith.constant 0 : i32
      %dma_start3A_40 = tpu.memref_slice %arg4[%add3A_33, %dma_start3A, %add3A, %dma_start3A_38, %dma_start3A_39] : memref<200x8x32x8x128xf32, #tpu.memory_space<hbm>> -> memref<1x8x1x8x128xf32, #tpu.memory_space<hbm>>
      %dma_start3A_41 = tpu.memref_squeeze %dma_start3A_40 : memref<1x8x1x8x128xf32, #tpu.memory_space<hbm>> -> memref<8x8x128xf32, #tpu.memory_space<hbm>>
      %dma_start3A_42 = arith.constant 0 : i32
      %dma_start3A_43 = arith.constant 0 : i32
      %dma_start3A_44 = arith.constant 0 : i32
      %dma_start3A_45 = tpu.memref_slice %arg4[%add3A_33, %dma_start3A_42, %add3A, %dma_start3A_43, %dma_start3A_44] : memref<200x8x32x8x128xf32, #tpu.memory_space<hbm>> -> memref<1x8x1x8x128xf32, #tpu.memory_space<hbm>>
      %dma_start3A_46 = tpu.memref_squeeze %dma_start3A_45 : memref<1x8x1x8x128xf32, #tpu.memory_space<hbm>> -> memref<8x8x128xf32, #tpu.memory_space<hbm>>
      tpu.enqueue_dma source(%arg7 : memref<8x8x128xf32, #tpu.memory_space<vmem>>) target(%dma_start3A_46 : memref<8x8x128xf32, #tpu.memory_space<hbm>>) target_semaphore(%arg9 : memref<!tpu.dma_semaphore, #tpu.memory_space<semaphore_mem>>)
      %mul3A_47 = arith.constant 2 : i32
      %mul3A_48 = arith.muli %mul3A_47, %scan3A_29 : i32
      %add3A_49 = arith.constant 1 : i32
      %add3A_50 = arith.addi %mul3A_48, %add3A_49 : i32
      %gt3A_51 = arith.constant 0 : i32
      %gt3A_52 = arith.cmpi sgt, %scan3A_29, %gt3A_51 : i32
      %convert_element_type3A_53 = arith.extui %gt3A_52 : i1 to i32
      %cond3A_54 = arith.constant 0 : i32
      %cond3A_55 = arith.cmpi ne, %convert_element_type3A_53, %cond3A_54 : i32
      scf.if %cond3A_55 {
        %dma_wait3A_69 = arith.constant 0 : i32
        %dma_wait3A_70 = arith.constant 0 : i32
        %dma_wait3A_71 = arith.constant 0 : i32
        %dma_wait3A_72 = arith.constant 0 : i32
        %dma_wait3A_73 = tpu.memref_slice %arg4[%dma_wait3A_69, %dma_wait3A_70, %add3A, %dma_wait3A_71, %dma_wait3A_72] : memref<200x8x32x8x128xf32, #tpu.memory_space<hbm>> -> memref<1x8x1x8x128xf32, #tpu.memory_space<hbm>>
        %dma_wait3A_74 = tpu.memref_squeeze %dma_wait3A_73 : memref<1x8x1x8x128xf32, #tpu.memory_space<hbm>> -> memref<8x8x128xf32, #tpu.memory_space<hbm>>
        %dma_wait3A_75 = arith.constant 0 : i32
        %dma_wait3A_76 = arith.constant 0 : i32
        %dma_wait3A_77 = arith.constant 0 : i32
        %dma_wait3A_78 = tpu.memref_slice %arg4[%dma_wait3A_69, %dma_wait3A_75, %add3A, %dma_wait3A_76, %dma_wait3A_77] : memref<200x8x32x8x128xf32, #tpu.memory_space<hbm>> -> memref<1x8x1x8x128xf32, #tpu.memory_space<hbm>>
        %dma_wait3A_79 = tpu.memref_squeeze %dma_wait3A_78 : memref<1x8x1x8x128xf32, #tpu.memory_space<hbm>> -> memref<8x8x128xf32, #tpu.memory_space<hbm>>
        tpu.wait_dma2 semaphore(%arg10 : memref<!tpu.dma_semaphore, #tpu.memory_space<semaphore_mem>>) src(%arg8 : memref<8x8x128xf32, #tpu.memory_space<vmem>>) dst(%dma_wait3A_79 : memref<8x8x128xf32, #tpu.memory_space<hbm>>)
      } else {
      }
      %parallel_loop3A_56 = arith.constant 0 : i32
      %parallel_loop3A_57 = arith.constant 8 : i32
      %parallel_loop3A_58 = arith.constant 1 : i32
      scf.for %parallel_loop3A_69 = %parallel_loop3A_56 to %parallel_loop3A_57 step %parallel_loop3A_58  : i32 {
        %parallel_loop3A_70 = arith.constant 16 : i32
        %parallel_loop3A_71 = arith.muli %parallel_loop3A_69, %parallel_loop3A_70 : i32
        %parallel_loop3A_72 = vector.broadcast %parallel_loop3A_71 : i32 to vector<16xi32>
        %parallel_loop3A_73 = arith.addi %iota3A, %parallel_loop3A_72 : vector<16xi32>
        %parallel_loop3A_74 = arith.constant 0 : i32
        %parallel_loop3A_75 = vector.broadcast %parallel_loop3A_74 : i32 to vector<16xi32>
        %parallel_loop3A_76 = vector.broadcast %add3A_50 : i32 to vector<16xi32>
        %parallel_loop3A_77 = arith.addi %parallel_loop3A_75, %parallel_loop3A_76 : vector<16xi32>
        %parallel_loop3A_78 = tpu.vector_load_idx %arg5[%parallel_loop3A_73, %parallel_loop3A_77] : memref<128x201xi32, #tpu.memory_space<vmem>>[vector<16xi32>, vector<16xi32>], vector<16xi32>,
        %parallel_loop3A_79 = arith.constant 65 : i32
        %parallel_loop3A_80 = vector.broadcast %parallel_loop3A_79 : i32 to vector<16xi32>
        %parallel_loop3A_81 = arith.muli %parallel_loop3A_78, %parallel_loop3A_80 : vector<16xi32>
        %parallel_loop3A_82 = arith.constant 0 : i32
        %parallel_loop3A_83 = vector.broadcast %parallel_loop3A_82 : i32 to vector<16xi32>
        %parallel_loop3A_84 = arith.addi %parallel_loop3A_81, %parallel_loop3A_83 : vector<16xi32>
        %parallel_loop3A_85 = tpu.vector_load_idx %arg6[%parallel_loop3A_84] : memref<4160xf32, #tpu.memory_space<vmem>>[vector<16xi32>], vector<16xf32>,
        %parallel_loop3A_86 = arith.constant 16 : i32
        %parallel_loop3A_87 = arith.muli %parallel_loop3A_69, %parallel_loop3A_86 : i32
        %parallel_loop3A_88 = arith.constant 0 : i32
        %parallel_loop3A_89 = arith.constant 0 : i32
        %parallel_loop3A_90 = arith.index_cast %parallel_loop3A_88 : i32 to index
        %parallel_loop3A_91 = arith.index_cast %parallel_loop3A_89 : i32 to index
        %parallel_loop3A_92 = arith.index_cast %parallel_loop3A_87 : i32 to index
        %parallel_loop3A_93 = tpu.vector_load %arg8[%parallel_loop3A_90, %parallel_loop3A_91, %parallel_loop3A_92] {strides = array<i32>} : memref<8x8x128xf32, #tpu.memory_space<vmem>>, vector<16xf32>,
        tpu.vector_store %arg8[%parallel_loop3A_90, %parallel_loop3A_91, %parallel_loop3A_92], %parallel_loop3A_85 {strides = array<i32>} : memref<8x8x128xf32, #tpu.memory_space<vmem>>, vector<16xf32>,
        %parallel_loop3A_94 = arith.constant 1 : i32
        %parallel_loop3A_95 = vector.broadcast %parallel_loop3A_94 : i32 to vector<16xi32>
        %parallel_loop3A_96 = arith.addi %parallel_loop3A_81, %parallel_loop3A_95 : vector<16xi32>
        %parallel_loop3A_97 = tpu.vector_load_idx %arg6[%parallel_loop3A_96] : memref<4160xf32, #tpu.memory_space<vmem>>[vector<16xi32>], vector<16xf32>,
        %parallel_loop3A_98 = arith.constant 16 : i32
        %parallel_loop3A_99 = arith.muli %parallel_loop3A_69, %parallel_loop3A_98 : i32
        %parallel_loop3A_100 = arith.constant 0 : i32
        %parallel_loop3A_101 = arith.constant 1 : i32
        %parallel_loop3A_102 = arith.index_cast %parallel_loop3A_100 : i32 to index
        %parallel_loop3A_103 = arith.index_cast %parallel_loop3A_101 : i32 to index
        %parallel_loop3A_104 = arith.index_cast %parallel_loop3A_99 : i32 to index
        %parallel_loop3A_105 = tpu.vector_load %arg8[%parallel_loop3A_102, %parallel_loop3A_103, %parallel_loop3A_104] {strides = array<i32>} : memref<8x8x128xf32, #tpu.memory_space<vmem>>, vector<16xf32>,
        tpu.vector_store %arg8[%parallel_loop3A_102, %parallel_loop3A_103, %parallel_loop3A_104], %parallel_loop3A_97 {strides = array<i32>} : memref<8x8x128xf32, #tpu.memory_space<vmem>>, vector<16xf32>,
        %parallel_loop3A_106 = arith.constant 2 : i32
        %parallel_loop3A_107 = vector.broadcast %parallel_loop3A_106 : i32 to vector<16xi32>
        %parallel_loop3A_108 = arith.addi %parallel_loop3A_81, %parallel_loop3A_107 : vector<16xi32>
        %parallel_loop3A_109 = tpu.vector_load_idx %arg6[%parallel_loop3A_108] : memref<4160xf32, #tpu.memory_space<vmem>>[vector<16xi32>], vector<16xf32>,
        %parallel_loop3A_110 = arith.constant 16 : i32
        %parallel_loop3A_111 = arith.muli %parallel_loop3A_69, %parallel_loop3A_110 : i32
        %parallel_loop3A_112 = arith.constant 0 : i32
        %parallel_loop3A_113 = arith.constant 2 : i32
        %parallel_loop3A_114 = arith.index_cast %parallel_loop3A_112 : i32 to index
        %parallel_loop3A_115 = arith.index_cast %parallel_loop3A_113 : i32 to index
        %parallel_loop3A_116 = arith.index_cast %parallel_loop3A_111 : i32 to index
        %parallel_loop3A_117 = tpu.vector_load %arg8[%parallel_loop3A_114, %parallel_loop3A_115, %parallel_loop3A_116] {strides = array<i32>} : memref<8x8x128xf32, #tpu.memory_space<vmem>>, vector<16xf32>,
        tpu.vector_store %arg8[%parallel_loop3A_114, %parallel_loop3A_115, %parallel_loop3A_116], %parallel_loop3A_109 {strides = array<i32>} : memref<8x8x128xf32, #tpu.memory_space<vmem>>, vector<16xf32>,
        %parallel_loop3A_118 = arith.constant 3 : i32
        %parallel_loop3A_119 = vector.broadcast %parallel_loop3A_118 : i32 to vector<16xi32>
        %parallel_loop3A_120 = arith.addi %parallel_loop3A_81, %parallel_loop3A_119 : vector<16xi32>
        %parallel_loop3A_121 = tpu.vector_load_idx %arg6[%parallel_loop3A_120] : memref<4160xf32, #tpu.memory_space<vmem>>[vector<16xi32>], vector<16xf32>,
        %parallel_loop3A_122 = arith.constant 16 : i32
        %parallel_loop3A_123 = arith.muli %parallel_loop3A_69, %parallel_loop3A_122 : i32
        %parallel_loop3A_124 = arith.constant 0 : i32
        %parallel_loop3A_125 = arith.constant 3 : i32
        %parallel_loop3A_126 = arith.index_cast %parallel_loop3A_124 : i32 to index
        %parallel_loop3A_127 = arith.index_cast %parallel_loop3A_125 : i32 to index
        %parallel_loop3A_128 = arith.index_cast %parallel_loop3A_123 : i32 to index
        %parallel_loop3A_129 = tpu.vector_load %arg8[%parallel_loop3A_126, %parallel_loop3A_127, %parallel_loop3A_128] {strides = array<i32>} : memref<8x8x128xf32, #tpu.memory_space<vmem>>, vector<16xf32>,
        tpu.vector_store %arg8[%parallel_loop3A_126, %parallel_loop3A_127, %parallel_loop3A_128], %parallel_loop3A_121 {strides = array<i32>} : memref<8x8x128xf32, #tpu.memory_space<vmem>>, vector<16xf32>,
        %parallel_loop3A_130 = arith.constant 4 : i32
        %parallel_loop3A_131 = vector.broadcast %parallel_loop3A_130 : i32 to vector<16xi32>
        %parallel_loop3A_132 = arith.addi %parallel_loop3A_81, %parallel_loop3A_131 : vector<16xi32>
        %parallel_loop3A_133 = tpu.vector_load_idx %arg6[%parallel_loop3A_132] : memref<4160xf32, #tpu.memory_space<vmem>>[vector<16xi32>], vector<16xf32>,
        %parallel_loop3A_134 = arith.constant 16 : i32
        %parallel_loop3A_135 = arith.muli %parallel_loop3A_69, %parallel_loop3A_134 : i32
        %parallel_loop3A_136 = arith.constant 0 : i32
        %parallel_loop3A_137 = arith.constant 4 : i32
        %parallel_loop3A_138 = arith.index_cast %parallel_loop3A_136 : i32 to index
        %parallel_loop3A_139 = arith.index_cast %parallel_loop3A_137 : i32 to index
        %parallel_loop3A_140 = arith.index_cast %parallel_loop3A_135 : i32 to index
        %parallel_loop3A_141 = tpu.vector_load %arg8[%parallel_loop3A_138, %parallel_loop3A_139, %parallel_loop3A_140] {strides = array<i32>} : memref<8x8x128xf32, #tpu.memory_space<vmem>>, vector<16xf32>,
        tpu.vector_store %arg8[%parallel_loop3A_138, %parallel_loop3A_139, %parallel_loop3A_140], %parallel_loop3A_133 {strides = array<i32>} : memref<8x8x128xf32, #tpu.memory_space<vmem>>, vector<16xf32>,
        %parallel_loop3A_142 = arith.constant 5 : i32
        %parallel_loop3A_143 = vector.broadcast %parallel_loop3A_142 : i32 to vector<16xi32>
        %parallel_loop3A_144 = arith.addi %parallel_loop3A_81, %parallel_loop3A_143 : vector<16xi32>
        %parallel_loop3A_145 = tpu.vector_load_idx %arg6[%parallel_loop3A_144] : memref<4160xf32, #tpu.memory_space<vmem>>[vector<16xi32>], vector<16xf32>,
        %parallel_loop3A_146 = arith.constant 16 : i32
        %parallel_loop3A_147 = arith.muli %parallel_loop3A_69, %parallel_loop3A_146 : i32
        %parallel_loop3A_148 = arith.constant 0 : i32
        %parallel_loop3A_149 = arith.constant 5 : i32
        %parallel_loop3A_150 = arith.index_cast %parallel_loop3A_148 : i32 to index
        %parallel_loop3A_151 = arith.index_cast %parallel_loop3A_149 : i32 to index
        %parallel_loop3A_152 = arith.index_cast %parallel_loop3A_147 : i32 to index
        %parallel_loop3A_153 = tpu.vector_load %arg8[%parallel_loop3A_150, %parallel_loop3A_151, %parallel_loop3A_152] {strides = array<i32>} : memref<8x8x128xf32, #tpu.memory_space<vmem>>, vector<16xf32>,
        tpu.vector_store %arg8[%parallel_loop3A_150, %parallel_loop3A_151, %parallel_loop3A_152], %parallel_loop3A_145 {strides = array<i32>} : memref<8x8x128xf32, #tpu.memory_space<vmem>>, vector<16xf32>,
        %parallel_loop3A_154 = arith.constant 6 : i32
        %parallel_loop3A_155 = vector.broadcast %parallel_loop3A_154 : i32 to vector<16xi32>
        %parallel_loop3A_156 = arith.addi %parallel_loop3A_81, %parallel_loop3A_155 : vector<16xi32>
        %parallel_loop3A_157 = tpu.vector_load_idx %arg6[%parallel_loop3A_156] : memref<4160xf32, #tpu.memory_space<vmem>>[vector<16xi32>], vector<16xf32>,
        %parallel_loop3A_158 = arith.constant 16 : i32
        %parallel_loop3A_159 = arith.muli %parallel_loop3A_69, %parallel_loop3A_158 : i32
        %parallel_loop3A_160 = arith.constant 0 : i32
        %parallel_loop3A_161 = arith.constant 6 : i32
        %parallel_loop3A_162 = arith.index_cast %parallel_loop3A_160 : i32 to index
        %parallel_loop3A_163 = arith.index_cast %parallel_loop3A_161 : i32 to index
        %parallel_loop3A_164 = arith.index_cast %parallel_loop3A_159 : i32 to index
        %parallel_loop3A_165 = tpu.vector_load %arg8[%parallel_loop3A_162, %parallel_loop3A_163, %parallel_loop3A_164] {strides = array<i32>} : memref<8x8x128xf32, #tpu.memory_space<vmem>>, vector<16xf32>,
        tpu.vector_store %arg8[%parallel_loop3A_162, %parallel_loop3A_163, %parallel_loop3A_164], %parallel_loop3A_157 {strides = array<i32>} : memref<8x8x128xf32, #tpu.memory_space<vmem>>, vector<16xf32>,
        %parallel_loop3A_166 = arith.constant 7 : i32
        %parallel_loop3A_167 = vector.broadcast %parallel_loop3A_166 : i32 to vector<16xi32>
        %parallel_loop3A_168 = arith.addi %parallel_loop3A_81, %parallel_loop3A_167 : vector<16xi32>
        %parallel_loop3A_169 = tpu.vector_load_idx %arg6[%parallel_loop3A_168] : memref<4160xf32, #tpu.memory_space<vmem>>[vector<16xi32>], vector<16xf32>,
        %parallel_loop3A_170 = arith.constant 16 : i32
        %parallel_loop3A_171 = arith.muli %parallel_loop3A_69, %parallel_loop3A_170 : i32
        %parallel_loop3A_172 = arith.constant 0 : i32
        %parallel_loop3A_173 = arith.constant 7 : i32
        %parallel_loop3A_174 = arith.index_cast %parallel_loop3A_172 : i32 to index
        %parallel_loop3A_175 = arith.index_cast %parallel_loop3A_173 : i32 to index
        %parallel_loop3A_176 = arith.index_cast %parallel_loop3A_171 : i32 to index
        %parallel_loop3A_177 = tpu.vector_load %arg8[%parallel_loop3A_174, %parallel_loop3A_175, %parallel_loop3A_176] {strides = array<i32>} : memref<8x8x128xf32, #tpu.memory_space<vmem>>, vector<16xf32>,
        tpu.vector_store %arg8[%parallel_loop3A_174, %parallel_loop3A_175, %parallel_loop3A_176], %parallel_loop3A_169 {strides = array<i32>} : memref<8x8x128xf32, #tpu.memory_space<vmem>>, vector<16xf32>,
        %parallel_loop3A_178 = arith.constant 8 : i32
        %parallel_loop3A_179 = vector.broadcast %parallel_loop3A_178 : i32 to vector<16xi32>
        %parallel_loop3A_180 = arith.addi %parallel_loop3A_81, %parallel_loop3A_179 : vector<16xi32>
        %parallel_loop3A_181 = tpu.vector_load_idx %arg6[%parallel_loop3A_180] : memref<4160xf32, #tpu.memory_space<vmem>>[vector<16xi32>], vector<16xf32>,
        %parallel_loop3A_182 = arith.constant 16 : i32
        %parallel_loop3A_183 = arith.muli %parallel_loop3A_69, %parallel_loop3A_182 : i32
        %parallel_loop3A_184 = arith.constant 1 : i32
        %parallel_loop3A_185 = arith.constant 0 : i32
        %parallel_loop3A_186 = arith.index_cast %parallel_loop3A_184 : i32 to index
        %parallel_loop3A_187 = arith.index_cast %parallel_loop3A_185 : i32 to index
        %parallel_loop3A_188 = arith.index_cast %parallel_loop3A_183 : i32 to index
        %parallel_loop3A_189 = tpu.vector_load %arg8[%parallel_loop3A_186, %parallel_loop3A_187, %parallel_loop3A_188] {strides = array<i32>} : memref<8x8x128xf32, #tpu.memory_space<vmem>>, vector<16xf32>,
        tpu.vector_store %arg8[%parallel_loop3A_186, %parallel_loop3A_187, %parallel_loop3A_188], %parallel_loop3A_181 {strides = array<i32>} : memref<8x8x128xf32, #tpu.memory_space<vmem>>, vector<16xf32>,
        %parallel_loop3A_190 = arith.constant 9 : i32
        %parallel_loop3A_191 = vector.broadcast %parallel_loop3A_190 : i32 to vector<16xi32>
        %parallel_loop3A_192 = arith.addi %parallel_loop3A_81, %parallel_loop3A_191 : vector<16xi32>
        %parallel_loop3A_193 = tpu.vector_load_idx %arg6[%parallel_loop3A_192] : memref<4160xf32, #tpu.memory_space<vmem>>[vector<16xi32>], vector<16xf32>,
        %parallel_loop3A_194 = arith.constant 16 : i32
        %parallel_loop3A_195 = arith.muli %parallel_loop3A_69, %parallel_loop3A_194 : i32
        %parallel_loop3A_196 = arith.constant 1 : i32
        %parallel_loop3A_197 = arith.constant 1 : i32
        %parallel_loop3A_198 = arith.index_cast %parallel_loop3A_196 : i32 to index
        %parallel_loop3A_199 = arith.index_cast %parallel_loop3A_197 : i32 to index
        %parallel_loop3A_200 = arith.index_cast %parallel_loop3A_195 : i32 to index
        %parallel_loop3A_201 = tpu.vector_load %arg8[%parallel_loop3A_198, %parallel_loop3A_199, %parallel_loop3A_200] {strides = array<i32>} : memref<8x8x128xf32, #tpu.memory_space<vmem>>, vector<16xf32>,
        tpu.vector_store %arg8[%parallel_loop3A_198, %parallel_loop3A_199, %parallel_loop3A_200], %parallel_loop3A_193 {strides = array<i32>} : memref<8x8x128xf32, #tpu.memory_space<vmem>>, vector<16xf32>,
        %parallel_loop3A_202 = arith.constant 10 : i32
        %parallel_loop3A_203 = vector.broadcast %parallel_loop3A_202 : i32 to vector<16xi32>
        %parallel_loop3A_204 = arith.addi %parallel_loop3A_81, %parallel_loop3A_203 : vector<16xi32>
        %parallel_loop3A_205 = tpu.vector_load_idx %arg6[%parallel_loop3A_204] : memref<4160xf32, #tpu.memory_space<vmem>>[vector<16xi32>], vector<16xf32>,
        %parallel_loop3A_206 = arith.constant 16 : i32
        %parallel_loop3A_207 = arith.muli %parallel_loop3A_69, %parallel_loop3A_206 : i32
        %parallel_loop3A_208 = arith.constant 1 : i32
        %parallel_loop3A_209 = arith.constant 2 : i32
        %parallel_loop3A_210 = arith.index_cast %parallel_loop3A_208 : i32 to index
        %parallel_loop3A_211 = arith.index_cast %parallel_loop3A_209 : i32 to index
        %parallel_loop3A_212 = arith.index_cast %parallel_loop3A_207 : i32 to index
        %parallel_loop3A_213 = tpu.vector_load %arg8[%parallel_loop3A_210, %parallel_loop3A_211, %parallel_loop3A_212] {strides = array<i32>} : memref<8x8x128xf32, #tpu.memory_space<vmem>>, vector<16xf32>,
        tpu.vector_store %arg8[%parallel_loop3A_210, %parallel_loop3A_211, %parallel_loop3A_212], %parallel_loop3A_205 {strides = array<i32>} : memref<8x8x128xf32, #tpu.memory_space<vmem>>, vector<16xf32>,
        %parallel_loop3A_214 = arith.constant 11 : i32
        %parallel_loop3A_215 = vector.broadcast %parallel_loop3A_214 : i32 to vector<16xi32>
        %parallel_loop3A_216 = arith.addi %parallel_loop3A_81, %parallel_loop3A_215 : vector<16xi32>
        %parallel_loop3A_217 = tpu.vector_load_idx %arg6[%parallel_loop3A_216] : memref<4160xf32, #tpu.memory_space<vmem>>[vector<16xi32>], vector<16xf32>,
        %parallel_loop3A_218 = arith.constant 16 : i32
        %parallel_loop3A_219 = arith.muli %parallel_loop3A_69, %parallel_loop3A_218 : i32
        %parallel_loop3A_220 = arith.constant 1 : i32
        %parallel_loop3A_221 = arith.constant 3 : i32
        %parallel_loop3A_222 = arith.index_cast %parallel_loop3A_220 : i32 to index
        %parallel_loop3A_223 = arith.index_cast %parallel_loop3A_221 : i32 to index
        %parallel_loop3A_224 = arith.index_cast %parallel_loop3A_219 : i32 to index
        %parallel_loop3A_225 = tpu.vector_load %arg8[%parallel_loop3A_222, %parallel_loop3A_223, %parallel_loop3A_224] {strides = array<i32>} : memref<8x8x128xf32, #tpu.memory_space<vmem>>, vector<16xf32>,
        tpu.vector_store %arg8[%parallel_loop3A_222, %parallel_loop3A_223, %parallel_loop3A_224], %parallel_loop3A_217 {strides = array<i32>} : memref<8x8x128xf32, #tpu.memory_space<vmem>>, vector<16xf32>,
        %parallel_loop3A_226 = arith.constant 12 : i32
        %parallel_loop3A_227 = vector.broadcast %parallel_loop3A_226 : i32 to vector<16xi32>
        %parallel_loop3A_228 = arith.addi %parallel_loop3A_81, %parallel_loop3A_227 : vector<16xi32>
        %parallel_loop3A_229 = tpu.vector_load_idx %arg6[%parallel_loop3A_228] : memref<4160xf32, #tpu.memory_space<vmem>>[vector<16xi32>], vector<16xf32>,
        %parallel_loop3A_230 = arith.constant 16 : i32
        %parallel_loop3A_231 = arith.muli %parallel_loop3A_69, %parallel_loop3A_230 : i32
        %parallel_loop3A_232 = arith.constant 1 : i32
        %parallel_loop3A_233 = arith.constant 4 : i32
        %parallel_loop3A_234 = arith.index_cast %parallel_loop3A_232 : i32 to index
        %parallel_loop3A_235 = arith.index_cast %parallel_loop3A_233 : i32 to index
        %parallel_loop3A_236 = arith.index_cast %parallel_loop3A_231 : i32 to index
        %parallel_loop3A_237 = tpu.vector_load %arg8[%parallel_loop3A_234, %parallel_loop3A_235, %parallel_loop3A_236] {strides = array<i32>} : memref<8x8x128xf32, #tpu.memory_space<vmem>>, vector<16xf32>,
        tpu.vector_store %arg8[%parallel_loop3A_234, %parallel_loop3A_235, %parallel_loop3A_236], %parallel_loop3A_229 {strides = array<i32>} : memref<8x8x128xf32, #tpu.memory_space<vmem>>, vector<16xf32>,
        %parallel_loop3A_238 = arith.constant 13 : i32
        %parallel_loop3A_239 = vector.broadcast %parallel_loop3A_238 : i32 to vector<16xi32>
        %parallel_loop3A_240 = arith.addi %parallel_loop3A_81, %parallel_loop3A_239 : vector<16xi32>
        %parallel_loop3A_241 = tpu.vector_load_idx %arg6[%parallel_loop3A_240] : memref<4160xf32, #tpu.memory_space<vmem>>[vector<16xi32>], vector<16xf32>,
        %parallel_loop3A_242 = arith.constant 16 : i32
        %parallel_loop3A_243 = arith.muli %parallel_loop3A_69, %parallel_loop3A_242 : i32
        %parallel_loop3A_244 = arith.constant 1 : i32
        %parallel_loop3A_245 = arith.constant 5 : i32
        %parallel_loop3A_246 = arith.index_cast %parallel_loop3A_244 : i32 to index
        %parallel_loop3A_247 = arith.index_cast %parallel_loop3A_245 : i32 to index
        %parallel_loop3A_248 = arith.index_cast %parallel_loop3A_243 : i32 to index
        %parallel_loop3A_249 = tpu.vector_load %arg8[%parallel_loop3A_246, %parallel_loop3A_247, %parallel_loop3A_248] {strides = array<i32>} : memref<8x8x128xf32, #tpu.memory_space<vmem>>, vector<16xf32>,
        tpu.vector_store %arg8[%parallel_loop3A_246, %parallel_loop3A_247, %parallel_loop3A_248], %parallel_loop3A_241 {strides = array<i32>} : memref<8x8x128xf32, #tpu.memory_space<vmem>>, vector<16xf32>,
        %parallel_loop3A_250 = arith.constant 14 : i32
        %parallel_loop3A_251 = vector.broadcast %parallel_loop3A_250 : i32 to vector<16xi32>
        %parallel_loop3A_252 = arith.addi %parallel_loop3A_81, %parallel_loop3A_251 : vector<16xi32>
        %parallel_loop3A_253 = tpu.vector_load_idx %arg6[%parallel_loop3A_252] : memref<4160xf32, #tpu.memory_space<vmem>>[vector<16xi32>], vector<16xf32>,
        %parallel_loop3A_254 = arith.constant 16 : i32
        %parallel_loop3A_255 = arith.muli %parallel_loop3A_69, %parallel_loop3A_254 : i32
        %parallel_loop3A_256 = arith.constant 1 : i32
        %parallel_loop3A_257 = arith.constant 6 : i32
        %parallel_loop3A_258 = arith.index_cast %parallel_loop3A_256 : i32 to index
        %parallel_loop3A_259 = arith.index_cast %parallel_loop3A_257 : i32 to index
        %parallel_loop3A_260 = arith.index_cast %parallel_loop3A_255 : i32 to index
        %parallel_loop3A_261 = tpu.vector_load %arg8[%parallel_loop3A_258, %parallel_loop3A_259, %parallel_loop3A_260] {strides = array<i32>} : memref<8x8x128xf32, #tpu.memory_space<vmem>>, vector<16xf32>,
        tpu.vector_store %arg8[%parallel_loop3A_258, %parallel_loop3A_259, %parallel_loop3A_260], %parallel_loop3A_253 {strides = array<i32>} : memref<8x8x128xf32, #tpu.memory_space<vmem>>, vector<16xf32>,
        %parallel_loop3A_262 = arith.constant 15 : i32
        %parallel_loop3A_263 = vector.broadcast %parallel_loop3A_262 : i32 to vector<16xi32>
        %parallel_loop3A_264 = arith.addi %parallel_loop3A_81, %parallel_loop3A_263 : vector<16xi32>
        %parallel_loop3A_265 = tpu.vector_load_idx %arg6[%parallel_loop3A_264] : memref<4160xf32, #tpu.memory_space<vmem>>[vector<16xi32>], vector<16xf32>,
        %parallel_loop3A_266 = arith.constant 16 : i32
        %parallel_loop3A_267 = arith.muli %parallel_loop3A_69, %parallel_loop3A_266 : i32
        %parallel_loop3A_268 = arith.constant 1 : i32
        %parallel_loop3A_269 = arith.constant 7 : i32
        %parallel_loop3A_270 = arith.index_cast %parallel_loop3A_268 : i32 to index
        %parallel_loop3A_271 = arith.index_cast %parallel_loop3A_269 : i32 to index
        %parallel_loop3A_272 = arith.index_cast %parallel_loop3A_267 : i32 to index
        %parallel_loop3A_273 = tpu.vector_load %arg8[%parallel_loop3A_270, %parallel_loop3A_271, %parallel_loop3A_272] {strides = array<i32>} : memref<8x8x128xf32, #tpu.memory_space<vmem>>, vector<16xf32>,
        tpu.vector_store %arg8[%parallel_loop3A_270, %parallel_loop3A_271, %parallel_loop3A_272], %parallel_loop3A_265 {strides = array<i32>} : memref<8x8x128xf32, #tpu.memory_space<vmem>>, vector<16xf32>,
        %parallel_loop3A_274 = arith.constant 16 : i32
        %parallel_loop3A_275 = vector.broadcast %parallel_loop3A_274 : i32 to vector<16xi32>
        %parallel_loop3A_276 = arith.addi %parallel_loop3A_81, %parallel_loop3A_275 : vector<16xi32>
        %parallel_loop3A_277 = tpu.vector_load_idx %arg6[%parallel_loop3A_276] : memref<4160xf32, #tpu.memory_space<vmem>>[vector<16xi32>], vector<16xf32>,
        %parallel_loop3A_278 = arith.constant 16 : i32
        %parallel_loop3A_279 = arith.muli %parallel_loop3A_69, %parallel_loop3A_278 : i32
        %parallel_loop3A_280 = arith.constant 2 : i32
        %parallel_loop3A_281 = arith.constant 0 : i32
        %parallel_loop3A_282 = arith.index_cast %parallel_loop3A_280 : i32 to index
        %parallel_loop3A_283 = arith.index_cast %parallel_loop3A_281 : i32 to index
        %parallel_loop3A_284 = arith.index_cast %parallel_loop3A_279 : i32 to index
        %parallel_loop3A_285 = tpu.vector_load %arg8[%parallel_loop3A_282, %parallel_loop3A_283, %parallel_loop3A_284] {strides = array<i32>} : memref<8x8x128xf32, #tpu.memory_space<vmem>>, vector<16xf32>,
        tpu.vector_store %arg8[%parallel_loop3A_282, %parallel_loop3A_283, %parallel_loop3A_284], %parallel_loop3A_277 {strides = array<i32>} : memref<8x8x128xf32, #tpu.memory_space<vmem>>, vector<16xf32>,
        %parallel_loop3A_286 = arith.constant 17 : i32
        %parallel_loop3A_287 = vector.broadcast %parallel_loop3A_286 : i32 to vector<16xi32>
        %parallel_loop3A_288 = arith.addi %parallel_loop3A_81, %parallel_loop3A_287 : vector<16xi32>
        %parallel_loop3A_289 = tpu.vector_load_idx %arg6[%parallel_loop3A_288] : memref<4160xf32, #tpu.memory_space<vmem>>[vector<16xi32>], vector<16xf32>,
        %parallel_loop3A_290 = arith.constant 16 : i32
        %parallel_loop3A_291 = arith.muli %parallel_loop3A_69, %parallel_loop3A_290 : i32
        %parallel_loop3A_292 = arith.constant 2 : i32
        %parallel_loop3A_293 = arith.constant 1 : i32
        %parallel_loop3A_294 = arith.index_cast %parallel_loop3A_292 : i32 to index
        %parallel_loop3A_295 = arith.index_cast %parallel_loop3A_293 : i32 to index
        %parallel_loop3A_296 = arith.index_cast %parallel_loop3A_291 : i32 to index
        %parallel_loop3A_297 = tpu.vector_load %arg8[%parallel_loop3A_294, %parallel_loop3A_295, %parallel_loop3A_296] {strides = array<i32>} : memref<8x8x128xf32, #tpu.memory_space<vmem>>, vector<16xf32>,
        tpu.vector_store %arg8[%parallel_loop3A_294, %parallel_loop3A_295, %parallel_loop3A_296], %parallel_loop3A_289 {strides = array<i32>} : memref<8x8x128xf32, #tpu.memory_space<vmem>>, vector<16xf32>,
        %parallel_loop3A_298 = arith.constant 18 : i32
        %parallel_loop3A_299 = vector.broadcast %parallel_loop3A_298 : i32 to vector<16xi32>
        %parallel_loop3A_300 = arith.addi %parallel_loop3A_81, %parallel_loop3A_299 : vector<16xi32>
        %parallel_loop3A_301 = tpu.vector_load_idx %arg6[%parallel_loop3A_300] : memref<4160xf32, #tpu.memory_space<vmem>>[vector<16xi32>], vector<16xf32>,
        %parallel_loop3A_302 = arith.constant 16 : i32
        %parallel_loop3A_303 = arith.muli %parallel_loop3A_69, %parallel_loop3A_302 : i32
        %parallel_loop3A_304 = arith.constant 2 : i32
        %parallel_loop3A_305 = arith.constant 2 : i32
        %parallel_loop3A_306 = arith.index_cast %parallel_loop3A_304 : i32 to index
        %parallel_loop3A_307 = arith.index_cast %parallel_loop3A_305 : i32 to index
        %parallel_loop3A_308 = arith.index_cast %parallel_loop3A_303 : i32 to index
        %parallel_loop3A_309 = tpu.vector_load %arg8[%parallel_loop3A_306, %parallel_loop3A_307, %parallel_loop3A_308] {strides = array<i32>} : memref<8x8x128xf32, #tpu.memory_space<vmem>>, vector<16xf32>,
        tpu.vector_store %arg8[%parallel_loop3A_306, %parallel_loop3A_307, %parallel_loop3A_308], %parallel_loop3A_301 {strides = array<i32>} : memref<8x8x128xf32, #tpu.memory_space<vmem>>, vector<16xf32>,
        %parallel_loop3A_310 = arith.constant 19 : i32
        %parallel_loop3A_311 = vector.broadcast %parallel_loop3A_310 : i32 to vector<16xi32>
        %parallel_loop3A_312 = arith.addi %parallel_loop3A_81, %parallel_loop3A_311 : vector<16xi32>
        %parallel_loop3A_313 = tpu.vector_load_idx %arg6[%parallel_loop3A_312] : memref<4160xf32, #tpu.memory_space<vmem>>[vector<16xi32>], vector<16xf32>,
        %parallel_loop3A_314 = arith.constant 16 : i32
        %parallel_loop3A_315 = arith.muli %parallel_loop3A_69, %parallel_loop3A_314 : i32
        %parallel_loop3A_316 = arith.constant 2 : i32
        %parallel_loop3A_317 = arith.constant 3 : i32
        %parallel_loop3A_318 = arith.index_cast %parallel_loop3A_316 : i32 to index
        %parallel_loop3A_319 = arith.index_cast %parallel_loop3A_317 : i32 to index
        %parallel_loop3A_320 = arith.index_cast %parallel_loop3A_315 : i32 to index
        %parallel_loop3A_321 = tpu.vector_load %arg8[%parallel_loop3A_318, %parallel_loop3A_319, %parallel_loop3A_320] {strides = array<i32>} : memref<8x8x128xf32, #tpu.memory_space<vmem>>, vector<16xf32>,
        tpu.vector_store %arg8[%parallel_loop3A_318, %parallel_loop3A_319, %parallel_loop3A_320], %parallel_loop3A_313 {strides = array<i32>} : memref<8x8x128xf32, #tpu.memory_space<vmem>>, vector<16xf32>,
        %parallel_loop3A_322 = arith.constant 20 : i32
        %parallel_loop3A_323 = vector.broadcast %parallel_loop3A_322 : i32 to vector<16xi32>
        %parallel_loop3A_324 = arith.addi %parallel_loop3A_81, %parallel_loop3A_323 : vector<16xi32>
        %parallel_loop3A_325 = tpu.vector_load_idx %arg6[%parallel_loop3A_324] : memref<4160xf32, #tpu.memory_space<vmem>>[vector<16xi32>], vector<16xf32>,
        %parallel_loop3A_326 = arith.constant 16 : i32
        %parallel_loop3A_327 = arith.muli %parallel_loop3A_69, %parallel_loop3A_326 : i32
        %parallel_loop3A_328 = arith.constant 2 : i32
        %parallel_loop3A_329 = arith.constant 4 : i32
        %parallel_loop3A_330 = arith.index_cast %parallel_loop3A_328 : i32 to index
        %parallel_loop3A_331 = arith.index_cast %parallel_loop3A_329 : i32 to index
        %parallel_loop3A_332 = arith.index_cast %parallel_loop3A_327 : i32 to index
        %parallel_loop3A_333 = tpu.vector_load %arg8[%parallel_loop3A_330, %parallel_loop3A_331, %parallel_loop3A_332] {strides = array<i32>} : memref<8x8x128xf32, #tpu.memory_space<vmem>>, vector<16xf32>,
        tpu.vector_store %arg8[%parallel_loop3A_330, %parallel_loop3A_331, %parallel_loop3A_332], %parallel_loop3A_325 {strides = array<i32>} : memref<8x8x128xf32, #tpu.memory_space<vmem>>, vector<16xf32>,
        %parallel_loop3A_334 = arith.constant 21 : i32
        %parallel_loop3A_335 = vector.broadcast %parallel_loop3A_334 : i32 to vector<16xi32>
        %parallel_loop3A_336 = arith.addi %parallel_loop3A_81, %parallel_loop3A_335 : vector<16xi32>
        %parallel_loop3A_337 = tpu.vector_load_idx %arg6[%parallel_loop3A_336] : memref<4160xf32, #tpu.memory_space<vmem>>[vector<16xi32>], vector<16xf32>,
        %parallel_loop3A_338 = arith.constant 16 : i32
        %parallel_loop3A_339 = arith.muli %parallel_loop3A_69, %parallel_loop3A_338 : i32
        %parallel_loop3A_340 = arith.constant 2 : i32
        %parallel_loop3A_341 = arith.constant 5 : i32
        %parallel_loop3A_342 = arith.index_cast %parallel_loop3A_340 : i32 to index
        %parallel_loop3A_343 = arith.index_cast %parallel_loop3A_341 : i32 to index
        %parallel_loop3A_344 = arith.index_cast %parallel_loop3A_339 : i32 to index
        %parallel_loop3A_345 = tpu.vector_load %arg8[%parallel_loop3A_342, %parallel_loop3A_343, %parallel_loop3A_344] {strides = array<i32>} : memref<8x8x128xf32, #tpu.memory_space<vmem>>, vector<16xf32>,
        tpu.vector_store %arg8[%parallel_loop3A_342, %parallel_loop3A_343, %parallel_loop3A_344], %parallel_loop3A_337 {strides = array<i32>} : memref<8x8x128xf32, #tpu.memory_space<vmem>>, vector<16xf32>,
        %parallel_loop3A_346 = arith.constant 22 : i32
        %parallel_loop3A_347 = vector.broadcast %parallel_loop3A_346 : i32 to vector<16xi32>
        %parallel_loop3A_348 = arith.addi %parallel_loop3A_81, %parallel_loop3A_347 : vector<16xi32>
        %parallel_loop3A_349 = tpu.vector_load_idx %arg6[%parallel_loop3A_348] : memref<4160xf32, #tpu.memory_space<vmem>>[vector<16xi32>], vector<16xf32>,
        %parallel_loop3A_350 = arith.constant 16 : i32
        %parallel_loop3A_351 = arith.muli %parallel_loop3A_69, %parallel_loop3A_350 : i32
        %parallel_loop3A_352 = arith.constant 2 : i32
        %parallel_loop3A_353 = arith.constant 6 : i32
        %parallel_loop3A_354 = arith.index_cast %parallel_loop3A_352 : i32 to index
        %parallel_loop3A_355 = arith.index_cast %parallel_loop3A_353 : i32 to index
        %parallel_loop3A_356 = arith.index_cast %parallel_loop3A_351 : i32 to index
        %parallel_loop3A_357 = tpu.vector_load %arg8[%parallel_loop3A_354, %parallel_loop3A_355, %parallel_loop3A_356] {strides = array<i32>} : memref<8x8x128xf32, #tpu.memory_space<vmem>>, vector<16xf32>,
        tpu.vector_store %arg8[%parallel_loop3A_354, %parallel_loop3A_355, %parallel_loop3A_356], %parallel_loop3A_349 {strides = array<i32>} : memref<8x8x128xf32, #tpu.memory_space<vmem>>, vector<16xf32>,
        %parallel_loop3A_358 = arith.constant 23 : i32
        %parallel_loop3A_359 = vector.broadcast %parallel_loop3A_358 : i32 to vector<16xi32>
        %parallel_loop3A_360 = arith.addi %parallel_loop3A_81, %parallel_loop3A_359 : vector<16xi32>
        %parallel_loop3A_361 = tpu.vector_load_idx %arg6[%parallel_loop3A_360] : memref<4160xf32, #tpu.memory_space<vmem>>[vector<16xi32>], vector<16xf32>,
        %parallel_loop3A_362 = arith.constant 16 : i32
        %parallel_loop3A_363 = arith.muli %parallel_loop3A_69, %parallel_loop3A_362 : i32
        %parallel_loop3A_364 = arith.constant 2 : i32
        %parallel_loop3A_365 = arith.constant 7 : i32
        %parallel_loop3A_366 = arith.index_cast %parallel_loop3A_364 : i32 to index
        %parallel_loop3A_367 = arith.index_cast %parallel_loop3A_365 : i32 to index
        %parallel_loop3A_368 = arith.index_cast %parallel_loop3A_363 : i32 to index
        %parallel_loop3A_369 = tpu.vector_load %arg8[%parallel_loop3A_366, %parallel_loop3A_367, %parallel_loop3A_368] {strides = array<i32>} : memref<8x8x128xf32, #tpu.memory_space<vmem>>, vector<16xf32>,
        tpu.vector_store %arg8[%parallel_loop3A_366, %parallel_loop3A_367, %parallel_loop3A_368], %parallel_loop3A_361 {strides = array<i32>} : memref<8x8x128xf32, #tpu.memory_space<vmem>>, vector<16xf32>,
        %parallel_loop3A_370 = arith.constant 24 : i32
        %parallel_loop3A_371 = vector.broadcast %parallel_loop3A_370 : i32 to vector<16xi32>
        %parallel_loop3A_372 = arith.addi %parallel_loop3A_81, %parallel_loop3A_371 : vector<16xi32>
        %parallel_loop3A_373 = tpu.vector_load_idx %arg6[%parallel_loop3A_372] : memref<4160xf32, #tpu.memory_space<vmem>>[vector<16xi32>], vector<16xf32>,
        %parallel_loop3A_374 = arith.constant 16 : i32
        %parallel_loop3A_375 = arith.muli %parallel_loop3A_69, %parallel_loop3A_374 : i32
        %parallel_loop3A_376 = arith.constant 3 : i32
        %parallel_loop3A_377 = arith.constant 0 : i32
        %parallel_loop3A_378 = arith.index_cast %parallel_loop3A_376 : i32 to index
        %parallel_loop3A_379 = arith.index_cast %parallel_loop3A_377 : i32 to index
        %parallel_loop3A_380 = arith.index_cast %parallel_loop3A_375 : i32 to index
        %parallel_loop3A_381 = tpu.vector_load %arg8[%parallel_loop3A_378, %parallel_loop3A_379, %parallel_loop3A_380] {strides = array<i32>} : memref<8x8x128xf32, #tpu.memory_space<vmem>>, vector<16xf32>,
        tpu.vector_store %arg8[%parallel_loop3A_378, %parallel_loop3A_379, %parallel_loop3A_380], %parallel_loop3A_373 {strides = array<i32>} : memref<8x8x128xf32, #tpu.memory_space<vmem>>, vector<16xf32>,
        %parallel_loop3A_382 = arith.constant 25 : i32
        %parallel_loop3A_383 = vector.broadcast %parallel_loop3A_382 : i32 to vector<16xi32>
        %parallel_loop3A_384 = arith.addi %parallel_loop3A_81, %parallel_loop3A_383 : vector<16xi32>
        %parallel_loop3A_385 = tpu.vector_load_idx %arg6[%parallel_loop3A_384] : memref<4160xf32, #tpu.memory_space<vmem>>[vector<16xi32>], vector<16xf32>,
        %parallel_loop3A_386 = arith.constant 16 : i32
        %parallel_loop3A_387 = arith.muli %parallel_loop3A_69, %parallel_loop3A_386 : i32
        %parallel_loop3A_388 = arith.constant 3 : i32
        %parallel_loop3A_389 = arith.constant 1 : i32
        %parallel_loop3A_390 = arith.index_cast %parallel_loop3A_388 : i32 to index
        %parallel_loop3A_391 = arith.index_cast %parallel_loop3A_389 : i32 to index
        %parallel_loop3A_392 = arith.index_cast %parallel_loop3A_387 : i32 to index
        %parallel_loop3A_393 = tpu.vector_load %arg8[%parallel_loop3A_390, %parallel_loop3A_391, %parallel_loop3A_392] {strides = array<i32>} : memref<8x8x128xf32, #tpu.memory_space<vmem>>, vector<16xf32>,
        tpu.vector_store %arg8[%parallel_loop3A_390, %parallel_loop3A_391, %parallel_loop3A_392], %parallel_loop3A_385 {strides = array<i32>} : memref<8x8x128xf32, #tpu.memory_space<vmem>>, vector<16xf32>,
        %parallel_loop3A_394 = arith.constant 26 : i32
        %parallel_loop3A_395 = vector.broadcast %parallel_loop3A_394 : i32 to vector<16xi32>
        %parallel_loop3A_396 = arith.addi %parallel_loop3A_81, %parallel_loop3A_395 : vector<16xi32>
        %parallel_loop3A_397 = tpu.vector_load_idx %arg6[%parallel_loop3A_396] : memref<4160xf32, #tpu.memory_space<vmem>>[vector<16xi32>], vector<16xf32>,
        %parallel_loop3A_398 = arith.constant 16 : i32
        %parallel_loop3A_399 = arith.muli %parallel_loop3A_69, %parallel_loop3A_398 : i32
        %parallel_loop3A_400 = arith.constant 3 : i32
        %parallel_loop3A_401 = arith.constant 2 : i32
        %parallel_loop3A_402 = arith.index_cast %parallel_loop3A_400 : i32 to index
        %parallel_loop3A_403 = arith.index_cast %parallel_loop3A_401 : i32 to index
        %parallel_loop3A_404 = arith.index_cast %parallel_loop3A_399 : i32 to index
        %parallel_loop3A_405 = tpu.vector_load %arg8[%parallel_loop3A_402, %parallel_loop3A_403, %parallel_loop3A_404] {strides = array<i32>} : memref<8x8x128xf32, #tpu.memory_space<vmem>>, vector<16xf32>,
        tpu.vector_store %arg8[%parallel_loop3A_402, %parallel_loop3A_403, %parallel_loop3A_404], %parallel_loop3A_397 {strides = array<i32>} : memref<8x8x128xf32, #tpu.memory_space<vmem>>, vector<16xf32>,
        %parallel_loop3A_406 = arith.constant 27 : i32
        %parallel_loop3A_407 = vector.broadcast %parallel_loop3A_406 : i32 to vector<16xi32>
        %parallel_loop3A_408 = arith.addi %parallel_loop3A_81, %parallel_loop3A_407 : vector<16xi32>
        %parallel_loop3A_409 = tpu.vector_load_idx %arg6[%parallel_loop3A_408] : memref<4160xf32, #tpu.memory_space<vmem>>[vector<16xi32>], vector<16xf32>,
        %parallel_loop3A_410 = arith.constant 16 : i32
        %parallel_loop3A_411 = arith.muli %parallel_loop3A_69, %parallel_loop3A_410 : i32
        %parallel_loop3A_412 = arith.constant 3 : i32
        %parallel_loop3A_413 = arith.constant 3 : i32
        %parallel_loop3A_414 = arith.index_cast %parallel_loop3A_412 : i32 to index
        %parallel_loop3A_415 = arith.index_cast %parallel_loop3A_413 : i32 to index
        %parallel_loop3A_416 = arith.index_cast %parallel_loop3A_411 : i32 to index
        %parallel_loop3A_417 = tpu.vector_load %arg8[%parallel_loop3A_414, %parallel_loop3A_415, %parallel_loop3A_416] {strides = array<i32>} : memref<8x8x128xf32, #tpu.memory_space<vmem>>, vector<16xf32>,
        tpu.vector_store %arg8[%parallel_loop3A_414, %parallel_loop3A_415, %parallel_loop3A_416], %parallel_loop3A_409 {strides = array<i32>} : memref<8x8x128xf32, #tpu.memory_space<vmem>>, vector<16xf32>,
        %parallel_loop3A_418 = arith.constant 28 : i32
        %parallel_loop3A_419 = vector.broadcast %parallel_loop3A_418 : i32 to vector<16xi32>
        %parallel_loop3A_420 = arith.addi %parallel_loop3A_81, %parallel_loop3A_419 : vector<16xi32>
        %parallel_loop3A_421 = tpu.vector_load_idx %arg6[%parallel_loop3A_420] : memref<4160xf32, #tpu.memory_space<vmem>>[vector<16xi32>], vector<16xf32>,
        %parallel_loop3A_422 = arith.constant 16 : i32
        %parallel_loop3A_423 = arith.muli %parallel_loop3A_69, %parallel_loop3A_422 : i32
        %parallel_loop3A_424 = arith.constant 3 : i32
        %parallel_loop3A_425 = arith.constant 4 : i32
        %parallel_loop3A_426 = arith.index_cast %parallel_loop3A_424 : i32 to index
        %parallel_loop3A_427 = arith.index_cast %parallel_loop3A_425 : i32 to index
        %parallel_loop3A_428 = arith.index_cast %parallel_loop3A_423 : i32 to index
        %parallel_loop3A_429 = tpu.vector_load %arg8[%parallel_loop3A_426, %parallel_loop3A_427, %parallel_loop3A_428] {strides = array<i32>} : memref<8x8x128xf32, #tpu.memory_space<vmem>>, vector<16xf32>,
        tpu.vector_store %arg8[%parallel_loop3A_426, %parallel_loop3A_427, %parallel_loop3A_428], %parallel_loop3A_421 {strides = array<i32>} : memref<8x8x128xf32, #tpu.memory_space<vmem>>, vector<16xf32>,
        %parallel_loop3A_430 = arith.constant 29 : i32
        %parallel_loop3A_431 = vector.broadcast %parallel_loop3A_430 : i32 to vector<16xi32>
        %parallel_loop3A_432 = arith.addi %parallel_loop3A_81, %parallel_loop3A_431 : vector<16xi32>
        %parallel_loop3A_433 = tpu.vector_load_idx %arg6[%parallel_loop3A_432] : memref<4160xf32, #tpu.memory_space<vmem>>[vector<16xi32>], vector<16xf32>,
        %parallel_loop3A_434 = arith.constant 16 : i32
        %parallel_loop3A_435 = arith.muli %parallel_loop3A_69, %parallel_loop3A_434 : i32
        %parallel_loop3A_436 = arith.constant 3 : i32
        %parallel_loop3A_437 = arith.constant 5 : i32
        %parallel_loop3A_438 = arith.index_cast %parallel_loop3A_436 : i32 to index
        %parallel_loop3A_439 = arith.index_cast %parallel_loop3A_437 : i32 to index
        %parallel_loop3A_440 = arith.index_cast %parallel_loop3A_435 : i32 to index
        %parallel_loop3A_441 = tpu.vector_load %arg8[%parallel_loop3A_438, %parallel_loop3A_439, %parallel_loop3A_440] {strides = array<i32>} : memref<8x8x128xf32, #tpu.memory_space<vmem>>, vector<16xf32>,
        tpu.vector_store %arg8[%parallel_loop3A_438, %parallel_loop3A_439, %parallel_loop3A_440], %parallel_loop3A_433 {strides = array<i32>} : memref<8x8x128xf32, #tpu.memory_space<vmem>>, vector<16xf32>,
        %parallel_loop3A_442 = arith.constant 30 : i32
        %parallel_loop3A_443 = vector.broadcast %parallel_loop3A_442 : i32 to vector<16xi32>
        %parallel_loop3A_444 = arith.addi %parallel_loop3A_81, %parallel_loop3A_443 : vector<16xi32>
        %parallel_loop3A_445 = tpu.vector_load_idx %arg6[%parallel_loop3A_444] : memref<4160xf32, #tpu.memory_space<vmem>>[vector<16xi32>], vector<16xf32>,
        %parallel_loop3A_446 = arith.constant 16 : i32
        %parallel_loop3A_447 = arith.muli %parallel_loop3A_69, %parallel_loop3A_446 : i32
        %parallel_loop3A_448 = arith.constant 3 : i32
        %parallel_loop3A_449 = arith.constant 6 : i32
        %parallel_loop3A_450 = arith.index_cast %parallel_loop3A_448 : i32 to index
        %parallel_loop3A_451 = arith.index_cast %parallel_loop3A_449 : i32 to index
        %parallel_loop3A_452 = arith.index_cast %parallel_loop3A_447 : i32 to index
        %parallel_loop3A_453 = tpu.vector_load %arg8[%parallel_loop3A_450, %parallel_loop3A_451, %parallel_loop3A_452] {strides = array<i32>} : memref<8x8x128xf32, #tpu.memory_space<vmem>>, vector<16xf32>,
        tpu.vector_store %arg8[%parallel_loop3A_450, %parallel_loop3A_451, %parallel_loop3A_452], %parallel_loop3A_445 {strides = array<i32>} : memref<8x8x128xf32, #tpu.memory_space<vmem>>, vector<16xf32>,
        %parallel_loop3A_454 = arith.constant 31 : i32
        %parallel_loop3A_455 = vector.broadcast %parallel_loop3A_454 : i32 to vector<16xi32>
        %parallel_loop3A_456 = arith.addi %parallel_loop3A_81, %parallel_loop3A_455 : vector<16xi32>
        %parallel_loop3A_457 = tpu.vector_load_idx %arg6[%parallel_loop3A_456] : memref<4160xf32, #tpu.memory_space<vmem>>[vector<16xi32>], vector<16xf32>,
        %parallel_loop3A_458 = arith.constant 16 : i32
        %parallel_loop3A_459 = arith.muli %parallel_loop3A_69, %parallel_loop3A_458 : i32
        %parallel_loop3A_460 = arith.constant 3 : i32
        %parallel_loop3A_461 = arith.constant 7 : i32
        %parallel_loop3A_462 = arith.index_cast %parallel_loop3A_460 : i32 to index
        %parallel_loop3A_463 = arith.index_cast %parallel_loop3A_461 : i32 to index
        %parallel_loop3A_464 = arith.index_cast %parallel_loop3A_459 : i32 to index
        %parallel_loop3A_465 = tpu.vector_load %arg8[%parallel_loop3A_462, %parallel_loop3A_463, %parallel_loop3A_464] {strides = array<i32>} : memref<8x8x128xf32, #tpu.memory_space<vmem>>, vector<16xf32>,
        tpu.vector_store %arg8[%parallel_loop3A_462, %parallel_loop3A_463, %parallel_loop3A_464], %parallel_loop3A_457 {strides = array<i32>} : memref<8x8x128xf32, #tpu.memory_space<vmem>>, vector<16xf32>,
        %parallel_loop3A_466 = arith.constant 32 : i32
        %parallel_loop3A_467 = vector.broadcast %parallel_loop3A_466 : i32 to vector<16xi32>
        %parallel_loop3A_468 = arith.addi %parallel_loop3A_81, %parallel_loop3A_467 : vector<16xi32>
        %parallel_loop3A_469 = tpu.vector_load_idx %arg6[%parallel_loop3A_468] : memref<4160xf32, #tpu.memory_space<vmem>>[vector<16xi32>], vector<16xf32>,
        %parallel_loop3A_470 = arith.constant 16 : i32
        %parallel_loop3A_471 = arith.muli %parallel_loop3A_69, %parallel_loop3A_470 : i32
        %parallel_loop3A_472 = arith.constant 4 : i32
        %parallel_loop3A_473 = arith.constant 0 : i32
        %parallel_loop3A_474 = arith.index_cast %parallel_loop3A_472 : i32 to index
        %parallel_loop3A_475 = arith.index_cast %parallel_loop3A_473 : i32 to index
        %parallel_loop3A_476 = arith.index_cast %parallel_loop3A_471 : i32 to index
        %parallel_loop3A_477 = tpu.vector_load %arg8[%parallel_loop3A_474, %parallel_loop3A_475, %parallel_loop3A_476] {strides = array<i32>} : memref<8x8x128xf32, #tpu.memory_space<vmem>>, vector<16xf32>,
        tpu.vector_store %arg8[%parallel_loop3A_474, %parallel_loop3A_475, %parallel_loop3A_476], %parallel_loop3A_469 {strides = array<i32>} : memref<8x8x128xf32, #tpu.memory_space<vmem>>, vector<16xf32>,
        %parallel_loop3A_478 = arith.constant 33 : i32
        %parallel_loop3A_479 = vector.broadcast %parallel_loop3A_478 : i32 to vector<16xi32>
        %parallel_loop3A_480 = arith.addi %parallel_loop3A_81, %parallel_loop3A_479 : vector<16xi32>
        %parallel_loop3A_481 = tpu.vector_load_idx %arg6[%parallel_loop3A_480] : memref<4160xf32, #tpu.memory_space<vmem>>[vector<16xi32>], vector<16xf32>,
        %parallel_loop3A_482 = arith.constant 16 : i32
        %parallel_loop3A_483 = arith.muli %parallel_loop3A_69, %parallel_loop3A_482 : i32
        %parallel_loop3A_484 = arith.constant 4 : i32
        %parallel_loop3A_485 = arith.constant 1 : i32
        %parallel_loop3A_486 = arith.index_cast %parallel_loop3A_484 : i32 to index
        %parallel_loop3A_487 = arith.index_cast %parallel_loop3A_485 : i32 to index
        %parallel_loop3A_488 = arith.index_cast %parallel_loop3A_483 : i32 to index
        %parallel_loop3A_489 = tpu.vector_load %arg8[%parallel_loop3A_486, %parallel_loop3A_487, %parallel_loop3A_488] {strides = array<i32>} : memref<8x8x128xf32, #tpu.memory_space<vmem>>, vector<16xf32>,
        tpu.vector_store %arg8[%parallel_loop3A_486, %parallel_loop3A_487, %parallel_loop3A_488], %parallel_loop3A_481 {strides = array<i32>} : memref<8x8x128xf32, #tpu.memory_space<vmem>>, vector<16xf32>,
        %parallel_loop3A_490 = arith.constant 34 : i32
        %parallel_loop3A_491 = vector.broadcast %parallel_loop3A_490 : i32 to vector<16xi32>
        %parallel_loop3A_492 = arith.addi %parallel_loop3A_81, %parallel_loop3A_491 : vector<16xi32>
        %parallel_loop3A_493 = tpu.vector_load_idx %arg6[%parallel_loop3A_492] : memref<4160xf32, #tpu.memory_space<vmem>>[vector<16xi32>], vector<16xf32>,
        %parallel_loop3A_494 = arith.constant 16 : i32
        %parallel_loop3A_495 = arith.muli %parallel_loop3A_69, %parallel_loop3A_494 : i32
        %parallel_loop3A_496 = arith.constant 4 : i32
        %parallel_loop3A_497 = arith.constant 2 : i32
        %parallel_loop3A_498 = arith.index_cast %parallel_loop3A_496 : i32 to index
        %parallel_loop3A_499 = arith.index_cast %parallel_loop3A_497 : i32 to index
        %parallel_loop3A_500 = arith.index_cast %parallel_loop3A_495 : i32 to index
        %parallel_loop3A_501 = tpu.vector_load %arg8[%parallel_loop3A_498, %parallel_loop3A_499, %parallel_loop3A_500] {strides = array<i32>} : memref<8x8x128xf32, #tpu.memory_space<vmem>>, vector<16xf32>,
        tpu.vector_store %arg8[%parallel_loop3A_498, %parallel_loop3A_499, %parallel_loop3A_500], %parallel_loop3A_493 {strides = array<i32>} : memref<8x8x128xf32, #tpu.memory_space<vmem>>, vector<16xf32>,
        %parallel_loop3A_502 = arith.constant 35 : i32
        %parallel_loop3A_503 = vector.broadcast %parallel_loop3A_502 : i32 to vector<16xi32>
        %parallel_loop3A_504 = arith.addi %parallel_loop3A_81, %parallel_loop3A_503 : vector<16xi32>
        %parallel_loop3A_505 = tpu.vector_load_idx %arg6[%parallel_loop3A_504] : memref<4160xf32, #tpu.memory_space<vmem>>[vector<16xi32>], vector<16xf32>,
        %parallel_loop3A_506 = arith.constant 16 : i32
        %parallel_loop3A_507 = arith.muli %parallel_loop3A_69, %parallel_loop3A_506 : i32
        %parallel_loop3A_508 = arith.constant 4 : i32
        %parallel_loop3A_509 = arith.constant 3 : i32
        %parallel_loop3A_510 = arith.index_cast %parallel_loop3A_508 : i32 to index
        %parallel_loop3A_511 = arith.index_cast %parallel_loop3A_509 : i32 to index
        %parallel_loop3A_512 = arith.index_cast %parallel_loop3A_507 : i32 to index
        %parallel_loop3A_513 = tpu.vector_load %arg8[%parallel_loop3A_510, %parallel_loop3A_511, %parallel_loop3A_512] {strides = array<i32>} : memref<8x8x128xf32, #tpu.memory_space<vmem>>, vector<16xf32>,
        tpu.vector_store %arg8[%parallel_loop3A_510, %parallel_loop3A_511, %parallel_loop3A_512], %parallel_loop3A_505 {strides = array<i32>} : memref<8x8x128xf32, #tpu.memory_space<vmem>>, vector<16xf32>,
        %parallel_loop3A_514 = arith.constant 36 : i32
        %parallel_loop3A_515 = vector.broadcast %parallel_loop3A_514 : i32 to vector<16xi32>
        %parallel_loop3A_516 = arith.addi %parallel_loop3A_81, %parallel_loop3A_515 : vector<16xi32>
        %parallel_loop3A_517 = tpu.vector_load_idx %arg6[%parallel_loop3A_516] : memref<4160xf32, #tpu.memory_space<vmem>>[vector<16xi32>], vector<16xf32>,
        %parallel_loop3A_518 = arith.constant 16 : i32
        %parallel_loop3A_519 = arith.muli %parallel_loop3A_69, %parallel_loop3A_518 : i32
        %parallel_loop3A_520 = arith.constant 4 : i32
        %parallel_loop3A_521 = arith.constant 4 : i32
        %parallel_loop3A_522 = arith.index_cast %parallel_loop3A_520 : i32 to index
        %parallel_loop3A_523 = arith.index_cast %parallel_loop3A_521 : i32 to index
        %parallel_loop3A_524 = arith.index_cast %parallel_loop3A_519 : i32 to index
        %parallel_loop3A_525 = tpu.vector_load %arg8[%parallel_loop3A_522, %parallel_loop3A_523, %parallel_loop3A_524] {strides = array<i32>} : memref<8x8x128xf32, #tpu.memory_space<vmem>>, vector<16xf32>,
        tpu.vector_store %arg8[%parallel_loop3A_522, %parallel_loop3A_523, %parallel_loop3A_524], %parallel_loop3A_517 {strides = array<i32>} : memref<8x8x128xf32, #tpu.memory_space<vmem>>, vector<16xf32>,
        %parallel_loop3A_526 = arith.constant 37 : i32
        %parallel_loop3A_527 = vector.broadcast %parallel_loop3A_526 : i32 to vector<16xi32>
        %parallel_loop3A_528 = arith.addi %parallel_loop3A_81, %parallel_loop3A_527 : vector<16xi32>
        %parallel_loop3A_529 = tpu.vector_load_idx %arg6[%parallel_loop3A_528] : memref<4160xf32, #tpu.memory_space<vmem>>[vector<16xi32>], vector<16xf32>,
        %parallel_loop3A_530 = arith.constant 16 : i32
        %parallel_loop3A_531 = arith.muli %parallel_loop3A_69, %parallel_loop3A_530 : i32
        %parallel_loop3A_532 = arith.constant 4 : i32
        %parallel_loop3A_533 = arith.constant 5 : i32
        %parallel_loop3A_534 = arith.index_cast %parallel_loop3A_532 : i32 to index
        %parallel_loop3A_535 = arith.index_cast %parallel_loop3A_533 : i32 to index
        %parallel_loop3A_536 = arith.index_cast %parallel_loop3A_531 : i32 to index
        %parallel_loop3A_537 = tpu.vector_load %arg8[%parallel_loop3A_534, %parallel_loop3A_535, %parallel_loop3A_536] {strides = array<i32>} : memref<8x8x128xf32, #tpu.memory_space<vmem>>, vector<16xf32>,
        tpu.vector_store %arg8[%parallel_loop3A_534, %parallel_loop3A_535, %parallel_loop3A_536], %parallel_loop3A_529 {strides = array<i32>} : memref<8x8x128xf32, #tpu.memory_space<vmem>>, vector<16xf32>,
        %parallel_loop3A_538 = arith.constant 38 : i32
        %parallel_loop3A_539 = vector.broadcast %parallel_loop3A_538 : i32 to vector<16xi32>
        %parallel_loop3A_540 = arith.addi %parallel_loop3A_81, %parallel_loop3A_539 : vector<16xi32>
        %parallel_loop3A_541 = tpu.vector_load_idx %arg6[%parallel_loop3A_540] : memref<4160xf32, #tpu.memory_space<vmem>>[vector<16xi32>], vector<16xf32>,
        %parallel_loop3A_542 = arith.constant 16 : i32
        %parallel_loop3A_543 = arith.muli %parallel_loop3A_69, %parallel_loop3A_542 : i32
        %parallel_loop3A_544 = arith.constant 4 : i32
        %parallel_loop3A_545 = arith.constant 6 : i32
        %parallel_loop3A_546 = arith.index_cast %parallel_loop3A_544 : i32 to index
        %parallel_loop3A_547 = arith.index_cast %parallel_loop3A_545 : i32 to index
        %parallel_loop3A_548 = arith.index_cast %parallel_loop3A_543 : i32 to index
        %parallel_loop3A_549 = tpu.vector_load %arg8[%parallel_loop3A_546, %parallel_loop3A_547, %parallel_loop3A_548] {strides = array<i32>} : memref<8x8x128xf32, #tpu.memory_space<vmem>>, vector<16xf32>,
        tpu.vector_store %arg8[%parallel_loop3A_546, %parallel_loop3A_547, %parallel_loop3A_548], %parallel_loop3A_541 {strides = array<i32>} : memref<8x8x128xf32, #tpu.memory_space<vmem>>, vector<16xf32>,
        %parallel_loop3A_550 = arith.constant 39 : i32
        %parallel_loop3A_551 = vector.broadcast %parallel_loop3A_550 : i32 to vector<16xi32>
        %parallel_loop3A_552 = arith.addi %parallel_loop3A_81, %parallel_loop3A_551 : vector<16xi32>
        %parallel_loop3A_553 = tpu.vector_load_idx %arg6[%parallel_loop3A_552] : memref<4160xf32, #tpu.memory_space<vmem>>[vector<16xi32>], vector<16xf32>,
        %parallel_loop3A_554 = arith.constant 16 : i32
        %parallel_loop3A_555 = arith.muli %parallel_loop3A_69, %parallel_loop3A_554 : i32
        %parallel_loop3A_556 = arith.constant 4 : i32
        %parallel_loop3A_557 = arith.constant 7 : i32
        %parallel_loop3A_558 = arith.index_cast %parallel_loop3A_556 : i32 to index
        %parallel_loop3A_559 = arith.index_cast %parallel_loop3A_557 : i32 to index
        %parallel_loop3A_560 = arith.index_cast %parallel_loop3A_555 : i32 to index
        %parallel_loop3A_561 = tpu.vector_load %arg8[%parallel_loop3A_558, %parallel_loop3A_559, %parallel_loop3A_560] {strides = array<i32>} : memref<8x8x128xf32, #tpu.memory_space<vmem>>, vector<16xf32>,
        tpu.vector_store %arg8[%parallel_loop3A_558, %parallel_loop3A_559, %parallel_loop3A_560], %parallel_loop3A_553 {strides = array<i32>} : memref<8x8x128xf32, #tpu.memory_space<vmem>>, vector<16xf32>,
        %parallel_loop3A_562 = arith.constant 40 : i32
        %parallel_loop3A_563 = vector.broadcast %parallel_loop3A_562 : i32 to vector<16xi32>
        %parallel_loop3A_564 = arith.addi %parallel_loop3A_81, %parallel_loop3A_563 : vector<16xi32>
        %parallel_loop3A_565 = tpu.vector_load_idx %arg6[%parallel_loop3A_564] : memref<4160xf32, #tpu.memory_space<vmem>>[vector<16xi32>], vector<16xf32>,
        %parallel_loop3A_566 = arith.constant 16 : i32
        %parallel_loop3A_567 = arith.muli %parallel_loop3A_69, %parallel_loop3A_566 : i32
        %parallel_loop3A_568 = arith.constant 5 : i32
        %parallel_loop3A_569 = arith.constant 0 : i32
        %parallel_loop3A_570 = arith.index_cast %parallel_loop3A_568 : i32 to index
        %parallel_loop3A_571 = arith.index_cast %parallel_loop3A_569 : i32 to index
        %parallel_loop3A_572 = arith.index_cast %parallel_loop3A_567 : i32 to index
        %parallel_loop3A_573 = tpu.vector_load %arg8[%parallel_loop3A_570, %parallel_loop3A_571, %parallel_loop3A_572] {strides = array<i32>} : memref<8x8x128xf32, #tpu.memory_space<vmem>>, vector<16xf32>,
        tpu.vector_store %arg8[%parallel_loop3A_570, %parallel_loop3A_571, %parallel_loop3A_572], %parallel_loop3A_565 {strides = array<i32>} : memref<8x8x128xf32, #tpu.memory_space<vmem>>, vector<16xf32>,
        %parallel_loop3A_574 = arith.constant 41 : i32
        %parallel_loop3A_575 = vector.broadcast %parallel_loop3A_574 : i32 to vector<16xi32>
        %parallel_loop3A_576 = arith.addi %parallel_loop3A_81, %parallel_loop3A_575 : vector<16xi32>
        %parallel_loop3A_577 = tpu.vector_load_idx %arg6[%parallel_loop3A_576] : memref<4160xf32, #tpu.memory_space<vmem>>[vector<16xi32>], vector<16xf32>,
        %parallel_loop3A_578 = arith.constant 16 : i32
        %parallel_loop3A_579 = arith.muli %parallel_loop3A_69, %parallel_loop3A_578 : i32
        %parallel_loop3A_580 = arith.constant 5 : i32
        %parallel_loop3A_581 = arith.constant 1 : i32
        %parallel_loop3A_582 = arith.index_cast %parallel_loop3A_580 : i32 to index
        %parallel_loop3A_583 = arith.index_cast %parallel_loop3A_581 : i32 to index
        %parallel_loop3A_584 = arith.index_cast %parallel_loop3A_579 : i32 to index
        %parallel_loop3A_585 = tpu.vector_load %arg8[%parallel_loop3A_582, %parallel_loop3A_583, %parallel_loop3A_584] {strides = array<i32>} : memref<8x8x128xf32, #tpu.memory_space<vmem>>, vector<16xf32>,
        tpu.vector_store %arg8[%parallel_loop3A_582, %parallel_loop3A_583, %parallel_loop3A_584], %parallel_loop3A_577 {strides = array<i32>} : memref<8x8x128xf32, #tpu.memory_space<vmem>>, vector<16xf32>,
        %parallel_loop3A_586 = arith.constant 42 : i32
        %parallel_loop3A_587 = vector.broadcast %parallel_loop3A_586 : i32 to vector<16xi32>
        %parallel_loop3A_588 = arith.addi %parallel_loop3A_81, %parallel_loop3A_587 : vector<16xi32>
        %parallel_loop3A_589 = tpu.vector_load_idx %arg6[%parallel_loop3A_588] : memref<4160xf32, #tpu.memory_space<vmem>>[vector<16xi32>], vector<16xf32>,
        %parallel_loop3A_590 = arith.constant 16 : i32
        %parallel_loop3A_591 = arith.muli %parallel_loop3A_69, %parallel_loop3A_590 : i32
        %parallel_loop3A_592 = arith.constant 5 : i32
        %parallel_loop3A_593 = arith.constant 2 : i32
        %parallel_loop3A_594 = arith.index_cast %parallel_loop3A_592 : i32 to index
        %parallel_loop3A_595 = arith.index_cast %parallel_loop3A_593 : i32 to index
        %parallel_loop3A_596 = arith.index_cast %parallel_loop3A_591 : i32 to index
        %parallel_loop3A_597 = tpu.vector_load %arg8[%parallel_loop3A_594, %parallel_loop3A_595, %parallel_loop3A_596] {strides = array<i32>} : memref<8x8x128xf32, #tpu.memory_space<vmem>>, vector<16xf32>,
        tpu.vector_store %arg8[%parallel_loop3A_594, %parallel_loop3A_595, %parallel_loop3A_596], %parallel_loop3A_589 {strides = array<i32>} : memref<8x8x128xf32, #tpu.memory_space<vmem>>, vector<16xf32>,
        %parallel_loop3A_598 = arith.constant 43 : i32
        %parallel_loop3A_599 = vector.broadcast %parallel_loop3A_598 : i32 to vector<16xi32>
        %parallel_loop3A_600 = arith.addi %parallel_loop3A_81, %parallel_loop3A_599 : vector<16xi32>
        %parallel_loop3A_601 = tpu.vector_load_idx %arg6[%parallel_loop3A_600] : memref<4160xf32, #tpu.memory_space<vmem>>[vector<16xi32>], vector<16xf32>,
        %parallel_loop3A_602 = arith.constant 16 : i32
        %parallel_loop3A_603 = arith.muli %parallel_loop3A_69, %parallel_loop3A_602 : i32
        %parallel_loop3A_604 = arith.constant 5 : i32
        %parallel_loop3A_605 = arith.constant 3 : i32
        %parallel_loop3A_606 = arith.index_cast %parallel_loop3A_604 : i32 to index
        %parallel_loop3A_607 = arith.index_cast %parallel_loop3A_605 : i32 to index
        %parallel_loop3A_608 = arith.index_cast %parallel_loop3A_603 : i32 to index
        %parallel_loop3A_609 = tpu.vector_load %arg8[%parallel_loop3A_606, %parallel_loop3A_607, %parallel_loop3A_608] {strides = array<i32>} : memref<8x8x128xf32, #tpu.memory_space<vmem>>, vector<16xf32>,
        tpu.vector_store %arg8[%parallel_loop3A_606, %parallel_loop3A_607, %parallel_loop3A_608], %parallel_loop3A_601 {strides = array<i32>} : memref<8x8x128xf32, #tpu.memory_space<vmem>>, vector<16xf32>,
        %parallel_loop3A_610 = arith.constant 44 : i32
        %parallel_loop3A_611 = vector.broadcast %parallel_loop3A_610 : i32 to vector<16xi32>
        %parallel_loop3A_612 = arith.addi %parallel_loop3A_81, %parallel_loop3A_611 : vector<16xi32>
        %parallel_loop3A_613 = tpu.vector_load_idx %arg6[%parallel_loop3A_612] : memref<4160xf32, #tpu.memory_space<vmem>>[vector<16xi32>], vector<16xf32>,
        %parallel_loop3A_614 = arith.constant 16 : i32
        %parallel_loop3A_615 = arith.muli %parallel_loop3A_69, %parallel_loop3A_614 : i32
        %parallel_loop3A_616 = arith.constant 5 : i32
        %parallel_loop3A_617 = arith.constant 4 : i32
        %parallel_loop3A_618 = arith.index_cast %parallel_loop3A_616 : i32 to index
        %parallel_loop3A_619 = arith.index_cast %parallel_loop3A_617 : i32 to index
        %parallel_loop3A_620 = arith.index_cast %parallel_loop3A_615 : i32 to index
        %parallel_loop3A_621 = tpu.vector_load %arg8[%parallel_loop3A_618, %parallel_loop3A_619, %parallel_loop3A_620] {strides = array<i32>} : memref<8x8x128xf32, #tpu.memory_space<vmem>>, vector<16xf32>,
        tpu.vector_store %arg8[%parallel_loop3A_618, %parallel_loop3A_619, %parallel_loop3A_620], %parallel_loop3A_613 {strides = array<i32>} : memref<8x8x128xf32, #tpu.memory_space<vmem>>, vector<16xf32>,
        %parallel_loop3A_622 = arith.constant 45 : i32
        %parallel_loop3A_623 = vector.broadcast %parallel_loop3A_622 : i32 to vector<16xi32>
        %parallel_loop3A_624 = arith.addi %parallel_loop3A_81, %parallel_loop3A_623 : vector<16xi32>
        %parallel_loop3A_625 = tpu.vector_load_idx %arg6[%parallel_loop3A_624] : memref<4160xf32, #tpu.memory_space<vmem>>[vector<16xi32>], vector<16xf32>,
        %parallel_loop3A_626 = arith.constant 16 : i32
        %parallel_loop3A_627 = arith.muli %parallel_loop3A_69, %parallel_loop3A_626 : i32
        %parallel_loop3A_628 = arith.constant 5 : i32
        %parallel_loop3A_629 = arith.constant 5 : i32
        %parallel_loop3A_630 = arith.index_cast %parallel_loop3A_628 : i32 to index
        %parallel_loop3A_631 = arith.index_cast %parallel_loop3A_629 : i32 to index
        %parallel_loop3A_632 = arith.index_cast %parallel_loop3A_627 : i32 to index
        %parallel_loop3A_633 = tpu.vector_load %arg8[%parallel_loop3A_630, %parallel_loop3A_631, %parallel_loop3A_632] {strides = array<i32>} : memref<8x8x128xf32, #tpu.memory_space<vmem>>, vector<16xf32>,
        tpu.vector_store %arg8[%parallel_loop3A_630, %parallel_loop3A_631, %parallel_loop3A_632], %parallel_loop3A_625 {strides = array<i32>} : memref<8x8x128xf32, #tpu.memory_space<vmem>>, vector<16xf32>,
        %parallel_loop3A_634 = arith.constant 46 : i32
        %parallel_loop3A_635 = vector.broadcast %parallel_loop3A_634 : i32 to vector<16xi32>
        %parallel_loop3A_636 = arith.addi %parallel_loop3A_81, %parallel_loop3A_635 : vector<16xi32>
        %parallel_loop3A_637 = tpu.vector_load_idx %arg6[%parallel_loop3A_636] : memref<4160xf32, #tpu.memory_space<vmem>>[vector<16xi32>], vector<16xf32>,
        %parallel_loop3A_638 = arith.constant 16 : i32
        %parallel_loop3A_639 = arith.muli %parallel_loop3A_69, %parallel_loop3A_638 : i32
        %parallel_loop3A_640 = arith.constant 5 : i32
        %parallel_loop3A_641 = arith.constant 6 : i32
        %parallel_loop3A_642 = arith.index_cast %parallel_loop3A_640 : i32 to index
        %parallel_loop3A_643 = arith.index_cast %parallel_loop3A_641 : i32 to index
        %parallel_loop3A_644 = arith.index_cast %parallel_loop3A_639 : i32 to index
        %parallel_loop3A_645 = tpu.vector_load %arg8[%parallel_loop3A_642, %parallel_loop3A_643, %parallel_loop3A_644] {strides = array<i32>} : memref<8x8x128xf32, #tpu.memory_space<vmem>>, vector<16xf32>,
        tpu.vector_store %arg8[%parallel_loop3A_642, %parallel_loop3A_643, %parallel_loop3A_644], %parallel_loop3A_637 {strides = array<i32>} : memref<8x8x128xf32, #tpu.memory_space<vmem>>, vector<16xf32>,
        %parallel_loop3A_646 = arith.constant 47 : i32
        %parallel_loop3A_647 = vector.broadcast %parallel_loop3A_646 : i32 to vector<16xi32>
        %parallel_loop3A_648 = arith.addi %parallel_loop3A_81, %parallel_loop3A_647 : vector<16xi32>
        %parallel_loop3A_649 = tpu.vector_load_idx %arg6[%parallel_loop3A_648] : memref<4160xf32, #tpu.memory_space<vmem>>[vector<16xi32>], vector<16xf32>,
        %parallel_loop3A_650 = arith.constant 16 : i32
        %parallel_loop3A_651 = arith.muli %parallel_loop3A_69, %parallel_loop3A_650 : i32
        %parallel_loop3A_652 = arith.constant 5 : i32
        %parallel_loop3A_653 = arith.constant 7 : i32
        %parallel_loop3A_654 = arith.index_cast %parallel_loop3A_652 : i32 to index
        %parallel_loop3A_655 = arith.index_cast %parallel_loop3A_653 : i32 to index
        %parallel_loop3A_656 = arith.index_cast %parallel_loop3A_651 : i32 to index
        %parallel_loop3A_657 = tpu.vector_load %arg8[%parallel_loop3A_654, %parallel_loop3A_655, %parallel_loop3A_656] {strides = array<i32>} : memref<8x8x128xf32, #tpu.memory_space<vmem>>, vector<16xf32>,
        tpu.vector_store %arg8[%parallel_loop3A_654, %parallel_loop3A_655, %parallel_loop3A_656], %parallel_loop3A_649 {strides = array<i32>} : memref<8x8x128xf32, #tpu.memory_space<vmem>>, vector<16xf32>,
        %parallel_loop3A_658 = arith.constant 48 : i32
        %parallel_loop3A_659 = vector.broadcast %parallel_loop3A_658 : i32 to vector<16xi32>
        %parallel_loop3A_660 = arith.addi %parallel_loop3A_81, %parallel_loop3A_659 : vector<16xi32>
        %parallel_loop3A_661 = tpu.vector_load_idx %arg6[%parallel_loop3A_660] : memref<4160xf32, #tpu.memory_space<vmem>>[vector<16xi32>], vector<16xf32>,
        %parallel_loop3A_662 = arith.constant 16 : i32
        %parallel_loop3A_663 = arith.muli %parallel_loop3A_69, %parallel_loop3A_662 : i32
        %parallel_loop3A_664 = arith.constant 6 : i32
        %parallel_loop3A_665 = arith.constant 0 : i32
        %parallel_loop3A_666 = arith.index_cast %parallel_loop3A_664 : i32 to index
        %parallel_loop3A_667 = arith.index_cast %parallel_loop3A_665 : i32 to index
        %parallel_loop3A_668 = arith.index_cast %parallel_loop3A_663 : i32 to index
        %parallel_loop3A_669 = tpu.vector_load %arg8[%parallel_loop3A_666, %parallel_loop3A_667, %parallel_loop3A_668] {strides = array<i32>} : memref<8x8x128xf32, #tpu.memory_space<vmem>>, vector<16xf32>,
        tpu.vector_store %arg8[%parallel_loop3A_666, %parallel_loop3A_667, %parallel_loop3A_668], %parallel_loop3A_661 {strides = array<i32>} : memref<8x8x128xf32, #tpu.memory_space<vmem>>, vector<16xf32>,
        %parallel_loop3A_670 = arith.constant 49 : i32
        %parallel_loop3A_671 = vector.broadcast %parallel_loop3A_670 : i32 to vector<16xi32>
        %parallel_loop3A_672 = arith.addi %parallel_loop3A_81, %parallel_loop3A_671 : vector<16xi32>
        %parallel_loop3A_673 = tpu.vector_load_idx %arg6[%parallel_loop3A_672] : memref<4160xf32, #tpu.memory_space<vmem>>[vector<16xi32>], vector<16xf32>,
        %parallel_loop3A_674 = arith.constant 16 : i32
        %parallel_loop3A_675 = arith.muli %parallel_loop3A_69, %parallel_loop3A_674 : i32
        %parallel_loop3A_676 = arith.constant 6 : i32
        %parallel_loop3A_677 = arith.constant 1 : i32
        %parallel_loop3A_678 = arith.index_cast %parallel_loop3A_676 : i32 to index
        %parallel_loop3A_679 = arith.index_cast %parallel_loop3A_677 : i32 to index
        %parallel_loop3A_680 = arith.index_cast %parallel_loop3A_675 : i32 to index
        %parallel_loop3A_681 = tpu.vector_load %arg8[%parallel_loop3A_678, %parallel_loop3A_679, %parallel_loop3A_680] {strides = array<i32>} : memref<8x8x128xf32, #tpu.memory_space<vmem>>, vector<16xf32>,
        tpu.vector_store %arg8[%parallel_loop3A_678, %parallel_loop3A_679, %parallel_loop3A_680], %parallel_loop3A_673 {strides = array<i32>} : memref<8x8x128xf32, #tpu.memory_space<vmem>>, vector<16xf32>,
        %parallel_loop3A_682 = arith.constant 50 : i32
        %parallel_loop3A_683 = vector.broadcast %parallel_loop3A_682 : i32 to vector<16xi32>
        %parallel_loop3A_684 = arith.addi %parallel_loop3A_81, %parallel_loop3A_683 : vector<16xi32>
        %parallel_loop3A_685 = tpu.vector_load_idx %arg6[%parallel_loop3A_684] : memref<4160xf32, #tpu.memory_space<vmem>>[vector<16xi32>], vector<16xf32>,
        %parallel_loop3A_686 = arith.constant 16 : i32
        %parallel_loop3A_687 = arith.muli %parallel_loop3A_69, %parallel_loop3A_686 : i32
        %parallel_loop3A_688 = arith.constant 6 : i32
        %parallel_loop3A_689 = arith.constant 2 : i32
        %parallel_loop3A_690 = arith.index_cast %parallel_loop3A_688 : i32 to index
        %parallel_loop3A_691 = arith.index_cast %parallel_loop3A_689 : i32 to index
        %parallel_loop3A_692 = arith.index_cast %parallel_loop3A_687 : i32 to index
        %parallel_loop3A_693 = tpu.vector_load %arg8[%parallel_loop3A_690, %parallel_loop3A_691, %parallel_loop3A_692] {strides = array<i32>} : memref<8x8x128xf32, #tpu.memory_space<vmem>>, vector<16xf32>,
        tpu.vector_store %arg8[%parallel_loop3A_690, %parallel_loop3A_691, %parallel_loop3A_692], %parallel_loop3A_685 {strides = array<i32>} : memref<8x8x128xf32, #tpu.memory_space<vmem>>, vector<16xf32>,
        %parallel_loop3A_694 = arith.constant 51 : i32
        %parallel_loop3A_695 = vector.broadcast %parallel_loop3A_694 : i32 to vector<16xi32>
        %parallel_loop3A_696 = arith.addi %parallel_loop3A_81, %parallel_loop3A_695 : vector<16xi32>
        %parallel_loop3A_697 = tpu.vector_load_idx %arg6[%parallel_loop3A_696] : memref<4160xf32, #tpu.memory_space<vmem>>[vector<16xi32>], vector<16xf32>,
        %parallel_loop3A_698 = arith.constant 16 : i32
        %parallel_loop3A_699 = arith.muli %parallel_loop3A_69, %parallel_loop3A_698 : i32
        %parallel_loop3A_700 = arith.constant 6 : i32
        %parallel_loop3A_701 = arith.constant 3 : i32
        %parallel_loop3A_702 = arith.index_cast %parallel_loop3A_700 : i32 to index
        %parallel_loop3A_703 = arith.index_cast %parallel_loop3A_701 : i32 to index
        %parallel_loop3A_704 = arith.index_cast %parallel_loop3A_699 : i32 to index
        %parallel_loop3A_705 = tpu.vector_load %arg8[%parallel_loop3A_702, %parallel_loop3A_703, %parallel_loop3A_704] {strides = array<i32>} : memref<8x8x128xf32, #tpu.memory_space<vmem>>, vector<16xf32>,
        tpu.vector_store %arg8[%parallel_loop3A_702, %parallel_loop3A_703, %parallel_loop3A_704], %parallel_loop3A_697 {strides = array<i32>} : memref<8x8x128xf32, #tpu.memory_space<vmem>>, vector<16xf32>,
        %parallel_loop3A_706 = arith.constant 52 : i32
        %parallel_loop3A_707 = vector.broadcast %parallel_loop3A_706 : i32 to vector<16xi32>
        %parallel_loop3A_708 = arith.addi %parallel_loop3A_81, %parallel_loop3A_707 : vector<16xi32>
        %parallel_loop3A_709 = tpu.vector_load_idx %arg6[%parallel_loop3A_708] : memref<4160xf32, #tpu.memory_space<vmem>>[vector<16xi32>], vector<16xf32>,
        %parallel_loop3A_710 = arith.constant 16 : i32
        %parallel_loop3A_711 = arith.muli %parallel_loop3A_69, %parallel_loop3A_710 : i32
        %parallel_loop3A_712 = arith.constant 6 : i32
        %parallel_loop3A_713 = arith.constant 4 : i32
        %parallel_loop3A_714 = arith.index_cast %parallel_loop3A_712 : i32 to index
        %parallel_loop3A_715 = arith.index_cast %parallel_loop3A_713 : i32 to index
        %parallel_loop3A_716 = arith.index_cast %parallel_loop3A_711 : i32 to index
        %parallel_loop3A_717 = tpu.vector_load %arg8[%parallel_loop3A_714, %parallel_loop3A_715, %parallel_loop3A_716] {strides = array<i32>} : memref<8x8x128xf32, #tpu.memory_space<vmem>>, vector<16xf32>,
        tpu.vector_store %arg8[%parallel_loop3A_714, %parallel_loop3A_715, %parallel_loop3A_716], %parallel_loop3A_709 {strides = array<i32>} : memref<8x8x128xf32, #tpu.memory_space<vmem>>, vector<16xf32>,
        %parallel_loop3A_718 = arith.constant 53 : i32
        %parallel_loop3A_719 = vector.broadcast %parallel_loop3A_718 : i32 to vector<16xi32>
        %parallel_loop3A_720 = arith.addi %parallel_loop3A_81, %parallel_loop3A_719 : vector<16xi32>
        %parallel_loop3A_721 = tpu.vector_load_idx %arg6[%parallel_loop3A_720] : memref<4160xf32, #tpu.memory_space<vmem>>[vector<16xi32>], vector<16xf32>,
        %parallel_loop3A_722 = arith.constant 16 : i32
        %parallel_loop3A_723 = arith.muli %parallel_loop3A_69, %parallel_loop3A_722 : i32
        %parallel_loop3A_724 = arith.constant 6 : i32
        %parallel_loop3A_725 = arith.constant 5 : i32
        %parallel_loop3A_726 = arith.index_cast %parallel_loop3A_724 : i32 to index
        %parallel_loop3A_727 = arith.index_cast %parallel_loop3A_725 : i32 to index
        %parallel_loop3A_728 = arith.index_cast %parallel_loop3A_723 : i32 to index
        %parallel_loop3A_729 = tpu.vector_load %arg8[%parallel_loop3A_726, %parallel_loop3A_727, %parallel_loop3A_728] {strides = array<i32>} : memref<8x8x128xf32, #tpu.memory_space<vmem>>, vector<16xf32>,
        tpu.vector_store %arg8[%parallel_loop3A_726, %parallel_loop3A_727, %parallel_loop3A_728], %parallel_loop3A_721 {strides = array<i32>} : memref<8x8x128xf32, #tpu.memory_space<vmem>>, vector<16xf32>,
        %parallel_loop3A_730 = arith.constant 54 : i32
        %parallel_loop3A_731 = vector.broadcast %parallel_loop3A_730 : i32 to vector<16xi32>
        %parallel_loop3A_732 = arith.addi %parallel_loop3A_81, %parallel_loop3A_731 : vector<16xi32>
        %parallel_loop3A_733 = tpu.vector_load_idx %arg6[%parallel_loop3A_732] : memref<4160xf32, #tpu.memory_space<vmem>>[vector<16xi32>], vector<16xf32>,
        %parallel_loop3A_734 = arith.constant 16 : i32
        %parallel_loop3A_735 = arith.muli %parallel_loop3A_69, %parallel_loop3A_734 : i32
        %parallel_loop3A_736 = arith.constant 6 : i32
        %parallel_loop3A_737 = arith.constant 6 : i32
        %parallel_loop3A_738 = arith.index_cast %parallel_loop3A_736 : i32 to index
        %parallel_loop3A_739 = arith.index_cast %parallel_loop3A_737 : i32 to index
        %parallel_loop3A_740 = arith.index_cast %parallel_loop3A_735 : i32 to index
        %parallel_loop3A_741 = tpu.vector_load %arg8[%parallel_loop3A_738, %parallel_loop3A_739, %parallel_loop3A_740] {strides = array<i32>} : memref<8x8x128xf32, #tpu.memory_space<vmem>>, vector<16xf32>,
        tpu.vector_store %arg8[%parallel_loop3A_738, %parallel_loop3A_739, %parallel_loop3A_740], %parallel_loop3A_733 {strides = array<i32>} : memref<8x8x128xf32, #tpu.memory_space<vmem>>, vector<16xf32>,
        %parallel_loop3A_742 = arith.constant 55 : i32
        %parallel_loop3A_743 = vector.broadcast %parallel_loop3A_742 : i32 to vector<16xi32>
        %parallel_loop3A_744 = arith.addi %parallel_loop3A_81, %parallel_loop3A_743 : vector<16xi32>
        %parallel_loop3A_745 = tpu.vector_load_idx %arg6[%parallel_loop3A_744] : memref<4160xf32, #tpu.memory_space<vmem>>[vector<16xi32>], vector<16xf32>,
        %parallel_loop3A_746 = arith.constant 16 : i32
        %parallel_loop3A_747 = arith.muli %parallel_loop3A_69, %parallel_loop3A_746 : i32
        %parallel_loop3A_748 = arith.constant 6 : i32
        %parallel_loop3A_749 = arith.constant 7 : i32
        %parallel_loop3A_750 = arith.index_cast %parallel_loop3A_748 : i32 to index
        %parallel_loop3A_751 = arith.index_cast %parallel_loop3A_749 : i32 to index
        %parallel_loop3A_752 = arith.index_cast %parallel_loop3A_747 : i32 to index
        %parallel_loop3A_753 = tpu.vector_load %arg8[%parallel_loop3A_750, %parallel_loop3A_751, %parallel_loop3A_752] {strides = array<i32>} : memref<8x8x128xf32, #tpu.memory_space<vmem>>, vector<16xf32>,
        tpu.vector_store %arg8[%parallel_loop3A_750, %parallel_loop3A_751, %parallel_loop3A_752], %parallel_loop3A_745 {strides = array<i32>} : memref<8x8x128xf32, #tpu.memory_space<vmem>>, vector<16xf32>,
        %parallel_loop3A_754 = arith.constant 56 : i32
        %parallel_loop3A_755 = vector.broadcast %parallel_loop3A_754 : i32 to vector<16xi32>
        %parallel_loop3A_756 = arith.addi %parallel_loop3A_81, %parallel_loop3A_755 : vector<16xi32>
        %parallel_loop3A_757 = tpu.vector_load_idx %arg6[%parallel_loop3A_756] : memref<4160xf32, #tpu.memory_space<vmem>>[vector<16xi32>], vector<16xf32>,
        %parallel_loop3A_758 = arith.constant 16 : i32
        %parallel_loop3A_759 = arith.muli %parallel_loop3A_69, %parallel_loop3A_758 : i32
        %parallel_loop3A_760 = arith.constant 7 : i32
        %parallel_loop3A_761 = arith.constant 0 : i32
        %parallel_loop3A_762 = arith.index_cast %parallel_loop3A_760 : i32 to index
        %parallel_loop3A_763 = arith.index_cast %parallel_loop3A_761 : i32 to index
        %parallel_loop3A_764 = arith.index_cast %parallel_loop3A_759 : i32 to index
        %parallel_loop3A_765 = tpu.vector_load %arg8[%parallel_loop3A_762, %parallel_loop3A_763, %parallel_loop3A_764] {strides = array<i32>} : memref<8x8x128xf32, #tpu.memory_space<vmem>>, vector<16xf32>,
        tpu.vector_store %arg8[%parallel_loop3A_762, %parallel_loop3A_763, %parallel_loop3A_764], %parallel_loop3A_757 {strides = array<i32>} : memref<8x8x128xf32, #tpu.memory_space<vmem>>, vector<16xf32>,
        %parallel_loop3A_766 = arith.constant 57 : i32
        %parallel_loop3A_767 = vector.broadcast %parallel_loop3A_766 : i32 to vector<16xi32>
        %parallel_loop3A_768 = arith.addi %parallel_loop3A_81, %parallel_loop3A_767 : vector<16xi32>
        %parallel_loop3A_769 = tpu.vector_load_idx %arg6[%parallel_loop3A_768] : memref<4160xf32, #tpu.memory_space<vmem>>[vector<16xi32>], vector<16xf32>,
        %parallel_loop3A_770 = arith.constant 16 : i32
        %parallel_loop3A_771 = arith.muli %parallel_loop3A_69, %parallel_loop3A_770 : i32
        %parallel_loop3A_772 = arith.constant 7 : i32
        %parallel_loop3A_773 = arith.constant 1 : i32
        %parallel_loop3A_774 = arith.index_cast %parallel_loop3A_772 : i32 to index
        %parallel_loop3A_775 = arith.index_cast %parallel_loop3A_773 : i32 to index
        %parallel_loop3A_776 = arith.index_cast %parallel_loop3A_771 : i32 to index
        %parallel_loop3A_777 = tpu.vector_load %arg8[%parallel_loop3A_774, %parallel_loop3A_775, %parallel_loop3A_776] {strides = array<i32>} : memref<8x8x128xf32, #tpu.memory_space<vmem>>, vector<16xf32>,
        tpu.vector_store %arg8[%parallel_loop3A_774, %parallel_loop3A_775, %parallel_loop3A_776], %parallel_loop3A_769 {strides = array<i32>} : memref<8x8x128xf32, #tpu.memory_space<vmem>>, vector<16xf32>,
        %parallel_loop3A_778 = arith.constant 58 : i32
        %parallel_loop3A_779 = vector.broadcast %parallel_loop3A_778 : i32 to vector<16xi32>
        %parallel_loop3A_780 = arith.addi %parallel_loop3A_81, %parallel_loop3A_779 : vector<16xi32>
        %parallel_loop3A_781 = tpu.vector_load_idx %arg6[%parallel_loop3A_780] : memref<4160xf32, #tpu.memory_space<vmem>>[vector<16xi32>], vector<16xf32>,
        %parallel_loop3A_782 = arith.constant 16 : i32
        %parallel_loop3A_783 = arith.muli %parallel_loop3A_69, %parallel_loop3A_782 : i32
        %parallel_loop3A_784 = arith.constant 7 : i32
        %parallel_loop3A_785 = arith.constant 2 : i32
        %parallel_loop3A_786 = arith.index_cast %parallel_loop3A_784 : i32 to index
        %parallel_loop3A_787 = arith.index_cast %parallel_loop3A_785 : i32 to index
        %parallel_loop3A_788 = arith.index_cast %parallel_loop3A_783 : i32 to index
        %parallel_loop3A_789 = tpu.vector_load %arg8[%parallel_loop3A_786, %parallel_loop3A_787, %parallel_loop3A_788] {strides = array<i32>} : memref<8x8x128xf32, #tpu.memory_space<vmem>>, vector<16xf32>,
        tpu.vector_store %arg8[%parallel_loop3A_786, %parallel_loop3A_787, %parallel_loop3A_788], %parallel_loop3A_781 {strides = array<i32>} : memref<8x8x128xf32, #tpu.memory_space<vmem>>, vector<16xf32>,
        %parallel_loop3A_790 = arith.constant 59 : i32
        %parallel_loop3A_791 = vector.broadcast %parallel_loop3A_790 : i32 to vector<16xi32>
        %parallel_loop3A_792 = arith.addi %parallel_loop3A_81, %parallel_loop3A_791 : vector<16xi32>
        %parallel_loop3A_793 = tpu.vector_load_idx %arg6[%parallel_loop3A_792] : memref<4160xf32, #tpu.memory_space<vmem>>[vector<16xi32>], vector<16xf32>,
        %parallel_loop3A_794 = arith.constant 16 : i32
        %parallel_loop3A_795 = arith.muli %parallel_loop3A_69, %parallel_loop3A_794 : i32
        %parallel_loop3A_796 = arith.constant 7 : i32
        %parallel_loop3A_797 = arith.constant 3 : i32
        %parallel_loop3A_798 = arith.index_cast %parallel_loop3A_796 : i32 to index
        %parallel_loop3A_799 = arith.index_cast %parallel_loop3A_797 : i32 to index
        %parallel_loop3A_800 = arith.index_cast %parallel_loop3A_795 : i32 to index
        %parallel_loop3A_801 = tpu.vector_load %arg8[%parallel_loop3A_798, %parallel_loop3A_799, %parallel_loop3A_800] {strides = array<i32>} : memref<8x8x128xf32, #tpu.memory_space<vmem>>, vector<16xf32>,
        tpu.vector_store %arg8[%parallel_loop3A_798, %parallel_loop3A_799, %parallel_loop3A_800], %parallel_loop3A_793 {strides = array<i32>} : memref<8x8x128xf32, #tpu.memory_space<vmem>>, vector<16xf32>,
        %parallel_loop3A_802 = arith.constant 60 : i32
        %parallel_loop3A_803 = vector.broadcast %parallel_loop3A_802 : i32 to vector<16xi32>
        %parallel_loop3A_804 = arith.addi %parallel_loop3A_81, %parallel_loop3A_803 : vector<16xi32>
        %parallel_loop3A_805 = tpu.vector_load_idx %arg6[%parallel_loop3A_804] : memref<4160xf32, #tpu.memory_space<vmem>>[vector<16xi32>], vector<16xf32>,
        %parallel_loop3A_806 = arith.constant 16 : i32
        %parallel_loop3A_807 = arith.muli %parallel_loop3A_69, %parallel_loop3A_806 : i32
        %parallel_loop3A_808 = arith.constant 7 : i32
        %parallel_loop3A_809 = arith.constant 4 : i32
        %parallel_loop3A_810 = arith.index_cast %parallel_loop3A_808 : i32 to index
        %parallel_loop3A_811 = arith.index_cast %parallel_loop3A_809 : i32 to index
        %parallel_loop3A_812 = arith.index_cast %parallel_loop3A_807 : i32 to index
        %parallel_loop3A_813 = tpu.vector_load %arg8[%parallel_loop3A_810, %parallel_loop3A_811, %parallel_loop3A_812] {strides = array<i32>} : memref<8x8x128xf32, #tpu.memory_space<vmem>>, vector<16xf32>,
        tpu.vector_store %arg8[%parallel_loop3A_810, %parallel_loop3A_811, %parallel_loop3A_812], %parallel_loop3A_805 {strides = array<i32>} : memref<8x8x128xf32, #tpu.memory_space<vmem>>, vector<16xf32>,
        %parallel_loop3A_814 = arith.constant 61 : i32
        %parallel_loop3A_815 = vector.broadcast %parallel_loop3A_814 : i32 to vector<16xi32>
        %parallel_loop3A_816 = arith.addi %parallel_loop3A_81, %parallel_loop3A_815 : vector<16xi32>
        %parallel_loop3A_817 = tpu.vector_load_idx %arg6[%parallel_loop3A_816] : memref<4160xf32, #tpu.memory_space<vmem>>[vector<16xi32>], vector<16xf32>,
        %parallel_loop3A_818 = arith.constant 16 : i32
        %parallel_loop3A_819 = arith.muli %parallel_loop3A_69, %parallel_loop3A_818 : i32
        %parallel_loop3A_820 = arith.constant 7 : i32
        %parallel_loop3A_821 = arith.constant 5 : i32
        %parallel_loop3A_822 = arith.index_cast %parallel_loop3A_820 : i32 to index
        %parallel_loop3A_823 = arith.index_cast %parallel_loop3A_821 : i32 to index
        %parallel_loop3A_824 = arith.index_cast %parallel_loop3A_819 : i32 to index
        %parallel_loop3A_825 = tpu.vector_load %arg8[%parallel_loop3A_822, %parallel_loop3A_823, %parallel_loop3A_824] {strides = array<i32>} : memref<8x8x128xf32, #tpu.memory_space<vmem>>, vector<16xf32>,
        tpu.vector_store %arg8[%parallel_loop3A_822, %parallel_loop3A_823, %parallel_loop3A_824], %parallel_loop3A_817 {strides = array<i32>} : memref<8x8x128xf32, #tpu.memory_space<vmem>>, vector<16xf32>,
        %parallel_loop3A_826 = arith.constant 62 : i32
        %parallel_loop3A_827 = vector.broadcast %parallel_loop3A_826 : i32 to vector<16xi32>
        %parallel_loop3A_828 = arith.addi %parallel_loop3A_81, %parallel_loop3A_827 : vector<16xi32>
        %parallel_loop3A_829 = tpu.vector_load_idx %arg6[%parallel_loop3A_828] : memref<4160xf32, #tpu.memory_space<vmem>>[vector<16xi32>], vector<16xf32>,
        %parallel_loop3A_830 = arith.constant 16 : i32
        %parallel_loop3A_831 = arith.muli %parallel_loop3A_69, %parallel_loop3A_830 : i32
        %parallel_loop3A_832 = arith.constant 7 : i32
        %parallel_loop3A_833 = arith.constant 6 : i32
        %parallel_loop3A_834 = arith.index_cast %parallel_loop3A_832 : i32 to index
        %parallel_loop3A_835 = arith.index_cast %parallel_loop3A_833 : i32 to index
        %parallel_loop3A_836 = arith.index_cast %parallel_loop3A_831 : i32 to index
        %parallel_loop3A_837 = tpu.vector_load %arg8[%parallel_loop3A_834, %parallel_loop3A_835, %parallel_loop3A_836] {strides = array<i32>} : memref<8x8x128xf32, #tpu.memory_space<vmem>>, vector<16xf32>,
        tpu.vector_store %arg8[%parallel_loop3A_834, %parallel_loop3A_835, %parallel_loop3A_836], %parallel_loop3A_829 {strides = array<i32>} : memref<8x8x128xf32, #tpu.memory_space<vmem>>, vector<16xf32>,
        %parallel_loop3A_838 = arith.constant 63 : i32
        %parallel_loop3A_839 = vector.broadcast %parallel_loop3A_838 : i32 to vector<16xi32>
        %parallel_loop3A_840 = arith.addi %parallel_loop3A_81, %parallel_loop3A_839 : vector<16xi32>
        %parallel_loop3A_841 = tpu.vector_load_idx %arg6[%parallel_loop3A_840] : memref<4160xf32, #tpu.memory_space<vmem>>[vector<16xi32>], vector<16xf32>,
        %parallel_loop3A_842 = arith.constant 16 : i32
        %parallel_loop3A_843 = arith.muli %parallel_loop3A_69, %parallel_loop3A_842 : i32
        %parallel_loop3A_844 = arith.constant 7 : i32
        %parallel_loop3A_845 = arith.constant 7 : i32
        %parallel_loop3A_846 = arith.index_cast %parallel_loop3A_844 : i32 to index
        %parallel_loop3A_847 = arith.index_cast %parallel_loop3A_845 : i32 to index
        %parallel_loop3A_848 = arith.index_cast %parallel_loop3A_843 : i32 to index
        %parallel_loop3A_849 = tpu.vector_load %arg8[%parallel_loop3A_846, %parallel_loop3A_847, %parallel_loop3A_848] {strides = array<i32>} : memref<8x8x128xf32, #tpu.memory_space<vmem>>, vector<16xf32>,
        tpu.vector_store %arg8[%parallel_loop3A_846, %parallel_loop3A_847, %parallel_loop3A_848], %parallel_loop3A_841 {strides = array<i32>} : memref<8x8x128xf32, #tpu.memory_space<vmem>>, vector<16xf32>,
      } {sc.loop_unroll_factor = 1 : i64, sc.parallel_access}
      %dma_start3A_59 = arith.constant 0 : i32
      %dma_start3A_60 = arith.constant 0 : i32
      %dma_start3A_61 = arith.constant 0 : i32
      %dma_start3A_62 = tpu.memref_slice %arg4[%add3A_50, %dma_start3A_59, %add3A, %dma_start3A_60, %dma_start3A_61] : memref<200x8x32x8x128xf32, #tpu.memory_space<hbm>> -> memref<1x8x1x8x128xf32, #tpu.memory_space<hbm>>
      %dma_start3A_63 = tpu.memref_squeeze %dma_start3A_62 : memref<1x8x1x8x128xf32, #tpu.memory_space<hbm>> -> memref<8x8x128xf32, #tpu.memory_space<hbm>>
      %dma_start3A_64 = arith.constant 0 : i32
      %dma_start3A_65 = arith.constant 0 : i32
      %dma_start3A_66 = arith.constant 0 : i32
      %dma_start3A_67 = tpu.memref_slice %arg4[%add3A_50, %dma_start3A_64, %add3A, %dma_start3A_65, %dma_start3A_66] : memref<200x8x32x8x128xf32, #tpu.memory_space<hbm>> -> memref<1x8x1x8x128xf32, #tpu.memory_space<hbm>>
      %dma_start3A_68 = tpu.memref_squeeze %dma_start3A_67 : memref<1x8x1x8x128xf32, #tpu.memory_space<hbm>> -> memref<8x8x128xf32, #tpu.memory_space<hbm>>
      tpu.enqueue_dma source(%arg8 : memref<8x8x128xf32, #tpu.memory_space<vmem>>) target(%dma_start3A_68 : memref<8x8x128xf32, #tpu.memory_space<hbm>>) target_semaphore(%arg10 : memref<!tpu.dma_semaphore, #tpu.memory_space<semaphore_mem>>)
    }
    %scan3A_7 = arith.constant 100 : i32
    %dma_wait3A = arith.constant 0 : i32
    %dma_wait3A_8 = arith.constant 0 : i32
    %dma_wait3A_9 = arith.constant 0 : i32
    %dma_wait3A_10 = arith.constant 0 : i32
    %dma_wait3A_11 = tpu.memref_slice %arg4[%dma_wait3A, %dma_wait3A_8, %add3A, %dma_wait3A_9, %dma_wait3A_10] : memref<200x8x32x8x128xf32, #tpu.memory_space<hbm>> -> memref<1x8x1x8x128xf32, #tpu.memory_space<hbm>>
    %dma_wait3A_12 = tpu.memref_squeeze %dma_wait3A_11 : memref<1x8x1x8x128xf32, #tpu.memory_space<hbm>> -> memref<8x8x128xf32, #tpu.memory_space<hbm>>
    %dma_wait3A_13 = arith.constant 0 : i32
    %dma_wait3A_14 = arith.constant 0 : i32
    %dma_wait3A_15 = arith.constant 0 : i32
    %dma_wait3A_16 = tpu.memref_slice %arg4[%dma_wait3A, %dma_wait3A_13, %add3A, %dma_wait3A_14, %dma_wait3A_15] : memref<200x8x32x8x128xf32, #tpu.memory_space<hbm>> -> memref<1x8x1x8x128xf32, #tpu.memory_space<hbm>>
    %dma_wait3A_17 = tpu.memref_squeeze %dma_wait3A_16 : memref<1x8x1x8x128xf32, #tpu.memory_space<hbm>> -> memref<8x8x128xf32, #tpu.memory_space<hbm>>
    tpu.wait_dma2 semaphore(%arg9 : memref<!tpu.dma_semaphore, #tpu.memory_space<semaphore_mem>>) src(%arg7 : memref<8x8x128xf32, #tpu.memory_space<vmem>>) dst(%dma_wait3A_17 : memref<8x8x128xf32, #tpu.memory_space<hbm>>)
    %dma_wait3A_18 = arith.constant 0 : i32
    %dma_wait3A_19 = arith.constant 0 : i32
    %dma_wait3A_20 = arith.constant 0 : i32
    %dma_wait3A_21 = arith.constant 0 : i32
    %dma_wait3A_22 = tpu.memref_slice %arg4[%dma_wait3A_18, %dma_wait3A_19, %add3A, %dma_wait3A_20, %dma_wait3A_21] : memref<200x8x32x8x128xf32, #tpu.memory_space<hbm>> -> memref<1x8x1x8x128xf32, #tpu.memory_space<hbm>>
    %dma_wait3A_23 = tpu.memref_squeeze %dma_wait3A_22 : memref<1x8x1x8x128xf32, #tpu.memory_space<hbm>> -> memref<8x8x128xf32, #tpu.memory_space<hbm>>
    %dma_wait3A_24 = arith.constant 0 : i32
    %dma_wait3A_25 = arith.constant 0 : i32
    %dma_wait3A_26 = arith.constant 0 : i32
    %dma_wait3A_27 = tpu.memref_slice %arg4[%dma_wait3A_18, %dma_wait3A_24, %add3A, %dma_wait3A_25, %dma_wait3A_26] : memref<200x8x32x8x128xf32, #tpu.memory_space<hbm>> -> memref<1x8x1x8x128xf32, #tpu.memory_space<hbm>>
    %dma_wait3A_28 = tpu.memref_squeeze %dma_wait3A_27 : memref<1x8x1x8x128xf32, #tpu.memory_space<hbm>> -> memref<8x8x128xf32, #tpu.memory_space<hbm>>
    tpu.wait_dma2 semaphore(%arg10 : memref<!tpu.dma_semaphore, #tpu.memory_space<semaphore_mem>>) src(%arg8 : memref<8x8x128xf32, #tpu.memory_space<vmem>>) dst(%dma_wait3A_28 : memref<8x8x128xf32, #tpu.memory_space<hbm>>)
    return
  }
}

module attributes {stable_mosaic.version = 14 : i64} {
  func.func @_table_body(%arg0: memref<64x256xf32, #tpu.memory_space<vmem>>, %arg1: memref<256x64xf32, #tpu.memory_space<vmem>>, %arg2: memref<8x64xf32, #tpu.memory_space<vmem>>, %arg3: memref<64x64xf32, #tpu.memory_space<vmem>>) attributes {dimension_semantics = [], scalar_prefetch = 0 : i64, scratch_operands = 0 : i64, tpu.core_type = #tpu.core_type<tc>} {
    %get3A = arith.constant 0 : index
    %get3A_0 = arith.constant 0 : index
    %get3A_1 = vector.load %arg0[%get3A, %get3A_0] : memref<64x256xf32, #tpu.memory_space<vmem>>, vector<64x256xf32>
    %get3A_2 = arith.constant 0 : index
    %get3A_3 = arith.constant 0 : index
    %get3A_4 = vector.load %arg1[%get3A_2, %get3A_3] : memref<256x64xf32, #tpu.memory_space<vmem>>, vector<256x64xf32>
    %dot_general3A = arith.constant dense<0.000000e+00> : vector<64x64xf32>
    %dot_general3A_5 = tpu.matmul %get3A_1, %get3A_4, %dot_general3A {dimension_numbers = #tpu.dot_dimension_numbers<[1], [0], [0], [1], [0, 0, 1, 1], [], []>, transpose_lhs_hint = false} : vector<64x256xf32>, vector<256x64xf32>, vector<64x64xf32> -> vector<64x64xf32>
    %get3A_6 = arith.constant 0 : index
    %get3A_7 = arith.constant 0 : index
    %get3A_8 = vector.load %arg2[%get3A_6, %get3A_7] : memref<8x64xf32, #tpu.memory_space<vmem>>, vector<1x64xf32>
    %add3A = vector.broadcast %get3A_8 : vector<1x64xf32> to vector<64x64xf32>
    %add3A_9 = arith.addf %dot_general3A_5, %add3A : vector<64x64xf32>
    %swap3A = arith.constant 0 : index
    %swap3A_10 = arith.constant 0 : index
    %swap3A_11 = vector.load %arg3[%swap3A, %swap3A_10] : memref<64x64xf32, #tpu.memory_space<vmem>>, vector<64x64xf32>
    tpu.vector_store %arg3[%swap3A, %swap3A_10], %add3A_9 {strides = array<i32>} : memref<64x64xf32, #tpu.memory_space<vmem>>, vector<64x64xf32>,
    return
  }
}

</mosaic_0001>

<sc_bundles>
// kernel: kernel.4.cloned.1.call-start
scs
__scs_entry_jumppad:
0x0: {  	(pc) =	sbr.rel $0x88, $3  }
0x1: {  	(tag) =	ssettag $0x0;
	lr =	simm.s32 $0x1  }
0x2: {  	[smem:$0x3F9D] =	sst lr;
	_ =	strace $0xD0000000  }
0x3: {  	_ = 	snop  }
0x4: {  	_ = 	snop  }
0x5: {  	_ = 	snop  }
0x6: {  	_ = 	snop  }
0x7: {  	_ = 	snop  }
__scs_overlays_trampoline_lowered:
0x8: {  	[smem:$0x3FAC] =	sst s0  }
0x9: {  	[smem:$0x3FAD] =	sst s1  }
0xa: {  	[smem:$0x3FAE] =	sst s2  }
0xb: {  	[smem:$0x3FAF] =	sst s3  }
0xc: {  	[smem:$0x3FB0] =	sst s4  }
0xd: {  	[smem:$0x3FB1] =	sst s5  }
0xe: {  	[smem:$0x3FB2] =	sst s6  }
0xf: {  	[smem:$0x3FB3] =	sst s7  }
0x10: {  	[smem:$0x3FB4] =	sst s8  }
0x11: {  	[smem:$0x3FB5] =	sst s9;
	s0 =	simm.s32 @!p0 $0x0  }
0x12: {  	s1 =	sld [smem:$0x3F9B];
	s0 =	simm.s32 @p0 $0x1  }
0x13: {  	[smem:$0x3FB6] =	sst s0;
	s0 =	simm.s32 @!p1 $0x0  }
0x14: {  	s2 =	sld [smem:$0x3F9A];
	s0 =	simm.s32 @p1 $0x1  }
0x15: {  	[smem:$0x3FB7] =	sst s0;
	s0 =	simm.s32 @!p2 $0x0  }
0x16: {  	s3 =	sld [smem:$0x3FDB];
	s0 =	simm.s32 @p2 $0x1  }
0x17: {  	s4 =	simm.s32 $0x1BF5;
	[smem:$0x3FB9] =	sst s0  }
0x18: {  	s0 =	sld [smem:$0x3F9C];
	_ =	swait.ge [sflag:s4], $0x0  }
0x19: {  	s7 =	sld [smem:$0x3F9D]  }
0x1a: {  	s8 =	sadd.s32 $0xFFFFE003, lr  }
0x1b: {  	s9 =	sadd.s32 $0xFFFFFEF7, lr;
	s5 =	simm.s32 $0xFFFFFFFF;
	p2 =	slt.u32 s8, $0xFFFFF086  }
0x1c: {  	p1 =	slt.u32 s9, $0xF7A;
	s5 =	simm.s32 @!p2 $0x0  }
0x1d: {  	s5 =	simm.s32 @p1 $0x1;
	p0 =	seq.s32 s7, s2  }
0x1e: {  	s7 =	smul.u32 @!p0 $0xF7A, s2;
	p2 =	seq.s32 @!p0 s5, $0x0  }
0x1f: {  	s9 =	smul.u32 $0xF7A, s1;
	s8 =	simm.s32 @!p0 $0x1BF5;
	p2 =	por !p2, p0  }
0x20: {  	[sflag:s8] =	ssyncset.s32 @!p0 $0xFFFFF086;
	s6 =	sadd.s32 @!p0 s3, s7;
	s7 =	simm.s32 @!p0 $0x108  }
0x21: {  	s3 =	sadd.s32 s3, s9;
	s6 =	sadd.s32 @!p0 $0x88, s6;
	s7 =	simm.s32 @p2 $0x1082  }
0x22: {  	[simem:s7], [sflag:s8] =	dma.local @!p0 [hbm:s6], $0xF7A  }
0x23: {  	s9 =	sor.u32 $0xD0000000, s2;
	s6 =	simm.s32 $0x108;
	_ =	swait.ge @!p0 [sflag:s8], $0x0  }
0x24: {  	s3 =	sadd.s32 $0x88, s3;
	s6 =	simm.s32 @!p1 $0x1082;
	[sflag:s4] =	ssyncset.s32 $0xFFFFF086  }
0x25: {  	[simem:s6], [sflag:s4] =	dma.local [hbm:s3], $0xF7A  }
0x26: {  	[smem:$0x3F9D] =	sst s1;
	(tag) =	ssettag s2;
	_ =	strace s9  }
0x27: {  	s1 =	sld [smem:$0x3FAD]  }
0x28: {  	s2 =	sld [smem:$0x3FAE]  }
0x29: {  	s4 =	sld [smem:$0x3FB0]  }
0x2a: {  	p0 =	seq.s32 s5, $0x0;
	s5 =	sld [smem:$0x3FB1]  }
0x2b: {  	s6 =	sld [smem:$0x3FB2]  }
0x2c: {  	s7 =	sld [smem:$0x3FB3]  }
0x2d: {  	s3 =	simm.s32 $0x108;
	s8 =	sld [smem:$0x3FB4]  }
0x2e: {  	s3 =	simm.s32 @!p0 $0x1082;
	s9 =	sld [smem:$0x3FB5]  }
0x2f: {  	lr =	sadd.s32 s0, s3;
	s0 =	sld [smem:$0x3FAC]  }
0x30: {  	s3 =	sld [smem:$0x3FAF]  }
0x31: {  	[smem:$0x3FB8] =	sst s10  }
0x32: {  	s10 =	sld [smem:$0x3FB6];
	_ =	sdelay $0x3  }
0x33: {  	p0 =	seq.s32 s10, $0x1;
	s10 =	sld [smem:$0x3FB8];
	_ =	sdelay $0x3  }
0x34: {  	[smem:$0x3FB8] =	sst s10  }
0x35: {  	s10 =	sld [smem:$0x3FB7];
	_ =	sdelay $0x3  }
0x36: {  	p1 =	seq.s32 s10, $0x1;
	s10 =	sld [smem:$0x3FB8];
	_ =	sdelay $0x3  }
0x37: {  	[smem:$0x3FB8] =	sst s10  }
0x38: {  	s10 =	sld [smem:$0x3FB9]  }
0x39: {  	_ = 	snop;
	(pc) =	sbr.ind lr, $3  }
0x3a: {  	_ = 	snop  }
0x3b: {  	_ = 	snop  }
0x3c: {  	p2 =	seq.s32 s10, $0x1;
	s10 =	sld [smem:$0x3FB8]  }
0x3d: {  	_ =	shalt  }
0x3e: {  	_ =	shalt  }
0x3f: {  	_ =	shalt  }
0x40: {  	_ =	shalt  }
0x41: {  	_ =	shalt  }
0x42: {  	_ =	shalt  }
0x43: {  	_ =	shalt  }
0x44: {  	_ =	shalt  }
0x45: {  	_ =	shalt  }
0x46: {  	_ =	shalt  }
0x47: {  	_ =	shalt  }
0x48: {  	_ =	shalt  }
0x49: {  	_ =	shalt  }
0x4a: {  	_ =	shalt  }
0x4b: {  	_ =	shalt  }
0x4c: {  	_ =	shalt  }
0x4d: {  	_ =	shalt  }
0x4e: {  	_ =	shalt  }
0x4f: {  	_ =	shalt  }
0x50: {  	_ =	shalt  }
0x51: {  	_ =	shalt  }
0x52: {  	_ =	shalt  }
0x53: {  	_ =	shalt  }
0x54: {  	_ =	shalt  }
0x55: {  	_ =	shalt  }
0x56: {  	_ =	shalt  }
0x57: {  	_ =	shalt  }
0x58: {  	_ =	shalt  }
0x59: {  	_ =	shalt  }
0x5a: {  	_ =	shalt  }
0x5b: {  	_ =	shalt  }
0x5c: {  	_ =	shalt  }
0x5d: {  	_ =	shalt  }
0x5e: {  	_ =	shalt  }
0x5f: {  	_ =	shalt  }
0x60: {  	_ =	shalt  }
0x61: {  	_ =	shalt  }
0x62: {  	_ =	shalt  }
0x63: {  	_ =	shalt  }
0x64: {  	_ =	shalt  }
0x65: {  	_ =	shalt  }
0x66: {  	_ =	shalt  }
0x67: {  	_ =	shalt  }
0x68: {  	_ =	shalt  }
0x69: {  	_ =	shalt  }
0x6a: {  	_ =	shalt  }
0x6b: {  	_ =	shalt  }
0x6c: {  	_ =	shalt  }
0x6d: {  	_ =	shalt  }
0x6e: {  	_ =	shalt  }
0x6f: {  	_ =	shalt  }
0x70: {  	_ =	shalt  }
0x71: {  	_ =	shalt  }
0x72: {  	_ =	shalt  }
0x73: {  	_ =	shalt  }
0x74: {  	_ =	shalt  }
0x75: {  	_ =	shalt  }
0x76: {  	_ =	shalt  }
0x77: {  	_ =	shalt  }
0x78: {  	_ =	shalt  }
0x79: {  	_ =	shalt  }
0x7a: {  	_ =	shalt  }
0x7b: {  	_ =	shalt  }
0x7c: {  	_ =	shalt  }
0x7d: {  	_ =	shalt  }
0x7e: {  	_ =	shalt  }
0x7f: {  	_ =	shalt  }
0x80: {  	_ =	shalt  }
0x81: {  	_ =	shalt  }
0x82: {  	_ =	shalt  }
0x83: {  	_ =	shalt  }
0x84: {  	_ =	shalt  }
0x85: {  	_ =	shalt  }
0x86: {  	_ =	shalt  }
0x87: {  	_ =	shalt  }
.Lfunc_end0:
.L_simem_size_0:
called_computation_lowered:
.L_overlay_start_0:
0x88: {  	s2 =	sld [smem:$0x3FD9]  }
0x89: {  	s3 =	sld [smem:$0x3FFE];
	_ =	sdelay $0x1  }
0x8a: {  	s1 =	srdreg.scid  }
0x8b: {  	s0 =	sand.u32 $0x1, s1  }
0x8c: {  	s17 =	sshll.u32 s0, $0xA;
	s2 =	sadd.s32 s3, s2  }
0x8d: {  	s2 =	sadd.s32 s2, s17  }
0x8e: {  	[smem:$0x3FC4] =	sst s2  }
0x8f: {  	_ = 	snop  }
0x90: {  	s2 =	sld [smem:$0x3FD0];
	(tm) =	ssettm $0x1  }
0x91: {  	s18 =	sld [smem:$0x3FFB];
	_ =	sdelay $0x3  }
0x92: {  	_ =	strace s18  }
0x93: {  	s3 =	sld [smem:$0x3FFC];
	_ =	sdelay $0x3  }
0x94: {  	_ =	strace s3  }
0x95: {  	s3 =	sld [smem:$0x3FFD];
	_ =	sdelay $0x3  }
0x96: {  	_ =	strace s3  }
0x97: {  	_ =	strace $0x8FFFFFFF  }
0x98: {  	s19 =	sld [smem:$0x3FDB];
	_ =	sdelay $0x1  }
0x99: {  	s4 =	simm.s32 $_scs_section_size  }
0x9a: {  	s5 =	simm.s32 $_size__tile_overlayer_lowered;
	s6 =	simm.s32 $_tile_overlayer_lowered  }
0x9b: {  	s22 =	simm.s32 $0x1BFF;
	s21 =	sshll.u32 s6, $0x1;
	s3 =	sadd.s32 s4, s19  }
0x9c: {  	s7 =	simm.s32 $0x0;
	s20 =	sshll.u32 s5, $0x1;
	s5 =	sadd.s32 s21, s3  }
0x9d: {  	[timem:s7], [sflag:s22] =	dma.local [hbm:s5], s20  }
0x9e: {  	_ =	swait.ge [sflag:s22], s20  }
0x9f: {  	s4 =	ssub.s32 $0x0, s20;
	[sflag:s22] =	ssyncset.done $0x0  }
0xa0: {  	[sflag:s22] =	ssyncadd.s32 s4;
	_ =	sdelay $0x1  }
0xa1: {  	s23 =	simm.s32 $0x1B8B  }
0xa2: {  	_ =	swait.ge [sflag:s23], $0x1  }
0xa3: {  	[sflag:s23] =	ssyncset.done $0x0  }
0xa4: {  	s25 =	simm.s32 $0x1B8E;
	s24 =	sld [smem:$0x3FFE];
	[sflag:s23] =	ssyncadd.s32 $0xFFFFFFFF  }
0xa5: {  	s26 =	simm.s32 $execute0_lowered;
	[smem:$0x3FD2] =	sst s25  }
0xa6: {  	s5 =	sshll.u32 s26, $0x1;
	_ =	strace $0x80000046;
	[dreg:$0x1] =	wrdreg $0xFFFFFFFF  }
0xa7: {  	s28 =	simm.s32 $_size_execute0_lowered;
	s3 =	sadd.s32 s3, s5;
	[dreg:$0x0] =	wrdreg $0x0  }
0xa8: {  	s5 =	sshll.u32 s28, $0x1;
	[dreg:$0x2] =	wrdreg s3  }
0xa9: {  	[dreg:$0x3] =	wrdreg s5  }
0xaa: {  	[dreg:$0x4] =	wrdreg $0xC0  }
0xab: {  	_ =	task [dreg:s7], $0x5FFFF  }
0xac: {  	[dreg:$0x1] =	wrdreg $0xFFFFFFFF  }
0xad: {  	[dreg:$0x0] =	wrdreg $0x60  }
0xae: {  	[dreg:$0x2] =	wrdreg s24  }
0xaf: {  	[dreg:$0x3] =	wrdreg s2  }
0xb0: {  	[dreg:$0x4] =	wrdreg $0x9  }
0xb1: {  	_ =	task.clear_ibuf [dreg:s7], $0x5FFFF;
	_ =	strace $0x90000046  }
0xb2: {  	s29 =	simm.s32 $0x9;
	_ =	strace $0x80000048  }
0xb3: {  	_ =	swait.ge [sflag:s29], $0x1  }
0xb4: {  	[sflag:s29] =	ssyncadd.s32 $0xFFFFFFFF  }
0xb5: {  	_ =	strace $0x90000048  }
0xb6: {  	_ =	sfence  }
0xb7: {  	s30 =	sld [smem:$0x0];
	_ =	sdelay $0x2  }
0xb8: {  	s31 =	sshll.u32 s1, $0xD;
	s1 =	sshrl.u32 s1, $0x2  }
0xb9: {  	s3 =	sand.u32 $0x4000, s31;
	s1 =	sadd.s32 s1, s30  }
0xba: {  	s0 =	sor.u32 s3, s0;
	s1 =	sshll.u32 s1, $0x11  }
0xbb: {  	s0 =	sor.u32 s1, s0  }
0xbc: {  	s0 =	sadd.s32 $0x8F2B, s0  }
0xbd: {  	[sflag:s0] =	ssyncadd.remote.s32 $0x1  }
0xbe: {  	_ =	sfence.sel $0xFFFF  }
0xbf: {  	[dreg:$0x0] =	wrdreg $0xFFFFFFFF;
	(pc) =	sbr.abs _section_cstart, $3  }
0xc0: {  	[dreg:$0x1] =	wrdreg $0xFFFFFFFF  }
0xc1: {  	_ =	task.clear_ibuf [dreg:s7], $0x2FFFF;
	_ =	strace $0x9FFFFFFF  }
0xc2: {  	(tm) =	ssettm $0x7FFFFFFF  }
0xc3: {  	_ =	shalt  }
tec
execute0_lowered:
.L_overlay_start_1:
0x0: {  	(tag) =	ssettag $0x1  }
0x1: {  	s5 =	rddreg [dreg:$0x0];
	s1 =	srdreg.scid  }
0x2: {  	s0 =	stileid.u32;
	s2 =	rddreg [dreg:$0x1];
	s3 =	simm.s32 $0x0  }
0x3: {  	s10 =	simm.s32 $0x400;
	s11 =	simm.s32 $0x8000;
	s12 =	simm.s32 $0x7840  }
0x4: {  	s13 =	simm.s32 $0x9840;
	s14 =	simm.s32 $0x1;
	s15 =	simm.s32 $0x2  }
0x5: {  	s4 =	sand.u32 $0x1, s1;
	s6 =	sshll.u32 s0, $0x1;
	s1 =	rddreg [dreg:$0x2]  }
0x6: {  	s16 =	simm.s32 $0x0;
	[smem:$0x7FF] =	sst s3;
	s6 =	sor.u32 s4, s6  }
0x7: {  	s8 =	ssub.s32 $0x2, s4;
	_ =	strace $0x80000047;
	s7 =	smul.u32 $0xC80, s6  }
0x8: {  	s4 =	sadd.s32 $0x400, s5;
	s9 =	sshrl.u32 s8, $0x1;
	s6 =	sshll.u32 s6, $0xA  }
0x9: {  	v0 =	vlaneseq.u32;
	s31 =	ssub.s32 s8, s9;
	s8 =	simm.s32 $0x6800;
	s5 =	sadd.s32 s7, s5  }
0xa: {  	v0 =	vmul.u32 $0xD0, v0;
	s9 =	simm.s32 $0x3;
	s7 =	smax.u32 s31, $0x1;
	s5 =	sadd.s32 $0x800, s5  }
.LBB2_1:
0xb: {  	[tilespmem:s8], [sflag:$0x3] =	stream.linear.gather [hbm4b:s4+s3], $0x1040, $0x38;
	[tilespmem:$0xB840] =	vst v63  }
0xc: {  	_ =	swait.ge [sflag:s9], $0x1040  }
0xd: {  	s17 =	simm.s32 $0x19;
	s20 =	sadd.s32 $0x0, s5;
	[sflag:s9] =	ssyncset.done $0x0  }
0xe: {  	s18 =	simm.s32 $0xD0;
	s19 =	simm.s32 $0x0;
	[sflag:s9] =	ssyncadd.s32 $0xFFFFEFC0  }
.LBB2_2:
0xf: {  	[tilespmem:s19], [sflag:$0x3] =	stream.linear.gather [hbm4b:s20+s3], $0xC8, $0x38;
	[tilespmem:$0xB840] =	vst v63  }
0x10: {  	s20 =	smov.u32 s17;
	s19 =	smov.u32 s18;
	p0 =	sne.s32 s17, $0xC67  }
.Ltmp0:
0x11: {  	s17 =	sadd.s32 $0x19, s17;
	(pc) =	sbr.rel @p0 .LBB2_2-.Ltmp0, $2  }
0x12: {  	_ =	sdelay $0x2  }
0x13: {  	s18 =	sadd.s32 $0xD0, s18;
	s20 =	sadd.s32 s20, s5  }
0x14: {  	[tilespmem:s19], [sflag:$0x3] =	stream.linear.gather [hbm4b:s20+s3], $0xC8, $0x38;
	[tilespmem:$0xB840] =	vst v63  }
0x15: {  	_ =	swait.ge [sflag:s9], $0x6400  }
0x16: {  	[sflag:s9] =	ssyncset.done $0x0  }
0x17: {  	s17 =	simm.s32 $0x0;
	s18 =	simm.s32 $0x0;
	[sflag:s9] =	ssyncadd.s32 $0xFFFF9C00  }
.LBB2_4:
0x18: {  	v1 =	vmov s17  }
0x19: {  	s19 =	sshll.u32 s18, $0x1;
	v1 =	vmul.u32 $0xD0, v1  }
0x1a: {  	v2 =	vmov s19  }
0x1b: {  	v2 =	vand.u32 $0xFE, v2;
	v1 =	vbroadcast v1, $0x0  }
0x1c: {  	v6 =	vadd.s32 v0, v2  }
0x1d: {  	p0 =	seq.s32 s18, $0x0;
	v1 =	vadd.s32 v1, v6  }
0x1e: {  	s20 =	simm.s32 @!p0 $0x1  }
0x1f: {  	_ =	swait.ge @!p0 [sflag:s20], $0x2000  }
0x20: {  	[sflag:s20] =	ssyncset.done @!p0 $0x0  }
0x21: {  	[sflag:s20] =	ssyncadd.s32 @!p0 $0xFFFFE000  }
0x22: {  	v1 =	vld.idx.msk [tilespmem:v1+s3+$0x0], $0xffff;
	_ =	sdelay $0x4  }
0x23: {  	v3 =	vmul.u32 $0x41, v1;
	_ =	sdelay $0x5  }
0x24: {  	v1 =	vld.idx.msk [tilespmem:v3+s8+$0x0], $0xffff  }
0x25: {  	v2 =	vadd.s32 $0x1, v3;
	_ =	sdelay $0x2  }
0x26: {  	s22 =	simm.s32 $0x8840  }
0x27: {  	[tilespmem:s22+$0xFFFFF000] =	vst v1  }
0x28: {  	v1 =	vld.idx.msk [tilespmem:v2+s8+$0x0], $0xffff  }
0x29: {  	v2 =	vadd.s32 $0x2, v3;
	_ =	sdelay $0x3  }
0x2a: {  	[tilespmem:s22+$0xFFFFF080] =	vst v1  }
0x2b: {  	v1 =	vld.idx.msk [tilespmem:v2+s8+$0x0], $0xffff  }
0x2c: {  	v2 =	vadd.s32 $0x3, v3;
	_ =	sdelay $0x3  }
0x2d: {  	[tilespmem:s22+$0xFFFFF100] =	vst v1  }
0x2e: {  	v1 =	vld.idx.msk [tilespmem:v2+s8+$0x0], $0xffff  }
0x2f: {  	v2 =	vadd.s32 $0x4, v3;
	_ =	sdelay $0x3  }
0x30: {  	[tilespmem:s22+$0xFFFFF180] =	vst v1  }
0x31: {  	v1 =	vld.idx.msk [tilespmem:v2+s8+$0x0], $0xffff  }
0x32: {  	v2 =	vadd.s32 $0x5, v3;
	_ =	sdelay $0x3  }
0x33: {  	[tilespmem:s22+$0xFFFFF200] =	vst v1  }
0x34: {  	v1 =	vld.idx.msk [tilespmem:v2+s8+$0x0], $0xffff  }
0x35: {  	v2 =	vadd.s32 $0x6, v3;
	_ =	sdelay $0x3  }
0x36: {  	[tilespmem:s22+$0xFFFFF280] =	vst v1  }
0x37: {  	v1 =	vld.idx.msk [tilespmem:v2+s8+$0x0], $0xffff  }
0x38: {  	v2 =	vadd.s32 $0x7, v3;
	_ =	sdelay $0x3  }
0x39: {  	[tilespmem:s22+$0xFFFFF300] =	vst v1  }
0x3a: {  	v1 =	vld.idx.msk [tilespmem:v2+s8+$0x0], $0xffff  }
0x3b: {  	v2 =	vadd.s32 $0x8, v3;
	_ =	sdelay $0x2  }
0x3c: {  	s29 =	simm.s32 $0x10  }
0x3d: {  	[tilespmem:s22+$0xFFFFF380] =	vst v1;
	v1 =	vmov s29  }
0x3e: {  	v2 =	vld.idx.msk [tilespmem:v2+s8+$0x0], $0xffff;
	v1 =	vmul.u32 $0xD0, v1  }
0x3f: {  	v4 =	vadd.s32 $0x9, v3  }
0x40: {  	v1 =	vbroadcast v1, $0x0;
	_ =	sdelay $0x1  }
0x41: {  	v1 =	vadd.s32 v1, v6  }
0x42: {  	[tilespmem:s22+$0xFFFFF400] =	vst v2  }
0x43: {  	v2 =	vld.idx.msk [tilespmem:v4+s8+$0x0], $0xffff  }
0x44: {  	v4 =	vadd.s32 $0xA, v3;
	_ =	sdelay $0x1  }
0x45: {  	v1 =	vld.idx.msk [tilespmem:v1+s3+$0x0], $0xffff;
	_ =	sdelay $0x1  }
0x46: {  	[tilespmem:s22+$0xFFFFF480] =	vst v2  }
0x47: {  	v2 =	vld.idx.msk [tilespmem:v4+s8+$0x0], $0xffff  }
0x48: {  	v5 =	vadd.s32 $0xB, v3  }
0x49: {  	v4 =	vmul.u32 $0x41, v1;
	_ =	sdelay $0x2  }
0x4a: {  	[tilespmem:s22+$0xFFFFF500] =	vst v2  }
0x4b: {  	v1 =	vld.idx.msk [tilespmem:v5+s8+$0x0], $0xffff  }
0x4c: {  	v2 =	vadd.s32 $0xC, v3  }
0x4d: {  	v5 =	vld.idx.msk [tilespmem:v4+s8+$0x0], $0xffff  }
0x4e: {  	v7 =	vadd.s32 $0x1, v4;
	_ =	sdelay $0x1  }
0x4f: {  	[tilespmem:s22+$0xFFFFF580] =	vst v1  }
0x50: {  	s23 =	simm.s32 $0x8850;
	v1 =	vld.idx.msk [tilespmem:v2+s8+$0x0], $0xffff  }
0x51: {  	v2 =	vadd.s32 $0xD, v3;
	[tilespmem:s23+$0xFFFFF000] =	vst v5  }
0x52: {  	v5 =	vld.idx.msk [tilespmem:v7+s8+$0x0], $0xffff  }
0x53: {  	v7 =	vadd.s32 $0x2, v4;
	_ =	sdelay $0x1  }
0x54: {  	[tilespmem:s22+$0xFFFFF600] =	vst v1  }
0x55: {  	v1 =	vld.idx.msk [tilespmem:v2+s8+$0x0], $0xffff  }
0x56: {  	v2 =	vadd.s32 $0xE, v3;
	[tilespmem:s23+$0xFFFFF080] =	vst v5  }
0x57: {  	v5 =	vld.idx.msk [tilespmem:v7+s8+$0x0], $0xffff  }
0x58: {  	v7 =	vadd.s32 $0x3, v4;
	_ =	sdelay $0x1  }
0x59: {  	[tilespmem:s22+$0xFFFFF680] =	vst v1  }
0x5a: {  	v1 =	vld.idx.msk [tilespmem:v2+s8+$0x0], $0xffff  }
0x5b: {  	v2 =	vadd.s32 $0xF, v3;
	[tilespmem:s23+$0xFFFFF100] =	vst v5  }
0x5c: {  	v5 =	vld.idx.msk [tilespmem:v7+s8+$0x0], $0xffff  }
0x5d: {  	v7 =	vadd.s32 $0x4, v4;
	_ =	sdelay $0x1  }
0x5e: {  	[tilespmem:s22+$0xFFFFF700] =	vst v1  }
0x5f: {  	v1 =	vld.idx.msk [tilespmem:v2+s8+$0x0], $0xffff  }
0x60: {  	v2 =	vadd.s32 $0x10, v3;
	[tilespmem:s23+$0xFFFFF180] =	vst v5  }
0x61: {  	v5 =	vld.idx.msk [tilespmem:v7+s8+$0x0], $0xffff  }
0x62: {  	v7 =	vadd.s32 $0x5, v4;
	_ =	sdelay $0x1  }
0x63: {  	[tilespmem:s22+$0xFFFFF780] =	vst v1  }
0x64: {  	v1 =	vld.idx.msk [tilespmem:v2+s8+$0x0], $0xffff  }
0x65: {  	v2 =	vadd.s32 $0x11, v3;
	[tilespmem:s23+$0xFFFFF200] =	vst v5  }
0x66: {  	v5 =	vld.idx.msk [tilespmem:v7+s8+$0x0], $0xffff  }
0x67: {  	v7 =	vadd.s32 $0x6, v4;
	_ =	sdelay $0x1  }
0x68: {  	[tilespmem:s22+$0xFFFFF800] =	vst v1  }
0x69: {  	v1 =	vld.idx.msk [tilespmem:v2+s8+$0x0], $0xffff  }
0x6a: {  	v2 =	vadd.s32 $0x12, v3;
	[tilespmem:s23+$0xFFFFF280] =	vst v5  }
0x6b: {  	v5 =	vld.idx.msk [tilespmem:v7+s8+$0x0], $0xffff  }
0x6c: {  	v7 =	vadd.s32 $0x7, v4;
	_ =	sdelay $0x1  }
0x6d: {  	[tilespmem:s22+$0xFFFFF880] =	vst v1  }
0x6e: {  	v1 =	vld.idx.msk [tilespmem:v2+s8+$0x0], $0xffff  }
0x6f: {  	v2 =	vadd.s32 $0x13, v3;
	[tilespmem:s23+$0xFFFFF300] =	vst v5  }
0x70: {  	v5 =	vld.idx.msk [tilespmem:v7+s8+$0x0], $0xffff  }
0x71: {  	v7 =	vadd.s32 $0x8, v4;
	_ =	sdelay $0x1  }
0x72: {  	[tilespmem:s22+$0xFFFFF900] =	vst v1  }
0x73: {  	s30 =	simm.s32 $0x20;
	v1 =	vld.idx.msk [tilespmem:v2+s8+$0x0], $0xffff  }
0x74: {  	v2 =	vadd.s32 $0x14, v3;
	[tilespmem:s23+$0xFFFFF380] =	vst v5;
	v5 =	vmov s30  }
0x75: {  	v7 =	vld.idx.msk [tilespmem:v7+s8+$0x0], $0xffff;
	v5 =	vmul.u32 $0xD0, v5  }
0x76: {  	v8 =	vadd.s32 $0x9, v4  }
0x77: {  	v5 =	vbroadcast v5, $0x0  }
0x78: {  	[tilespmem:s22+$0xFFFFF980] =	vst v1  }
0x79: {  	v1 =	vld.idx.msk [tilespmem:v2+s8+$0x0], $0xffff;
	v2 =	vadd.s32 v5, v6  }
0x7a: {  	v5 =	vadd.s32 $0x15, v3;
	[tilespmem:s23+$0xFFFFF400] =	vst v7  }
0x7b: {  	v7 =	vld.idx.msk [tilespmem:v8+s8+$0x0], $0xffff  }
0x7c: {  	v8 =	vadd.s32 $0xA, v4;
	_ =	sdelay $0x1  }
0x7d: {  	v2 =	vld.idx.msk [tilespmem:v2+s3+$0x0], $0xffff;
	[tilespmem:s22+$0xFFFFFA00] =	vst v1  }
0x7e: {  	v5 =	vld.idx.msk [tilespmem:v5+s8+$0x0], $0xffff  }
0x7f: {  	[tilespmem:s23+$0xFFFFF480] =	vst v7;
	v7 =	vadd.s32 $0x16, v3  }
0x80: {  	v8 =	vld.idx.msk [tilespmem:v8+s8+$0x0], $0xffff  }
0x81: {  	v9 =	vadd.s32 $0xB, v4;
	_ =	sdelay $0x1  }
0x82: {  	v1 =	vmul.u32 $0x41, v2;
	[tilespmem:s22+$0xFFFFFA80] =	vst v5  }
0x83: {  	v2 =	vld.idx.msk [tilespmem:v7+s8+$0x0], $0xffff  }
0x84: {  	v5 =	vadd.s32 $0x17, v3;
	[tilespmem:s23+$0xFFFFF500] =	vst v8  }
0x85: {  	v7 =	vld.idx.msk [tilespmem:v9+s8+$0x0], $0xffff  }
0x86: {  	v8 =	vadd.s32 $0xC, v4;
	_ =	sdelay $0x1  }
0x87: {  	v9 =	vld.idx.msk [tilespmem:v1+s8+$0x0], $0xffff;
	[tilespmem:s22+$0xFFFFFB00] =	vst v2  }
0x88: {  	v2 =	vadd.s32 $0x1, v1;
	v5 =	vld.idx.msk [tilespmem:v5+s8+$0x0], $0xffff  }
0x89: {  	[tilespmem:s23+$0xFFFFF580] =	vst v7;
	v7 =	vadd.s32 $0x18, v3  }
0x8a: {  	v8 =	vld.idx.msk [tilespmem:v8+s8+$0x0], $0xffff  }
0x8b: {  	s20 =	simm.s32 $0x8860;
	v10 =	vadd.s32 $0xD, v4  }
0x8c: {  	[tilespmem:s20+$0xFFFFF000] =	vst v9  }
0x8d: {  	v2 =	vld.idx.msk [tilespmem:v2+s8+$0x0], $0xffff;
	[tilespmem:s22+$0xFFFFFB80] =	vst v5  }
0x8e: {  	v5 =	vadd.s32 $0x2, v1;
	v7 =	vld.idx.msk [tilespmem:v7+s8+$0x0], $0xffff  }
0x8f: {  	[tilespmem:s23+$0xFFFFF600] =	vst v8;
	v8 =	vadd.s32 $0x19, v3  }
0x90: {  	v9 =	vld.idx.msk [tilespmem:v10+s8+$0x0], $0xffff  }
0x91: {  	v10 =	vadd.s32 $0xE, v4  }
0x92: {  	[tilespmem:s20+$0xFFFFF080] =	vst v2  }
0x93: {  	v2 =	vld.idx.msk [tilespmem:v5+s8+$0x0], $0xffff;
	[tilespmem:s22+$0xFFFFFC00] =	vst v7  }
0x94: {  	v5 =	vadd.s32 $0x3, v1;
	v7 =	vld.idx.msk [tilespmem:v8+s8+$0x0], $0xffff  }
0x95: {  	v8 =	vadd.s32 $0x1A, v3;
	[tilespmem:s23+$0xFFFFF680] =	vst v9  }
0x96: {  	v9 =	vld.idx.msk [tilespmem:v10+s8+$0x0], $0xffff  }
0x97: {  	v10 =	vadd.s32 $0xF, v4  }
0x98: {  	[tilespmem:s20+$0xFFFFF100] =	vst v2  }
0x99: {  	v2 =	vld.idx.msk [tilespmem:v5+s8+$0x0], $0xffff;
	[tilespmem:s22+$0xFFFFFC80] =	vst v7  }
0x9a: {  	v5 =	vadd.s32 $0x4, v1;
	v7 =	vld.idx.msk [tilespmem:v8+s8+$0x0], $0xffff  }
0x9b: {  	v8 =	vadd.s32 $0x1B, v3;
	[tilespmem:s23+$0xFFFFF700] =	vst v9  }
0x9c: {  	v9 =	vld.idx.msk [tilespmem:v10+s8+$0x0], $0xffff  }
0x9d: {  	v10 =	vadd.s32 $0x10, v4  }
0x9e: {  	[tilespmem:s20+$0xFFFFF180] =	vst v2  }
0x9f: {  	v2 =	vld.idx.msk [tilespmem:v5+s8+$0x0], $0xffff;
	[tilespmem:s22+$0xFFFFFD00] =	vst v7  }
0xa0: {  	v5 =	vadd.s32 $0x5, v1;
	v7 =	vld.idx.msk [tilespmem:v8+s8+$0x0], $0xffff  }
0xa1: {  	v8 =	vadd.s32 $0x1C, v3;
	[tilespmem:s23+$0xFFFFF780] =	vst v9  }
0xa2: {  	v9 =	vld.idx.msk [tilespmem:v10+s8+$0x0], $0xffff  }
0xa3: {  	v10 =	vadd.s32 $0x11, v4  }
0xa4: {  	[tilespmem:s20+$0xFFFFF200] =	vst v2  }
0xa5: {  	v2 =	vld.idx.msk [tilespmem:v5+s8+$0x0], $0xffff;
	[tilespmem:s22+$0xFFFFFD80] =	vst v7  }
0xa6: {  	v5 =	vadd.s32 $0x6, v1;
	v7 =	vld.idx.msk [tilespmem:v8+s8+$0x0], $0xffff  }
0xa7: {  	v8 =	vadd.s32 $0x1D, v3;
	[tilespmem:s23+$0xFFFFF800] =	vst v9  }
0xa8: {  	v9 =	vld.idx.msk [tilespmem:v10+s8+$0x0], $0xffff  }
0xa9: {  	v10 =	vadd.s32 $0x12, v4  }
0xaa: {  	[tilespmem:s20+$0xFFFFF280] =	vst v2  }
0xab: {  	v2 =	vld.idx.msk [tilespmem:v5+s8+$0x0], $0xffff;
	[tilespmem:s22+$0xFFFFFE00] =	vst v7  }
0xac: {  	v5 =	vadd.s32 $0x7, v1;
	v7 =	vld.idx.msk [tilespmem:v8+s8+$0x0], $0xffff  }
0xad: {  	v8 =	vadd.s32 $0x1E, v3;
	[tilespmem:s23+$0xFFFFF880] =	vst v9  }
0xae: {  	v9 =	vld.idx.msk [tilespmem:v10+s8+$0x0], $0xffff  }
0xaf: {  	v10 =	vadd.s32 $0x13, v4  }
0xb0: {  	[tilespmem:s20+$0xFFFFF300] =	vst v2  }
0xb1: {  	v2 =	vld.idx.msk [tilespmem:v5+s8+$0x0], $0xffff;
	[tilespmem:s22+$0xFFFFFE80] =	vst v7  }
0xb2: {  	v5 =	vadd.s32 $0x8, v1;
	v7 =	vld.idx.msk [tilespmem:v8+s8+$0x0], $0xffff  }
0xb3: {  	v8 =	vadd.s32 $0x1F, v3;
	[tilespmem:s23+$0xFFFFF900] =	vst v9  }
0xb4: {  	s21 =	simm.s32 $0x30;
	v9 =	vld.idx.msk [tilespmem:v10+s8+$0x0], $0xffff  }
0xb5: {  	v11 =	vmov s21;
	v10 =	vadd.s32 $0x14, v4  }
0xb6: {  	[tilespmem:s20+$0xFFFFF380] =	vst v2;
	v2 =	vmul.u32 $0xD0, v11  }
0xb7: {  	v5 =	vld.idx.msk [tilespmem:v5+s8+$0x0], $0xffff;
	[tilespmem:s22+$0xFFFFFF00] =	vst v7  }
0xb8: {  	v7 =	vadd.s32 $0x9, v1;
	v2 =	vbroadcast v2, $0x0;
	v8 =	vld.idx.msk [tilespmem:v8+s8+$0x0], $0xffff  }
0xb9: {  	[tilespmem:s23+$0xFFFFF980] =	vst v9;
	v9 =	vadd.s32 $0x20, v3  }
0xba: {  	v2 =	vadd.s32 v2, v6;
	v10 =	vld.idx.msk [tilespmem:v10+s8+$0x0], $0xffff  }
0xbb: {  	v11 =	vadd.s32 $0x15, v4  }
0xbc: {  	[tilespmem:s20+$0xFFFFF400] =	vst v5  }
0xbd: {  	v5 =	vld.idx.msk [tilespmem:v7+s8+$0x0], $0xffff;
	[tilespmem:s22+$0xFFFFFF80] =	vst v8  }
0xbe: {  	v7 =	vadd.s32 $0xA, v1;
	v8 =	vld.idx.msk [tilespmem:v9+s8+$0x0], $0xffff  }
0xbf: {  	v2 =	vld.idx.msk [tilespmem:v2+s3+$0x0], $0xffff;
	[tilespmem:s23+$0xFFFFFA00] =	vst v10  }
0xc0: {  	v10 =	vadd.s32 $0x21, v3;
	v9 =	vld.idx.msk [tilespmem:v11+s8+$0x0], $0xffff  }
0xc1: {  	v11 =	vadd.s32 $0x16, v4  }
0xc2: {  	[tilespmem:s20+$0xFFFFF480] =	vst v5  }
0xc3: {  	v5 =	vld.idx.msk [tilespmem:v7+s8+$0x0], $0xffff  }
0xc4: {  	v7 =	vadd.s32 $0xB, v1;
	[tilespmem:s22+$0x0] =	vst v8;
	v2 =	vmul.u32 $0x41, v2  }
0xc5: {  	v8 =	vld.idx.msk [tilespmem:v10+s8+$0x0], $0xffff;
	[tilespmem:s23+$0xFFFFFA80] =	vst v9  }
0xc6: {  	v10 =	vadd.s32 $0x22, v3;
	v9 =	vld.idx.msk [tilespmem:v11+s8+$0x0], $0xffff  }
0xc7: {  	v11 =	vadd.s32 $0x17, v4  }
0xc8: {  	[tilespmem:s20+$0xFFFFF500] =	vst v5  }
0xc9: {  	v5 =	vld.idx.msk [tilespmem:v7+s8+$0x0], $0xffff  }
0xca: {  	v12 =	vadd.s32 $0xC, v1;
	v7 =	vld.idx.msk [tilespmem:v2+s8+$0x0], $0xffff;
	[tilespmem:s22+$0x80] =	vst v8  }
0xcb: {  	v8 =	vld.idx.msk [tilespmem:v10+s8+$0x0], $0xffff;
	v10 =	vadd.s32 $0x1, v2;
	[tilespmem:s23+$0xFFFFFB00] =	vst v9  }
0xcc: {  	v9 =	vld.idx.msk [tilespmem:v11+s8+$0x0], $0xffff;
	v11 =	vadd.s32 $0x23, v3  }
0xcd: {  	v13 =	vadd.s32 $0x18, v4  }
0xce: {  	s21 =	simm.s32 $0x8870;
	[tilespmem:s20+$0xFFFFF580] =	vst v5  }
0xcf: {  	v5 =	vld.idx.msk [tilespmem:v12+s8+$0x0], $0xffff;
	[tilespmem:s21+$0xFFFFF000] =	vst v7  }
0xd0: {  	v7 =	vld.idx.msk [tilespmem:v10+s8+$0x0], $0xffff;
	v10 =	vadd.s32 $0xD, v1;
	[tilespmem:s22+$0x100] =	vst v8  }
0xd1: {  	v8 =	vld.idx.msk [tilespmem:v11+s8+$0x0], $0xffff;
	v11 =	vadd.s32 $0x2, v2;
	[tilespmem:s23+$0xFFFFFB80] =	vst v9  }
0xd2: {  	v12 =	vadd.s32 $0x24, v3;
	v9 =	vld.idx.msk [tilespmem:v13+s8+$0x0], $0xffff  }
0xd3: {  	v13 =	vadd.s32 $0x19, v4  }
0xd4: {  	[tilespmem:s20+$0xFFFFF600] =	vst v5  }
0xd5: {  	v5 =	vld.idx.msk [tilespmem:v10+s8+$0x0], $0xffff;
	[tilespmem:s21+$0xFFFFF080] =	vst v7  }
0xd6: {  	v10 =	vadd.s32 $0xE, v1;
	v7 =	vld.idx.msk [tilespmem:v11+s8+$0x0], $0xffff;
	[tilespmem:s22+$0x180] =	vst v8  }
0xd7: {  	v11 =	vadd.s32 $0x3, v2;
	v8 =	vld.idx.msk [tilespmem:v12+s8+$0x0], $0xffff;
	[tilespmem:s23+$0xFFFFFC00] =	vst v9  }
0xd8: {  	v12 =	vadd.s32 $0x25, v3;
	v9 =	vld.idx.msk [tilespmem:v13+s8+$0x0], $0xffff  }
0xd9: {  	v13 =	vadd.s32 $0x1A, v4  }
0xda: {  	[tilespmem:s20+$0xFFFFF680] =	vst v5  }
0xdb: {  	v5 =	vld.idx.msk [tilespmem:v10+s8+$0x0], $0xffff;
	[tilespmem:s21+$0xFFFFF100] =	vst v7  }
0xdc: {  	v10 =	vadd.s32 $0xF, v1;
	v7 =	vld.idx.msk [tilespmem:v11+s8+$0x0], $0xffff;
	[tilespmem:s22+$0x200] =	vst v8  }
0xdd: {  	v11 =	vadd.s32 $0x4, v2;
	v8 =	vld.idx.msk [tilespmem:v12+s8+$0x0], $0xffff;
	[tilespmem:s23+$0xFFFFFC80] =	vst v9  }
0xde: {  	v12 =	vadd.s32 $0x26, v3;
	v9 =	vld.idx.msk [tilespmem:v13+s8+$0x0], $0xffff  }
0xdf: {  	v13 =	vadd.s32 $0x1B, v4  }
0xe0: {  	[tilespmem:s20+$0xFFFFF700] =	vst v5  }
0xe1: {  	v5 =	vld.idx.msk [tilespmem:v10+s8+$0x0], $0xffff;
	[tilespmem:s21+$0xFFFFF180] =	vst v7  }
0xe2: {  	v10 =	vadd.s32 $0x10, v1;
	v7 =	vld.idx.msk [tilespmem:v11+s8+$0x0], $0xffff;
	[tilespmem:s22+$0x280] =	vst v8  }
0xe3: {  	v11 =	vadd.s32 $0x5, v2;
	v8 =	vld.idx.msk [tilespmem:v12+s8+$0x0], $0xffff;
	[tilespmem:s23+$0xFFFFFD00] =	vst v9  }
0xe4: {  	v12 =	vadd.s32 $0x27, v3;
	v9 =	vld.idx.msk [tilespmem:v13+s8+$0x0], $0xffff  }
0xe5: {  	v13 =	vadd.s32 $0x1C, v4  }
0xe6: {  	[tilespmem:s20+$0xFFFFF780] =	vst v5  }
0xe7: {  	v5 =	vld.idx.msk [tilespmem:v10+s8+$0x0], $0xffff;
	[tilespmem:s21+$0xFFFFF200] =	vst v7  }
0xe8: {  	v10 =	vadd.s32 $0x11, v1;
	v7 =	vld.idx.msk [tilespmem:v11+s8+$0x0], $0xffff;
	[tilespmem:s22+$0x300] =	vst v8  }
0xe9: {  	v11 =	vadd.s32 $0x6, v2;
	v8 =	vld.idx.msk [tilespmem:v12+s8+$0x0], $0xffff;
	[tilespmem:s23+$0xFFFFFD80] =	vst v9  }
0xea: {  	v12 =	vadd.s32 $0x28, v3;
	v9 =	vld.idx.msk [tilespmem:v13+s8+$0x0], $0xffff  }
0xeb: {  	v13 =	vadd.s32 $0x1D, v4  }
0xec: {  	[tilespmem:s20+$0xFFFFF800] =	vst v5  }
0xed: {  	v5 =	vld.idx.msk [tilespmem:v10+s8+$0x0], $0xffff;
	[tilespmem:s21+$0xFFFFF280] =	vst v7  }
0xee: {  	v10 =	vadd.s32 $0x12, v1;
	v7 =	vld.idx.msk [tilespmem:v11+s8+$0x0], $0xffff;
	[tilespmem:s22+$0x380] =	vst v8  }
0xef: {  	v11 =	vadd.s32 $0x7, v2;
	v8 =	vld.idx.msk [tilespmem:v12+s8+$0x0], $0xffff;
	[tilespmem:s23+$0xFFFFFE00] =	vst v9  }
0xf0: {  	v12 =	vadd.s32 $0x29, v3;
	v9 =	vld.idx.msk [tilespmem:v13+s8+$0x0], $0xffff  }
0xf1: {  	v13 =	vadd.s32 $0x1E, v4  }
0xf2: {  	[tilespmem:s20+$0xFFFFF880] =	vst v5  }
0xf3: {  	v5 =	vld.idx.msk [tilespmem:v10+s8+$0x0], $0xffff;
	[tilespmem:s21+$0xFFFFF300] =	vst v7  }
0xf4: {  	v10 =	vadd.s32 $0x13, v1;
	v7 =	vld.idx.msk [tilespmem:v11+s8+$0x0], $0xffff;
	[tilespmem:s22+$0x400] =	vst v8  }
0xf5: {  	v11 =	vadd.s32 $0x8, v2;
	v8 =	vld.idx.msk [tilespmem:v12+s8+$0x0], $0xffff;
	[tilespmem:s23+$0xFFFFFE80] =	vst v9  }
0xf6: {  	v12 =	vadd.s32 $0x2A, v3;
	v9 =	vld.idx.msk [tilespmem:v13+s8+$0x0], $0xffff  }
0xf7: {  	v13 =	vadd.s32 $0x1F, v4  }
0xf8: {  	s24 =	simm.s32 $0x40;
	[tilespmem:s20+$0xFFFFF900] =	vst v5  }
0xf9: {  	v5 =	vld.idx.msk [tilespmem:v10+s8+$0x0], $0xffff;
	[tilespmem:s21+$0xFFFFF380] =	vst v7;
	v7 =	vmov s24  }
0xfa: {  	v10 =	vld.idx.msk [tilespmem:v11+s8+$0x0], $0xffff;
	v11 =	vadd.s32 $0x14, v1;
	[tilespmem:s22+$0x480] =	vst v8;
	v7 =	vmul.u32 $0xD0, v7  }
0xfb: {  	v8 =	vld.idx.msk [tilespmem:v12+s8+$0x0], $0xffff;
	v12 =	vadd.s32 $0x9, v2;
	[tilespmem:s23+$0xFFFFFF00] =	vst v9  }
0xfc: {  	v9 =	vld.idx.msk [tilespmem:v13+s8+$0x0], $0xffff;
	v13 =	vadd.s32 $0x2B, v3;
	v7 =	vbroadcast v7, $0x0  }
0xfd: {  	v14 =	vadd.s32 $0x20, v4  }
0xfe: {  	[tilespmem:s20+$0xFFFFF980] =	vst v5;
	v5 =	vadd.s32 v7, v6  }
0xff: {  	v7 =	vld.idx.msk [tilespmem:v11+s8+$0x0], $0xffff;
	[tilespmem:s21+$0xFFFFF400] =	vst v10  }
0x100: {  	v11 =	vadd.s32 $0x15, v1;
	v10 =	vld.idx.msk [tilespmem:v12+s8+$0x0], $0xffff;
	[tilespmem:s22+$0x500] =	vst v8  }
0x101: {  	v12 =	vadd.s32 $0xA, v2;
	v8 =	vld.idx.msk [tilespmem:v13+s8+$0x0], $0xffff;
	[tilespmem:s23+$0xFFFFFF80] =	vst v9  }
0x102: {  	v13 =	vadd.s32 $0x2C, v3;
	v9 =	vld.idx.msk [tilespmem:v14+s8+$0x0], $0xffff  }
0x103: {  	v5 =	vld.idx.msk [tilespmem:v5+s3+$0x0], $0xffff  }
0x104: {  	[tilespmem:s20+$0xFFFFFA00] =	vst v7;
	v7 =	vadd.s32 $0x21, v4  }
0x105: {  	v11 =	vld.idx.msk [tilespmem:v11+s8+$0x0], $0xffff;
	[tilespmem:s21+$0xFFFFF480] =	vst v10  }
0x106: {  	v10 =	vld.idx.msk [tilespmem:v12+s8+$0x0], $0xffff;
	v12 =	vadd.s32 $0x16, v1;
	[tilespmem:s22+$0x580] =	vst v8  }
0x107: {  	v8 =	vld.idx.msk [tilespmem:v13+s8+$0x0], $0xffff;
	v13 =	vadd.s32 $0xB, v2  }
0x108: {  	[tilespmem:s23+$0x0] =	vst v9;
	v9 =	vadd.s32 $0x2D, v3;
	v5 =	vmul.u32 $0x41, v5  }
0x109: {  	v7 =	vld.idx.msk [tilespmem:v7+s8+$0x0], $0xffff  }
0x10a: {  	[tilespmem:s20+$0xFFFFFA80] =	vst v11;
	v11 =	vadd.s32 $0x22, v4  }
0x10b: {  	v12 =	vld.idx.msk [tilespmem:v12+s8+$0x0], $0xffff;
	[tilespmem:s21+$0xFFFFF500] =	vst v10  }
0x10c: {  	v10 =	vld.idx.msk [tilespmem:v13+s8+$0x0], $0xffff;
	v13 =	vadd.s32 $0x17, v1;
	[tilespmem:s22+$0x600] =	vst v8  }
0x10d: {  	v8 =	vld.idx.msk [tilespmem:v9+s8+$0x0], $0xffff;
	v9 =	vadd.s32 $0xC, v2  }
0x10e: {  	v14 =	vld.idx.msk [tilespmem:v5+s8+$0x0], $0xffff;
	[tilespmem:s23+$0x80] =	vst v7;
	v7 =	vadd.s32 $0x2E, v3  }
0x10f: {  	v15 =	vadd.s32 $0x1, v5;
	v11 =	vld.idx.msk [tilespmem:v11+s8+$0x0], $0xffff  }
0x110: {  	[tilespmem:s20+$0xFFFFFB00] =	vst v12;
	v12 =	vadd.s32 $0x23, v4  }
0x111: {  	v13 =	vld.idx.msk [tilespmem:v13+s8+$0x0], $0xffff;
	[tilespmem:s21+$0xFFFFF580] =	vst v10  }
0x112: {  	s26 =	simm.s32 $0x8880;
	v10 =	vadd.s32 $0x18, v1;
	v9 =	vld.idx.msk [tilespmem:v9+s8+$0x0], $0xffff;
	[tilespmem:s22+$0x680] =	vst v8  }
0x113: {  	v8 =	vadd.s32 $0xD, v2;
	[tilespmem:s26+$0xFFFFF000] =	vst v14;
	v7 =	vld.idx.msk [tilespmem:v7+s8+$0x0], $0xffff  }
0x114: {  	v14 =	vld.idx.msk [tilespmem:v15+s8+$0x0], $0xffff;
	[tilespmem:s23+$0x100] =	vst v11;
	v11 =	vadd.s32 $0x2F, v3  }
0x115: {  	v15 =	vadd.s32 $0x2, v5;
	v12 =	vld.idx.msk [tilespmem:v12+s8+$0x0], $0xffff  }
0x116: {  	[tilespmem:s20+$0xFFFFFB80] =	vst v13;
	v13 =	vadd.s32 $0x24, v4  }
0x117: {  	v10 =	vld.idx.msk [tilespmem:v10+s8+$0x0], $0xffff;
	[tilespmem:s21+$0xFFFFF600] =	vst v9  }
0x118: {  	v9 =	vadd.s32 $0x19, v1;
	v8 =	vld.idx.msk [tilespmem:v8+s8+$0x0], $0xffff;
	[tilespmem:s22+$0x700] =	vst v7  }
0x119: {  	[tilespmem:s26+$0xFFFFF080] =	vst v14;
	v7 =	vld.idx.msk [tilespmem:v11+s8+$0x0], $0xffff;
	v11 =	vadd.s32 $0xE, v2  }
0x11a: {  	v14 =	vld.idx.msk [tilespmem:v15+s8+$0x0], $0xffff;
	[tilespmem:s23+$0x180] =	vst v12;
	v12 =	vadd.s32 $0x30, v3  }
0x11b: {  	v15 =	vadd.s32 $0x3, v5;
	v13 =	vld.idx.msk [tilespmem:v13+s8+$0x0], $0xffff  }
0x11c: {  	[tilespmem:s20+$0xFFFFFC00] =	vst v10;
	v10 =	vadd.s32 $0x25, v4  }
0x11d: {  	v9 =	vld.idx.msk [tilespmem:v9+s8+$0x0], $0xffff;
	[tilespmem:s21+$0xFFFFF680] =	vst v8  }
0x11e: {  	v8 =	vld.idx.msk [tilespmem:v11+s8+$0x0], $0xffff;
	v11 =	vadd.s32 $0x1A, v1;
	[tilespmem:s22+$0x780] =	vst v7  }
0x11f: {  	[tilespmem:s26+$0xFFFFF100] =	vst v14;
	v7 =	vld.idx.msk [tilespmem:v12+s8+$0x0], $0xffff;
	v12 =	vadd.s32 $0xF, v2  }
0x120: {  	v14 =	vld.idx.msk [tilespmem:v15+s8+$0x0], $0xffff;
	[tilespmem:s23+$0x200] =	vst v13;
	v13 =	vadd.s32 $0x31, v3  }
0x121: {  	v15 =	vadd.s32 $0x4, v5;
	v10 =	vld.idx.msk [tilespmem:v10+s8+$0x0], $0xffff  }
0x122: {  	[tilespmem:s20+$0xFFFFFC80] =	vst v9;
	v9 =	vadd.s32 $0x26, v4  }
0x123: {  	v11 =	vld.idx.msk [tilespmem:v11+s8+$0x0], $0xffff;
	[tilespmem:s21+$0xFFFFF700] =	vst v8  }
0x124: {  	v8 =	vld.idx.msk [tilespmem:v12+s8+$0x0], $0xffff;
	v12 =	vadd.s32 $0x1B, v1;
	[tilespmem:s22+$0x800] =	vst v7  }
0x125: {  	[tilespmem:s26+$0xFFFFF180] =	vst v14;
	v7 =	vld.idx.msk [tilespmem:v13+s8+$0x0], $0xffff;
	v13 =	vadd.s32 $0x10, v2  }
0x126: {  	v14 =	vld.idx.msk [tilespmem:v15+s8+$0x0], $0xffff;
	[tilespmem:s23+$0x280] =	vst v10;
	v10 =	vadd.s32 $0x32, v3  }
0x127: {  	v15 =	vadd.s32 $0x5, v5;
	v9 =	vld.idx.msk [tilespmem:v9+s8+$0x0], $0xffff  }
0x128: {  	[tilespmem:s20+$0xFFFFFD00] =	vst v11;
	v11 =	vadd.s32 $0x27, v4  }
0x129: {  	v12 =	vld.idx.msk [tilespmem:v12+s8+$0x0], $0xffff;
	[tilespmem:s21+$0xFFFFF780] =	vst v8  }
0x12a: {  	v8 =	vld.idx.msk [tilespmem:v13+s8+$0x0], $0xffff;
	v13 =	vadd.s32 $0x1C, v1;
	[tilespmem:s22+$0x880] =	vst v7  }
0x12b: {  	[tilespmem:s26+$0xFFFFF200] =	vst v14;
	v7 =	vld.idx.msk [tilespmem:v10+s8+$0x0], $0xffff;
	v10 =	vadd.s32 $0x11, v2  }
0x12c: {  	v14 =	vld.idx.msk [tilespmem:v15+s8+$0x0], $0xffff;
	[tilespmem:s23+$0x300] =	vst v9;
	v9 =	vadd.s32 $0x33, v3  }
0x12d: {  	v15 =	vadd.s32 $0x6, v5;
	v11 =	vld.idx.msk [tilespmem:v11+s8+$0x0], $0xffff  }
0x12e: {  	[tilespmem:s20+$0xFFFFFD80] =	vst v12;
	v12 =	vadd.s32 $0x28, v4  }
0x12f: {  	v13 =	vld.idx.msk [tilespmem:v13+s8+$0x0], $0xffff;
	[tilespmem:s21+$0xFFFFF800] =	vst v8  }
0x130: {  	v8 =	vld.idx.msk [tilespmem:v10+s8+$0x0], $0xffff;
	v10 =	vadd.s32 $0x1D, v1;
	[tilespmem:s22+$0x900] =	vst v7  }
0x131: {  	[tilespmem:s26+$0xFFFFF280] =	vst v14;
	v7 =	vld.idx.msk [tilespmem:v9+s8+$0x0], $0xffff;
	v9 =	vadd.s32 $0x12, v2  }
0x132: {  	v14 =	vld.idx.msk [tilespmem:v15+s8+$0x0], $0xffff;
	[tilespmem:s23+$0x380] =	vst v11;
	v11 =	vadd.s32 $0x34, v3  }
0x133: {  	v15 =	vadd.s32 $0x7, v5;
	v12 =	vld.idx.msk [tilespmem:v12+s8+$0x0], $0xffff  }
0x134: {  	[tilespmem:s20+$0xFFFFFE00] =	vst v13;
	v13 =	vadd.s32 $0x29, v4  }
0x135: {  	v10 =	vld.idx.msk [tilespmem:v10+s8+$0x0], $0xffff;
	[tilespmem:s21+$0xFFFFF880] =	vst v8  }
0x136: {  	v8 =	vld.idx.msk [tilespmem:v9+s8+$0x0], $0xffff;
	v9 =	vadd.s32 $0x1E, v1;
	[tilespmem:s22+$0x980] =	vst v7  }
0x137: {  	[tilespmem:s26+$0xFFFFF300] =	vst v14;
	v7 =	vld.idx.msk [tilespmem:v11+s8+$0x0], $0xffff;
	v11 =	vadd.s32 $0x13, v2  }
0x138: {  	v14 =	vld.idx.msk [tilespmem:v15+s8+$0x0], $0xffff;
	[tilespmem:s23+$0x400] =	vst v12;
	v12 =	vadd.s32 $0x35, v3  }
0x139: {  	v16 =	vadd.s32 $0x8, v5;
	v15 =	vld.idx.msk [tilespmem:v13+s8+$0x0], $0xffff  }
0x13a: {  	v17 =	vadd.s32 $0x2A, v4;
	[tilespmem:s20+$0xFFFFFE80] =	vst v10  }
0x13b: {  	v10 =	vld.idx.msk [tilespmem:v9+s8+$0x0], $0xffff;
	[tilespmem:s21+$0xFFFFF900] =	vst v8  }
0x13c: {  	v13 =	vadd.s32 $0x1F, v1;
	v11 =	vld.idx.msk [tilespmem:v11+s8+$0x0], $0xffff;
	[tilespmem:s22+$0xA00] =	vst v7  }
0x13d: {  	[tilespmem:s26+$0xFFFFF380] =	vst v14;
	v7 =	vld.idx.msk [tilespmem:v12+s8+$0x0], $0xffff  }
0x13e: {  	s31 =	simm.s32 $0x50;
	v14 =	vadd.s32 $0x14, v2;
	v12 =	vld.idx.msk [tilespmem:v16+s8+$0x0], $0xffff;
	[tilespmem:s23+$0x480] =	vst v15  }
0x13f: {  	s25 =	simm.s32 $0x60;
	s24 =	simm.s32 $0x8880;
	v8 =	vadd.s32 $0x36, v3;
	v15 =	vmov s31;
	v9 =	vld.idx.msk [tilespmem:v17+s8+$0x0], $0xffff  }
.LBB2_5:
0x140: {  	p1 =	sne.s32 s25, $0x70;
	v15 =	vmul.u32 $0xD0, v15;
	v16 =	vadd.s32 $0x9, v5;
	[tilespmem:s20+$0xFFFFFF00] =	vst v10  }
0x141: {  	v10 =	vld.idx.msk [tilespmem:v13+s8+$0x0], $0xffff;
	v13 =	vadd.s32 $0x2B, v4  }
0x142: {  	v15 =	vbroadcast v15, $0x0;
	[tilespmem:s21+$0xFFFFF980] =	vst v11  }
0x143: {  	v11 =	vld.idx.msk [tilespmem:v14+s8+$0x0], $0xffff;
	v14 =	vadd.s32 $0x20, v1;
	[tilespmem:s22+$0xA80] =	vst v7  }
0x144: {  	v7 =	vadd.s32 v15, v6;
	[tilespmem:s26+$0xFFFFF400] =	vst v12;
	v8 =	vld.idx.msk [tilespmem:v8+s8+$0x0], $0xffff  }
0x145: {  	v15 =	vadd.s32 $0x15, v2;
	v12 =	vld.idx.msk [tilespmem:v16+s8+$0x0], $0xffff;
	[tilespmem:s23+$0x500] =	vst v9  }
0x146: {  	v9 =	vld.idx.msk [tilespmem:v13+s8+$0x0], $0xffff;
	v13 =	vadd.s32 $0x37, v3  }
0x147: {  	v16 =	vadd.s32 $0xA, v5;
	[tilespmem:s20+$0xFFFFFF80] =	vst v10  }
0x148: {  	v10 =	vld.idx.msk [tilespmem:v14+s8+$0x0], $0xffff;
	v14 =	vadd.s32 $0x2C, v4  }
0x149: {  	v7 =	vld.idx.msk [tilespmem:v7+s3+$0x0], $0xffff;
	[tilespmem:s21+$0xFFFFFA00] =	vst v11  }
0x14a: {  	v11 =	vld.idx.msk [tilespmem:v15+s8+$0x0], $0xffff;
	v15 =	vadd.s32 $0x21, v1;
	[tilespmem:s22+$0xB00] =	vst v8  }
0x14b: {  	[tilespmem:s26+$0xFFFFF480] =	vst v12;
	v8 =	vld.idx.msk [tilespmem:v13+s8+$0x0], $0xffff  }
0x14c: {  	v13 =	vadd.s32 $0x16, v2;
	v12 =	vld.idx.msk [tilespmem:v16+s8+$0x0], $0xffff;
	[tilespmem:s23+$0x580] =	vst v9  }
0x14d: {  	v9 =	vld.idx.msk [tilespmem:v14+s8+$0x0], $0xffff;
	v14 =	vadd.s32 $0x38, v3  }
0x14e: {  	v16 =	vadd.s32 $0xB, v5;
	[tilespmem:s20+$0x0] =	vst v10  }
0x14f: {  	v7 =	vmul.u32 $0x41, v7;
	v10 =	vld.idx.msk [tilespmem:v15+s8+$0x0], $0xffff;
	v15 =	vadd.s32 $0x2D, v4  }
0x150: {  	[tilespmem:s21+$0xFFFFFA80] =	vst v11  }
0x151: {  	v11 =	vld.idx.msk [tilespmem:v13+s8+$0x0], $0xffff;
	v13 =	vadd.s32 $0x22, v1;
	[tilespmem:s22+$0xB80] =	vst v8  }
0x152: {  	[tilespmem:s26+$0xFFFFF500] =	vst v12;
	v8 =	vld.idx.msk [tilespmem:v14+s8+$0x0], $0xffff  }
0x153: {  	v14 =	vadd.s32 $0x17, v2;
	v12 =	vld.idx.msk [tilespmem:v16+s8+$0x0], $0xffff;
	[tilespmem:s23+$0x600] =	vst v9  }
0x154: {  	v9 =	vld.idx.msk [tilespmem:v15+s8+$0x0], $0xffff;
	v15 =	vadd.s32 $0x39, v3  }
0x155: {  	v17 =	vadd.s32 $0xC, v5;
	v16 =	vld.idx.msk [tilespmem:v7+s8+$0x0], $0xffff;
	[tilespmem:s20+$0x80] =	vst v10  }
0x156: {  	v10 =	vld.idx.msk [tilespmem:v13+s8+$0x0], $0xffff;
	v13 =	vadd.s32 $0x2E, v4  }
0x157: {  	v18 =	vadd.s32 $0x1, v7;
	[tilespmem:s21+$0xFFFFFB00] =	vst v11  }
0x158: {  	v11 =	vld.idx.msk [tilespmem:v14+s8+$0x0], $0xffff;
	v14 =	vadd.s32 $0x23, v1;
	[tilespmem:s22+$0xC00] =	vst v8  }
0x159: {  	[tilespmem:s26+$0xFFFFF580] =	vst v12;
	v8 =	vld.idx.msk [tilespmem:v15+s8+$0x0], $0xffff  }
0x15a: {  	s26 =	sadd.s32 $0x10, s26;
	v15 =	vadd.s32 $0x18, v2;
	v12 =	vld.idx.msk [tilespmem:v17+s8+$0x0], $0xffff;
	[tilespmem:s23+$0x680] =	vst v9  }
0x15b: {  	[tilespmem:s26+$0xFFFFF000] =	vst v16;
	v9 =	vld.idx.msk [tilespmem:v13+s8+$0x0], $0xffff;
	v13 =	vadd.s32 $0x3A, v3  }
0x15c: {  	v17 =	vadd.s32 $0xD, v5;
	v16 =	vld.idx.msk [tilespmem:v18+s8+$0x0], $0xffff;
	[tilespmem:s20+$0x100] =	vst v10  }
0x15d: {  	v10 =	vld.idx.msk [tilespmem:v14+s8+$0x0], $0xffff;
	v14 =	vadd.s32 $0x2F, v4  }
0x15e: {  	v18 =	vadd.s32 $0x2, v7;
	[tilespmem:s21+$0xFFFFFB80] =	vst v11  }
0x15f: {  	v11 =	vld.idx.msk [tilespmem:v15+s8+$0x0], $0xffff;
	v15 =	vadd.s32 $0x24, v1;
	[tilespmem:s22+$0xC80] =	vst v8  }
0x160: {  	[tilespmem:s24+$0xFFFFF600] =	vst v12;
	v8 =	vld.idx.msk [tilespmem:v13+s8+$0x0], $0xffff  }
0x161: {  	v13 =	vadd.s32 $0x19, v2;
	v12 =	vld.idx.msk [tilespmem:v17+s8+$0x0], $0xffff;
	[tilespmem:s23+$0x700] =	vst v9  }
0x162: {  	[tilespmem:s26+$0xFFFFF080] =	vst v16;
	v9 =	vld.idx.msk [tilespmem:v14+s8+$0x0], $0xffff;
	v14 =	vadd.s32 $0x3B, v3  }
0x163: {  	v17 =	vadd.s32 $0xE, v5;
	v16 =	vld.idx.msk [tilespmem:v18+s8+$0x0], $0xffff;
	[tilespmem:s20+$0x180] =	vst v10  }
0x164: {  	v10 =	vld.idx.msk [tilespmem:v15+s8+$0x0], $0xffff;
	v15 =	vadd.s32 $0x30, v4  }
0x165: {  	v18 =	vadd.s32 $0x3, v7;
	[tilespmem:s21+$0xFFFFFC00] =	vst v11  }
0x166: {  	v11 =	vld.idx.msk [tilespmem:v13+s8+$0x0], $0xffff;
	v13 =	vadd.s32 $0x25, v1;
	[tilespmem:s22+$0xD00] =	vst v8  }
0x167: {  	[tilespmem:s24+$0xFFFFF680] =	vst v12;
	v8 =	vld.idx.msk [tilespmem:v14+s8+$0x0], $0xffff  }
0x168: {  	v14 =	vadd.s32 $0x1A, v2;
	v12 =	vld.idx.msk [tilespmem:v17+s8+$0x0], $0xffff;
	[tilespmem:s23+$0x780] =	vst v9  }
0x169: {  	[tilespmem:s26+$0xFFFFF100] =	vst v16;
	v9 =	vld.idx.msk [tilespmem:v15+s8+$0x0], $0xffff;
	v15 =	vadd.s32 $0x3C, v3  }
0x16a: {  	v17 =	vadd.s32 $0xF, v5;
	v16 =	vld.idx.msk [tilespmem:v18+s8+$0x0], $0xffff;
	[tilespmem:s20+$0x200] =	vst v10  }
0x16b: {  	v10 =	vld.idx.msk [tilespmem:v13+s8+$0x0], $0xffff;
	v13 =	vadd.s32 $0x31, v4  }
0x16c: {  	v18 =	vadd.s32 $0x4, v7;
	[tilespmem:s21+$0xFFFFFC80] =	vst v11  }
0x16d: {  	v11 =	vld.idx.msk [tilespmem:v14+s8+$0x0], $0xffff;
	v14 =	vadd.s32 $0x26, v1;
	[tilespmem:s22+$0xD80] =	vst v8  }
0x16e: {  	[tilespmem:s24+$0xFFFFF700] =	vst v12;
	v8 =	vld.idx.msk [tilespmem:v15+s8+$0x0], $0xffff  }
0x16f: {  	v15 =	vadd.s32 $0x1B, v2;
	v12 =	vld.idx.msk [tilespmem:v17+s8+$0x0], $0xffff;
	[tilespmem:s23+$0x800] =	vst v9  }
0x170: {  	[tilespmem:s26+$0xFFFFF180] =	vst v16;
	v9 =	vld.idx.msk [tilespmem:v13+s8+$0x0], $0xffff;
	v13 =	vadd.s32 $0x3D, v3  }
0x171: {  	v17 =	vadd.s32 $0x10, v5;
	v16 =	vld.idx.msk [tilespmem:v18+s8+$0x0], $0xffff;
	[tilespmem:s20+$0x280] =	vst v10  }
0x172: {  	v10 =	vld.idx.msk [tilespmem:v14+s8+$0x0], $0xffff;
	v14 =	vadd.s32 $0x32, v4  }
0x173: {  	v18 =	vadd.s32 $0x5, v7;
	[tilespmem:s21+$0xFFFFFD00] =	vst v11  }
0x174: {  	v11 =	vld.idx.msk [tilespmem:v15+s8+$0x0], $0xffff;
	v15 =	vadd.s32 $0x27, v1;
	[tilespmem:s22+$0xE00] =	vst v8  }
0x175: {  	[tilespmem:s24+$0xFFFFF780] =	vst v12;
	v8 =	vld.idx.msk [tilespmem:v13+s8+$0x0], $0xffff  }
0x176: {  	v13 =	vadd.s32 $0x1C, v2;
	v12 =	vld.idx.msk [tilespmem:v17+s8+$0x0], $0xffff;
	[tilespmem:s23+$0x880] =	vst v9  }
0x177: {  	[tilespmem:s26+$0xFFFFF200] =	vst v16;
	v9 =	vld.idx.msk [tilespmem:v14+s8+$0x0], $0xffff;
	v14 =	vadd.s32 $0x3E, v3  }
0x178: {  	v17 =	vadd.s32 $0x11, v5;
	v16 =	vld.idx.msk [tilespmem:v18+s8+$0x0], $0xffff;
	[tilespmem:s20+$0x300] =	vst v10  }
0x179: {  	v10 =	vld.idx.msk [tilespmem:v15+s8+$0x0], $0xffff;
	v15 =	vadd.s32 $0x33, v4  }
0x17a: {  	v18 =	vadd.s32 $0x6, v7;
	[tilespmem:s21+$0xFFFFFD80] =	vst v11  }
0x17b: {  	v11 =	vld.idx.msk [tilespmem:v13+s8+$0x0], $0xffff;
	v13 =	vadd.s32 $0x28, v1;
	[tilespmem:s22+$0xE80] =	vst v8  }
0x17c: {  	[tilespmem:s24+$0xFFFFF800] =	vst v12;
	v8 =	vld.idx.msk [tilespmem:v14+s8+$0x0], $0xffff  }
0x17d: {  	v14 =	vadd.s32 $0x1D, v2;
	v12 =	vld.idx.msk [tilespmem:v17+s8+$0x0], $0xffff;
	[tilespmem:s23+$0x900] =	vst v9  }
0x17e: {  	[tilespmem:s26+$0xFFFFF280] =	vst v16;
	v9 =	vld.idx.msk [tilespmem:v15+s8+$0x0], $0xffff;
	v15 =	vadd.s32 $0x3F, v3;
	v3 =	vmovc v4;
	v4 =	vmovc v1;
	v1 =	vmov v2;
	v2 =	vmov v5  }
0x17f: {  	v5 =	vmov v7;
	v16 =	vld.idx.msk [tilespmem:v18+s8+$0x0], $0xffff;
	v17 =	vadd.s32 $0x12, v2;
	[tilespmem:s20+$0x380] =	vst v10  }
0x180: {  	v10 =	vadd.s32 $0x34, v3;
	v7 =	vld.idx.msk [tilespmem:v13+s8+$0x0], $0xffff  }
0x181: {  	v13 =	vadd.s32 $0x7, v5;
	[tilespmem:s21+$0xFFFFFE00] =	vst v11  }
0x182: {  	v11 =	vld.idx.msk [tilespmem:v14+s8+$0x0], $0xffff;
	v14 =	vadd.s32 $0x29, v4;
	[tilespmem:s22+$0xF00] =	vst v8  }
0x183: {  	[tilespmem:s24+$0xFFFFF880] =	vst v12;
	v8 =	vld.idx.msk [tilespmem:v15+s8+$0x0], $0xffff  }
0x184: {  	v15 =	vadd.s32 $0x1E, v1;
	v12 =	vld.idx.msk [tilespmem:v17+s8+$0x0], $0xffff;
	[tilespmem:s23+$0x980] =	vst v9  }
0x185: {  	[tilespmem:s26+$0xFFFFF300] =	vst v16;
	v9 =	vld.idx.msk [tilespmem:v10+s8+$0x0], $0xffff  }
0x186: {  	v16 =	vld.idx.msk [tilespmem:v13+s8+$0x0], $0xffff;
	v13 =	vadd.s32 $0x13, v2;
	[tilespmem:s20+$0x400] =	vst v7  }
0x187: {  	v7 =	vadd.s32 $0x35, v3;
	v17 =	vld.idx.msk [tilespmem:v14+s8+$0x0], $0xffff  }
0x188: {  	v14 =	vadd.s32 $0x8, v5;
	[tilespmem:s21+$0xFFFFFE80] =	vst v11  }
0x189: {  	v18 =	vadd.s32 $0x2A, v4;
	v10 =	vld.idx.msk [tilespmem:v15+s8+$0x0], $0xffff;
	[tilespmem:s22+$0xF80] =	vst v8;
	s22 =	smov.u32 s23;
	s23 =	smov.u32 s20;
	s20 =	smov.u32 s21  }
.Ltmp1:
0x18a: {  	s21 =	smov.u32 s24;
	[tilespmem:s24+$0xFFFFF900] =	vst v12;
	s24 =	smov.u32 s26;
	(pc) =	sbr.rel @p1 .LBB2_5-.Ltmp1, $4  }
0x18b: {  	v11 =	vld.idx.msk [tilespmem:v13+s8+$0x0], $0xffff;
	v13 =	vadd.s32 $0x1F, v1;
	[tilespmem:s22+$0xA00] =	vst v9  }
0x18c: {  	[tilespmem:s26+$0xFFFFF380] =	vst v16;
	v7 =	vld.idx.msk [tilespmem:v7+s8+$0x0], $0xffff  }
0x18d: {  	v12 =	vld.idx.msk [tilespmem:v14+s8+$0x0], $0xffff;
	v14 =	vadd.s32 $0x14, v2;
	[tilespmem:s23+$0x480] =	vst v17  }
0x18e: {  	v15 =	vmov s25;
	s25 =	sadd.s32 $0x10, s25;
	v8 =	vadd.s32 $0x36, v3;
	v9 =	vld.idx.msk [tilespmem:v18+s8+$0x0], $0xffff  }
0x18f: {  	v15 =	vmul.u32 $0xD0, v15;
	_ =	sdelay $0x1  }
0x190: {  	v15 =	vbroadcast v15, $0x0;
	_ =	sdelay $0x1  }
0x191: {  	v6 =	vadd.s32 v15, v6  }
0x192: {  	[tilespmem:s20+$0xFFFFFF00] =	vst v10  }
0x193: {  	v10 =	vadd.s32 $0x9, v5;
	v13 =	vld.idx.msk [tilespmem:v13+s8+$0x0], $0xffff  }
0x194: {  	v15 =	vadd.s32 $0x20, v1;
	_ =	sdelay $0x1  }
0x195: {  	[tilespmem:s21+$0xFFFFF980] =	vst v11;
	v6 =	vld.idx.msk [tilespmem:v6+s3+$0x0], $0xffff  }
0x196: {  	v11 =	vld.idx.msk [tilespmem:v14+s8+$0x0], $0xffff;
	[tilespmem:s26+$0xFFFFF400] =	vst v12  }
0x197: {  	v12 =	vadd.s32 $0x15, v2;
	v10 =	vld.idx.msk [tilespmem:v10+s8+$0x0], $0xffff;
	[tilespmem:s20+$0xFFFFFF80] =	vst v13  }
0x198: {  	v13 =	vadd.s32 $0xA, v5;
	v14 =	vld.idx.msk [tilespmem:v15+s8+$0x0], $0xffff  }
0x199: {  	v15 =	vadd.s32 $0x21, v1  }
0x19a: {  	v6 =	vmul.u32 $0x41, v6  }
0x19b: {  	[tilespmem:s21+$0xFFFFFA00] =	vst v11  }
0x19c: {  	v11 =	vld.idx.msk [tilespmem:v12+s8+$0x0], $0xffff;
	[tilespmem:s26+$0xFFFFF480] =	vst v10  }
0x19d: {  	v12 =	vadd.s32 $0x16, v2;
	v10 =	vld.idx.msk [tilespmem:v13+s8+$0x0], $0xffff;
	[tilespmem:s20+$0x0] =	vst v14  }
0x19e: {  	v13 =	vadd.s32 $0xB, v5;
	v14 =	vld.idx.msk [tilespmem:v15+s8+$0x0], $0xffff  }
0x19f: {  	v15 =	vadd.s32 $0x22, v1  }
0x1a0: {  	v16 =	vld.idx.msk [tilespmem:v6+s8+$0x0], $0xffff  }
0x1a1: {  	[tilespmem:s21+$0xFFFFFA80] =	vst v11;
	v11 =	vadd.s32 $0x1, v6  }
0x1a2: {  	v12 =	vld.idx.msk [tilespmem:v12+s8+$0x0], $0xffff;
	[tilespmem:s26+$0xFFFFF500] =	vst v10  }
0x1a3: {  	v10 =	vld.idx.msk [tilespmem:v13+s8+$0x0], $0xffff;
	v13 =	vadd.s32 $0x17, v2;
	[tilespmem:s20+$0x80] =	vst v14  }
0x1a4: {  	s25 =	sadd.s32 $0x10, s26;
	v14 =	vadd.s32 $0xC, v5;
	v15 =	vld.idx.msk [tilespmem:v15+s8+$0x0], $0xffff  }
0x1a5: {  	v17 =	vadd.s32 $0x23, v1;
	[tilespmem:s25+$0xFFFFF000] =	vst v16  }
0x1a6: {  	v11 =	vld.idx.msk [tilespmem:v11+s8+$0x0], $0xffff  }
0x1a7: {  	[tilespmem:s21+$0xFFFFFB00] =	vst v12;
	v12 =	vadd.s32 $0x2, v6  }
0x1a8: {  	v13 =	vld.idx.msk [tilespmem:v13+s8+$0x0], $0xffff;
	[tilespmem:s26+$0xFFFFF580] =	vst v10  }
0x1a9: {  	v10 =	vld.idx.msk [tilespmem:v14+s8+$0x0], $0xffff;
	v14 =	vadd.s32 $0x18, v2;
	[tilespmem:s20+$0x100] =	vst v15  }
0x1aa: {  	v15 =	vadd.s32 $0xD, v5;
	v16 =	vld.idx.msk [tilespmem:v17+s8+$0x0], $0xffff  }
0x1ab: {  	v17 =	vadd.s32 $0x24, v1;
	[tilespmem:s25+$0xFFFFF080] =	vst v11  }
0x1ac: {  	v11 =	vld.idx.msk [tilespmem:v12+s8+$0x0], $0xffff  }
0x1ad: {  	[tilespmem:s21+$0xFFFFFB80] =	vst v13;
	v12 =	vadd.s32 $0x3, v6  }
0x1ae: {  	v13 =	vadd.s32 $0x2B, v4;
	v14 =	vld.idx.msk [tilespmem:v14+s8+$0x0], $0xffff;
	[tilespmem:s24+$0xFFFFF600] =	vst v10  }
0x1af: {  	v10 =	vld.idx.msk [tilespmem:v15+s8+$0x0], $0xffff;
	v15 =	vadd.s32 $0x19, v2;
	[tilespmem:s20+$0x180] =	vst v16  }
0x1b0: {  	v16 =	vadd.s32 $0xE, v5;
	v17 =	vld.idx.msk [tilespmem:v17+s8+$0x0], $0xffff  }
0x1b1: {  	[tilespmem:s25+$0xFFFFF100] =	vst v11;
	v11 =	vadd.s32 $0x25, v1  }
0x1b2: {  	[tilespmem:s23+$0x500] =	vst v9;
	v9 =	vld.idx.msk [tilespmem:v12+s8+$0x0], $0xffff  }
0x1b3: {  	[tilespmem:s21+$0xFFFFFC00] =	vst v14;
	v12 =	vld.idx.msk [tilespmem:v13+s8+$0x0], $0xffff;
	v13 =	vadd.s32 $0x4, v6  }
0x1b4: {  	v14 =	vadd.s32 $0x2C, v4;
	v15 =	vld.idx.msk [tilespmem:v15+s8+$0x0], $0xffff;
	[tilespmem:s24+$0xFFFFF680] =	vst v10  }
0x1b5: {  	v10 =	vld.idx.msk [tilespmem:v16+s8+$0x0], $0xffff;
	v16 =	vadd.s32 $0x1A, v2;
	[tilespmem:s20+$0x200] =	vst v17  }
0x1b6: {  	v17 =	vadd.s32 $0xF, v5;
	v11 =	vld.idx.msk [tilespmem:v11+s8+$0x0], $0xffff  }
0x1b7: {  	[tilespmem:s25+$0xFFFFF180] =	vst v9;
	v9 =	vadd.s32 $0x26, v1  }
0x1b8: {  	[tilespmem:s23+$0x580] =	vst v12;
	v12 =	vld.idx.msk [tilespmem:v13+s8+$0x0], $0xffff  }
0x1b9: {  	[tilespmem:s21+$0xFFFFFC80] =	vst v15;
	v13 =	vld.idx.msk [tilespmem:v14+s8+$0x0], $0xffff;
	v14 =	vadd.s32 $0x5, v6  }
0x1ba: {  	v15 =	vadd.s32 $0x2D, v4;
	v16 =	vld.idx.msk [tilespmem:v16+s8+$0x0], $0xffff;
	[tilespmem:s24+$0xFFFFF700] =	vst v10  }
0x1bb: {  	v10 =	vld.idx.msk [tilespmem:v17+s8+$0x0], $0xffff;
	v17 =	vadd.s32 $0x1B, v2;
	[tilespmem:s20+$0x280] =	vst v11  }
0x1bc: {  	v11 =	vadd.s32 $0x10, v5;
	v9 =	vld.idx.msk [tilespmem:v9+s8+$0x0], $0xffff  }
0x1bd: {  	[tilespmem:s25+$0xFFFFF200] =	vst v12;
	v12 =	vadd.s32 $0x27, v1  }
0x1be: {  	[tilespmem:s23+$0x600] =	vst v13;
	v13 =	vld.idx.msk [tilespmem:v14+s8+$0x0], $0xffff  }
0x1bf: {  	[tilespmem:s21+$0xFFFFFD00] =	vst v16;
	v14 =	vld.idx.msk [tilespmem:v15+s8+$0x0], $0xffff;
	v15 =	vadd.s32 $0x6, v6  }
0x1c0: {  	v16 =	vadd.s32 $0x2E, v4;
	v17 =	vld.idx.msk [tilespmem:v17+s8+$0x0], $0xffff;
	[tilespmem:s24+$0xFFFFF780] =	vst v10  }
0x1c1: {  	v10 =	vld.idx.msk [tilespmem:v11+s8+$0x0], $0xffff;
	v11 =	vadd.s32 $0x1C, v2;
	[tilespmem:s20+$0x300] =	vst v9  }
0x1c2: {  	v9 =	vadd.s32 $0x11, v5;
	v12 =	vld.idx.msk [tilespmem:v12+s8+$0x0], $0xffff  }
0x1c3: {  	[tilespmem:s25+$0xFFFFF280] =	vst v13;
	v13 =	vadd.s32 $0x28, v1  }
0x1c4: {  	[tilespmem:s23+$0x680] =	vst v14;
	v14 =	vld.idx.msk [tilespmem:v15+s8+$0x0], $0xffff  }
0x1c5: {  	[tilespmem:s21+$0xFFFFFD80] =	vst v17;
	v15 =	vld.idx.msk [tilespmem:v16+s8+$0x0], $0xffff;
	v16 =	vadd.s32 $0x7, v6  }
0x1c6: {  	v17 =	vadd.s32 $0x2F, v4;
	v11 =	vld.idx.msk [tilespmem:v11+s8+$0x0], $0xffff;
	[tilespmem:s24+$0xFFFFF800] =	vst v10  }
0x1c7: {  	v10 =	vadd.s32 $0x1D, v2;
	v9 =	vld.idx.msk [tilespmem:v9+s8+$0x0], $0xffff;
	[tilespmem:s20+$0x380] =	vst v12  }
0x1c8: {  	v12 =	vadd.s32 $0x12, v5;
	v13 =	vld.idx.msk [tilespmem:v13+s8+$0x0], $0xffff  }
0x1c9: {  	[tilespmem:s25+$0xFFFFF300] =	vst v14;
	v14 =	vadd.s32 $0x29, v1  }
0x1ca: {  	[tilespmem:s23+$0x700] =	vst v15;
	v15 =	vld.idx.msk [tilespmem:v16+s8+$0x0], $0xffff  }
0x1cb: {  	v16 =	vld.idx.msk [tilespmem:v17+s8+$0x0], $0xffff;
	[tilespmem:s21+$0xFFFFFE00] =	vst v11;
	v11 =	vadd.s32 $0x8, v6  }
0x1cc: {  	v17 =	vadd.s32 $0x30, v4;
	v10 =	vld.idx.msk [tilespmem:v10+s8+$0x0], $0xffff;
	[tilespmem:s24+$0xFFFFF880] =	vst v9  }
0x1cd: {  	v9 =	vld.idx.msk [tilespmem:v12+s8+$0x0], $0xffff;
	v12 =	vadd.s32 $0x1E, v2;
	[tilespmem:s20+$0x400] =	vst v13  }
0x1ce: {  	v13 =	vadd.s32 $0x13, v5;
	v14 =	vld.idx.msk [tilespmem:v14+s8+$0x0], $0xffff  }
0x1cf: {  	[tilespmem:s25+$0xFFFFF380] =	vst v15;
	v15 =	vadd.s32 $0x2A, v1  }
0x1d0: {  	[tilespmem:s23+$0x780] =	vst v16;
	v11 =	vld.idx.msk [tilespmem:v11+s8+$0x0], $0xffff  }
0x1d1: {  	v16 =	vld.idx.msk [tilespmem:v17+s8+$0x0], $0xffff;
	[tilespmem:s21+$0xFFFFFE80] =	vst v10;
	v10 =	vadd.s32 $0x9, v6  }
0x1d2: {  	v17 =	vadd.s32 $0x31, v4;
	v12 =	vld.idx.msk [tilespmem:v12+s8+$0x0], $0xffff;
	[tilespmem:s24+$0xFFFFF900] =	vst v9  }
0x1d3: {  	v9 =	vld.idx.msk [tilespmem:v13+s8+$0x0], $0xffff;
	v13 =	vadd.s32 $0x1F, v2;
	[tilespmem:s20+$0x480] =	vst v14  }
0x1d4: {  	v14 =	vadd.s32 $0x14, v5;
	v15 =	vld.idx.msk [tilespmem:v15+s8+$0x0], $0xffff  }
0x1d5: {  	[tilespmem:s25+$0xFFFFF400] =	vst v11;
	v11 =	vadd.s32 $0x2B, v1  }
0x1d6: {  	[tilespmem:s23+$0x800] =	vst v16;
	v10 =	vld.idx.msk [tilespmem:v10+s8+$0x0], $0xffff  }
0x1d7: {  	v16 =	vld.idx.msk [tilespmem:v17+s8+$0x0], $0xffff;
	[tilespmem:s21+$0xFFFFFF00] =	vst v12;
	v12 =	vadd.s32 $0xA, v6  }
0x1d8: {  	v17 =	vadd.s32 $0x32, v4;
	v13 =	vld.idx.msk [tilespmem:v13+s8+$0x0], $0xffff;
	[tilespmem:s24+$0xFFFFF980] =	vst v9  }
0x1d9: {  	v9 =	vld.idx.msk [tilespmem:v14+s8+$0x0], $0xffff;
	v14 =	vadd.s32 $0x20, v2;
	[tilespmem:s20+$0x500] =	vst v15  }
0x1da: {  	v15 =	vadd.s32 $0x15, v5;
	v11 =	vld.idx.msk [tilespmem:v11+s8+$0x0], $0xffff  }
0x1db: {  	[tilespmem:s25+$0xFFFFF480] =	vst v10;
	v10 =	vadd.s32 $0x2C, v1  }
0x1dc: {  	[tilespmem:s23+$0x880] =	vst v16;
	v12 =	vld.idx.msk [tilespmem:v12+s8+$0x0], $0xffff  }
0x1dd: {  	v16 =	vld.idx.msk [tilespmem:v17+s8+$0x0], $0xffff;
	[tilespmem:s21+$0xFFFFFF80] =	vst v13;
	v13 =	vadd.s32 $0xB, v6  }
0x1de: {  	v17 =	vadd.s32 $0x33, v4;
	v14 =	vld.idx.msk [tilespmem:v14+s8+$0x0], $0xffff;
	[tilespmem:s24+$0xFFFFFA00] =	vst v9  }
0x1df: {  	v9 =	vld.idx.msk [tilespmem:v15+s8+$0x0], $0xffff;
	v15 =	vadd.s32 $0x21, v2;
	[tilespmem:s20+$0x580] =	vst v11  }
0x1e0: {  	v11 =	vadd.s32 $0x16, v5;
	v10 =	vld.idx.msk [tilespmem:v10+s8+$0x0], $0xffff  }
0x1e1: {  	[tilespmem:s25+$0xFFFFF500] =	vst v12;
	v12 =	vadd.s32 $0x2D, v1  }
0x1e2: {  	[tilespmem:s23+$0x900] =	vst v16;
	v13 =	vld.idx.msk [tilespmem:v13+s8+$0x0], $0xffff  }
0x1e3: {  	v16 =	vld.idx.msk [tilespmem:v17+s8+$0x0], $0xffff;
	[tilespmem:s21+$0x0] =	vst v14;
	v14 =	vadd.s32 $0xC, v6  }
0x1e4: {  	v17 =	vadd.s32 $0x34, v4;
	v15 =	vld.idx.msk [tilespmem:v15+s8+$0x0], $0xffff;
	[tilespmem:s24+$0xFFFFFA80] =	vst v9  }
0x1e5: {  	v9 =	vld.idx.msk [tilespmem:v11+s8+$0x0], $0xffff;
	v11 =	vadd.s32 $0x22, v2;
	[tilespmem:s20+$0x600] =	vst v10  }
0x1e6: {  	v10 =	vadd.s32 $0x17, v5;
	v12 =	vld.idx.msk [tilespmem:v12+s8+$0x0], $0xffff  }
0x1e7: {  	[tilespmem:s25+$0xFFFFF580] =	vst v13;
	v13 =	vadd.s32 $0x2E, v1  }
0x1e8: {  	[tilespmem:s23+$0x980] =	vst v16;
	v14 =	vld.idx.msk [tilespmem:v14+s8+$0x0], $0xffff  }
0x1e9: {  	v16 =	vld.idx.msk [tilespmem:v17+s8+$0x0], $0xffff;
	[tilespmem:s21+$0x80] =	vst v15;
	v15 =	vadd.s32 $0xD, v6  }
0x1ea: {  	v17 =	vadd.s32 $0x35, v4;
	v11 =	vld.idx.msk [tilespmem:v11+s8+$0x0], $0xffff;
	[tilespmem:s24+$0xFFFFFB00] =	vst v9  }
0x1eb: {  	v9 =	vld.idx.msk [tilespmem:v10+s8+$0x0], $0xffff;
	v10 =	vadd.s32 $0x23, v2;
	[tilespmem:s20+$0x680] =	vst v12  }
0x1ec: {  	v12 =	vadd.s32 $0x18, v5;
	v13 =	vld.idx.msk [tilespmem:v13+s8+$0x0], $0xffff  }
0x1ed: {  	[tilespmem:s25+$0xFFFFF600] =	vst v14;
	v14 =	vadd.s32 $0x2F, v1  }
0x1ee: {  	[tilespmem:s23+$0xA00] =	vst v16;
	v15 =	vld.idx.msk [tilespmem:v15+s8+$0x0], $0xffff  }
0x1ef: {  	v16 =	vld.idx.msk [tilespmem:v17+s8+$0x0], $0xffff;
	[tilespmem:s21+$0x100] =	vst v11;
	v11 =	vadd.s32 $0xE, v6  }
0x1f0: {  	v17 =	vadd.s32 $0x36, v4;
	v10 =	vld.idx.msk [tilespmem:v10+s8+$0x0], $0xffff;
	[tilespmem:s24+$0xFFFFFB80] =	vst v9  }
0x1f1: {  	v9 =	vld.idx.msk [tilespmem:v12+s8+$0x0], $0xffff;
	v12 =	vadd.s32 $0x24, v2;
	[tilespmem:s20+$0x700] =	vst v13  }
0x1f2: {  	[tilespmem:s22+$0xA80] =	vst v7;
	v7 =	vadd.s32 $0x19, v5;
	v13 =	vld.idx.msk [tilespmem:v14+s8+$0x0], $0xffff  }
0x1f3: {  	v8 =	vld.idx.msk [tilespmem:v8+s8+$0x0], $0xffff;
	v14 =	vadd.s32 $0x30, v1;
	[tilespmem:s25+$0xFFFFF680] =	vst v15  }
0x1f4: {  	v15 =	vadd.s32 $0x37, v3;
	[tilespmem:s23+$0xA80] =	vst v16;
	v11 =	vld.idx.msk [tilespmem:v11+s8+$0x0], $0xffff  }
0x1f5: {  	v16 =	vld.idx.msk [tilespmem:v17+s8+$0x0], $0xffff;
	[tilespmem:s21+$0x180] =	vst v10;
	v10 =	vadd.s32 $0xF, v6  }
0x1f6: {  	v17 =	vadd.s32 $0x37, v4;
	v12 =	vld.idx.msk [tilespmem:v12+s8+$0x0], $0xffff;
	[tilespmem:s24+$0xFFFFFC00] =	vst v9  }
0x1f7: {  	v9 =	vadd.s32 $0x25, v2;
	v7 =	vld.idx.msk [tilespmem:v7+s8+$0x0], $0xffff;
	[tilespmem:s20+$0x780] =	vst v13  }
0x1f8: {  	[tilespmem:s22+$0xB00] =	vst v8;
	v8 =	vadd.s32 $0x1A, v5;
	v13 =	vld.idx.msk [tilespmem:v14+s8+$0x0], $0xffff  }
0x1f9: {  	v14 =	vld.idx.msk [tilespmem:v15+s8+$0x0], $0xffff;
	v15 =	vadd.s32 $0x31, v1;
	[tilespmem:s25+$0xFFFFF700] =	vst v11  }
0x1fa: {  	v11 =	vadd.s32 $0x38, v3;
	[tilespmem:s23+$0xB00] =	vst v16;
	v10 =	vld.idx.msk [tilespmem:v10+s8+$0x0], $0xffff  }
0x1fb: {  	v16 =	vld.idx.msk [tilespmem:v17+s8+$0x0], $0xffff;
	[tilespmem:s21+$0x200] =	vst v12;
	v12 =	vadd.s32 $0x10, v6  }
0x1fc: {  	v17 =	vadd.s32 $0x38, v4;
	v9 =	vld.idx.msk [tilespmem:v9+s8+$0x0], $0xffff;
	[tilespmem:s24+$0xFFFFFC80] =	vst v7  }
0x1fd: {  	v7 =	vld.idx.msk [tilespmem:v8+s8+$0x0], $0xffff;
	v8 =	vadd.s32 $0x26, v2;
	[tilespmem:s20+$0x800] =	vst v13  }
0x1fe: {  	[tilespmem:s22+$0xB80] =	vst v14;
	v13 =	vadd.s32 $0x1B, v5;
	v14 =	vld.idx.msk [tilespmem:v15+s8+$0x0], $0xffff  }
0x1ff: {  	v11 =	vld.idx.msk [tilespmem:v11+s8+$0x0], $0xffff;
	v15 =	vadd.s32 $0x32, v1;
	[tilespmem:s25+$0xFFFFF780] =	vst v10  }
0x200: {  	v10 =	vadd.s32 $0x39, v3;
	[tilespmem:s23+$0xB80] =	vst v16;
	v12 =	vld.idx.msk [tilespmem:v12+s8+$0x0], $0xffff  }
0x201: {  	v16 =	vld.idx.msk [tilespmem:v17+s8+$0x0], $0xffff;
	[tilespmem:s21+$0x280] =	vst v9;
	v9 =	vadd.s32 $0x11, v6  }
0x202: {  	v17 =	vadd.s32 $0x39, v4;
	v8 =	vld.idx.msk [tilespmem:v8+s8+$0x0], $0xffff;
	[tilespmem:s24+$0xFFFFFD00] =	vst v7  }
0x203: {  	v7 =	vld.idx.msk [tilespmem:v13+s8+$0x0], $0xffff;
	v13 =	vadd.s32 $0x27, v2;
	[tilespmem:s20+$0x880] =	vst v14  }
0x204: {  	[tilespmem:s22+$0xC00] =	vst v11;
	v11 =	vadd.s32 $0x1C, v5;
	v14 =	vld.idx.msk [tilespmem:v15+s8+$0x0], $0xffff  }
0x205: {  	v10 =	vld.idx.msk [tilespmem:v10+s8+$0x0], $0xffff;
	v15 =	vadd.s32 $0x33, v1;
	[tilespmem:s25+$0xFFFFF800] =	vst v12  }
0x206: {  	v12 =	vadd.s32 $0x3A, v3;
	[tilespmem:s23+$0xC00] =	vst v16;
	v9 =	vld.idx.msk [tilespmem:v9+s8+$0x0], $0xffff  }
0x207: {  	v16 =	vld.idx.msk [tilespmem:v17+s8+$0x0], $0xffff;
	[tilespmem:s21+$0x300] =	vst v8;
	v8 =	vadd.s32 $0x12, v6  }
0x208: {  	v17 =	vadd.s32 $0x3A, v4;
	v13 =	vld.idx.msk [tilespmem:v13+s8+$0x0], $0xffff;
	[tilespmem:s24+$0xFFFFFD80] =	vst v7  }
0x209: {  	v7 =	vld.idx.msk [tilespmem:v11+s8+$0x0], $0xffff;
	v11 =	vadd.s32 $0x28, v2;
	[tilespmem:s20+$0x900] =	vst v14  }
0x20a: {  	[tilespmem:s22+$0xC80] =	vst v10;
	v10 =	vadd.s32 $0x1D, v5;
	v14 =	vld.idx.msk [tilespmem:v15+s8+$0x0], $0xffff  }
0x20b: {  	v12 =	vld.idx.msk [tilespmem:v12+s8+$0x0], $0xffff;
	v15 =	vadd.s32 $0x34, v1;
	[tilespmem:s25+$0xFFFFF880] =	vst v9  }
0x20c: {  	v9 =	vadd.s32 $0x3B, v3;
	[tilespmem:s23+$0xC80] =	vst v16;
	v8 =	vld.idx.msk [tilespmem:v8+s8+$0x0], $0xffff  }
0x20d: {  	v16 =	vld.idx.msk [tilespmem:v17+s8+$0x0], $0xffff;
	[tilespmem:s21+$0x380] =	vst v13;
	v13 =	vadd.s32 $0x13, v6  }
0x20e: {  	v17 =	vadd.s32 $0x3B, v4;
	v11 =	vld.idx.msk [tilespmem:v11+s8+$0x0], $0xffff;
	[tilespmem:s24+$0xFFFFFE00] =	vst v7  }
0x20f: {  	v7 =	vld.idx.msk [tilespmem:v10+s8+$0x0], $0xffff;
	v10 =	vadd.s32 $0x29, v2;
	[tilespmem:s20+$0x980] =	vst v14  }
0x210: {  	[tilespmem:s22+$0xD00] =	vst v12;
	v12 =	vadd.s32 $0x1E, v5;
	v14 =	vld.idx.msk [tilespmem:v15+s8+$0x0], $0xffff  }
0x211: {  	v9 =	vld.idx.msk [tilespmem:v9+s8+$0x0], $0xffff;
	v15 =	vadd.s32 $0x35, v1;
	[tilespmem:s25+$0xFFFFF900] =	vst v8  }
0x212: {  	v8 =	vadd.s32 $0x3C, v3;
	[tilespmem:s23+$0xD00] =	vst v16;
	v13 =	vld.idx.msk [tilespmem:v13+s8+$0x0], $0xffff  }
0x213: {  	v16 =	vld.idx.msk [tilespmem:v17+s8+$0x0], $0xffff;
	[tilespmem:s21+$0x400] =	vst v11;
	v11 =	vadd.s32 $0x14, v6  }
0x214: {  	v17 =	vadd.s32 $0x3C, v4;
	v10 =	vld.idx.msk [tilespmem:v10+s8+$0x0], $0xffff;
	[tilespmem:s24+$0xFFFFFE80] =	vst v7  }
0x215: {  	v7 =	vld.idx.msk [tilespmem:v12+s8+$0x0], $0xffff;
	v12 =	vadd.s32 $0x2A, v2;
	[tilespmem:s20+$0xA00] =	vst v14  }
0x216: {  	[tilespmem:s22+$0xD80] =	vst v9;
	v9 =	vadd.s32 $0x1F, v5;
	v14 =	vld.idx.msk [tilespmem:v15+s8+$0x0], $0xffff  }
0x217: {  	v8 =	vld.idx.msk [tilespmem:v8+s8+$0x0], $0xffff;
	v15 =	vadd.s32 $0x36, v1;
	[tilespmem:s25+$0xFFFFF980] =	vst v13  }
0x218: {  	v13 =	vadd.s32 $0x3D, v3;
	[tilespmem:s23+$0xD80] =	vst v16;
	v11 =	vld.idx.msk [tilespmem:v11+s8+$0x0], $0xffff  }
0x219: {  	v16 =	vld.idx.msk [tilespmem:v17+s8+$0x0], $0xffff;
	[tilespmem:s21+$0x480] =	vst v10;
	v10 =	vadd.s32 $0x15, v6  }
0x21a: {  	v17 =	vadd.s32 $0x3D, v4;
	v12 =	vld.idx.msk [tilespmem:v12+s8+$0x0], $0xffff;
	[tilespmem:s24+$0xFFFFFF00] =	vst v7  }
0x21b: {  	v7 =	vld.idx.msk [tilespmem:v9+s8+$0x0], $0xffff;
	v9 =	vadd.s32 $0x2B, v2;
	[tilespmem:s20+$0xA80] =	vst v14  }
0x21c: {  	[tilespmem:s22+$0xE00] =	vst v8;
	v8 =	vadd.s32 $0x20, v5;
	v14 =	vld.idx.msk [tilespmem:v15+s8+$0x0], $0xffff  }
0x21d: {  	v13 =	vld.idx.msk [tilespmem:v13+s8+$0x0], $0xffff;
	v15 =	vadd.s32 $0x37, v1;
	[tilespmem:s25+$0xFFFFFA00] =	vst v11  }
0x21e: {  	v11 =	vadd.s32 $0x3E, v3;
	[tilespmem:s23+$0xE00] =	vst v16;
	v10 =	vld.idx.msk [tilespmem:v10+s8+$0x0], $0xffff  }
0x21f: {  	v16 =	vld.idx.msk [tilespmem:v17+s8+$0x0], $0xffff;
	[tilespmem:s21+$0x500] =	vst v12;
	v12 =	vadd.s32 $0x16, v6  }
0x220: {  	v17 =	vadd.s32 $0x3E, v4;
	v9 =	vld.idx.msk [tilespmem:v9+s8+$0x0], $0xffff;
	[tilespmem:s24+$0xFFFFFF80] =	vst v7  }
0x221: {  	v7 =	vld.idx.msk [tilespmem:v8+s8+$0x0], $0xffff;
	v8 =	vadd.s32 $0x2C, v2;
	[tilespmem:s20+$0xB00] =	vst v14  }
0x222: {  	[tilespmem:s22+$0xE80] =	vst v13;
	v13 =	vadd.s32 $0x21, v5;
	v14 =	vld.idx.msk [tilespmem:v15+s8+$0x0], $0xffff  }
0x223: {  	v11 =	vld.idx.msk [tilespmem:v11+s8+$0x0], $0xffff;
	v15 =	vadd.s32 $0x38, v1;
	[tilespmem:s25+$0xFFFFFA80] =	vst v10  }
0x224: {  	v3 =	vadd.s32 $0x3F, v3;
	[tilespmem:s23+$0xE80] =	vst v16;
	v10 =	vld.idx.msk [tilespmem:v12+s8+$0x0], $0xffff  }
0x225: {  	v12 =	vld.idx.msk [tilespmem:v17+s8+$0x0], $0xffff;
	[tilespmem:s21+$0x580] =	vst v9;
	v9 =	vadd.s32 $0x17, v6  }
0x226: {  	v4 =	vadd.s32 $0x3F, v4;
	v8 =	vld.idx.msk [tilespmem:v8+s8+$0x0], $0xffff;
	[tilespmem:s24+$0x0] =	vst v7  }
0x227: {  	v7 =	vld.idx.msk [tilespmem:v13+s8+$0x0], $0xffff;
	[tilespmem:s20+$0xB80] =	vst v14  }
0x228: {  	v13 =	vadd.s32 $0x2D, v2;
	[tilespmem:s22+$0xF00] =	vst v11;
	v14 =	vld.idx.msk [tilespmem:v15+s8+$0x0], $0xffff  }
0x229: {  	v11 =	vadd.s32 $0x22, v5;
	v3 =	vld.idx.msk [tilespmem:v3+s8+$0x0], $0xffff;
	[tilespmem:s25+$0xFFFFFB00] =	vst v10  }
0x22a: {  	v15 =	vadd.s32 $0x39, v1;
	[tilespmem:s23+$0xF00] =	vst v12;
	v9 =	vld.idx.msk [tilespmem:v9+s8+$0x0], $0xffff  }
0x22b: {  	v4 =	vld.idx.msk [tilespmem:v4+s8+$0x0], $0xffff;
	[tilespmem:s21+$0x600] =	vst v8;
	v8 =	vadd.s32 $0x18, v6  }
0x22c: {  	[tilespmem:s24+$0x80] =	vst v7  }
0x22d: {  	v10 =	vld.idx.msk [tilespmem:v13+s8+$0x0], $0xffff;
	[tilespmem:s20+$0xC00] =	vst v14  }
0x22e: {  	v7 =	vld.idx.msk [tilespmem:v11+s8+$0x0], $0xffff;
	v11 =	vadd.s32 $0x2E, v2;
	[tilespmem:s22+$0xF80] =	vst v3  }
0x22f: {  	v3 =	vadd.s32 $0x23, v5;
	v12 =	vld.idx.msk [tilespmem:v15+s8+$0x0], $0xffff;
	[tilespmem:s25+$0xFFFFFB80] =	vst v9  }
0x230: {  	v13 =	vadd.s32 $0x3A, v1;
	[tilespmem:s23+$0xF80] =	vst v4;
	v4 =	vld.idx.msk [tilespmem:v8+s8+$0x0], $0xffff  }
0x231: {  	v8 =	vadd.s32 $0x19, v6  }
0x232: {  	[tilespmem:s21+$0x680] =	vst v10  }
0x233: {  	v9 =	vld.idx.msk [tilespmem:v11+s8+$0x0], $0xffff;
	[tilespmem:s24+$0x100] =	vst v7  }
0x234: {  	v7 =	vld.idx.msk [tilespmem:v3+s8+$0x0], $0xffff;
	[tilespmem:s20+$0xC80] =	vst v12  }
0x235: {  	v3 =	vld.idx.msk [tilespmem:v13+s8+$0x0], $0xffff;
	[tilespmem:s25+$0xFFFFFC00] =	vst v4  }
0x236: {  	v4 =	vld.idx.msk [tilespmem:v8+s8+$0x0], $0xffff  }
0x237: {  	v8 =	vadd.s32 $0x1A, v6;
	_ =	sdelay $0x3  }
0x238: {  	[tilespmem:s25+$0xFFFFFC80] =	vst v4  }
0x239: {  	v4 =	vld.idx.msk [tilespmem:v8+s8+$0x0], $0xffff  }
0x23a: {  	v8 =	vadd.s32 $0x1B, v6;
	_ =	sdelay $0x3  }
0x23b: {  	[tilespmem:s25+$0xFFFFFD00] =	vst v4  }
0x23c: {  	v4 =	vld.idx.msk [tilespmem:v8+s8+$0x0], $0xffff  }
0x23d: {  	v8 =	vadd.s32 $0x1C, v6;
	_ =	sdelay $0x3  }
0x23e: {  	[tilespmem:s25+$0xFFFFFD80] =	vst v4  }
0x23f: {  	v4 =	vld.idx.msk [tilespmem:v8+s8+$0x0], $0xffff  }
0x240: {  	v8 =	vadd.s32 $0x1D, v6;
	_ =	sdelay $0x3  }
0x241: {  	[tilespmem:s25+$0xFFFFFE00] =	vst v4  }
0x242: {  	v4 =	vld.idx.msk [tilespmem:v8+s8+$0x0], $0xffff  }
0x243: {  	v8 =	vadd.s32 $0x1E, v6;
	_ =	sdelay $0x3  }
0x244: {  	[tilespmem:s25+$0xFFFFFE80] =	vst v4  }
0x245: {  	v4 =	vld.idx.msk [tilespmem:v8+s8+$0x0], $0xffff  }
0x246: {  	v8 =	vadd.s32 $0x1F, v6;
	_ =	sdelay $0x3  }
0x247: {  	[tilespmem:s25+$0xFFFFFF00] =	vst v4  }
0x248: {  	v4 =	vld.idx.msk [tilespmem:v8+s8+$0x0], $0xffff  }
0x249: {  	v8 =	vadd.s32 $0x20, v6;
	_ =	sdelay $0x3  }
0x24a: {  	[tilespmem:s25+$0xFFFFFF80] =	vst v4  }
0x24b: {  	v4 =	vld.idx.msk [tilespmem:v8+s8+$0x0], $0xffff  }
0x24c: {  	v8 =	vadd.s32 $0x21, v6;
	_ =	sdelay $0x3  }
0x24d: {  	[tilespmem:s25+$0x0] =	vst v4  }
0x24e: {  	v4 =	vld.idx.msk [tilespmem:v8+s8+$0x0], $0xffff  }
0x24f: {  	v8 =	vadd.s32 $0x22, v6;
	_ =	sdelay $0x3  }
0x250: {  	[tilespmem:s25+$0x80] =	vst v4  }
0x251: {  	v4 =	vld.idx.msk [tilespmem:v8+s8+$0x0], $0xffff  }
0x252: {  	v8 =	vadd.s32 $0x23, v6;
	_ =	sdelay $0x3  }
0x253: {  	[tilespmem:s25+$0x100] =	vst v4  }
0x254: {  	v4 =	vadd.s32 $0x24, v5;
	v8 =	vld.idx.msk [tilespmem:v8+s8+$0x0], $0xffff  }
0x255: {  	v10 =	vadd.s32 $0x24, v6;
	_ =	sdelay $0x2  }
0x256: {  	[tilespmem:s24+$0x180] =	vst v7  }
0x257: {  	v4 =	vld.idx.msk [tilespmem:v4+s8+$0x0], $0xffff;
	[tilespmem:s25+$0x180] =	vst v8  }
0x258: {  	v7 =	vadd.s32 $0x25, v5;
	v8 =	vld.idx.msk [tilespmem:v10+s8+$0x0], $0xffff  }
0x259: {  	v10 =	vadd.s32 $0x25, v6;
	_ =	sdelay $0x2  }
0x25a: {  	[tilespmem:s24+$0x200] =	vst v4  }
0x25b: {  	v4 =	vld.idx.msk [tilespmem:v7+s8+$0x0], $0xffff;
	[tilespmem:s25+$0x200] =	vst v8  }
0x25c: {  	v7 =	vadd.s32 $0x26, v5;
	v8 =	vld.idx.msk [tilespmem:v10+s8+$0x0], $0xffff  }
0x25d: {  	v10 =	vadd.s32 $0x26, v6;
	_ =	sdelay $0x2  }
0x25e: {  	[tilespmem:s24+$0x280] =	vst v4  }
0x25f: {  	v4 =	vld.idx.msk [tilespmem:v7+s8+$0x0], $0xffff;
	[tilespmem:s25+$0x280] =	vst v8  }
0x260: {  	v7 =	vadd.s32 $0x27, v5;
	v8 =	vld.idx.msk [tilespmem:v10+s8+$0x0], $0xffff  }
0x261: {  	v10 =	vadd.s32 $0x27, v6;
	_ =	sdelay $0x2  }
0x262: {  	[tilespmem:s24+$0x300] =	vst v4  }
0x263: {  	v4 =	vld.idx.msk [tilespmem:v7+s8+$0x0], $0xffff;
	[tilespmem:s25+$0x300] =	vst v8  }
0x264: {  	v7 =	vadd.s32 $0x28, v5;
	v8 =	vld.idx.msk [tilespmem:v10+s8+$0x0], $0xffff  }
0x265: {  	v10 =	vadd.s32 $0x28, v6;
	_ =	sdelay $0x2  }
0x266: {  	[tilespmem:s24+$0x380] =	vst v4  }
0x267: {  	v4 =	vld.idx.msk [tilespmem:v7+s8+$0x0], $0xffff;
	[tilespmem:s25+$0x380] =	vst v8  }
0x268: {  	v7 =	vadd.s32 $0x29, v5;
	v8 =	vld.idx.msk [tilespmem:v10+s8+$0x0], $0xffff  }
0x269: {  	v10 =	vadd.s32 $0x29, v6;
	_ =	sdelay $0x2  }
0x26a: {  	[tilespmem:s24+$0x400] =	vst v4  }
0x26b: {  	v4 =	vld.idx.msk [tilespmem:v7+s8+$0x0], $0xffff;
	[tilespmem:s25+$0x400] =	vst v8  }
0x26c: {  	v7 =	vadd.s32 $0x2A, v5;
	v8 =	vld.idx.msk [tilespmem:v10+s8+$0x0], $0xffff  }
0x26d: {  	v10 =	vadd.s32 $0x2A, v6;
	_ =	sdelay $0x2  }
0x26e: {  	[tilespmem:s24+$0x480] =	vst v4  }
0x26f: {  	v4 =	vld.idx.msk [tilespmem:v7+s8+$0x0], $0xffff;
	[tilespmem:s25+$0x480] =	vst v8  }
0x270: {  	v7 =	vadd.s32 $0x2B, v5;
	v8 =	vld.idx.msk [tilespmem:v10+s8+$0x0], $0xffff  }
0x271: {  	v10 =	vadd.s32 $0x2B, v6;
	_ =	sdelay $0x2  }
0x272: {  	[tilespmem:s24+$0x500] =	vst v4  }
0x273: {  	v4 =	vld.idx.msk [tilespmem:v7+s8+$0x0], $0xffff;
	[tilespmem:s25+$0x500] =	vst v8  }
0x274: {  	v7 =	vadd.s32 $0x2C, v5;
	v8 =	vld.idx.msk [tilespmem:v10+s8+$0x0], $0xffff  }
0x275: {  	v10 =	vadd.s32 $0x2C, v6;
	_ =	sdelay $0x2  }
0x276: {  	[tilespmem:s24+$0x580] =	vst v4  }
0x277: {  	v4 =	vld.idx.msk [tilespmem:v7+s8+$0x0], $0xffff;
	[tilespmem:s25+$0x580] =	vst v8  }
0x278: {  	v7 =	vadd.s32 $0x2D, v5;
	v8 =	vld.idx.msk [tilespmem:v10+s8+$0x0], $0xffff  }
0x279: {  	v10 =	vadd.s32 $0x2D, v6;
	_ =	sdelay $0x2  }
0x27a: {  	[tilespmem:s24+$0x600] =	vst v4  }
0x27b: {  	v4 =	vld.idx.msk [tilespmem:v7+s8+$0x0], $0xffff;
	[tilespmem:s25+$0x600] =	vst v8  }
0x27c: {  	v7 =	vadd.s32 $0x2E, v5;
	v8 =	vld.idx.msk [tilespmem:v10+s8+$0x0], $0xffff  }
0x27d: {  	v10 =	vadd.s32 $0x2E, v6;
	_ =	sdelay $0x2  }
0x27e: {  	[tilespmem:s24+$0x680] =	vst v4  }
0x27f: {  	v4 =	vadd.s32 $0x2F, v2;
	v7 =	vld.idx.msk [tilespmem:v7+s8+$0x0], $0xffff;
	[tilespmem:s25+$0x680] =	vst v8  }
0x280: {  	v8 =	vadd.s32 $0x2F, v5;
	v10 =	vld.idx.msk [tilespmem:v10+s8+$0x0], $0xffff  }
0x281: {  	v11 =	vadd.s32 $0x2F, v6;
	_ =	sdelay $0x1  }
0x282: {  	[tilespmem:s21+$0x700] =	vst v9  }
0x283: {  	v4 =	vld.idx.msk [tilespmem:v4+s8+$0x0], $0xffff;
	[tilespmem:s24+$0x700] =	vst v7  }
0x284: {  	v7 =	vadd.s32 $0x30, v2;
	v8 =	vld.idx.msk [tilespmem:v8+s8+$0x0], $0xffff;
	[tilespmem:s25+$0x700] =	vst v10  }
0x285: {  	v9 =	vadd.s32 $0x30, v5;
	v10 =	vld.idx.msk [tilespmem:v11+s8+$0x0], $0xffff  }
0x286: {  	v11 =	vadd.s32 $0x30, v6;
	_ =	sdelay $0x1  }
0x287: {  	[tilespmem:s21+$0x780] =	vst v4  }
0x288: {  	v4 =	vld.idx.msk [tilespmem:v7+s8+$0x0], $0xffff;
	[tilespmem:s24+$0x780] =	vst v8  }
0x289: {  	v7 =	vadd.s32 $0x31, v2;
	v8 =	vld.idx.msk [tilespmem:v9+s8+$0x0], $0xffff;
	[tilespmem:s25+$0x780] =	vst v10  }
0x28a: {  	v9 =	vadd.s32 $0x31, v5;
	v10 =	vld.idx.msk [tilespmem:v11+s8+$0x0], $0xffff  }
0x28b: {  	v11 =	vadd.s32 $0x31, v6;
	_ =	sdelay $0x1  }
0x28c: {  	[tilespmem:s21+$0x800] =	vst v4  }
0x28d: {  	v4 =	vld.idx.msk [tilespmem:v7+s8+$0x0], $0xffff;
	[tilespmem:s24+$0x800] =	vst v8  }
0x28e: {  	v7 =	vadd.s32 $0x32, v2;
	v8 =	vld.idx.msk [tilespmem:v9+s8+$0x0], $0xffff;
	[tilespmem:s25+$0x800] =	vst v10  }
0x28f: {  	v9 =	vadd.s32 $0x32, v5;
	v10 =	vld.idx.msk [tilespmem:v11+s8+$0x0], $0xffff  }
0x290: {  	v11 =	vadd.s32 $0x32, v6;
	_ =	sdelay $0x1  }
0x291: {  	[tilespmem:s21+$0x880] =	vst v4  }
0x292: {  	v4 =	vld.idx.msk [tilespmem:v7+s8+$0x0], $0xffff;
	[tilespmem:s24+$0x880] =	vst v8  }
0x293: {  	v7 =	vadd.s32 $0x33, v2;
	v8 =	vld.idx.msk [tilespmem:v9+s8+$0x0], $0xffff;
	[tilespmem:s25+$0x880] =	vst v10  }
0x294: {  	v9 =	vadd.s32 $0x33, v5;
	v10 =	vld.idx.msk [tilespmem:v11+s8+$0x0], $0xffff  }
0x295: {  	v11 =	vadd.s32 $0x33, v6;
	_ =	sdelay $0x1  }
0x296: {  	[tilespmem:s21+$0x900] =	vst v4  }
0x297: {  	v4 =	vld.idx.msk [tilespmem:v7+s8+$0x0], $0xffff;
	[tilespmem:s24+$0x900] =	vst v8  }
0x298: {  	v7 =	vadd.s32 $0x34, v2;
	v8 =	vld.idx.msk [tilespmem:v9+s8+$0x0], $0xffff;
	[tilespmem:s25+$0x900] =	vst v10  }
0x299: {  	v9 =	vadd.s32 $0x34, v5;
	v10 =	vld.idx.msk [tilespmem:v11+s8+$0x0], $0xffff  }
0x29a: {  	v11 =	vadd.s32 $0x34, v6;
	_ =	sdelay $0x1  }
0x29b: {  	[tilespmem:s21+$0x980] =	vst v4  }
0x29c: {  	v4 =	vld.idx.msk [tilespmem:v7+s8+$0x0], $0xffff;
	[tilespmem:s24+$0x980] =	vst v8  }
0x29d: {  	v7 =	vadd.s32 $0x35, v2;
	v8 =	vld.idx.msk [tilespmem:v9+s8+$0x0], $0xffff;
	[tilespmem:s25+$0x980] =	vst v10  }
0x29e: {  	v9 =	vadd.s32 $0x35, v5;
	v10 =	vld.idx.msk [tilespmem:v11+s8+$0x0], $0xffff  }
0x29f: {  	v11 =	vadd.s32 $0x35, v6;
	_ =	sdelay $0x1  }
0x2a0: {  	[tilespmem:s21+$0xA00] =	vst v4  }
0x2a1: {  	v4 =	vld.idx.msk [tilespmem:v7+s8+$0x0], $0xffff;
	[tilespmem:s24+$0xA00] =	vst v8  }
0x2a2: {  	v7 =	vadd.s32 $0x36, v2;
	v8 =	vld.idx.msk [tilespmem:v9+s8+$0x0], $0xffff;
	[tilespmem:s25+$0xA00] =	vst v10  }
0x2a3: {  	v9 =	vadd.s32 $0x36, v5;
	v10 =	vld.idx.msk [tilespmem:v11+s8+$0x0], $0xffff  }
0x2a4: {  	v11 =	vadd.s32 $0x36, v6;
	_ =	sdelay $0x1  }
0x2a5: {  	[tilespmem:s21+$0xA80] =	vst v4  }
0x2a6: {  	v4 =	vld.idx.msk [tilespmem:v7+s8+$0x0], $0xffff;
	[tilespmem:s24+$0xA80] =	vst v8  }
0x2a7: {  	v7 =	vadd.s32 $0x37, v2;
	v8 =	vld.idx.msk [tilespmem:v9+s8+$0x0], $0xffff;
	[tilespmem:s25+$0xA80] =	vst v10  }
0x2a8: {  	v9 =	vadd.s32 $0x37, v5;
	v10 =	vld.idx.msk [tilespmem:v11+s8+$0x0], $0xffff  }
0x2a9: {  	v11 =	vadd.s32 $0x37, v6;
	_ =	sdelay $0x1  }
0x2aa: {  	[tilespmem:s21+$0xB00] =	vst v4  }
0x2ab: {  	v4 =	vld.idx.msk [tilespmem:v7+s8+$0x0], $0xffff;
	[tilespmem:s24+$0xB00] =	vst v8  }
0x2ac: {  	v7 =	vadd.s32 $0x38, v2;
	v8 =	vld.idx.msk [tilespmem:v9+s8+$0x0], $0xffff;
	[tilespmem:s25+$0xB00] =	vst v10  }
0x2ad: {  	v9 =	vadd.s32 $0x38, v5;
	v10 =	vld.idx.msk [tilespmem:v11+s8+$0x0], $0xffff  }
0x2ae: {  	v11 =	vadd.s32 $0x38, v6;
	_ =	sdelay $0x1  }
0x2af: {  	[tilespmem:s21+$0xB80] =	vst v4  }
0x2b0: {  	v4 =	vld.idx.msk [tilespmem:v7+s8+$0x0], $0xffff;
	[tilespmem:s24+$0xB80] =	vst v8  }
0x2b1: {  	v7 =	vadd.s32 $0x39, v2;
	v8 =	vld.idx.msk [tilespmem:v9+s8+$0x0], $0xffff;
	[tilespmem:s25+$0xB80] =	vst v10  }
0x2b2: {  	v9 =	vadd.s32 $0x39, v5;
	v10 =	vld.idx.msk [tilespmem:v11+s8+$0x0], $0xffff  }
0x2b3: {  	v11 =	vadd.s32 $0x39, v6;
	_ =	sdelay $0x1  }
0x2b4: {  	[tilespmem:s21+$0xC00] =	vst v4  }
0x2b5: {  	v4 =	vld.idx.msk [tilespmem:v7+s8+$0x0], $0xffff;
	[tilespmem:s24+$0xC00] =	vst v8  }
0x2b6: {  	v7 =	vadd.s32 $0x3A, v2;
	v8 =	vld.idx.msk [tilespmem:v9+s8+$0x0], $0xffff;
	[tilespmem:s25+$0xC00] =	vst v10  }
0x2b7: {  	v9 =	vadd.s32 $0x3A, v5;
	v10 =	vld.idx.msk [tilespmem:v11+s8+$0x0], $0xffff  }
0x2b8: {  	v11 =	vadd.s32 $0x3A, v6;
	_ =	sdelay $0x1  }
0x2b9: {  	[tilespmem:s21+$0xC80] =	vst v4  }
0x2ba: {  	v4 =	vadd.s32 $0x3B, v1;
	v7 =	vld.idx.msk [tilespmem:v7+s8+$0x0], $0xffff;
	[tilespmem:s24+$0xC80] =	vst v8  }
0x2bb: {  	v8 =	vadd.s32 $0x3B, v2;
	v9 =	vld.idx.msk [tilespmem:v9+s8+$0x0], $0xffff;
	[tilespmem:s25+$0xC80] =	vst v10  }
0x2bc: {  	v10 =	vadd.s32 $0x3B, v5;
	v11 =	vld.idx.msk [tilespmem:v11+s8+$0x0], $0xffff  }
0x2bd: {  	v12 =	vadd.s32 $0x3B, v6  }
0x2be: {  	[tilespmem:s20+$0xD00] =	vst v3  }
0x2bf: {  	v3 =	vld.idx.msk [tilespmem:v4+s8+$0x0], $0xffff;
	[tilespmem:s21+$0xD00] =	vst v7  }
0x2c0: {  	v4 =	vadd.s32 $0x3C, v1;
	v7 =	vld.idx.msk [tilespmem:v8+s8+$0x0], $0xffff;
	[tilespmem:s24+$0xD00] =	vst v9  }
0x2c1: {  	v8 =	vadd.s32 $0x3C, v2;
	v9 =	vld.idx.msk [tilespmem:v10+s8+$0x0], $0xffff;
	[tilespmem:s25+$0xD00] =	vst v11  }
0x2c2: {  	v10 =	vadd.s32 $0x3C, v5;
	v11 =	vld.idx.msk [tilespmem:v12+s8+$0x0], $0xffff  }
0x2c3: {  	v12 =	vadd.s32 $0x3C, v6  }
0x2c4: {  	[tilespmem:s20+$0xD80] =	vst v3  }
0x2c5: {  	v3 =	vld.idx.msk [tilespmem:v4+s8+$0x0], $0xffff;
	[tilespmem:s21+$0xD80] =	vst v7  }
0x2c6: {  	v4 =	vadd.s32 $0x3D, v1;
	v7 =	vld.idx.msk [tilespmem:v8+s8+$0x0], $0xffff;
	[tilespmem:s24+$0xD80] =	vst v9  }
0x2c7: {  	v8 =	vadd.s32 $0x3D, v2;
	v9 =	vld.idx.msk [tilespmem:v10+s8+$0x0], $0xffff;
	[tilespmem:s25+$0xD80] =	vst v11  }
0x2c8: {  	v10 =	vadd.s32 $0x3D, v5;
	v11 =	vld.idx.msk [tilespmem:v12+s8+$0x0], $0xffff  }
0x2c9: {  	v12 =	vadd.s32 $0x3D, v6  }
0x2ca: {  	[tilespmem:s20+$0xE00] =	vst v3  }
0x2cb: {  	v3 =	vld.idx.msk [tilespmem:v4+s8+$0x0], $0xffff;
	[tilespmem:s21+$0xE00] =	vst v7  }
0x2cc: {  	v4 =	vadd.s32 $0x3E, v1;
	v7 =	vld.idx.msk [tilespmem:v8+s8+$0x0], $0xffff;
	[tilespmem:s24+$0xE00] =	vst v9  }
0x2cd: {  	v8 =	vadd.s32 $0x3E, v2;
	v9 =	vld.idx.msk [tilespmem:v10+s8+$0x0], $0xffff;
	[tilespmem:s25+$0xE00] =	vst v11  }
0x2ce: {  	v10 =	vadd.s32 $0x3E, v5;
	v11 =	vld.idx.msk [tilespmem:v12+s8+$0x0], $0xffff  }
0x2cf: {  	v12 =	vadd.s32 $0x3E, v6  }
0x2d0: {  	[tilespmem:s20+$0xE80] =	vst v3  }
0x2d1: {  	v3 =	vld.idx.msk [tilespmem:v4+s8+$0x0], $0xffff;
	[tilespmem:s21+$0xE80] =	vst v7  }
0x2d2: {  	v1 =	vadd.s32 $0x3F, v1;
	v4 =	vld.idx.msk [tilespmem:v8+s8+$0x0], $0xffff;
	[tilespmem:s24+$0xE80] =	vst v9  }
0x2d3: {  	v2 =	vadd.s32 $0x3F, v2;
	v7 =	vld.idx.msk [tilespmem:v10+s8+$0x0], $0xffff;
	[tilespmem:s25+$0xE80] =	vst v11  }
0x2d4: {  	v5 =	vadd.s32 $0x3F, v5;
	v8 =	vld.idx.msk [tilespmem:v12+s8+$0x0], $0xffff  }
0x2d5: {  	v6 =	vadd.s32 $0x3F, v6  }
0x2d6: {  	[tilespmem:s20+$0xF00] =	vst v3  }
0x2d7: {  	v1 =	vld.idx.msk [tilespmem:v1+s8+$0x0], $0xffff;
	[tilespmem:s21+$0xF00] =	vst v4  }
0x2d8: {  	v2 =	vld.idx.msk [tilespmem:v2+s8+$0x0], $0xffff;
	[tilespmem:s24+$0xF00] =	vst v7  }
0x2d9: {  	v3 =	vld.idx.msk [tilespmem:v5+s8+$0x0], $0xffff;
	[tilespmem:s25+$0xF00] =	vst v8  }
0x2da: {  	s31 =	simm.s32 $0x0;
	v4 =	vld.idx.msk [tilespmem:v6+s8+$0x0], $0xffff  }
0x2db: {  	v5 =	vmov s31  }
0x2dc: {  	s19 =	sor.u32 $0x1, s19;
	s23 =	sshll.u32 s18, $0x13;
	[tilespmem:s20+$0xF80] =	vst v1;
	v1 =	vmul.u32 $0xD0, v5  }
0x2dd: {  	s20 =	sor.u32 s6, s23;
	[tilespmem:s21+$0xF80] =	vst v2;
	v2 =	vmov s19  }
0x2de: {  	s20 =	sshrl.u32 s20, $0x3;
	v1 =	vbroadcast v1, $0x0;
	v2 =	vand.u32 $0xFF, v2;
	[tilespmem:s24+$0xF80] =	vst v3  }
0x2df: {  	s20 =	sadd.s32 s2, s20;
	v6 =	vadd.s32 v0, v2;
	[tilespmem:s25+$0xF80] =	vst v4  }
0x2e0: {  	v1 =	vadd.s32 v1, v6;
	[hbm4b:s20+s10] =	stream.strided.scatter [tilespmem:s12], [sflag:$0x1], $0x2000, s11, s10, $0x38;
	[tilespmem:$0xB840] =	vst v63  }
0x2e1: {  	s20 =	simm.s32 @!p0 $0x2  }
0x2e2: {  	_ =	swait.ge @!p0 [sflag:s20], $0x2000  }
0x2e3: {  	[sflag:s20] =	ssyncset.done @!p0 $0x0  }
0x2e4: {  	[sflag:s20] =	ssyncadd.s32 @!p0 $0xFFFFE000  }
0x2e5: {  	v1 =	vld.idx.msk [tilespmem:v1+s3+$0x0], $0xffff;
	_ =	sdelay $0x4  }
0x2e6: {  	v1 =	vmul.u32 $0x41, v1;
	_ =	sdelay $0x5  }
0x2e7: {  	v2 =	vld.idx.msk [tilespmem:v1+s8+$0x0], $0xffff  }
0x2e8: {  	v3 =	vadd.s32 $0x1, v1;
	_ =	sdelay $0x2  }
0x2e9: {  	s20 =	simm.s32 $0xA840  }
0x2ea: {  	[tilespmem:s20+$0xFFFFF000] =	vst v2  }
0x2eb: {  	v2 =	vld.idx.msk [tilespmem:v3+s8+$0x0], $0xffff  }
0x2ec: {  	v3 =	vadd.s32 $0x2, v1;
	_ =	sdelay $0x3  }
0x2ed: {  	[tilespmem:s20+$0xFFFFF080] =	vst v2  }
0x2ee: {  	v2 =	vld.idx.msk [tilespmem:v3+s8+$0x0], $0xffff  }
0x2ef: {  	v3 =	vadd.s32 $0x3, v1;
	_ =	sdelay $0x3  }
0x2f0: {  	[tilespmem:s20+$0xFFFFF100] =	vst v2  }
0x2f1: {  	v2 =	vld.idx.msk [tilespmem:v3+s8+$0x0], $0xffff  }
0x2f2: {  	v3 =	vadd.s32 $0x4, v1;
	_ =	sdelay $0x3  }
0x2f3: {  	[tilespmem:s20+$0xFFFFF180] =	vst v2  }
0x2f4: {  	v2 =	vld.idx.msk [tilespmem:v3+s8+$0x0], $0xffff  }
0x2f5: {  	v3 =	vadd.s32 $0x5, v1;
	_ =	sdelay $0x3  }
0x2f6: {  	[tilespmem:s20+$0xFFFFF200] =	vst v2  }
0x2f7: {  	v2 =	vld.idx.msk [tilespmem:v3+s8+$0x0], $0xffff  }
0x2f8: {  	v3 =	vadd.s32 $0x6, v1;
	_ =	sdelay $0x3  }
0x2f9: {  	[tilespmem:s20+$0xFFFFF280] =	vst v2  }
0x2fa: {  	v2 =	vld.idx.msk [tilespmem:v3+s8+$0x0], $0xffff  }
0x2fb: {  	v3 =	vadd.s32 $0x7, v1;
	_ =	sdelay $0x3  }
0x2fc: {  	[tilespmem:s20+$0xFFFFF300] =	vst v2  }
0x2fd: {  	v2 =	vld.idx.msk [tilespmem:v3+s8+$0x0], $0xffff  }
0x2fe: {  	v3 =	vadd.s32 $0x8, v1;
	_ =	sdelay $0x2  }
0x2ff: {  	s26 =	simm.s32 $0x10  }
0x300: {  	[tilespmem:s20+$0xFFFFF380] =	vst v2;
	v2 =	vmov s26  }
0x301: {  	v3 =	vld.idx.msk [tilespmem:v3+s8+$0x0], $0xffff;
	v2 =	vmul.u32 $0xD0, v2  }
0x302: {  	v4 =	vadd.s32 $0x9, v1  }
0x303: {  	v2 =	vbroadcast v2, $0x0;
	_ =	sdelay $0x1  }
0x304: {  	v2 =	vadd.s32 v2, v6  }
0x305: {  	[tilespmem:s20+$0xFFFFF400] =	vst v3  }
0x306: {  	v3 =	vld.idx.msk [tilespmem:v4+s8+$0x0], $0xffff  }
0x307: {  	v4 =	vadd.s32 $0xA, v1;
	_ =	sdelay $0x1  }
0x308: {  	v2 =	vld.idx.msk [tilespmem:v2+s3+$0x0], $0xffff;
	_ =	sdelay $0x1  }
0x309: {  	[tilespmem:s20+$0xFFFFF480] =	vst v3  }
0x30a: {  	v3 =	vld.idx.msk [tilespmem:v4+s8+$0x0], $0xffff  }
0x30b: {  	v4 =	vadd.s32 $0xB, v1  }
0x30c: {  	v2 =	vmul.u32 $0x41, v2;
	_ =	sdelay $0x2  }
0x30d: {  	[tilespmem:s20+$0xFFFFF500] =	vst v3  }
0x30e: {  	v3 =	vld.idx.msk [tilespmem:v4+s8+$0x0], $0xffff  }
0x30f: {  	v4 =	vadd.s32 $0xC, v1  }
0x310: {  	v5 =	vld.idx.msk [tilespmem:v2+s8+$0x0], $0xffff  }
0x311: {  	v7 =	vadd.s32 $0x1, v2;
	_ =	sdelay $0x1  }
0x312: {  	[tilespmem:s20+$0xFFFFF580] =	vst v3  }
0x313: {  	s21 =	simm.s32 $0xA850;
	v3 =	vld.idx.msk [tilespmem:v4+s8+$0x0], $0xffff  }
0x314: {  	v4 =	vadd.s32 $0xD, v1;
	[tilespmem:s21+$0xFFFFF000] =	vst v5  }
0x315: {  	v5 =	vld.idx.msk [tilespmem:v7+s8+$0x0], $0xffff  }
0x316: {  	v7 =	vadd.s32 $0x2, v2;
	_ =	sdelay $0x1  }
0x317: {  	[tilespmem:s20+$0xFFFFF600] =	vst v3  }
0x318: {  	v3 =	vld.idx.msk [tilespmem:v4+s8+$0x0], $0xffff  }
0x319: {  	v4 =	vadd.s32 $0xE, v1;
	[tilespmem:s21+$0xFFFFF080] =	vst v5  }
0x31a: {  	v5 =	vld.idx.msk [tilespmem:v7+s8+$0x0], $0xffff  }
0x31b: {  	v7 =	vadd.s32 $0x3, v2;
	_ =	sdelay $0x1  }
0x31c: {  	[tilespmem:s20+$0xFFFFF680] =	vst v3  }
0x31d: {  	v3 =	vld.idx.msk [tilespmem:v4+s8+$0x0], $0xffff  }
0x31e: {  	v4 =	vadd.s32 $0xF, v1;
	[tilespmem:s21+$0xFFFFF100] =	vst v5  }
0x31f: {  	v5 =	vld.idx.msk [tilespmem:v7+s8+$0x0], $0xffff  }
0x320: {  	v7 =	vadd.s32 $0x4, v2;
	_ =	sdelay $0x1  }
0x321: {  	[tilespmem:s20+$0xFFFFF700] =	vst v3  }
0x322: {  	v3 =	vld.idx.msk [tilespmem:v4+s8+$0x0], $0xffff  }
0x323: {  	v4 =	vadd.s32 $0x10, v1;
	[tilespmem:s21+$0xFFFFF180] =	vst v5  }
0x324: {  	v5 =	vld.idx.msk [tilespmem:v7+s8+$0x0], $0xffff  }
0x325: {  	v7 =	vadd.s32 $0x5, v2;
	_ =	sdelay $0x1  }
0x326: {  	[tilespmem:s20+$0xFFFFF780] =	vst v3  }
0x327: {  	v3 =	vld.idx.msk [tilespmem:v4+s8+$0x0], $0xffff  }
0x328: {  	v4 =	vadd.s32 $0x11, v1;
	[tilespmem:s21+$0xFFFFF200] =	vst v5  }
0x329: {  	v5 =	vld.idx.msk [tilespmem:v7+s8+$0x0], $0xffff  }
0x32a: {  	v7 =	vadd.s32 $0x6, v2;
	_ =	sdelay $0x1  }
0x32b: {  	[tilespmem:s20+$0xFFFFF800] =	vst v3  }
0x32c: {  	v3 =	vld.idx.msk [tilespmem:v4+s8+$0x0], $0xffff  }
0x32d: {  	v4 =	vadd.s32 $0x12, v1;
	[tilespmem:s21+$0xFFFFF280] =	vst v5  }
0x32e: {  	v5 =	vld.idx.msk [tilespmem:v7+s8+$0x0], $0xffff  }
0x32f: {  	v7 =	vadd.s32 $0x7, v2;
	_ =	sdelay $0x1  }
0x330: {  	[tilespmem:s20+$0xFFFFF880] =	vst v3  }
0x331: {  	v3 =	vld.idx.msk [tilespmem:v4+s8+$0x0], $0xffff  }
0x332: {  	v4 =	vadd.s32 $0x13, v1;
	[tilespmem:s21+$0xFFFFF300] =	vst v5  }
0x333: {  	v5 =	vld.idx.msk [tilespmem:v7+s8+$0x0], $0xffff  }
0x334: {  	v7 =	vadd.s32 $0x8, v2;
	_ =	sdelay $0x1  }
0x335: {  	[tilespmem:s20+$0xFFFFF900] =	vst v3  }
0x336: {  	s28 =	simm.s32 $0x20;
	v3 =	vld.idx.msk [tilespmem:v4+s8+$0x0], $0xffff  }
0x337: {  	v4 =	vadd.s32 $0x14, v1;
	[tilespmem:s21+$0xFFFFF380] =	vst v5;
	v5 =	vmov s28  }
0x338: {  	v7 =	vld.idx.msk [tilespmem:v7+s8+$0x0], $0xffff;
	v5 =	vmul.u32 $0xD0, v5  }
0x339: {  	v8 =	vadd.s32 $0x9, v2  }
0x33a: {  	v5 =	vbroadcast v5, $0x0  }
0x33b: {  	[tilespmem:s20+$0xFFFFF980] =	vst v3  }
0x33c: {  	v3 =	vld.idx.msk [tilespmem:v4+s8+$0x0], $0xffff;
	v4 =	vadd.s32 v5, v6  }
0x33d: {  	v5 =	vadd.s32 $0x15, v1;
	[tilespmem:s21+$0xFFFFF400] =	vst v7  }
0x33e: {  	v7 =	vld.idx.msk [tilespmem:v8+s8+$0x0], $0xffff  }
0x33f: {  	v8 =	vadd.s32 $0xA, v2;
	_ =	sdelay $0x1  }
0x340: {  	v4 =	vld.idx.msk [tilespmem:v4+s3+$0x0], $0xffff;
	[tilespmem:s20+$0xFFFFFA00] =	vst v3  }
0x341: {  	v5 =	vld.idx.msk [tilespmem:v5+s8+$0x0], $0xffff  }
0x342: {  	[tilespmem:s21+$0xFFFFF480] =	vst v7;
	v7 =	vadd.s32 $0x16, v1  }
0x343: {  	v8 =	vld.idx.msk [tilespmem:v8+s8+$0x0], $0xffff  }
0x344: {  	v9 =	vadd.s32 $0xB, v2;
	_ =	sdelay $0x1  }
0x345: {  	v3 =	vmul.u32 $0x41, v4;
	[tilespmem:s20+$0xFFFFFA80] =	vst v5  }
0x346: {  	v4 =	vld.idx.msk [tilespmem:v7+s8+$0x0], $0xffff  }
0x347: {  	v5 =	vadd.s32 $0x17, v1;
	[tilespmem:s21+$0xFFFFF500] =	vst v8  }
0x348: {  	v7 =	vld.idx.msk [tilespmem:v9+s8+$0x0], $0xffff  }
0x349: {  	v8 =	vadd.s32 $0xC, v2;
	_ =	sdelay $0x1  }
0x34a: {  	v9 =	vld.idx.msk [tilespmem:v3+s8+$0x0], $0xffff;
	[tilespmem:s20+$0xFFFFFB00] =	vst v4  }
0x34b: {  	v4 =	vadd.s32 $0x1, v3;
	v5 =	vld.idx.msk [tilespmem:v5+s8+$0x0], $0xffff  }
0x34c: {  	[tilespmem:s21+$0xFFFFF580] =	vst v7;
	v7 =	vadd.s32 $0x18, v1  }
0x34d: {  	v8 =	vld.idx.msk [tilespmem:v8+s8+$0x0], $0xffff  }
0x34e: {  	s22 =	simm.s32 $0xA860;
	v10 =	vadd.s32 $0xD, v2  }
0x34f: {  	[tilespmem:s22+$0xFFFFF000] =	vst v9  }
0x350: {  	v4 =	vld.idx.msk [tilespmem:v4+s8+$0x0], $0xffff;
	[tilespmem:s20+$0xFFFFFB80] =	vst v5  }
0x351: {  	v5 =	vadd.s32 $0x2, v3;
	v7 =	vld.idx.msk [tilespmem:v7+s8+$0x0], $0xffff  }
0x352: {  	[tilespmem:s21+$0xFFFFF600] =	vst v8;
	v8 =	vadd.s32 $0x19, v1  }
0x353: {  	v9 =	vld.idx.msk [tilespmem:v10+s8+$0x0], $0xffff  }
0x354: {  	v10 =	vadd.s32 $0xE, v2  }
0x355: {  	[tilespmem:s22+$0xFFFFF080] =	vst v4  }
0x356: {  	v4 =	vld.idx.msk [tilespmem:v5+s8+$0x0], $0xffff;
	[tilespmem:s20+$0xFFFFFC00] =	vst v7  }
0x357: {  	v5 =	vadd.s32 $0x3, v3;
	v7 =	vld.idx.msk [tilespmem:v8+s8+$0x0], $0xffff  }
0x358: {  	v8 =	vadd.s32 $0x1A, v1;
	[tilespmem:s21+$0xFFFFF680] =	vst v9  }
0x359: {  	v9 =	vld.idx.msk [tilespmem:v10+s8+$0x0], $0xffff  }
0x35a: {  	v10 =	vadd.s32 $0xF, v2  }
0x35b: {  	[tilespmem:s22+$0xFFFFF100] =	vst v4  }
0x35c: {  	v4 =	vld.idx.msk [tilespmem:v5+s8+$0x0], $0xffff;
	[tilespmem:s20+$0xFFFFFC80] =	vst v7  }
0x35d: {  	v5 =	vadd.s32 $0x4, v3;
	v7 =	vld.idx.msk [tilespmem:v8+s8+$0x0], $0xffff  }
0x35e: {  	v8 =	vadd.s32 $0x1B, v1;
	[tilespmem:s21+$0xFFFFF700] =	vst v9  }
0x35f: {  	v9 =	vld.idx.msk [tilespmem:v10+s8+$0x0], $0xffff  }
0x360: {  	v10 =	vadd.s32 $0x10, v2  }
0x361: {  	[tilespmem:s22+$0xFFFFF180] =	vst v4  }
0x362: {  	v4 =	vld.idx.msk [tilespmem:v5+s8+$0x0], $0xffff;
	[tilespmem:s20+$0xFFFFFD00] =	vst v7  }
0x363: {  	v5 =	vadd.s32 $0x5, v3;
	v7 =	vld.idx.msk [tilespmem:v8+s8+$0x0], $0xffff  }
0x364: {  	v8 =	vadd.s32 $0x1C, v1;
	[tilespmem:s21+$0xFFFFF780] =	vst v9  }
0x365: {  	v9 =	vld.idx.msk [tilespmem:v10+s8+$0x0], $0xffff  }
0x366: {  	v10 =	vadd.s32 $0x11, v2  }
0x367: {  	[tilespmem:s22+$0xFFFFF200] =	vst v4  }
0x368: {  	v4 =	vld.idx.msk [tilespmem:v5+s8+$0x0], $0xffff;
	[tilespmem:s20+$0xFFFFFD80] =	vst v7  }
0x369: {  	v5 =	vadd.s32 $0x6, v3;
	v7 =	vld.idx.msk [tilespmem:v8+s8+$0x0], $0xffff  }
0x36a: {  	v8 =	vadd.s32 $0x1D, v1;
	[tilespmem:s21+$0xFFFFF800] =	vst v9  }
0x36b: {  	v9 =	vld.idx.msk [tilespmem:v10+s8+$0x0], $0xffff  }
0x36c: {  	v10 =	vadd.s32 $0x12, v2  }
0x36d: {  	[tilespmem:s22+$0xFFFFF280] =	vst v4  }
0x36e: {  	v4 =	vld.idx.msk [tilespmem:v5+s8+$0x0], $0xffff;
	[tilespmem:s20+$0xFFFFFE00] =	vst v7  }
0x36f: {  	v5 =	vadd.s32 $0x7, v3;
	v7 =	vld.idx.msk [tilespmem:v8+s8+$0x0], $0xffff  }
0x370: {  	v8 =	vadd.s32 $0x1E, v1;
	[tilespmem:s21+$0xFFFFF880] =	vst v9  }
0x371: {  	v9 =	vld.idx.msk [tilespmem:v10+s8+$0x0], $0xffff  }
0x372: {  	v10 =	vadd.s32 $0x13, v2  }
0x373: {  	[tilespmem:s22+$0xFFFFF300] =	vst v4  }
0x374: {  	v4 =	vld.idx.msk [tilespmem:v5+s8+$0x0], $0xffff;
	[tilespmem:s20+$0xFFFFFE80] =	vst v7  }
0x375: {  	v5 =	vadd.s32 $0x8, v3;
	v7 =	vld.idx.msk [tilespmem:v8+s8+$0x0], $0xffff  }
0x376: {  	v8 =	vadd.s32 $0x1F, v1;
	[tilespmem:s21+$0xFFFFF900] =	vst v9  }
0x377: {  	s29 =	simm.s32 $0x30;
	v9 =	vld.idx.msk [tilespmem:v10+s8+$0x0], $0xffff  }
0x378: {  	v11 =	vmov s29;
	v10 =	vadd.s32 $0x14, v2  }
0x379: {  	[tilespmem:s22+$0xFFFFF380] =	vst v4;
	v4 =	vmul.u32 $0xD0, v11  }
0x37a: {  	v5 =	vld.idx.msk [tilespmem:v5+s8+$0x0], $0xffff;
	[tilespmem:s20+$0xFFFFFF00] =	vst v7  }
0x37b: {  	v7 =	vadd.s32 $0x9, v3;
	v4 =	vbroadcast v4, $0x0;
	v8 =	vld.idx.msk [tilespmem:v8+s8+$0x0], $0xffff  }
0x37c: {  	[tilespmem:s21+$0xFFFFF980] =	vst v9;
	v9 =	vadd.s32 $0x20, v1  }
0x37d: {  	v4 =	vadd.s32 v4, v6;
	v10 =	vld.idx.msk [tilespmem:v10+s8+$0x0], $0xffff  }
0x37e: {  	v11 =	vadd.s32 $0x15, v2  }
0x37f: {  	[tilespmem:s22+$0xFFFFF400] =	vst v5  }
0x380: {  	v5 =	vld.idx.msk [tilespmem:v7+s8+$0x0], $0xffff;
	[tilespmem:s20+$0xFFFFFF80] =	vst v8  }
0x381: {  	v7 =	vadd.s32 $0xA, v3;
	v8 =	vld.idx.msk [tilespmem:v9+s8+$0x0], $0xffff  }
0x382: {  	v4 =	vld.idx.msk [tilespmem:v4+s3+$0x0], $0xffff;
	[tilespmem:s21+$0xFFFFFA00] =	vst v10  }
0x383: {  	v10 =	vadd.s32 $0x21, v1;
	v9 =	vld.idx.msk [tilespmem:v11+s8+$0x0], $0xffff  }
0x384: {  	v11 =	vadd.s32 $0x16, v2  }
0x385: {  	[tilespmem:s22+$0xFFFFF480] =	vst v5  }
0x386: {  	v5 =	vld.idx.msk [tilespmem:v7+s8+$0x0], $0xffff  }
0x387: {  	v7 =	vadd.s32 $0xB, v3;
	[tilespmem:s20+$0x0] =	vst v8;
	v4 =	vmul.u32 $0x41, v4  }
0x388: {  	v8 =	vld.idx.msk [tilespmem:v10+s8+$0x0], $0xffff;
	[tilespmem:s21+$0xFFFFFA80] =	vst v9  }
0x389: {  	v10 =	vadd.s32 $0x22, v1;
	v9 =	vld.idx.msk [tilespmem:v11+s8+$0x0], $0xffff  }
0x38a: {  	v11 =	vadd.s32 $0x17, v2  }
0x38b: {  	[tilespmem:s22+$0xFFFFF500] =	vst v5  }
0x38c: {  	v5 =	vld.idx.msk [tilespmem:v7+s8+$0x0], $0xffff  }
0x38d: {  	v12 =	vadd.s32 $0xC, v3;
	v7 =	vld.idx.msk [tilespmem:v4+s8+$0x0], $0xffff;
	[tilespmem:s20+$0x80] =	vst v8  }
0x38e: {  	v8 =	vld.idx.msk [tilespmem:v10+s8+$0x0], $0xffff;
	v10 =	vadd.s32 $0x1, v4;
	[tilespmem:s21+$0xFFFFFB00] =	vst v9  }
0x38f: {  	v9 =	vld.idx.msk [tilespmem:v11+s8+$0x0], $0xffff;
	v11 =	vadd.s32 $0x23, v1  }
0x390: {  	v13 =	vadd.s32 $0x18, v2  }
0x391: {  	s23 =	simm.s32 $0xA870;
	[tilespmem:s22+$0xFFFFF580] =	vst v5  }
0x392: {  	v5 =	vld.idx.msk [tilespmem:v12+s8+$0x0], $0xffff;
	[tilespmem:s23+$0xFFFFF000] =	vst v7  }
0x393: {  	v7 =	vld.idx.msk [tilespmem:v10+s8+$0x0], $0xffff;
	v10 =	vadd.s32 $0xD, v3;
	[tilespmem:s20+$0x100] =	vst v8  }
0x394: {  	v8 =	vld.idx.msk [tilespmem:v11+s8+$0x0], $0xffff;
	v11 =	vadd.s32 $0x2, v4;
	[tilespmem:s21+$0xFFFFFB80] =	vst v9  }
0x395: {  	v12 =	vadd.s32 $0x24, v1;
	v9 =	vld.idx.msk [tilespmem:v13+s8+$0x0], $0xffff  }
0x396: {  	v13 =	vadd.s32 $0x19, v2  }
0x397: {  	[tilespmem:s22+$0xFFFFF600] =	vst v5  }
0x398: {  	v5 =	vld.idx.msk [tilespmem:v10+s8+$0x0], $0xffff;
	[tilespmem:s23+$0xFFFFF080] =	vst v7  }
0x399: {  	v10 =	vadd.s32 $0xE, v3;
	v7 =	vld.idx.msk [tilespmem:v11+s8+$0x0], $0xffff;
	[tilespmem:s20+$0x180] =	vst v8  }
0x39a: {  	v11 =	vadd.s32 $0x3, v4;
	v8 =	vld.idx.msk [tilespmem:v12+s8+$0x0], $0xffff;
	[tilespmem:s21+$0xFFFFFC00] =	vst v9  }
0x39b: {  	v12 =	vadd.s32 $0x25, v1;
	v9 =	vld.idx.msk [tilespmem:v13+s8+$0x0], $0xffff  }
0x39c: {  	v13 =	vadd.s32 $0x1A, v2  }
0x39d: {  	[tilespmem:s22+$0xFFFFF680] =	vst v5  }
0x39e: {  	v5 =	vld.idx.msk [tilespmem:v10+s8+$0x0], $0xffff;
	[tilespmem:s23+$0xFFFFF100] =	vst v7  }
0x39f: {  	v10 =	vadd.s32 $0xF, v3;
	v7 =	vld.idx.msk [tilespmem:v11+s8+$0x0], $0xffff;
	[tilespmem:s20+$0x200] =	vst v8  }
0x3a0: {  	v11 =	vadd.s32 $0x4, v4;
	v8 =	vld.idx.msk [tilespmem:v12+s8+$0x0], $0xffff;
	[tilespmem:s21+$0xFFFFFC80] =	vst v9  }
0x3a1: {  	v12 =	vadd.s32 $0x26, v1;
	v9 =	vld.idx.msk [tilespmem:v13+s8+$0x0], $0xffff  }
0x3a2: {  	v13 =	vadd.s32 $0x1B, v2  }
0x3a3: {  	[tilespmem:s22+$0xFFFFF700] =	vst v5  }
0x3a4: {  	v5 =	vld.idx.msk [tilespmem:v10+s8+$0x0], $0xffff;
	[tilespmem:s23+$0xFFFFF180] =	vst v7  }
0x3a5: {  	v10 =	vadd.s32 $0x10, v3;
	v7 =	vld.idx.msk [tilespmem:v11+s8+$0x0], $0xffff;
	[tilespmem:s20+$0x280] =	vst v8  }
0x3a6: {  	v11 =	vadd.s32 $0x5, v4;
	v8 =	vld.idx.msk [tilespmem:v12+s8+$0x0], $0xffff;
	[tilespmem:s21+$0xFFFFFD00] =	vst v9  }
0x3a7: {  	v12 =	vadd.s32 $0x27, v1;
	v9 =	vld.idx.msk [tilespmem:v13+s8+$0x0], $0xffff  }
0x3a8: {  	v13 =	vadd.s32 $0x1C, v2  }
0x3a9: {  	[tilespmem:s22+$0xFFFFF780] =	vst v5  }
0x3aa: {  	v5 =	vld.idx.msk [tilespmem:v10+s8+$0x0], $0xffff;
	[tilespmem:s23+$0xFFFFF200] =	vst v7  }
0x3ab: {  	v10 =	vadd.s32 $0x11, v3;
	v7 =	vld.idx.msk [tilespmem:v11+s8+$0x0], $0xffff;
	[tilespmem:s20+$0x300] =	vst v8  }
0x3ac: {  	v11 =	vadd.s32 $0x6, v4;
	v8 =	vld.idx.msk [tilespmem:v12+s8+$0x0], $0xffff;
	[tilespmem:s21+$0xFFFFFD80] =	vst v9  }
0x3ad: {  	v12 =	vadd.s32 $0x28, v1;
	v9 =	vld.idx.msk [tilespmem:v13+s8+$0x0], $0xffff  }
0x3ae: {  	v13 =	vadd.s32 $0x1D, v2  }
0x3af: {  	[tilespmem:s22+$0xFFFFF800] =	vst v5  }
0x3b0: {  	v5 =	vld.idx.msk [tilespmem:v10+s8+$0x0], $0xffff;
	[tilespmem:s23+$0xFFFFF280] =	vst v7  }
0x3b1: {  	v10 =	vadd.s32 $0x12, v3;
	v7 =	vld.idx.msk [tilespmem:v11+s8+$0x0], $0xffff;
	[tilespmem:s20+$0x380] =	vst v8  }
0x3b2: {  	v11 =	vadd.s32 $0x7, v4;
	v8 =	vld.idx.msk [tilespmem:v12+s8+$0x0], $0xffff;
	[tilespmem:s21+$0xFFFFFE00] =	vst v9  }
0x3b3: {  	v12 =	vadd.s32 $0x29, v1;
	v9 =	vld.idx.msk [tilespmem:v13+s8+$0x0], $0xffff  }
0x3b4: {  	v13 =	vadd.s32 $0x1E, v2  }
0x3b5: {  	[tilespmem:s22+$0xFFFFF880] =	vst v5  }
0x3b6: {  	v5 =	vld.idx.msk [tilespmem:v10+s8+$0x0], $0xffff;
	[tilespmem:s23+$0xFFFFF300] =	vst v7  }
0x3b7: {  	v10 =	vadd.s32 $0x13, v3;
	v7 =	vld.idx.msk [tilespmem:v11+s8+$0x0], $0xffff;
	[tilespmem:s20+$0x400] =	vst v8  }
0x3b8: {  	v11 =	vadd.s32 $0x8, v4;
	v8 =	vld.idx.msk [tilespmem:v12+s8+$0x0], $0xffff;
	[tilespmem:s21+$0xFFFFFE80] =	vst v9  }
0x3b9: {  	v12 =	vadd.s32 $0x2A, v1;
	v9 =	vld.idx.msk [tilespmem:v13+s8+$0x0], $0xffff  }
0x3ba: {  	v13 =	vadd.s32 $0x1F, v2  }
0x3bb: {  	s30 =	simm.s32 $0x40;
	[tilespmem:s22+$0xFFFFF900] =	vst v5  }
0x3bc: {  	v5 =	vld.idx.msk [tilespmem:v10+s8+$0x0], $0xffff;
	[tilespmem:s23+$0xFFFFF380] =	vst v7;
	v7 =	vmov s30  }
0x3bd: {  	v10 =	vld.idx.msk [tilespmem:v11+s8+$0x0], $0xffff;
	v11 =	vadd.s32 $0x14, v3;
	[tilespmem:s20+$0x480] =	vst v8;
	v7 =	vmul.u32 $0xD0, v7  }
0x3be: {  	v8 =	vld.idx.msk [tilespmem:v12+s8+$0x0], $0xffff;
	v12 =	vadd.s32 $0x9, v4;
	[tilespmem:s21+$0xFFFFFF00] =	vst v9  }
0x3bf: {  	v9 =	vld.idx.msk [tilespmem:v13+s8+$0x0], $0xffff;
	v13 =	vadd.s32 $0x2B, v1;
	v7 =	vbroadcast v7, $0x0  }
0x3c0: {  	v14 =	vadd.s32 $0x20, v2  }
0x3c1: {  	[tilespmem:s22+$0xFFFFF980] =	vst v5;
	v5 =	vadd.s32 v7, v6  }
0x3c2: {  	v7 =	vld.idx.msk [tilespmem:v11+s8+$0x0], $0xffff;
	[tilespmem:s23+$0xFFFFF400] =	vst v10  }
0x3c3: {  	v11 =	vadd.s32 $0x15, v3;
	v10 =	vld.idx.msk [tilespmem:v12+s8+$0x0], $0xffff;
	[tilespmem:s20+$0x500] =	vst v8  }
0x3c4: {  	v12 =	vadd.s32 $0xA, v4;
	v8 =	vld.idx.msk [tilespmem:v13+s8+$0x0], $0xffff;
	[tilespmem:s21+$0xFFFFFF80] =	vst v9  }
0x3c5: {  	v13 =	vadd.s32 $0x2C, v1;
	v9 =	vld.idx.msk [tilespmem:v14+s8+$0x0], $0xffff  }
0x3c6: {  	v5 =	vld.idx.msk [tilespmem:v5+s3+$0x0], $0xffff  }
0x3c7: {  	[tilespmem:s22+$0xFFFFFA00] =	vst v7;
	v7 =	vadd.s32 $0x21, v2  }
0x3c8: {  	v11 =	vld.idx.msk [tilespmem:v11+s8+$0x0], $0xffff;
	[tilespmem:s23+$0xFFFFF480] =	vst v10  }
0x3c9: {  	v10 =	vld.idx.msk [tilespmem:v12+s8+$0x0], $0xffff;
	v12 =	vadd.s32 $0x16, v3;
	[tilespmem:s20+$0x580] =	vst v8  }
0x3ca: {  	v8 =	vld.idx.msk [tilespmem:v13+s8+$0x0], $0xffff;
	v13 =	vadd.s32 $0xB, v4  }
0x3cb: {  	[tilespmem:s21+$0x0] =	vst v9;
	v9 =	vadd.s32 $0x2D, v1;
	v5 =	vmul.u32 $0x41, v5  }
0x3cc: {  	v7 =	vld.idx.msk [tilespmem:v7+s8+$0x0], $0xffff  }
0x3cd: {  	[tilespmem:s22+$0xFFFFFA80] =	vst v11;
	v11 =	vadd.s32 $0x22, v2  }
0x3ce: {  	v12 =	vld.idx.msk [tilespmem:v12+s8+$0x0], $0xffff;
	[tilespmem:s23+$0xFFFFF500] =	vst v10  }
0x3cf: {  	v10 =	vld.idx.msk [tilespmem:v13+s8+$0x0], $0xffff;
	v13 =	vadd.s32 $0x17, v3;
	[tilespmem:s20+$0x600] =	vst v8  }
0x3d0: {  	v8 =	vld.idx.msk [tilespmem:v9+s8+$0x0], $0xffff;
	v9 =	vadd.s32 $0xC, v4  }
0x3d1: {  	v14 =	vld.idx.msk [tilespmem:v5+s8+$0x0], $0xffff;
	[tilespmem:s21+$0x80] =	vst v7;
	v7 =	vadd.s32 $0x2E, v1  }
0x3d2: {  	v15 =	vadd.s32 $0x1, v5;
	v11 =	vld.idx.msk [tilespmem:v11+s8+$0x0], $0xffff  }
0x3d3: {  	[tilespmem:s22+$0xFFFFFB00] =	vst v12;
	v12 =	vadd.s32 $0x23, v2  }
0x3d4: {  	v13 =	vld.idx.msk [tilespmem:v13+s8+$0x0], $0xffff;
	[tilespmem:s23+$0xFFFFF580] =	vst v10  }
0x3d5: {  	s26 =	simm.s32 $0xA880;
	v10 =	vadd.s32 $0x18, v3;
	v9 =	vld.idx.msk [tilespmem:v9+s8+$0x0], $0xffff;
	[tilespmem:s20+$0x680] =	vst v8  }
0x3d6: {  	v8 =	vadd.s32 $0xD, v4;
	[tilespmem:s26+$0xFFFFF000] =	vst v14;
	v7 =	vld.idx.msk [tilespmem:v7+s8+$0x0], $0xffff  }
0x3d7: {  	v14 =	vld.idx.msk [tilespmem:v15+s8+$0x0], $0xffff;
	[tilespmem:s21+$0x100] =	vst v11;
	v11 =	vadd.s32 $0x2F, v1  }
0x3d8: {  	v15 =	vadd.s32 $0x2, v5;
	v12 =	vld.idx.msk [tilespmem:v12+s8+$0x0], $0xffff  }
0x3d9: {  	[tilespmem:s22+$0xFFFFFB80] =	vst v13;
	v13 =	vadd.s32 $0x24, v2  }
0x3da: {  	v10 =	vld.idx.msk [tilespmem:v10+s8+$0x0], $0xffff;
	[tilespmem:s23+$0xFFFFF600] =	vst v9  }
0x3db: {  	v9 =	vadd.s32 $0x19, v3;
	v8 =	vld.idx.msk [tilespmem:v8+s8+$0x0], $0xffff;
	[tilespmem:s20+$0x700] =	vst v7  }
0x3dc: {  	[tilespmem:s26+$0xFFFFF080] =	vst v14;
	v7 =	vld.idx.msk [tilespmem:v11+s8+$0x0], $0xffff;
	v11 =	vadd.s32 $0xE, v4  }
0x3dd: {  	v14 =	vld.idx.msk [tilespmem:v15+s8+$0x0], $0xffff;
	[tilespmem:s21+$0x180] =	vst v12;
	v12 =	vadd.s32 $0x30, v1  }
0x3de: {  	v15 =	vadd.s32 $0x3, v5;
	v13 =	vld.idx.msk [tilespmem:v13+s8+$0x0], $0xffff  }
0x3df: {  	[tilespmem:s22+$0xFFFFFC00] =	vst v10;
	v10 =	vadd.s32 $0x25, v2  }
0x3e0: {  	v9 =	vld.idx.msk [tilespmem:v9+s8+$0x0], $0xffff;
	[tilespmem:s23+$0xFFFFF680] =	vst v8  }
0x3e1: {  	v8 =	vld.idx.msk [tilespmem:v11+s8+$0x0], $0xffff;
	v11 =	vadd.s32 $0x1A, v3;
	[tilespmem:s20+$0x780] =	vst v7  }
0x3e2: {  	[tilespmem:s26+$0xFFFFF100] =	vst v14;
	v7 =	vld.idx.msk [tilespmem:v12+s8+$0x0], $0xffff;
	v12 =	vadd.s32 $0xF, v4  }
0x3e3: {  	v14 =	vld.idx.msk [tilespmem:v15+s8+$0x0], $0xffff;
	[tilespmem:s21+$0x200] =	vst v13;
	v13 =	vadd.s32 $0x31, v1  }
0x3e4: {  	v15 =	vadd.s32 $0x4, v5;
	v10 =	vld.idx.msk [tilespmem:v10+s8+$0x0], $0xffff  }
0x3e5: {  	[tilespmem:s22+$0xFFFFFC80] =	vst v9;
	v9 =	vadd.s32 $0x26, v2  }
0x3e6: {  	v11 =	vld.idx.msk [tilespmem:v11+s8+$0x0], $0xffff;
	[tilespmem:s23+$0xFFFFF700] =	vst v8  }
0x3e7: {  	v8 =	vld.idx.msk [tilespmem:v12+s8+$0x0], $0xffff;
	v12 =	vadd.s32 $0x1B, v3;
	[tilespmem:s20+$0x800] =	vst v7  }
0x3e8: {  	[tilespmem:s26+$0xFFFFF180] =	vst v14;
	v7 =	vld.idx.msk [tilespmem:v13+s8+$0x0], $0xffff;
	v13 =	vadd.s32 $0x10, v4  }
0x3e9: {  	v14 =	vld.idx.msk [tilespmem:v15+s8+$0x0], $0xffff;
	[tilespmem:s21+$0x280] =	vst v10;
	v10 =	vadd.s32 $0x32, v1  }
0x3ea: {  	v15 =	vadd.s32 $0x5, v5;
	v9 =	vld.idx.msk [tilespmem:v9+s8+$0x0], $0xffff  }
0x3eb: {  	[tilespmem:s22+$0xFFFFFD00] =	vst v11;
	v11 =	vadd.s32 $0x27, v2  }
0x3ec: {  	v12 =	vld.idx.msk [tilespmem:v12+s8+$0x0], $0xffff;
	[tilespmem:s23+$0xFFFFF780] =	vst v8  }
0x3ed: {  	v8 =	vld.idx.msk [tilespmem:v13+s8+$0x0], $0xffff;
	v13 =	vadd.s32 $0x1C, v3;
	[tilespmem:s20+$0x880] =	vst v7  }
0x3ee: {  	[tilespmem:s26+$0xFFFFF200] =	vst v14;
	v7 =	vld.idx.msk [tilespmem:v10+s8+$0x0], $0xffff;
	v10 =	vadd.s32 $0x11, v4  }
0x3ef: {  	v14 =	vld.idx.msk [tilespmem:v15+s8+$0x0], $0xffff;
	[tilespmem:s21+$0x300] =	vst v9;
	v9 =	vadd.s32 $0x33, v1  }
0x3f0: {  	v15 =	vadd.s32 $0x6, v5;
	v11 =	vld.idx.msk [tilespmem:v11+s8+$0x0], $0xffff  }
0x3f1: {  	[tilespmem:s22+$0xFFFFFD80] =	vst v12;
	v12 =	vadd.s32 $0x28, v2  }
0x3f2: {  	v13 =	vld.idx.msk [tilespmem:v13+s8+$0x0], $0xffff;
	[tilespmem:s23+$0xFFFFF800] =	vst v8  }
0x3f3: {  	v8 =	vld.idx.msk [tilespmem:v10+s8+$0x0], $0xffff;
	v10 =	vadd.s32 $0x1D, v3;
	[tilespmem:s20+$0x900] =	vst v7  }
0x3f4: {  	[tilespmem:s26+$0xFFFFF280] =	vst v14;
	v7 =	vld.idx.msk [tilespmem:v9+s8+$0x0], $0xffff;
	v9 =	vadd.s32 $0x12, v4  }
0x3f5: {  	v14 =	vld.idx.msk [tilespmem:v15+s8+$0x0], $0xffff;
	[tilespmem:s21+$0x380] =	vst v11;
	v11 =	vadd.s32 $0x34, v1  }
0x3f6: {  	v15 =	vadd.s32 $0x7, v5;
	v12 =	vld.idx.msk [tilespmem:v12+s8+$0x0], $0xffff  }
0x3f7: {  	[tilespmem:s22+$0xFFFFFE00] =	vst v13;
	v13 =	vadd.s32 $0x29, v2  }
0x3f8: {  	v10 =	vld.idx.msk [tilespmem:v10+s8+$0x0], $0xffff;
	[tilespmem:s23+$0xFFFFF880] =	vst v8  }
0x3f9: {  	v8 =	vld.idx.msk [tilespmem:v9+s8+$0x0], $0xffff;
	v9 =	vadd.s32 $0x1E, v3;
	[tilespmem:s20+$0x980] =	vst v7  }
0x3fa: {  	[tilespmem:s26+$0xFFFFF300] =	vst v14;
	v7 =	vld.idx.msk [tilespmem:v11+s8+$0x0], $0xffff;
	v11 =	vadd.s32 $0x13, v4  }
0x3fb: {  	v14 =	vld.idx.msk [tilespmem:v15+s8+$0x0], $0xffff;
	[tilespmem:s21+$0x400] =	vst v12;
	v15 =	vadd.s32 $0x35, v1  }
0x3fc: {  	v16 =	vadd.s32 $0x8, v5;
	v13 =	vld.idx.msk [tilespmem:v13+s8+$0x0], $0xffff  }
0x3fd: {  	v17 =	vadd.s32 $0x2A, v2;
	[tilespmem:s22+$0xFFFFFE80] =	vst v10  }
0x3fe: {  	v10 =	vld.idx.msk [tilespmem:v9+s8+$0x0], $0xffff;
	[tilespmem:s23+$0xFFFFF900] =	vst v8  }
0x3ff: {  	v12 =	vld.idx.msk [tilespmem:v11+s8+$0x0], $0xffff;
	[tilespmem:s20+$0xA00] =	vst v7;
	v11 =	vadd.s32 $0x1F, v3  }
0x400: {  	[tilespmem:s26+$0xFFFFF380] =	vst v14;
	v7 =	vld.idx.msk [tilespmem:v15+s8+$0x0], $0xffff  }
0x401: {  	s31 =	simm.s32 $0x50;
	v14 =	vld.idx.msk [tilespmem:v16+s8+$0x0], $0xffff;
	[tilespmem:s21+$0x480] =	vst v13;
	v13 =	vadd.s32 $0x14, v4  }
0x402: {  	s24 =	simm.s32 $0xA880;
	s25 =	simm.s32 $0x60;
	v8 =	vadd.s32 $0x36, v1;
	v15 =	vmov s31;
	v9 =	vld.idx.msk [tilespmem:v17+s8+$0x0], $0xffff  }
.LBB2_7:
0x403: {  	p0 =	sne.s32 s25, $0x70;
	v15 =	vmul.u32 $0xD0, v15;
	v16 =	vadd.s32 $0x9, v5;
	[tilespmem:s22+$0xFFFFFF00] =	vst v10  }
0x404: {  	v10 =	vld.idx.msk [tilespmem:v11+s8+$0x0], $0xffff;
	v11 =	vadd.s32 $0x2B, v2  }
0x405: {  	v15 =	vbroadcast v15, $0x0;
	[tilespmem:s23+$0xFFFFF980] =	vst v12  }
0x406: {  	v12 =	vld.idx.msk [tilespmem:v13+s8+$0x0], $0xffff;
	v13 =	vadd.s32 $0x20, v3;
	[tilespmem:s20+$0xA80] =	vst v7  }
0x407: {  	v7 =	vadd.s32 v15, v6;
	[tilespmem:s26+$0xFFFFF400] =	vst v14;
	v8 =	vld.idx.msk [tilespmem:v8+s8+$0x0], $0xffff  }
0x408: {  	v15 =	vadd.s32 $0x15, v4;
	v14 =	vld.idx.msk [tilespmem:v16+s8+$0x0], $0xffff;
	[tilespmem:s21+$0x500] =	vst v9  }
0x409: {  	v9 =	vld.idx.msk [tilespmem:v11+s8+$0x0], $0xffff;
	v11 =	vadd.s32 $0x37, v1  }
0x40a: {  	v16 =	vadd.s32 $0xA, v5;
	[tilespmem:s22+$0xFFFFFF80] =	vst v10  }
0x40b: {  	v10 =	vld.idx.msk [tilespmem:v13+s8+$0x0], $0xffff;
	v13 =	vadd.s32 $0x2C, v2  }
0x40c: {  	v7 =	vld.idx.msk [tilespmem:v7+s3+$0x0], $0xffff;
	[tilespmem:s23+$0xFFFFFA00] =	vst v12  }
0x40d: {  	v12 =	vld.idx.msk [tilespmem:v15+s8+$0x0], $0xffff;
	v15 =	vadd.s32 $0x21, v3;
	[tilespmem:s20+$0xB00] =	vst v8  }
0x40e: {  	[tilespmem:s26+$0xFFFFF480] =	vst v14;
	v8 =	vld.idx.msk [tilespmem:v11+s8+$0x0], $0xffff  }
0x40f: {  	v14 =	vadd.s32 $0x16, v4;
	v11 =	vld.idx.msk [tilespmem:v16+s8+$0x0], $0xffff;
	[tilespmem:s21+$0x580] =	vst v9  }
0x410: {  	v9 =	vld.idx.msk [tilespmem:v13+s8+$0x0], $0xffff;
	v13 =	vadd.s32 $0x38, v1  }
0x411: {  	v16 =	vadd.s32 $0xB, v5;
	[tilespmem:s22+$0x0] =	vst v10  }
0x412: {  	v7 =	vmul.u32 $0x41, v7;
	v10 =	vld.idx.msk [tilespmem:v15+s8+$0x0], $0xffff;
	v15 =	vadd.s32 $0x2D, v2  }
0x413: {  	[tilespmem:s23+$0xFFFFFA80] =	vst v12  }
0x414: {  	v12 =	vld.idx.msk [tilespmem:v14+s8+$0x0], $0xffff;
	v14 =	vadd.s32 $0x22, v3;
	[tilespmem:s20+$0xB80] =	vst v8  }
0x415: {  	[tilespmem:s26+$0xFFFFF500] =	vst v11;
	v8 =	vld.idx.msk [tilespmem:v13+s8+$0x0], $0xffff  }
0x416: {  	v13 =	vadd.s32 $0x17, v4;
	v11 =	vld.idx.msk [tilespmem:v16+s8+$0x0], $0xffff;
	[tilespmem:s21+$0x600] =	vst v9  }
0x417: {  	v9 =	vld.idx.msk [tilespmem:v15+s8+$0x0], $0xffff;
	v15 =	vadd.s32 $0x39, v1  }
0x418: {  	v17 =	vadd.s32 $0xC, v5;
	v16 =	vld.idx.msk [tilespmem:v7+s8+$0x0], $0xffff;
	[tilespmem:s22+$0x80] =	vst v10  }
0x419: {  	v10 =	vld.idx.msk [tilespmem:v14+s8+$0x0], $0xffff;
	v14 =	vadd.s32 $0x2E, v2  }
0x41a: {  	v18 =	vadd.s32 $0x1, v7;
	[tilespmem:s23+$0xFFFFFB00] =	vst v12  }
0x41b: {  	v12 =	vld.idx.msk [tilespmem:v13+s8+$0x0], $0xffff;
	v13 =	vadd.s32 $0x23, v3;
	[tilespmem:s20+$0xC00] =	vst v8  }
0x41c: {  	[tilespmem:s26+$0xFFFFF580] =	vst v11;
	v8 =	vld.idx.msk [tilespmem:v15+s8+$0x0], $0xffff  }
0x41d: {  	s26 =	sadd.s32 $0x10, s26;
	v15 =	vadd.s32 $0x18, v4;
	v11 =	vld.idx.msk [tilespmem:v17+s8+$0x0], $0xffff;
	[tilespmem:s21+$0x680] =	vst v9  }
0x41e: {  	[tilespmem:s26+$0xFFFFF000] =	vst v16;
	v9 =	vld.idx.msk [tilespmem:v14+s8+$0x0], $0xffff;
	v14 =	vadd.s32 $0x3A, v1  }
0x41f: {  	v17 =	vadd.s32 $0xD, v5;
	v16 =	vld.idx.msk [tilespmem:v18+s8+$0x0], $0xffff;
	[tilespmem:s22+$0x100] =	vst v10  }
0x420: {  	v10 =	vld.idx.msk [tilespmem:v13+s8+$0x0], $0xffff;
	v13 =	vadd.s32 $0x2F, v2  }
0x421: {  	v18 =	vadd.s32 $0x2, v7;
	[tilespmem:s23+$0xFFFFFB80] =	vst v12  }
0x422: {  	v12 =	vld.idx.msk [tilespmem:v15+s8+$0x0], $0xffff;
	v15 =	vadd.s32 $0x24, v3;
	[tilespmem:s20+$0xC80] =	vst v8  }
0x423: {  	[tilespmem:s24+$0xFFFFF600] =	vst v11;
	v8 =	vld.idx.msk [tilespmem:v14+s8+$0x0], $0xffff  }
0x424: {  	v14 =	vadd.s32 $0x19, v4;
	v11 =	vld.idx.msk [tilespmem:v17+s8+$0x0], $0xffff;
	[tilespmem:s21+$0x700] =	vst v9  }
0x425: {  	[tilespmem:s26+$0xFFFFF080] =	vst v16;
	v9 =	vld.idx.msk [tilespmem:v13+s8+$0x0], $0xffff;
	v13 =	vadd.s32 $0x3B, v1  }
0x426: {  	v17 =	vadd.s32 $0xE, v5;
	v16 =	vld.idx.msk [tilespmem:v18+s8+$0x0], $0xffff;
	[tilespmem:s22+$0x180] =	vst v10  }
0x427: {  	v10 =	vld.idx.msk [tilespmem:v15+s8+$0x0], $0xffff;
	v15 =	vadd.s32 $0x30, v2  }
0x428: {  	v18 =	vadd.s32 $0x3, v7;
	[tilespmem:s23+$0xFFFFFC00] =	vst v12  }
0x429: {  	v12 =	vld.idx.msk [tilespmem:v14+s8+$0x0], $0xffff;
	v14 =	vadd.s32 $0x25, v3;
	[tilespmem:s20+$0xD00] =	vst v8  }
0x42a: {  	[tilespmem:s24+$0xFFFFF680] =	vst v11;
	v8 =	vld.idx.msk [tilespmem:v13+s8+$0x0], $0xffff  }
0x42b: {  	v13 =	vadd.s32 $0x1A, v4;
	v11 =	vld.idx.msk [tilespmem:v17+s8+$0x0], $0xffff;
	[tilespmem:s21+$0x780] =	vst v9  }
0x42c: {  	[tilespmem:s26+$0xFFFFF100] =	vst v16;
	v9 =	vld.idx.msk [tilespmem:v15+s8+$0x0], $0xffff;
	v15 =	vadd.s32 $0x3C, v1  }
0x42d: {  	v17 =	vadd.s32 $0xF, v5;
	v16 =	vld.idx.msk [tilespmem:v18+s8+$0x0], $0xffff;
	[tilespmem:s22+$0x200] =	vst v10  }
0x42e: {  	v10 =	vld.idx.msk [tilespmem:v14+s8+$0x0], $0xffff;
	v14 =	vadd.s32 $0x31, v2  }
0x42f: {  	v18 =	vadd.s32 $0x4, v7;
	[tilespmem:s23+$0xFFFFFC80] =	vst v12  }
0x430: {  	v12 =	vld.idx.msk [tilespmem:v13+s8+$0x0], $0xffff;
	v13 =	vadd.s32 $0x26, v3;
	[tilespmem:s20+$0xD80] =	vst v8  }
0x431: {  	[tilespmem:s24+$0xFFFFF700] =	vst v11;
	v8 =	vld.idx.msk [tilespmem:v15+s8+$0x0], $0xffff  }
0x432: {  	v15 =	vadd.s32 $0x1B, v4;
	v11 =	vld.idx.msk [tilespmem:v17+s8+$0x0], $0xffff;
	[tilespmem:s21+$0x800] =	vst v9  }
0x433: {  	[tilespmem:s26+$0xFFFFF180] =	vst v16;
	v9 =	vld.idx.msk [tilespmem:v14+s8+$0x0], $0xffff;
	v14 =	vadd.s32 $0x3D, v1  }
0x434: {  	v17 =	vadd.s32 $0x10, v5;
	v16 =	vld.idx.msk [tilespmem:v18+s8+$0x0], $0xffff;
	[tilespmem:s22+$0x280] =	vst v10  }
0x435: {  	v10 =	vld.idx.msk [tilespmem:v13+s8+$0x0], $0xffff;
	v13 =	vadd.s32 $0x32, v2  }
0x436: {  	v18 =	vadd.s32 $0x5, v7;
	[tilespmem:s23+$0xFFFFFD00] =	vst v12  }
0x437: {  	v12 =	vld.idx.msk [tilespmem:v15+s8+$0x0], $0xffff;
	v15 =	vadd.s32 $0x27, v3;
	[tilespmem:s20+$0xE00] =	vst v8  }
0x438: {  	[tilespmem:s24+$0xFFFFF780] =	vst v11;
	v8 =	vld.idx.msk [tilespmem:v14+s8+$0x0], $0xffff  }
0x439: {  	v14 =	vadd.s32 $0x1C, v4;
	v11 =	vld.idx.msk [tilespmem:v17+s8+$0x0], $0xffff;
	[tilespmem:s21+$0x880] =	vst v9  }
0x43a: {  	[tilespmem:s26+$0xFFFFF200] =	vst v16;
	v9 =	vld.idx.msk [tilespmem:v13+s8+$0x0], $0xffff;
	v13 =	vadd.s32 $0x3E, v1  }
0x43b: {  	v17 =	vadd.s32 $0x11, v5;
	v16 =	vld.idx.msk [tilespmem:v18+s8+$0x0], $0xffff;
	[tilespmem:s22+$0x300] =	vst v10  }
0x43c: {  	v10 =	vld.idx.msk [tilespmem:v15+s8+$0x0], $0xffff;
	v15 =	vadd.s32 $0x33, v2  }
0x43d: {  	v18 =	vadd.s32 $0x6, v7;
	[tilespmem:s23+$0xFFFFFD80] =	vst v12  }
0x43e: {  	v12 =	vld.idx.msk [tilespmem:v14+s8+$0x0], $0xffff;
	v14 =	vadd.s32 $0x28, v3;
	[tilespmem:s20+$0xE80] =	vst v8  }
0x43f: {  	[tilespmem:s24+$0xFFFFF800] =	vst v11;
	v8 =	vld.idx.msk [tilespmem:v13+s8+$0x0], $0xffff  }
0x440: {  	v13 =	vadd.s32 $0x1D, v4;
	v11 =	vld.idx.msk [tilespmem:v17+s8+$0x0], $0xffff;
	[tilespmem:s21+$0x900] =	vst v9  }
0x441: {  	[tilespmem:s26+$0xFFFFF280] =	vst v16;
	v9 =	vld.idx.msk [tilespmem:v15+s8+$0x0], $0xffff;
	v15 =	vadd.s32 $0x3F, v1;
	v1 =	vmovc v2;
	v2 =	vmovc v3;
	v3 =	vmov v4;
	v4 =	vmov v5  }
0x442: {  	v5 =	vmov v7;
	v16 =	vld.idx.msk [tilespmem:v18+s8+$0x0], $0xffff;
	v17 =	vadd.s32 $0x12, v4;
	[tilespmem:s22+$0x380] =	vst v10  }
0x443: {  	v10 =	vadd.s32 $0x34, v1;
	v7 =	vld.idx.msk [tilespmem:v14+s8+$0x0], $0xffff  }
0x444: {  	v14 =	vadd.s32 $0x7, v5;
	[tilespmem:s23+$0xFFFFFE00] =	vst v12  }
0x445: {  	v12 =	vld.idx.msk [tilespmem:v13+s8+$0x0], $0xffff;
	v13 =	vadd.s32 $0x29, v2;
	[tilespmem:s20+$0xF00] =	vst v8  }
0x446: {  	[tilespmem:s24+$0xFFFFF880] =	vst v11;
	v8 =	vld.idx.msk [tilespmem:v15+s8+$0x0], $0xffff  }
0x447: {  	v15 =	vadd.s32 $0x1E, v3;
	v11 =	vld.idx.msk [tilespmem:v17+s8+$0x0], $0xffff;
	[tilespmem:s21+$0x980] =	vst v9  }
0x448: {  	[tilespmem:s26+$0xFFFFF300] =	vst v16;
	v9 =	vld.idx.msk [tilespmem:v10+s8+$0x0], $0xffff  }
0x449: {  	v16 =	vadd.s32 $0x13, v4;
	v14 =	vld.idx.msk [tilespmem:v14+s8+$0x0], $0xffff;
	[tilespmem:s22+$0x400] =	vst v7  }
0x44a: {  	v7 =	vadd.s32 $0x35, v1;
	v17 =	vld.idx.msk [tilespmem:v13+s8+$0x0], $0xffff  }
0x44b: {  	v13 =	vadd.s32 $0x8, v5;
	[tilespmem:s23+$0xFFFFFE80] =	vst v12  }
0x44c: {  	v18 =	vadd.s32 $0x2A, v2;
	v10 =	vld.idx.msk [tilespmem:v15+s8+$0x0], $0xffff;
	[tilespmem:s20+$0xF80] =	vst v8;
	s20 =	smov.u32 s21;
	s21 =	smov.u32 s22;
	s22 =	smov.u32 s23  }
.Ltmp2:
0x44d: {  	s23 =	smov.u32 s24;
	[tilespmem:s24+$0xFFFFF900] =	vst v11;
	s24 =	smov.u32 s26;
	(pc) =	sbr.rel @p0 .LBB2_7-.Ltmp2, $4  }
0x44e: {  	v11 =	vadd.s32 $0x1F, v3;
	v12 =	vld.idx.msk [tilespmem:v16+s8+$0x0], $0xffff;
	[tilespmem:s20+$0xA00] =	vst v9  }
0x44f: {  	[tilespmem:s26+$0xFFFFF380] =	vst v14;
	v7 =	vld.idx.msk [tilespmem:v7+s8+$0x0], $0xffff  }
0x450: {  	v14 =	vld.idx.msk [tilespmem:v13+s8+$0x0], $0xffff;
	v13 =	vadd.s32 $0x14, v4;
	[tilespmem:s21+$0x480] =	vst v17  }
0x451: {  	v15 =	vmov s25;
	s25 =	sadd.s32 $0x10, s25;
	v8 =	vadd.s32 $0x36, v1;
	v9 =	vld.idx.msk [tilespmem:v18+s8+$0x0], $0xffff  }
0x452: {  	v15 =	vmul.u32 $0xD0, v15;
	_ =	sdelay $0x1  }
0x453: {  	v15 =	vbroadcast v15, $0x0;
	_ =	sdelay $0x1  }
0x454: {  	v6 =	vadd.s32 v15, v6;
	_ =	sdelay $0x4  }
0x455: {  	v6 =	vld.idx.msk [tilespmem:v6+s3+$0x0], $0xffff;
	_ =	sdelay $0x4  }
0x456: {  	v6 =	vmul.u32 $0x41, v6;
	_ =	sdelay $0x5  }
0x457: {  	v51 =	vld.idx.msk [tilespmem:v6+s8+$0x0], $0xffff  }
0x458: {  	v16 =	vadd.s32 $0x1, v6;
	_ =	sdelay $0x2  }
0x459: {  	s25 =	sadd.s32 $0x10, s26  }
0x45a: {  	[tilespmem:s25+$0xFFFFF000] =	vst v51  }
0x45b: {  	v15 =	vld.idx.msk [tilespmem:v16+s8+$0x0], $0xffff  }
0x45c: {  	v52 =	vadd.s32 $0x2, v6;
	_ =	sdelay $0x3  }
0x45d: {  	[tilespmem:s25+$0xFFFFF080] =	vst v15  }
0x45e: {  	v15 =	vld.idx.msk [tilespmem:v52+s8+$0x0], $0xffff  }
0x45f: {  	v53 =	vadd.s32 $0x3, v6;
	_ =	sdelay $0x3  }
0x460: {  	[tilespmem:s25+$0xFFFFF100] =	vst v15  }
0x461: {  	v15 =	vld.idx.msk [tilespmem:v53+s8+$0x0], $0xffff  }
0x462: {  	v54 =	vadd.s32 $0x4, v6;
	_ =	sdelay $0x3  }
0x463: {  	[tilespmem:s25+$0xFFFFF180] =	vst v15  }
0x464: {  	v15 =	vld.idx.msk [tilespmem:v54+s8+$0x0], $0xffff  }
0x465: {  	v55 =	vadd.s32 $0x5, v6;
	_ =	sdelay $0x3  }
0x466: {  	[tilespmem:s25+$0xFFFFF200] =	vst v15  }
0x467: {  	v15 =	vld.idx.msk [tilespmem:v55+s8+$0x0], $0xffff  }
0x468: {  	v56 =	vadd.s32 $0x6, v6;
	_ =	sdelay $0x3  }
0x469: {  	[tilespmem:s25+$0xFFFFF280] =	vst v15  }
0x46a: {  	v15 =	vld.idx.msk [tilespmem:v56+s8+$0x0], $0xffff  }
0x46b: {  	v57 =	vadd.s32 $0x7, v6;
	_ =	sdelay $0x3  }
0x46c: {  	[tilespmem:s25+$0xFFFFF300] =	vst v15  }
0x46d: {  	v15 =	vld.idx.msk [tilespmem:v57+s8+$0x0], $0xffff  }
0x46e: {  	v58 =	vadd.s32 $0x8, v6;
	_ =	sdelay $0x3  }
0x46f: {  	[tilespmem:s25+$0xFFFFF380] =	vst v15  }
0x470: {  	v59 =	vadd.s32 $0x9, v5;
	v16 =	vld.idx.msk [tilespmem:v58+s8+$0x0], $0xffff  }
0x471: {  	v17 =	vadd.s32 $0x9, v6;
	_ =	sdelay $0x2  }
0x472: {  	[tilespmem:s26+$0xFFFFF400] =	vst v14  }
0x473: {  	v14 =	vld.idx.msk [tilespmem:v59+s8+$0x0], $0xffff;
	[tilespmem:s25+$0xFFFFF400] =	vst v16  }
0x474: {  	v60 =	vadd.s32 $0xA, v5;
	v16 =	vld.idx.msk [tilespmem:v17+s8+$0x0], $0xffff  }
0x475: {  	v61 =	vadd.s32 $0xA, v6;
	_ =	sdelay $0x2  }
0x476: {  	[tilespmem:s26+$0xFFFFF480] =	vst v14  }
0x477: {  	v14 =	vld.idx.msk [tilespmem:v60+s8+$0x0], $0xffff;
	[tilespmem:s25+$0xFFFFF480] =	vst v16  }
0x478: {  	v62 =	vadd.s32 $0xB, v5;
	v16 =	vld.idx.msk [tilespmem:v61+s8+$0x0], $0xffff  }
0x479: {  	v63 =	vadd.s32 $0xB, v6;
	_ =	sdelay $0x2  }
0x47a: {  	[tilespmem:s26+$0xFFFFF500] =	vst v14  }
0x47b: {  	v14 =	vld.idx.msk [tilespmem:v62+s8+$0x0], $0xffff;
	[tilespmem:s25+$0xFFFFF500] =	vst v16  }
0x47c: {  	v20 =	vadd.s32 $0xC, v5;
	v16 =	vld.idx.msk [tilespmem:v63+s8+$0x0], $0xffff  }
0x47d: {  	v21 =	vadd.s32 $0xC, v6;
	_ =	sdelay $0x2  }
0x47e: {  	[tilespmem:s26+$0xFFFFF580] =	vst v14  }
0x47f: {  	v14 =	vld.idx.msk [tilespmem:v20+s8+$0x0], $0xffff;
	[tilespmem:s25+$0xFFFFF580] =	vst v16  }
0x480: {  	v22 =	vadd.s32 $0xD, v5;
	v16 =	vld.idx.msk [tilespmem:v21+s8+$0x0], $0xffff  }
0x481: {  	v23 =	vadd.s32 $0xD, v6;
	_ =	sdelay $0x2  }
0x482: {  	[tilespmem:s24+$0xFFFFF600] =	vst v14  }
0x483: {  	v14 =	vld.idx.msk [tilespmem:v22+s8+$0x0], $0xffff;
	[tilespmem:s25+$0xFFFFF600] =	vst v16  }
0x484: {  	v24 =	vadd.s32 $0xE, v5;
	v16 =	vld.idx.msk [tilespmem:v23+s8+$0x0], $0xffff  }
0x485: {  	v25 =	vadd.s32 $0xE, v6;
	_ =	sdelay $0x2  }
0x486: {  	[tilespmem:s24+$0xFFFFF680] =	vst v14  }
0x487: {  	v14 =	vld.idx.msk [tilespmem:v24+s8+$0x0], $0xffff;
	[tilespmem:s25+$0xFFFFF680] =	vst v16  }
0x488: {  	v26 =	vadd.s32 $0xF, v5;
	v16 =	vld.idx.msk [tilespmem:v25+s8+$0x0], $0xffff  }
0x489: {  	v27 =	vadd.s32 $0xF, v6;
	_ =	sdelay $0x2  }
0x48a: {  	[tilespmem:s24+$0xFFFFF700] =	vst v14  }
0x48b: {  	v14 =	vld.idx.msk [tilespmem:v26+s8+$0x0], $0xffff;
	[tilespmem:s25+$0xFFFFF700] =	vst v16  }
0x48c: {  	v28 =	vadd.s32 $0x10, v5;
	v16 =	vld.idx.msk [tilespmem:v27+s8+$0x0], $0xffff  }
0x48d: {  	v29 =	vadd.s32 $0x10, v6;
	_ =	sdelay $0x2  }
0x48e: {  	[tilespmem:s24+$0xFFFFF780] =	vst v14  }
0x48f: {  	v14 =	vld.idx.msk [tilespmem:v28+s8+$0x0], $0xffff;
	[tilespmem:s25+$0xFFFFF780] =	vst v16  }
0x490: {  	v30 =	vadd.s32 $0x11, v5;
	v16 =	vld.idx.msk [tilespmem:v29+s8+$0x0], $0xffff  }
0x491: {  	v31 =	vadd.s32 $0x11, v6;
	_ =	sdelay $0x2  }
0x492: {  	[tilespmem:s24+$0xFFFFF800] =	vst v14  }
0x493: {  	v14 =	vld.idx.msk [tilespmem:v30+s8+$0x0], $0xffff;
	[tilespmem:s25+$0xFFFFF800] =	vst v16  }
0x494: {  	v32 =	vadd.s32 $0x12, v5;
	v16 =	vld.idx.msk [tilespmem:v31+s8+$0x0], $0xffff  }
0x495: {  	v33 =	vadd.s32 $0x12, v6;
	_ =	sdelay $0x2  }
0x496: {  	[tilespmem:s24+$0xFFFFF880] =	vst v14  }
0x497: {  	v14 =	vld.idx.msk [tilespmem:v32+s8+$0x0], $0xffff;
	[tilespmem:s25+$0xFFFFF880] =	vst v16  }
0x498: {  	v34 =	vadd.s32 $0x13, v5;
	v16 =	vld.idx.msk [tilespmem:v33+s8+$0x0], $0xffff  }
0x499: {  	v35 =	vadd.s32 $0x13, v6;
	_ =	sdelay $0x2  }
0x49a: {  	[tilespmem:s24+$0xFFFFF900] =	vst v14  }
0x49b: {  	v14 =	vld.idx.msk [tilespmem:v34+s8+$0x0], $0xffff;
	[tilespmem:s25+$0xFFFFF900] =	vst v16  }
0x49c: {  	v36 =	vadd.s32 $0x14, v5;
	v16 =	vld.idx.msk [tilespmem:v35+s8+$0x0], $0xffff  }
0x49d: {  	v37 =	vadd.s32 $0x14, v6;
	_ =	sdelay $0x1  }
0x49e: {  	[tilespmem:s23+$0xFFFFF980] =	vst v12  }
0x49f: {  	v12 =	vld.idx.msk [tilespmem:v13+s8+$0x0], $0xffff;
	[tilespmem:s24+$0xFFFFF980] =	vst v14  }
0x4a0: {  	v38 =	vadd.s32 $0x15, v4;
	v14 =	vld.idx.msk [tilespmem:v36+s8+$0x0], $0xffff;
	[tilespmem:s25+$0xFFFFF980] =	vst v16  }
0x4a1: {  	v39 =	vadd.s32 $0x15, v5;
	v16 =	vld.idx.msk [tilespmem:v37+s8+$0x0], $0xffff  }
0x4a2: {  	v40 =	vadd.s32 $0x15, v6;
	_ =	sdelay $0x1  }
0x4a3: {  	[tilespmem:s23+$0xFFFFFA00] =	vst v12  }
0x4a4: {  	v12 =	vld.idx.msk [tilespmem:v38+s8+$0x0], $0xffff;
	[tilespmem:s24+$0xFFFFFA00] =	vst v14  }
0x4a5: {  	v41 =	vadd.s32 $0x16, v4;
	v14 =	vld.idx.msk [tilespmem:v39+s8+$0x0], $0xffff;
	[tilespmem:s25+$0xFFFFFA00] =	vst v16  }
0x4a6: {  	v42 =	vadd.s32 $0x16, v5;
	v16 =	vld.idx.msk [tilespmem:v40+s8+$0x0], $0xffff  }
0x4a7: {  	v43 =	vadd.s32 $0x16, v6;
	_ =	sdelay $0x1  }
0x4a8: {  	[tilespmem:s23+$0xFFFFFA80] =	vst v12  }
0x4a9: {  	v12 =	vld.idx.msk [tilespmem:v41+s8+$0x0], $0xffff;
	[tilespmem:s24+$0xFFFFFA80] =	vst v14  }
0x4aa: {  	v44 =	vadd.s32 $0x17, v4;
	v14 =	vld.idx.msk [tilespmem:v42+s8+$0x0], $0xffff;
	[tilespmem:s25+$0xFFFFFA80] =	vst v16  }
0x4ab: {  	v45 =	vadd.s32 $0x17, v5;
	v16 =	vld.idx.msk [tilespmem:v43+s8+$0x0], $0xffff  }
0x4ac: {  	v46 =	vadd.s32 $0x17, v6;
	_ =	sdelay $0x1  }
0x4ad: {  	[tilespmem:s23+$0xFFFFFB00] =	vst v12  }
0x4ae: {  	v12 =	vld.idx.msk [tilespmem:v44+s8+$0x0], $0xffff;
	[tilespmem:s24+$0xFFFFFB00] =	vst v14  }
0x4af: {  	v47 =	vadd.s32 $0x18, v4;
	v14 =	vld.idx.msk [tilespmem:v45+s8+$0x0], $0xffff;
	[tilespmem:s25+$0xFFFFFB00] =	vst v16  }
0x4b0: {  	v48 =	vadd.s32 $0x18, v5;
	v16 =	vld.idx.msk [tilespmem:v46+s8+$0x0], $0xffff  }
0x4b1: {  	v49 =	vadd.s32 $0x18, v6;
	_ =	sdelay $0x1  }
0x4b2: {  	[tilespmem:s23+$0xFFFFFB80] =	vst v12  }
0x4b3: {  	v12 =	vld.idx.msk [tilespmem:v47+s8+$0x0], $0xffff;
	[tilespmem:s24+$0xFFFFFB80] =	vst v14  }
0x4b4: {  	v50 =	vadd.s32 $0x19, v4;
	v14 =	vld.idx.msk [tilespmem:v48+s8+$0x0], $0xffff;
	[tilespmem:s25+$0xFFFFFB80] =	vst v16  }
0x4b5: {  	v51 =	vadd.s32 $0x19, v5;
	v16 =	vld.idx.msk [tilespmem:v49+s8+$0x0], $0xffff  }
0x4b6: {  	v52 =	vadd.s32 $0x19, v6;
	_ =	sdelay $0x1  }
0x4b7: {  	[tilespmem:s23+$0xFFFFFC00] =	vst v12  }
0x4b8: {  	v12 =	vld.idx.msk [tilespmem:v50+s8+$0x0], $0xffff;
	[tilespmem:s24+$0xFFFFFC00] =	vst v14  }
0x4b9: {  	v53 =	vadd.s32 $0x1A, v4;
	v14 =	vld.idx.msk [tilespmem:v51+s8+$0x0], $0xffff;
	[tilespmem:s25+$0xFFFFFC00] =	vst v16  }
0x4ba: {  	v54 =	vadd.s32 $0x1A, v5;
	v16 =	vld.idx.msk [tilespmem:v52+s8+$0x0], $0xffff  }
0x4bb: {  	v55 =	vadd.s32 $0x1A, v6;
	_ =	sdelay $0x1  }
0x4bc: {  	[tilespmem:s23+$0xFFFFFC80] =	vst v12  }
0x4bd: {  	v12 =	vld.idx.msk [tilespmem:v53+s8+$0x0], $0xffff;
	[tilespmem:s24+$0xFFFFFC80] =	vst v14  }
0x4be: {  	v56 =	vadd.s32 $0x1B, v4;
	v14 =	vld.idx.msk [tilespmem:v54+s8+$0x0], $0xffff;
	[tilespmem:s25+$0xFFFFFC80] =	vst v16  }
0x4bf: {  	v57 =	vadd.s32 $0x1B, v5;
	v16 =	vld.idx.msk [tilespmem:v55+s8+$0x0], $0xffff  }
0x4c0: {  	v58 =	vadd.s32 $0x1B, v6;
	_ =	sdelay $0x1  }
0x4c1: {  	[tilespmem:s23+$0xFFFFFD00] =	vst v12  }
0x4c2: {  	v12 =	vld.idx.msk [tilespmem:v56+s8+$0x0], $0xffff;
	[tilespmem:s24+$0xFFFFFD00] =	vst v14  }
0x4c3: {  	v59 =	vadd.s32 $0x1C, v4;
	v14 =	vld.idx.msk [tilespmem:v57+s8+$0x0], $0xffff;
	[tilespmem:s25+$0xFFFFFD00] =	vst v16  }
0x4c4: {  	v60 =	vadd.s32 $0x1C, v5;
	v16 =	vld.idx.msk [tilespmem:v58+s8+$0x0], $0xffff  }
0x4c5: {  	v61 =	vadd.s32 $0x1C, v6;
	_ =	sdelay $0x1  }
0x4c6: {  	[tilespmem:s23+$0xFFFFFD80] =	vst v12  }
0x4c7: {  	v12 =	vld.idx.msk [tilespmem:v59+s8+$0x0], $0xffff;
	[tilespmem:s24+$0xFFFFFD80] =	vst v14  }
0x4c8: {  	v62 =	vadd.s32 $0x1D, v4;
	v14 =	vld.idx.msk [tilespmem:v60+s8+$0x0], $0xffff;
	[tilespmem:s25+$0xFFFFFD80] =	vst v16  }
0x4c9: {  	v63 =	vadd.s32 $0x1D, v5;
	v16 =	vld.idx.msk [tilespmem:v61+s8+$0x0], $0xffff  }
0x4ca: {  	v20 =	vadd.s32 $0x1D, v6;
	_ =	sdelay $0x1  }
0x4cb: {  	[tilespmem:s23+$0xFFFFFE00] =	vst v12  }
0x4cc: {  	v12 =	vld.idx.msk [tilespmem:v62+s8+$0x0], $0xffff;
	[tilespmem:s24+$0xFFFFFE00] =	vst v14  }
0x4cd: {  	v21 =	vadd.s32 $0x1E, v4;
	v14 =	vld.idx.msk [tilespmem:v63+s8+$0x0], $0xffff;
	[tilespmem:s25+$0xFFFFFE00] =	vst v16  }
0x4ce: {  	v22 =	vadd.s32 $0x1E, v5;
	v16 =	vld.idx.msk [tilespmem:v20+s8+$0x0], $0xffff  }
0x4cf: {  	v23 =	vadd.s32 $0x1E, v6;
	_ =	sdelay $0x1  }
0x4d0: {  	[tilespmem:s23+$0xFFFFFE80] =	vst v12  }
0x4d1: {  	v12 =	vld.idx.msk [tilespmem:v21+s8+$0x0], $0xffff;
	[tilespmem:s24+$0xFFFFFE80] =	vst v14  }
0x4d2: {  	v24 =	vadd.s32 $0x1F, v4;
	v14 =	vld.idx.msk [tilespmem:v22+s8+$0x0], $0xffff;
	[tilespmem:s25+$0xFFFFFE80] =	vst v16  }
0x4d3: {  	v25 =	vadd.s32 $0x1F, v5;
	v16 =	vld.idx.msk [tilespmem:v23+s8+$0x0], $0xffff  }
0x4d4: {  	v26 =	vadd.s32 $0x1F, v6  }
0x4d5: {  	[tilespmem:s22+$0xFFFFFF00] =	vst v10  }
0x4d6: {  	v10 =	vld.idx.msk [tilespmem:v11+s8+$0x0], $0xffff;
	[tilespmem:s23+$0xFFFFFF00] =	vst v12  }
0x4d7: {  	v12 =	vld.idx.msk [tilespmem:v24+s8+$0x0], $0xffff;
	v27 =	vadd.s32 $0x20, v3;
	[tilespmem:s24+$0xFFFFFF00] =	vst v14  }
0x4d8: {  	v28 =	vadd.s32 $0x20, v4;
	v14 =	vld.idx.msk [tilespmem:v25+s8+$0x0], $0xffff;
	[tilespmem:s25+$0xFFFFFF00] =	vst v16  }
0x4d9: {  	v29 =	vadd.s32 $0x20, v5;
	v16 =	vld.idx.msk [tilespmem:v26+s8+$0x0], $0xffff  }
0x4da: {  	v30 =	vadd.s32 $0x20, v6  }
0x4db: {  	[tilespmem:s22+$0xFFFFFF80] =	vst v10  }
0x4dc: {  	[tilespmem:s23+$0xFFFFFF80] =	vst v12;
	v10 =	vld.idx.msk [tilespmem:v27+s8+$0x0], $0xffff  }
0x4dd: {  	v12 =	vld.idx.msk [tilespmem:v28+s8+$0x0], $0xffff;
	v31 =	vadd.s32 $0x21, v3;
	[tilespmem:s24+$0xFFFFFF80] =	vst v14  }
0x4de: {  	v32 =	vadd.s32 $0x21, v4;
	v14 =	vld.idx.msk [tilespmem:v29+s8+$0x0], $0xffff;
	[tilespmem:s25+$0xFFFFFF80] =	vst v16  }
0x4df: {  	v33 =	vadd.s32 $0x21, v5;
	v16 =	vld.idx.msk [tilespmem:v30+s8+$0x0], $0xffff  }
0x4e0: {  	v34 =	vadd.s32 $0x21, v6  }
0x4e1: {  	[tilespmem:s22+$0x0] =	vst v10  }
0x4e2: {  	[tilespmem:s23+$0x0] =	vst v12;
	v10 =	vld.idx.msk [tilespmem:v31+s8+$0x0], $0xffff  }
0x4e3: {  	v12 =	vld.idx.msk [tilespmem:v32+s8+$0x0], $0xffff;
	v35 =	vadd.s32 $0x22, v3;
	[tilespmem:s24+$0x0] =	vst v14  }
0x4e4: {  	v36 =	vadd.s32 $0x22, v4;
	v14 =	vld.idx.msk [tilespmem:v33+s8+$0x0], $0xffff;
	[tilespmem:s25+$0x0] =	vst v16  }
0x4e5: {  	v37 =	vadd.s32 $0x22, v5;
	v16 =	vld.idx.msk [tilespmem:v34+s8+$0x0], $0xffff  }
0x4e6: {  	v38 =	vadd.s32 $0x22, v6  }
0x4e7: {  	[tilespmem:s22+$0x80] =	vst v10  }
0x4e8: {  	[tilespmem:s23+$0x80] =	vst v12;
	v10 =	vld.idx.msk [tilespmem:v35+s8+$0x0], $0xffff  }
0x4e9: {  	v39 =	vadd.s32 $0x23, v3;
	v12 =	vld.idx.msk [tilespmem:v36+s8+$0x0], $0xffff;
	[tilespmem:s24+$0x80] =	vst v14  }
0x4ea: {  	v40 =	vadd.s32 $0x23, v4;
	v14 =	vld.idx.msk [tilespmem:v37+s8+$0x0], $0xffff;
	[tilespmem:s25+$0x80] =	vst v16  }
0x4eb: {  	v41 =	vadd.s32 $0x23, v5;
	v16 =	vld.idx.msk [tilespmem:v38+s8+$0x0], $0xffff  }
0x4ec: {  	v42 =	vadd.s32 $0x23, v6  }
0x4ed: {  	[tilespmem:s22+$0x100] =	vst v10  }
0x4ee: {  	[tilespmem:s23+$0x100] =	vst v12;
	v10 =	vld.idx.msk [tilespmem:v39+s8+$0x0], $0xffff  }
0x4ef: {  	v12 =	vld.idx.msk [tilespmem:v40+s8+$0x0], $0xffff;
	v43 =	vadd.s32 $0x24, v3;
	[tilespmem:s24+$0x100] =	vst v14  }
0x4f0: {  	v44 =	vadd.s32 $0x24, v4;
	v14 =	vld.idx.msk [tilespmem:v41+s8+$0x0], $0xffff;
	[tilespmem:s25+$0x100] =	vst v16  }
0x4f1: {  	v45 =	vadd.s32 $0x24, v5;
	v16 =	vld.idx.msk [tilespmem:v42+s8+$0x0], $0xffff  }
0x4f2: {  	v46 =	vadd.s32 $0x24, v6  }
0x4f3: {  	[tilespmem:s22+$0x180] =	vst v10  }
0x4f4: {  	[tilespmem:s23+$0x180] =	vst v12;
	v10 =	vld.idx.msk [tilespmem:v43+s8+$0x0], $0xffff  }
0x4f5: {  	v47 =	vadd.s32 $0x25, v3;
	v12 =	vld.idx.msk [tilespmem:v44+s8+$0x0], $0xffff;
	[tilespmem:s24+$0x180] =	vst v14  }
0x4f6: {  	v48 =	vadd.s32 $0x25, v4;
	v14 =	vld.idx.msk [tilespmem:v45+s8+$0x0], $0xffff;
	[tilespmem:s25+$0x180] =	vst v16  }
0x4f7: {  	v49 =	vadd.s32 $0x25, v5;
	v16 =	vld.idx.msk [tilespmem:v46+s8+$0x0], $0xffff  }
0x4f8: {  	v50 =	vadd.s32 $0x25, v6  }
0x4f9: {  	[tilespmem:s22+$0x200] =	vst v10  }
0x4fa: {  	[tilespmem:s23+$0x200] =	vst v12;
	v10 =	vld.idx.msk [tilespmem:v47+s8+$0x0], $0xffff  }
0x4fb: {  	v51 =	vadd.s32 $0x26, v3;
	v12 =	vld.idx.msk [tilespmem:v48+s8+$0x0], $0xffff;
	[tilespmem:s24+$0x200] =	vst v14  }
0x4fc: {  	v52 =	vadd.s32 $0x26, v4;
	v14 =	vld.idx.msk [tilespmem:v49+s8+$0x0], $0xffff;
	[tilespmem:s25+$0x200] =	vst v16  }
0x4fd: {  	v53 =	vadd.s32 $0x26, v5;
	v16 =	vld.idx.msk [tilespmem:v50+s8+$0x0], $0xffff  }
0x4fe: {  	v54 =	vadd.s32 $0x26, v6  }
0x4ff: {  	[tilespmem:s22+$0x280] =	vst v10  }
0x500: {  	[tilespmem:s23+$0x280] =	vst v12;
	v10 =	vld.idx.msk [tilespmem:v51+s8+$0x0], $0xffff  }
0x501: {  	v12 =	vld.idx.msk [tilespmem:v52+s8+$0x0], $0xffff;
	v55 =	vadd.s32 $0x27, v3;
	[tilespmem:s24+$0x280] =	vst v14  }
0x502: {  	v56 =	vadd.s32 $0x27, v4;
	v14 =	vld.idx.msk [tilespmem:v53+s8+$0x0], $0xffff;
	[tilespmem:s25+$0x280] =	vst v16  }
0x503: {  	v57 =	vadd.s32 $0x27, v5;
	v16 =	vld.idx.msk [tilespmem:v54+s8+$0x0], $0xffff  }
0x504: {  	v58 =	vadd.s32 $0x27, v6  }
0x505: {  	[tilespmem:s22+$0x300] =	vst v10  }
0x506: {  	[tilespmem:s23+$0x300] =	vst v12;
	v10 =	vld.idx.msk [tilespmem:v55+s8+$0x0], $0xffff  }
0x507: {  	v59 =	vadd.s32 $0x28, v3;
	v12 =	vld.idx.msk [tilespmem:v56+s8+$0x0], $0xffff;
	[tilespmem:s24+$0x300] =	vst v14  }
0x508: {  	v60 =	vadd.s32 $0x28, v4;
	v14 =	vld.idx.msk [tilespmem:v57+s8+$0x0], $0xffff;
	[tilespmem:s25+$0x300] =	vst v16  }
0x509: {  	v61 =	vadd.s32 $0x28, v5;
	v16 =	vld.idx.msk [tilespmem:v58+s8+$0x0], $0xffff  }
0x50a: {  	v62 =	vadd.s32 $0x28, v6  }
0x50b: {  	[tilespmem:s22+$0x380] =	vst v10  }
0x50c: {  	[tilespmem:s23+$0x380] =	vst v12;
	v10 =	vld.idx.msk [tilespmem:v59+s8+$0x0], $0xffff  }
0x50d: {  	v63 =	vadd.s32 $0x29, v3;
	v12 =	vld.idx.msk [tilespmem:v60+s8+$0x0], $0xffff;
	[tilespmem:s24+$0x380] =	vst v14  }
0x50e: {  	v14 =	vld.idx.msk [tilespmem:v61+s8+$0x0], $0xffff;
	v20 =	vadd.s32 $0x29, v4;
	[tilespmem:s25+$0x380] =	vst v16  }
0x50f: {  	v21 =	vadd.s32 $0x29, v5;
	v16 =	vld.idx.msk [tilespmem:v62+s8+$0x0], $0xffff  }
0x510: {  	v22 =	vadd.s32 $0x29, v6  }
0x511: {  	[tilespmem:s22+$0x400] =	vst v10  }
0x512: {  	[tilespmem:s23+$0x400] =	vst v12;
	v10 =	vld.idx.msk [tilespmem:v63+s8+$0x0], $0xffff  }
0x513: {  	[tilespmem:s24+$0x400] =	vst v14;
	v12 =	vld.idx.msk [tilespmem:v20+s8+$0x0], $0xffff;
	v23 =	vadd.s32 $0x2A, v3  }
0x514: {  	v24 =	vadd.s32 $0x2A, v4;
	v14 =	vld.idx.msk [tilespmem:v21+s8+$0x0], $0xffff;
	[tilespmem:s25+$0x400] =	vst v16  }
0x515: {  	v25 =	vadd.s32 $0x2A, v5;
	v16 =	vld.idx.msk [tilespmem:v22+s8+$0x0], $0xffff  }
0x516: {  	v26 =	vadd.s32 $0x2A, v6  }
0x517: {  	[tilespmem:s22+$0x480] =	vst v10  }
0x518: {  	v27 =	vadd.s32 $0x2B, v2;
	[tilespmem:s23+$0x480] =	vst v12;
	v11 =	vld.idx.msk [tilespmem:v23+s8+$0x0], $0xffff  }
0x519: {  	v28 =	vadd.s32 $0x2B, v3;
	[tilespmem:s24+$0x480] =	vst v14;
	v13 =	vld.idx.msk [tilespmem:v24+s8+$0x0], $0xffff  }
0x51a: {  	v29 =	vadd.s32 $0x2B, v4;
	v15 =	vld.idx.msk [tilespmem:v25+s8+$0x0], $0xffff;
	[tilespmem:s25+$0x480] =	vst v16  }
0x51b: {  	v30 =	vadd.s32 $0x2B, v5;
	v17 =	vld.idx.msk [tilespmem:v26+s8+$0x0], $0xffff  }
0x51c: {  	[tilespmem:s21+$0x500] =	vst v9;
	v31 =	vadd.s32 $0x2B, v6  }
0x51d: {  	v10 =	vld.idx.msk [tilespmem:v27+s8+$0x0], $0xffff;
	[tilespmem:s22+$0x500] =	vst v11  }
0x51e: {  	v32 =	vadd.s32 $0x2C, v2;
	[tilespmem:s23+$0x500] =	vst v13;
	v12 =	vld.idx.msk [tilespmem:v28+s8+$0x0], $0xffff  }
0x51f: {  	v33 =	vadd.s32 $0x2C, v3;
	[tilespmem:s24+$0x500] =	vst v15;
	v14 =	vld.idx.msk [tilespmem:v29+s8+$0x0], $0xffff  }
0x520: {  	v34 =	vadd.s32 $0x2C, v4;
	v16 =	vld.idx.msk [tilespmem:v30+s8+$0x0], $0xffff;
	[tilespmem:s25+$0x500] =	vst v17  }
0x521: {  	v35 =	vadd.s32 $0x2C, v5;
	v9 =	vld.idx.msk [tilespmem:v31+s8+$0x0], $0xffff  }
0x522: {  	v36 =	vadd.s32 $0x2C, v6;
	[tilespmem:s21+$0x580] =	vst v10  }
0x523: {  	v11 =	vld.idx.msk [tilespmem:v32+s8+$0x0], $0xffff;
	[tilespmem:s22+$0x580] =	vst v12  }
0x524: {  	v37 =	vadd.s32 $0x2D, v2;
	[tilespmem:s23+$0x580] =	vst v14;
	v13 =	vld.idx.msk [tilespmem:v33+s8+$0x0], $0xffff  }
0x525: {  	v15 =	vld.idx.msk [tilespmem:v34+s8+$0x0], $0xffff;
	v38 =	vadd.s32 $0x2D, v3;
	[tilespmem:s24+$0x580] =	vst v16  }
0x526: {  	v39 =	vadd.s32 $0x2D, v4;
	v17 =	vld.idx.msk [tilespmem:v35+s8+$0x0], $0xffff;
	[tilespmem:s25+$0x580] =	vst v9  }
0x527: {  	v40 =	vadd.s32 $0x2D, v5;
	v10 =	vld.idx.msk [tilespmem:v36+s8+$0x0], $0xffff  }
0x528: {  	v41 =	vadd.s32 $0x2D, v6;
	[tilespmem:s21+$0x600] =	vst v11  }
0x529: {  	v12 =	vld.idx.msk [tilespmem:v37+s8+$0x0], $0xffff;
	[tilespmem:s22+$0x600] =	vst v13  }
0x52a: {  	[tilespmem:s23+$0x600] =	vst v15;
	v14 =	vld.idx.msk [tilespmem:v38+s8+$0x0], $0xffff;
	v42 =	vadd.s32 $0x2E, v2  }
0x52b: {  	v43 =	vadd.s32 $0x2E, v3;
	v16 =	vld.idx.msk [tilespmem:v39+s8+$0x0], $0xffff;
	[tilespmem:s24+$0x600] =	vst v17  }
0x52c: {  	v44 =	vadd.s32 $0x2E, v4;
	v9 =	vld.idx.msk [tilespmem:v40+s8+$0x0], $0xffff;
	[tilespmem:s25+$0x600] =	vst v10  }
0x52d: {  	v45 =	vadd.s32 $0x2E, v5;
	v11 =	vld.idx.msk [tilespmem:v41+s8+$0x0], $0xffff  }
0x52e: {  	[tilespmem:s21+$0x680] =	vst v12;
	v46 =	vadd.s32 $0x2E, v6  }
0x52f: {  	[tilespmem:s22+$0x680] =	vst v14;
	v13 =	vld.idx.msk [tilespmem:v42+s8+$0x0], $0xffff  }
0x530: {  	v47 =	vadd.s32 $0x2F, v2;
	v15 =	vld.idx.msk [tilespmem:v43+s8+$0x0], $0xffff;
	[tilespmem:s23+$0x680] =	vst v16  }
0x531: {  	v48 =	vadd.s32 $0x2F, v3;
	v17 =	vld.idx.msk [tilespmem:v44+s8+$0x0], $0xffff;
	[tilespmem:s24+$0x680] =	vst v9  }
0x532: {  	v49 =	vadd.s32 $0x2F, v4;
	v10 =	vld.idx.msk [tilespmem:v45+s8+$0x0], $0xffff;
	[tilespmem:s25+$0x680] =	vst v11  }
0x533: {  	v50 =	vadd.s32 $0x2F, v5;
	v12 =	vld.idx.msk [tilespmem:v46+s8+$0x0], $0xffff  }
0x534: {  	v51 =	vadd.s32 $0x2F, v6;
	[tilespmem:s21+$0x700] =	vst v13  }
0x535: {  	[tilespmem:s22+$0x700] =	vst v15;
	v14 =	vld.idx.msk [tilespmem:v47+s8+$0x0], $0xffff  }
0x536: {  	v52 =	vadd.s32 $0x30, v2;
	v16 =	vld.idx.msk [tilespmem:v48+s8+$0x0], $0xffff;
	[tilespmem:s23+$0x700] =	vst v17  }
0x537: {  	v53 =	vadd.s32 $0x30, v3;
	v9 =	vld.idx.msk [tilespmem:v49+s8+$0x0], $0xffff;
	[tilespmem:s24+$0x700] =	vst v10  }
0x538: {  	v54 =	vadd.s32 $0x30, v4;
	v11 =	vld.idx.msk [tilespmem:v50+s8+$0x0], $0xffff;
	[tilespmem:s25+$0x700] =	vst v12  }
0x539: {  	v55 =	vadd.s32 $0x30, v5;
	v13 =	vld.idx.msk [tilespmem:v51+s8+$0x0], $0xffff  }
0x53a: {  	v56 =	vadd.s32 $0x30, v6;
	[tilespmem:s21+$0x780] =	vst v14  }
0x53b: {  	v15 =	vld.idx.msk [tilespmem:v52+s8+$0x0], $0xffff;
	[tilespmem:s22+$0x780] =	vst v16  }
0x53c: {  	v57 =	vadd.s32 $0x31, v2;
	v17 =	vld.idx.msk [tilespmem:v53+s8+$0x0], $0xffff;
	[tilespmem:s23+$0x780] =	vst v9  }
0x53d: {  	v58 =	vadd.s32 $0x31, v3;
	v10 =	vld.idx.msk [tilespmem:v54+s8+$0x0], $0xffff;
	[tilespmem:s24+$0x780] =	vst v11  }
0x53e: {  	v59 =	vadd.s32 $0x31, v4;
	v12 =	vld.idx.msk [tilespmem:v55+s8+$0x0], $0xffff;
	[tilespmem:s25+$0x780] =	vst v13  }
0x53f: {  	v60 =	vadd.s32 $0x31, v5;
	v14 =	vld.idx.msk [tilespmem:v56+s8+$0x0], $0xffff  }
0x540: {  	v61 =	vadd.s32 $0x31, v6;
	[tilespmem:s21+$0x800] =	vst v15  }
0x541: {  	v16 =	vld.idx.msk [tilespmem:v57+s8+$0x0], $0xffff;
	[tilespmem:s22+$0x800] =	vst v17  }
0x542: {  	v62 =	vadd.s32 $0x32, v2;
	v9 =	vld.idx.msk [tilespmem:v58+s8+$0x0], $0xffff;
	[tilespmem:s23+$0x800] =	vst v10  }
0x543: {  	v63 =	vadd.s32 $0x32, v3;
	v11 =	vld.idx.msk [tilespmem:v59+s8+$0x0], $0xffff;
	[tilespmem:s24+$0x800] =	vst v12  }
0x544: {  	v20 =	vadd.s32 $0x32, v4;
	v13 =	vld.idx.msk [tilespmem:v60+s8+$0x0], $0xffff;
	[tilespmem:s25+$0x800] =	vst v14  }
0x545: {  	v21 =	vadd.s32 $0x32, v5;
	v15 =	vld.idx.msk [tilespmem:v61+s8+$0x0], $0xffff  }
0x546: {  	v22 =	vadd.s32 $0x32, v6;
	[tilespmem:s21+$0x880] =	vst v16  }
0x547: {  	v17 =	vld.idx.msk [tilespmem:v62+s8+$0x0], $0xffff;
	[tilespmem:s22+$0x880] =	vst v9  }
0x548: {  	v23 =	vadd.s32 $0x33, v2;
	v10 =	vld.idx.msk [tilespmem:v63+s8+$0x0], $0xffff;
	[tilespmem:s23+$0x880] =	vst v11  }
0x549: {  	v24 =	vadd.s32 $0x33, v3;
	v12 =	vld.idx.msk [tilespmem:v20+s8+$0x0], $0xffff;
	[tilespmem:s24+$0x880] =	vst v13  }
0x54a: {  	v25 =	vadd.s32 $0x33, v4;
	v14 =	vld.idx.msk [tilespmem:v21+s8+$0x0], $0xffff;
	[tilespmem:s25+$0x880] =	vst v15  }
0x54b: {  	v26 =	vadd.s32 $0x33, v5;
	v16 =	vld.idx.msk [tilespmem:v22+s8+$0x0], $0xffff  }
0x54c: {  	v27 =	vadd.s32 $0x33, v6;
	[tilespmem:s21+$0x900] =	vst v17  }
0x54d: {  	v9 =	vld.idx.msk [tilespmem:v23+s8+$0x0], $0xffff;
	[tilespmem:s22+$0x900] =	vst v10  }
0x54e: {  	v28 =	vadd.s32 $0x34, v2;
	v11 =	vld.idx.msk [tilespmem:v24+s8+$0x0], $0xffff;
	[tilespmem:s23+$0x900] =	vst v12  }
0x54f: {  	v29 =	vadd.s32 $0x34, v3;
	v13 =	vld.idx.msk [tilespmem:v25+s8+$0x0], $0xffff;
	[tilespmem:s24+$0x900] =	vst v14  }
0x550: {  	v30 =	vadd.s32 $0x34, v4;
	v15 =	vld.idx.msk [tilespmem:v26+s8+$0x0], $0xffff;
	[tilespmem:s25+$0x900] =	vst v16  }
0x551: {  	v31 =	vadd.s32 $0x34, v5;
	v17 =	vld.idx.msk [tilespmem:v27+s8+$0x0], $0xffff  }
0x552: {  	v32 =	vadd.s32 $0x34, v6;
	[tilespmem:s21+$0x980] =	vst v9  }
0x553: {  	v10 =	vld.idx.msk [tilespmem:v28+s8+$0x0], $0xffff;
	[tilespmem:s22+$0x980] =	vst v11  }
0x554: {  	v33 =	vadd.s32 $0x35, v2;
	v12 =	vld.idx.msk [tilespmem:v29+s8+$0x0], $0xffff;
	[tilespmem:s23+$0x980] =	vst v13  }
0x555: {  	v34 =	vadd.s32 $0x35, v3;
	v14 =	vld.idx.msk [tilespmem:v30+s8+$0x0], $0xffff;
	[tilespmem:s24+$0x980] =	vst v15  }
0x556: {  	v35 =	vadd.s32 $0x35, v4;
	v16 =	vld.idx.msk [tilespmem:v31+s8+$0x0], $0xffff;
	[tilespmem:s25+$0x980] =	vst v17  }
0x557: {  	v36 =	vadd.s32 $0x35, v5;
	v9 =	vld.idx.msk [tilespmem:v32+s8+$0x0], $0xffff  }
0x558: {  	v37 =	vadd.s32 $0x35, v6;
	[tilespmem:s21+$0xA00] =	vst v10  }
0x559: {  	v11 =	vld.idx.msk [tilespmem:v33+s8+$0x0], $0xffff;
	[tilespmem:s22+$0xA00] =	vst v12  }
0x55a: {  	v38 =	vadd.s32 $0x36, v2;
	v13 =	vld.idx.msk [tilespmem:v34+s8+$0x0], $0xffff;
	[tilespmem:s23+$0xA00] =	vst v14  }
0x55b: {  	v39 =	vadd.s32 $0x36, v3;
	v15 =	vld.idx.msk [tilespmem:v35+s8+$0x0], $0xffff;
	[tilespmem:s24+$0xA00] =	vst v16  }
0x55c: {  	v40 =	vadd.s32 $0x36, v4;
	v17 =	vld.idx.msk [tilespmem:v36+s8+$0x0], $0xffff;
	[tilespmem:s25+$0xA00] =	vst v9  }
0x55d: {  	[tilespmem:s20+$0xA80] =	vst v7;
	v41 =	vadd.s32 $0x36, v5;
	v9 =	vld.idx.msk [tilespmem:v37+s8+$0x0], $0xffff  }
0x55e: {  	v8 =	vld.idx.msk [tilespmem:v8+s8+$0x0], $0xffff;
	v42 =	vadd.s32 $0x36, v6;
	[tilespmem:s21+$0xA80] =	vst v11  }
0x55f: {  	v43 =	vadd.s32 $0x37, v1;
	v12 =	vld.idx.msk [tilespmem:v38+s8+$0x0], $0xffff;
	[tilespmem:s22+$0xA80] =	vst v13  }
0x560: {  	v44 =	vadd.s32 $0x37, v2;
	v14 =	vld.idx.msk [tilespmem:v39+s8+$0x0], $0xffff;
	[tilespmem:s23+$0xA80] =	vst v15  }
0x561: {  	v45 =	vadd.s32 $0x37, v3;
	v16 =	vld.idx.msk [tilespmem:v40+s8+$0x0], $0xffff;
	[tilespmem:s24+$0xA80] =	vst v17  }
0x562: {  	v46 =	vadd.s32 $0x37, v4;
	v7 =	vld.idx.msk [tilespmem:v41+s8+$0x0], $0xffff;
	[tilespmem:s25+$0xA80] =	vst v9  }
0x563: {  	[tilespmem:s20+$0xB00] =	vst v8;
	v47 =	vadd.s32 $0x37, v5;
	v9 =	vld.idx.msk [tilespmem:v42+s8+$0x0], $0xffff  }
0x564: {  	v48 =	vld.idx.msk [tilespmem:v43+s8+$0x0], $0xffff;
	v49 =	vadd.s32 $0x37, v6;
	[tilespmem:s21+$0xB00] =	vst v12  }
0x565: {  	v50 =	vadd.s32 $0x38, v1;
	v13 =	vld.idx.msk [tilespmem:v44+s8+$0x0], $0xffff;
	[tilespmem:s22+$0xB00] =	vst v14  }
0x566: {  	v51 =	vadd.s32 $0x38, v2;
	v15 =	vld.idx.msk [tilespmem:v45+s8+$0x0], $0xffff;
	[tilespmem:s23+$0xB00] =	vst v16  }
0x567: {  	v52 =	vadd.s32 $0x38, v3;
	v17 =	vld.idx.msk [tilespmem:v46+s8+$0x0], $0xffff;
	[tilespmem:s24+$0xB00] =	vst v7  }
0x568: {  	v53 =	vadd.s32 $0x38, v4;
	v8 =	vld.idx.msk [tilespmem:v47+s8+$0x0], $0xffff;
	[tilespmem:s25+$0xB00] =	vst v9  }
0x569: {  	[tilespmem:s20+$0xB80] =	vst v48;
	v54 =	vadd.s32 $0x38, v5;
	v55 =	vld.idx.msk [tilespmem:v49+s8+$0x0], $0xffff  }
0x56a: {  	v57 =	vadd.s32 $0x38, v6;
	v56 =	vld.idx.msk [tilespmem:v50+s8+$0x0], $0xffff;
	[tilespmem:s21+$0xB80] =	vst v13  }
0x56b: {  	v58 =	vadd.s32 $0x39, v1;
	v14 =	vld.idx.msk [tilespmem:v51+s8+$0x0], $0xffff;
	[tilespmem:s22+$0xB80] =	vst v15  }
0x56c: {  	v59 =	vadd.s32 $0x39, v2;
	v16 =	vld.idx.msk [tilespmem:v52+s8+$0x0], $0xffff;
	[tilespmem:s23+$0xB80] =	vst v17  }
0x56d: {  	v60 =	vadd.s32 $0x39, v3;
	v7 =	vld.idx.msk [tilespmem:v53+s8+$0x0], $0xffff;
	[tilespmem:s24+$0xB80] =	vst v8  }
0x56e: {  	v61 =	vadd.s32 $0x39, v4;
	v9 =	vld.idx.msk [tilespmem:v54+s8+$0x0], $0xffff;
	[tilespmem:s25+$0xB80] =	vst v55  }
0x56f: {  	v62 =	vadd.s32 $0x39, v5;
	[tilespmem:s20+$0xC00] =	vst v56;
	v63 =	vld.idx.msk [tilespmem:v57+s8+$0x0], $0xffff  }
0x570: {  	v21 =	vadd.s32 $0x39, v6;
	v20 =	vld.idx.msk [tilespmem:v58+s8+$0x0], $0xffff;
	[tilespmem:s21+$0xC00] =	vst v14  }
0x571: {  	v22 =	vadd.s32 $0x3A, v1;
	v15 =	vld.idx.msk [tilespmem:v59+s8+$0x0], $0xffff;
	[tilespmem:s22+$0xC00] =	vst v16  }
0x572: {  	v23 =	vadd.s32 $0x3A, v2;
	v17 =	vld.idx.msk [tilespmem:v60+s8+$0x0], $0xffff;
	[tilespmem:s23+$0xC00] =	vst v7  }
0x573: {  	v24 =	vadd.s32 $0x3A, v3;
	v8 =	vld.idx.msk [tilespmem:v61+s8+$0x0], $0xffff;
	[tilespmem:s24+$0xC00] =	vst v9  }
0x574: {  	v25 =	vadd.s32 $0x3A, v4;
	v10 =	vld.idx.msk [tilespmem:v62+s8+$0x0], $0xffff;
	[tilespmem:s25+$0xC00] =	vst v63  }
0x575: {  	[tilespmem:s20+$0xC80] =	vst v20;
	v26 =	vadd.s32 $0x3A, v5;
	v27 =	vld.idx.msk [tilespmem:v21+s8+$0x0], $0xffff  }
0x576: {  	v29 =	vadd.s32 $0x3A, v6;
	v28 =	vld.idx.msk [tilespmem:v22+s8+$0x0], $0xffff;
	[tilespmem:s21+$0xC80] =	vst v15  }
0x577: {  	v30 =	vadd.s32 $0x3B, v1;
	v16 =	vld.idx.msk [tilespmem:v23+s8+$0x0], $0xffff;
	[tilespmem:s22+$0xC80] =	vst v17  }
0x578: {  	v31 =	vadd.s32 $0x3B, v2;
	v7 =	vld.idx.msk [tilespmem:v24+s8+$0x0], $0xffff;
	[tilespmem:s23+$0xC80] =	vst v8  }
0x579: {  	v32 =	vadd.s32 $0x3B, v3;
	v9 =	vld.idx.msk [tilespmem:v25+s8+$0x0], $0xffff;
	[tilespmem:s24+$0xC80] =	vst v10  }
0x57a: {  	v33 =	vadd.s32 $0x3B, v4;
	v11 =	vld.idx.msk [tilespmem:v26+s8+$0x0], $0xffff;
	[tilespmem:s25+$0xC80] =	vst v27  }
0x57b: {  	v34 =	vadd.s32 $0x3B, v5;
	[tilespmem:s20+$0xD00] =	vst v28;
	v35 =	vld.idx.msk [tilespmem:v29+s8+$0x0], $0xffff  }
0x57c: {  	v36 =	vld.idx.msk [tilespmem:v30+s8+$0x0], $0xffff;
	v37 =	vadd.s32 $0x3B, v6;
	[tilespmem:s21+$0xD00] =	vst v16  }
0x57d: {  	v38 =	vadd.s32 $0x3C, v1;
	v17 =	vld.idx.msk [tilespmem:v31+s8+$0x0], $0xffff;
	[tilespmem:s22+$0xD00] =	vst v7  }
0x57e: {  	v39 =	vadd.s32 $0x3C, v2;
	v8 =	vld.idx.msk [tilespmem:v32+s8+$0x0], $0xffff;
	[tilespmem:s23+$0xD00] =	vst v9  }
0x57f: {  	v40 =	vadd.s32 $0x3C, v3;
	v10 =	vld.idx.msk [tilespmem:v33+s8+$0x0], $0xffff;
	[tilespmem:s24+$0xD00] =	vst v11  }
0x580: {  	v41 =	vadd.s32 $0x3C, v4;
	v12 =	vld.idx.msk [tilespmem:v34+s8+$0x0], $0xffff;
	[tilespmem:s25+$0xD00] =	vst v35  }
0x581: {  	[tilespmem:s20+$0xD80] =	vst v36;
	v42 =	vadd.s32 $0x3C, v5;
	v43 =	vld.idx.msk [tilespmem:v37+s8+$0x0], $0xffff  }
0x582: {  	v45 =	vadd.s32 $0x3C, v6;
	v44 =	vld.idx.msk [tilespmem:v38+s8+$0x0], $0xffff;
	[tilespmem:s21+$0xD80] =	vst v17  }
0x583: {  	v46 =	vadd.s32 $0x3D, v1;
	v7 =	vld.idx.msk [tilespmem:v39+s8+$0x0], $0xffff;
	[tilespmem:s22+$0xD80] =	vst v8  }
0x584: {  	v47 =	vadd.s32 $0x3D, v2;
	v9 =	vld.idx.msk [tilespmem:v40+s8+$0x0], $0xffff;
	[tilespmem:s23+$0xD80] =	vst v10  }
0x585: {  	v48 =	vadd.s32 $0x3D, v3;
	v11 =	vld.idx.msk [tilespmem:v41+s8+$0x0], $0xffff;
	[tilespmem:s24+$0xD80] =	vst v12  }
0x586: {  	v49 =	vadd.s32 $0x3D, v4;
	v13 =	vld.idx.msk [tilespmem:v42+s8+$0x0], $0xffff;
	[tilespmem:s25+$0xD80] =	vst v43  }
0x587: {  	v50 =	vadd.s32 $0x3D, v5;
	[tilespmem:s20+$0xE00] =	vst v44;
	v51 =	vld.idx.msk [tilespmem:v45+s8+$0x0], $0xffff  }
0x588: {  	v53 =	vadd.s32 $0x3D, v6;
	v52 =	vld.idx.msk [tilespmem:v46+s8+$0x0], $0xffff;
	[tilespmem:s21+$0xE00] =	vst v7  }
0x589: {  	v54 =	vadd.s32 $0x3E, v1;
	v8 =	vld.idx.msk [tilespmem:v47+s8+$0x0], $0xffff;
	[tilespmem:s22+$0xE00] =	vst v9  }
0x58a: {  	v55 =	vadd.s32 $0x3E, v2;
	v10 =	vld.idx.msk [tilespmem:v48+s8+$0x0], $0xffff;
	[tilespmem:s23+$0xE00] =	vst v11  }
0x58b: {  	v56 =	vadd.s32 $0x3E, v3;
	v12 =	vld.idx.msk [tilespmem:v49+s8+$0x0], $0xffff;
	[tilespmem:s24+$0xE00] =	vst v13  }
0x58c: {  	v57 =	vadd.s32 $0x3E, v4;
	v14 =	vld.idx.msk [tilespmem:v50+s8+$0x0], $0xffff;
	[tilespmem:s25+$0xE00] =	vst v51  }
0x58d: {  	v58 =	vadd.s32 $0x3E, v5;
	[tilespmem:s20+$0xE80] =	vst v52;
	v7 =	vld.idx.msk [tilespmem:v53+s8+$0x0], $0xffff  }
0x58e: {  	v59 =	vadd.s32 $0x3E, v6;
	v16 =	vld.idx.msk [tilespmem:v54+s8+$0x0], $0xffff;
	[tilespmem:s21+$0xE80] =	vst v8  }
0x58f: {  	v1 =	vadd.s32 $0x3F, v1;
	v9 =	vld.idx.msk [tilespmem:v55+s8+$0x0], $0xffff;
	[tilespmem:s22+$0xE80] =	vst v10  }
0x590: {  	v2 =	vadd.s32 $0x3F, v2;
	v10 =	vld.idx.msk [tilespmem:v56+s8+$0x0], $0xffff;
	[tilespmem:s23+$0xE80] =	vst v12  }
0x591: {  	v3 =	vadd.s32 $0x3F, v3;
	v60 =	vld.idx.msk [tilespmem:v57+s8+$0x0], $0xffff;
	[tilespmem:s24+$0xE80] =	vst v14  }
0x592: {  	v61 =	vadd.s32 $0x3F, v4;
	v62 =	vld.idx.msk [tilespmem:v58+s8+$0x0], $0xffff;
	[tilespmem:s25+$0xE80] =	vst v7  }
0x593: {  	[tilespmem:s20+$0xF00] =	vst v16;
	v63 =	vadd.s32 $0x3F, v5;
	v7 =	vld.idx.msk [tilespmem:v59+s8+$0x0], $0xffff  }
0x594: {  	v6 =	vadd.s32 $0x3F, v6;
	v1 =	vld.idx.msk [tilespmem:v1+s8+$0x0], $0xffff;
	[tilespmem:s21+$0xF00] =	vst v9  }
0x595: {  	v2 =	vld.idx.msk [tilespmem:v2+s8+$0x0], $0xffff;
	[tilespmem:s22+$0xF00] =	vst v10  }
0x596: {  	v3 =	vld.idx.msk [tilespmem:v3+s8+$0x0], $0xffff;
	[tilespmem:s23+$0xF00] =	vst v60  }
0x597: {  	v4 =	vld.idx.msk [tilespmem:v61+s8+$0x0], $0xffff;
	[tilespmem:s24+$0xF00] =	vst v62  }
0x598: {  	v5 =	vld.idx.msk [tilespmem:v63+s8+$0x0], $0xffff;
	[tilespmem:s25+$0xF00] =	vst v7  }
0x599: {  	s18 =	sadd.s32 $0x1, s18;
	[tilespmem:s20+$0xF80] =	vst v1;
	v1 =	vld.idx.msk [tilespmem:v6+s8+$0x0], $0xffff  }
0x59a: {  	p0 =	sne.s32 s18, $0x64;
	[tilespmem:s21+$0xF80] =	vst v2  }
.Ltmp3:
0x59b: {  	s19 =	sshll.u32 s19, $0x12;
	[tilespmem:s22+$0xF80] =	vst v3;
	(pc) =	sbr.rel @p0 .LBB2_4-.Ltmp3, $4  }
0x59c: {  	s19 =	sor.u32 s6, s19;
	[tilespmem:s23+$0xF80] =	vst v4  }
0x59d: {  	s19 =	sshrl.u32 s19, $0x3;
	[tilespmem:s24+$0xF80] =	vst v5  }
0x59e: {  	s19 =	sadd.s32 s2, s19;
	[tilespmem:s25+$0xF80] =	vst v1  }
0x59f: {  	[hbm4b:s19+s10] =	stream.strided.scatter [tilespmem:s13], [sflag:$0x2], $0x2000, s11, s10, $0x38;
	[tilespmem:$0xB840] =	vst v63  }
0x5a0: {  	s16 =	sadd.s32 $0x1, s16  }
0x5a1: {  	_ =	swait.ge [sflag:s14], $0x2000;
	p0 =	sne.s32 s16, s7  }
.Ltmp4:
0x5a2: {  	[sflag:s14] =	ssyncset.done $0x0;
	(pc) =	sbr.rel @p0 .LBB2_1-.Ltmp4, $4  }
0x5a3: {  	[sflag:s14] =	ssyncadd.s32 $0xFFFFE000  }
0x5a4: {  	_ =	swait.ge [sflag:s15], $0x2000  }
0x5a5: {  	[sflag:s15] =	ssyncset.done $0x0  }
0x5a6: {  	[sflag:s15] =	ssyncadd.s32 $0xFFFFE000  }
0x5a7: {  	_ =	sfence.sel $0x180000  }
0x5a8: {  	[bflag:$0x0] =	sbarrier.arrive $0xFFFF  }
0x5a9: {  	p0 =	sne.s32 s0, $0x0;
	_ =	strace $0x90000047  }
0x5aa: {  	s0 =	sadd.s32 @!p0 $0x100000, s1;
	[bflag:$0x2] =	sbarrier.arrive $0xFFFF  }
0x5ab: {  	[sflag:s0] =	ssyncadd.tile.s32 @!p0 $0x1;
	_ =	shalt  }
.Lfunc_end2:
_tile_overlayer_lowered:
.L_overlay_start_2:
0x5ac: {  	(tag) =	ssettag $0x2  }
0x5ad: {  	s0 =	rddreg [dreg:$0x0];
	s2 =	stileid.u32  }
0x5ae: {  	s1 =	rddreg [dreg:$0x1];
	p0 =	sne.s32 s2, $0x0  }
0x5af: {  	s3 =	rddreg [dreg:$0x2];
	[bflag:$0x3] =	sbarrier.arrive $0xFFFF;
	s2 =	simm.s32 @!p0 $0x1C03  }
0x5b0: {  	[timem:s3], [sflag:s2] =	dma.local @!p0 [hbm:s0], s1  }
0x5b1: {  	s0 =	simm.s32 @!p0 $0x3  }
0x5b2: {  	_ =	swait.ge @!p0 [sflag:s0], s1  }
0x5b3: {  	s1 =	ssub.s32 @!p0 $0x0, s1;
	[sflag:s0] =	ssyncset.done @!p0 $0x0  }
0x5b4: {  	[sflag:s0] =	ssyncadd.s32 @!p0 s1  }
0x5b5: {  	[bflag:$0x3] =	sbarrier.arrive $0xFFFF  }
0x5b6: {  	_ =	shalt  }

</sc_bundles>
